<compile_context>
chip_gen: v7x
topology: tpu7x:2x2x1
jax: 0.10.2.dev20260603
libtpu: 0.0.44.dev20260713+nightly
codegen_flags: <defaults>
</compile_context>

<pallas_src>
import functools

import jax
import jax.numpy as jnp
from jax import lax
from jax.experimental import pallas as pl
from jax.experimental.pallas import tpu as pltpu
from jax.experimental.pallas import tpu_sc as plsc

N = 10000
E = 320000
H1 = 32
H2 = 32

NS = 16
EPT = E // NS

DST_OFF = 10240
NPAD = 2 * DST_OFF

CH = 80
NCH = EPT // CH
NBUF = 10
RPT = 640
NROW = NS * RPT

_f32 = jnp.float32


def _rsqrt16(d):
    magic = jnp.full((16,), 0x5F3759DF, jnp.int32)
    y = plsc.bitcast(magic - (plsc.bitcast(d, jnp.int32) >> 1), _f32)
    for _ in range(3):
        y = y * (1.5 - 0.5 * d * y * y)
    return y


def _tc_z1_body(x_ref, w_ref, b_ref, z1_ref):
    z1_ref[0:N] = (
        jnp.dot(x_ref[...], w_ref[...], preferred_element_type=_f32)
        + b_ref[...]
    )
    z1_ref[N:NROW] = jnp.zeros((NROW - N, H1), _f32)


def _tc_z1(x, w_lin, b_lin):
    return pl.pallas_call(
        _tc_z1_body,
        out_shape=jax.ShapeDtypeStruct((NROW, H1), _f32),
    )(x, w_lin, b_lin)


def _sc_norms_body(src_hbm, dst_hbm, norm_hbm,
                   srcids_v, dstids_v, hist_v, slab_v,
                   normsrc_v, normdst_v, hstage_sh):
    sub = lax.axis_index("s")
    rowbase = sub * RPT

    pltpu.sync_copy(src_hbm.at[pl.ds(sub * EPT, EPT)], srcids_v)
    pltpu.sync_copy(dst_hbm.at[pl.ds(sub * EPT, EPT)], dstids_v)

    zeros16 = jnp.zeros((16,), _f32)
    ones16 = jnp.ones((16,), _f32)

    def _zero_hist(i, _):
        for u in range(8):
            hist_v[pl.ds((i * 8 + u) * 16, 16)] = zeros16
        return _

    lax.fori_loop(0, NPAD // 128, _zero_hist, None)

    def _hist(r, _):
        for c in range(5):
            s = srcids_v[pl.ds((r * 5 + c) * 16, 16)]
            plsc.addupdate_scatter(hist_v, [s], ones16)
            d = dstids_v[pl.ds((r * 5 + c) * 16, 16)] + DST_OFF
            plsc.addupdate_scatter(hist_v, [d], ones16)
        return _

    lax.fori_loop(0, EPT // 80, _hist, None)

    pltpu.sync_copy(hist_v, hstage_sh.at[sub])
    plsc.subcore_barrier()

    def _reduce_norm(col0, norm_v):
        pltpu.sync_copy(hstage_sh.at[:, pl.ds(col0, RPT)], slab_v)

        def _red(c, _):
            acc = zeros16
            for r in range(NS):
                acc = acc + slab_v[r, pl.ds(c * 16, 16)]
            norm_v[pl.ds(c * 16, 16)] = _rsqrt16(jnp.maximum(acc, 1.0))
            return _

        lax.fori_loop(0, RPT // 16, _red, None)

    _reduce_norm(rowbase, normsrc_v)
    _reduce_norm(DST_OFF + rowbase, normdst_v)
    pltpu.sync_copy(normsrc_v, norm_hbm.at[pl.ds(rowbase, RPT)])
    pltpu.sync_copy(normdst_v, norm_hbm.at[pl.ds(DST_OFF + rowbase, RPT)])


def _sc_norms(src, dst):
    mesh = plsc.VectorSubcoreMesh(
        core_axis_name="c", subcore_axis_name="s", num_cores=1)
    call = pl.kernel(
        _sc_norms_body,
        out_type=jax.ShapeDtypeStruct((NPAD,), _f32),
        mesh=mesh,
        scratch_types=[
            pltpu.VMEM((EPT,), jnp.int32),
            pltpu.VMEM((EPT,), jnp.int32),
            pltpu.VMEM((NPAD,), _f32),
            pltpu.VMEM((NS, RPT), _f32),
            pltpu.VMEM((RPT,), _f32),
            pltpu.VMEM((RPT,), _f32),
            pltpu.VMEM_SHARED((NS, NPAD), _f32),
        ],
        compiler_params=pltpu.CompilerParams(
            needs_layout_passes=False, use_tc_tiling_on_sc=False
        ),
    )
    return call(src, dst)


def _sc_body(z1_hbm, norm_hbm, src2d_hbm, dst2d_hbm, scaled_hbm, out_hbm,
             srcids_v, dstids_v, zrows_v, rows_v,
             normsrc_v, normdst_v, agg_sh, *sems):
    sub = lax.axis_index("s")
    rowbase = sub * RPT

    pltpu.sync_copy(src2d_hbm.at[pl.ds(sub * NCH, NCH)], srcids_v)
    pltpu.sync_copy(dst2d_hbm.at[pl.ds(sub * NCH, NCH)], dstids_v)
    pltpu.sync_copy(norm_hbm.at[pl.ds(rowbase, RPT)], normsrc_v)
    pltpu.sync_copy(norm_hbm.at[pl.ds(DST_OFF + rowbase, RPT)], normdst_v)

    zeros16 = jnp.zeros((16,), _f32)

    pltpu.sync_copy(z1_hbm.at[pl.ds(rowbase, RPT)], zrows_v)

    def _scale_rows(norm_v):
        def _scale_grp(g, _):
            nv = norm_v[pl.ds(g * 16, 16)]
            for u in range(16):
                s = nv[u]
                r = g * 16 + u
                zrows_v[r, pl.ds(0, 16)] = zrows_v[r, pl.ds(0, 16)] * s
                zrows_v[r, pl.ds(16, 16)] = zrows_v[r, pl.ds(16, 16)] * s
            return _

        lax.fori_loop(0, RPT // 16, _scale_grp, None)

    _scale_rows(normsrc_v)
    pltpu.sync_copy(zrows_v, scaled_hbm.at[pl.ds(rowbase, RPT)])

    def _zero_rows(r, _):
        zrows_v[r, pl.ds(0, 16)] = zeros16
        zrows_v[r, pl.ds(16, 16)] = zeros16
        return _

    lax.fori_loop(0, RPT, _zero_rows, None)
    pltpu.sync_copy(zrows_v, agg_sh.at[pl.ds(rowbase, RPT)])
    plsc.subcore_barrier()

    def _gather_wait(i, b):
        pltpu.make_async_copy(
            scaled_hbm.at[srcids_v.at[i]], rows_v.at[b], sems[b]).wait()

    def _scatter_wait(i, b):
        pltpu.make_async_copy(
            rows_v.at[b], agg_sh.at[dstids_v.at[i]], sems[NBUF + b]).wait()

    for b in range(NBUF):
        pltpu.async_copy(scaled_hbm.at[srcids_v.at[b]], rows_v.at[b], sems[b])

    def _group(g, _):
        for b in range(NBUF):
            i = g * NBUF + b
            _gather_wait(i, b)
            pltpu.async_copy(
                rows_v.at[b], agg_sh.at[dstids_v.at[i]], sems[NBUF + b],
                add=True)
            _scatter_wait(i, b)
            pltpu.async_copy(
                scaled_hbm.at[srcids_v.at[i + NBUF]], rows_v.at[b], sems[b])
        return _

    lax.fori_loop(0, NCH // NBUF - 1, _group, None)
    for b in range(NBUF):
        i = NCH - NBUF + b
        _gather_wait(i, b)
        pltpu.async_copy(
            rows_v.at[b], agg_sh.at[dstids_v.at[i]], sems[NBUF + b], add=True)
        _scatter_wait(i, b)

    plsc.subcore_barrier()

    pltpu.sync_copy(agg_sh.at[pl.ds(rowbase, RPT)], zrows_v)
    _scale_rows(normdst_v)
    pltpu.sync_copy(zrows_v, out_hbm.at[pl.ds(rowbase, RPT)])


def _sc_aggregate(z1, norm, src2d, dst2d):
    mesh = plsc.VectorSubcoreMesh(
        core_axis_name="c", subcore_axis_name="s", num_cores=1)
    call = pl.kernel(
        _sc_body,
        out_type=[
            jax.ShapeDtypeStruct((NROW, H1), _f32),
            jax.ShapeDtypeStruct((NROW, H1), _f32),
        ],
        mesh=mesh,
        scratch_types=[
            pltpu.VMEM((NCH, CH), jnp.int32),
            pltpu.VMEM((NCH, CH), jnp.int32),
            pltpu.VMEM((RPT, H1), _f32),
            pltpu.VMEM((NBUF, CH, H1), _f32),
            pltpu.VMEM((RPT,), _f32),
            pltpu.VMEM((RPT,), _f32),
            pltpu.VMEM_SHARED((NROW, H1), _f32),
        ] + [pltpu.SemaphoreType.DMA] * (2 * NBUF),
        compiler_params=pltpu.CompilerParams(
            needs_layout_passes=False, use_tc_tiling_on_sc=False
        ),
    )
    return call(z1, norm, src2d, dst2d)


def _tc_post_body(p_ref, w_ref, b_ref, out_ref):
    z = jnp.dot(p_ref[0:N], w_ref[...], preferred_element_type=_f32)
    out_ref[...] = jnp.maximum(z + b_ref[...], 0.0)


def _tc_post(agg, w_gc, b_gc):
    return pl.pallas_call(
        _tc_post_body,
        out_shape=jax.ShapeDtypeStruct((N, H2), _f32),
    )(agg, w_gc, b_gc)


def kernel(x, edge_index, W_lin, b_lin, W_gc, b_gc):
    src = edge_index[0]
    dst = edge_index[1]
    src2d = src.reshape(NS * NCH, CH)
    dst2d = dst.reshape(NS * NCH, CH)
    norm = _sc_norms(src, dst)
    z1 = _tc_z1(x, W_lin, b_lin.reshape(1, H1))
    _, agg = _sc_aggregate(z1, norm, src2d, dst2d)
    return _tc_post(agg, W_gc, b_gc.reshape(1, H2))

# --- scband reference (transcript-rebuilt; emitter-appended) ---
"""Pipeline reference for scband-gcnmodel-vae-63230508532004 (READ-ONLY COPY).

The authoritative reference and input builder live on the scoring server;
editing this copy changes nothing except your own understanding.
"""

import jax, jax.numpy as jnp
import numpy as np

N = 10000
E = 320000
D_FEAT = 128
H1 = 32
H2 = 32


def setup_inputs(seed: int = 0) -> dict:
    key = jax.random.key(seed)
    k1, k2, k3, k4, k5, k6 = jax.random.split(key, 6)
    x = jax.random.normal(k1, (N, D_FEAT), dtype=jnp.float32)
    edge_index = jax.random.randint(k2, (2, E), 0, N, dtype=jnp.int32)
    # learned parameters
    W_lin = jax.random.normal(k3, (D_FEAT, H1), dtype=jnp.float32) / np.sqrt(D_FEAT)
    b_lin = jnp.zeros((H1,), dtype=jnp.float32)
    W_gc = jax.random.normal(k4, (H1, H2), dtype=jnp.float32) / np.sqrt(H1)
    b_gc = jnp.zeros((H2,), dtype=jnp.float32)
    return {"x": x, "edge_index": edge_index, "W_lin": W_lin, "b_lin": b_lin, "W_gc": W_gc, "b_gc": b_gc}


def reference(x, edge_index, W_lin, b_lin, W_gc, b_gc):
    # GCNModelVAE.forward: z1 = self.linear(g.ndata['h']); z = self.gc1(g, z1)
    z1 = x @ W_lin + b_lin  # (N, H1)
    src = edge_index[0]
    dst = edge_index[1]
    ones = jnp.ones((E,), dtype=jnp.float32)
    deg_src = jax.ops.segment_sum(ones, src, num_segments=N)
    deg_dst = jax.ops.segment_sum(ones, dst, num_segments=N)
    norm_src = jax.lax.rsqrt(jnp.maximum(deg_src, 1.0))
    norm_dst = jax.lax.rsqrt(jnp.maximum(deg_dst, 1.0))
    # GN graph conv layer: symmetric-normalized sum aggregation + linear + ReLU
    msg = jnp.take(z1, src, axis=0) * norm_src[src][:, None]  # gather (E, H1)
    agg = jax.ops.segment_sum(msg, dst, num_segments=N) * norm_dst[:, None]  # scatter-add (N, H1)
    z = jax.nn.relu(agg @ W_gc + b_gc)  # (N, H2)
    return z

if __name__ == "__main__":
    import jax
    _d = setup_inputs()
    print(jax.jit(kernel)(*tuple(_d.values())))

</pallas_src>

<mosaic_0001>
#map = affine_map<(d0, d1) -> (0, 0)>
#map1 = affine_map<(d0, d1) -> (0)>
module attributes {stable_mosaic.version = 14 : i64} {
  func.func @_sc_body(%arg0: i32, %arg1: i32, %arg2: memref<10240x32xf32, #tpu.memory_space<hbm>>, %arg3: memref<20480xf32, #tpu.memory_space<hbm>>, %arg4: memref<4000x80xi32, #tpu.memory_space<hbm>>, %arg5: memref<4000x80xi32, #tpu.memory_space<hbm>>, %arg6: memref<10240x32xf32, #tpu.memory_space<hbm>>, %arg7: memref<10240x32xf32, #tpu.memory_space<hbm>>, %arg8: memref<250x80xi32, #tpu.memory_space<vmem>>, %arg9: memref<250x80xi32, #tpu.memory_space<vmem>>, %arg10: memref<640x32xf32, #tpu.memory_space<vmem>>, %arg11: memref<10x80x32xf32, #tpu.memory_space<vmem>>, %arg12: memref<640xf32, #tpu.memory_space<vmem>>, %arg13: memref<640xf32, #tpu.memory_space<vmem>>, %arg14: memref<10240x32xf32, #tpu.memory_space<vmem_shared>>, %arg15: memref<!tpu.dma_semaphore, #tpu.memory_space<semaphore_mem>>, %arg16: memref<!tpu.dma_semaphore, #tpu.memory_space<semaphore_mem>>, %arg17: memref<!tpu.dma_semaphore, #tpu.memory_space<semaphore_mem>>, %arg18: memref<!tpu.dma_semaphore, #tpu.memory_space<semaphore_mem>>, %arg19: memref<!tpu.dma_semaphore, #tpu.memory_space<semaphore_mem>>, %arg20: memref<!tpu.dma_semaphore, #tpu.memory_space<semaphore_mem>>, %arg21: memref<!tpu.dma_semaphore, #tpu.memory_space<semaphore_mem>>, %arg22: memref<!tpu.dma_semaphore, #tpu.memory_space<semaphore_mem>>, %arg23: memref<!tpu.dma_semaphore, #tpu.memory_space<semaphore_mem>>, %arg24: memref<!tpu.dma_semaphore, #tpu.memory_space<semaphore_mem>>, %arg25: memref<!tpu.dma_semaphore, #tpu.memory_space<semaphore_mem>>, %arg26: memref<!tpu.dma_semaphore, #tpu.memory_space<semaphore_mem>>, %arg27: memref<!tpu.dma_semaphore, #tpu.memory_space<semaphore_mem>>, %arg28: memref<!tpu.dma_semaphore, #tpu.memory_space<semaphore_mem>>, %arg29: memref<!tpu.dma_semaphore, #tpu.memory_space<semaphore_mem>>, %arg30: memref<!tpu.dma_semaphore, #tpu.memory_space<semaphore_mem>>, %arg31: memref<!tpu.dma_semaphore, #tpu.memory_space<semaphore_mem>>, %arg32: memref<!tpu.dma_semaphore, #tpu.memory_space<semaphore_mem>>, %arg33: memref<!tpu.dma_semaphore, #tpu.memory_space<semaphore_mem>>, %arg34: memref<!tpu.dma_semaphore, #tpu.memory_space<semaphore_mem>>) attributes {dimension_semantics = [#tpu.dimension_semantics<core_parallel>, #tpu.dimension_semantics<subcore_parallel>], iteration_bounds = array<i64: 1, 16>, scalar_prefetch = 0 : i64, scratch_operands = 27 : i64, tpu.core_type = #tpu.core_type<sc_vector_subcore>, window_params = [{transform_indices = #map}, {transform_indices = #map1}, {transform_indices = #map}, {transform_indices = #map}, {transform_indices = #map}, {transform_indices = #map}]} {
    %mul3A = arith.constant 640 : i32
    %mul3A_0 = arith.muli %arg1, %mul3A : i32
    %mul3A_1 = arith.constant 250 : i32
    %mul3A_2 = arith.muli %arg1, %mul3A_1 : i32
    "tpu.region"() ({
      %run_scoped3A = tpu.sem_alloc : memref<!tpu.dma_semaphore, #tpu.memory_space<semaphore_mem>>
      %dma_start3A_505 = arith.constant 0 : i32
      %dma_start3A_506 = tpu.memref_slice %arg4[%mul3A_2, %dma_start3A_505] : memref<4000x80xi32, #tpu.memory_space<hbm>> -> memref<250x80xi32, #tpu.memory_space<hbm>>
      %dma_start3A_507 = arith.constant 0 : i32
      %dma_start3A_508 = tpu.memref_slice %arg4[%mul3A_2, %dma_start3A_507] : memref<4000x80xi32, #tpu.memory_space<hbm>> -> memref<250x80xi32, #tpu.memory_space<hbm>>
      tpu.enqueue_dma source(%dma_start3A_508 : memref<250x80xi32, #tpu.memory_space<hbm>>) target(%arg8 : memref<250x80xi32, #tpu.memory_space<vmem>>) target_semaphore(%run_scoped3A : memref<!tpu.dma_semaphore, #tpu.memory_space<semaphore_mem>>)
      %dma_wait3A_509 = arith.constant 0 : i32
      %dma_wait3A_510 = tpu.memref_slice %arg4[%mul3A_2, %dma_wait3A_509] : memref<4000x80xi32, #tpu.memory_space<hbm>> -> memref<250x80xi32, #tpu.memory_space<hbm>>
      %dma_wait3A_511 = arith.constant 0 : i32
      %dma_wait3A_512 = tpu.memref_slice %arg4[%mul3A_2, %dma_wait3A_511] : memref<4000x80xi32, #tpu.memory_space<hbm>> -> memref<250x80xi32, #tpu.memory_space<hbm>>
      tpu.wait_dma2 semaphore(%run_scoped3A : memref<!tpu.dma_semaphore, #tpu.memory_space<semaphore_mem>>) src(%dma_wait3A_512 : memref<250x80xi32, #tpu.memory_space<hbm>>) dst(%arg8 : memref<250x80xi32, #tpu.memory_space<vmem>>)
      tpu.yield
    }) : () -> ()
    %mul3A_3 = arith.constant 250 : i32
    %mul3A_4 = arith.muli %arg1, %mul3A_3 : i32
    "tpu.region"() ({
      %run_scoped3A = tpu.sem_alloc : memref<!tpu.dma_semaphore, #tpu.memory_space<semaphore_mem>>
      %dma_start3A_505 = arith.constant 0 : i32
      %dma_start3A_506 = tpu.memref_slice %arg5[%mul3A_4, %dma_start3A_505] : memref<4000x80xi32, #tpu.memory_space<hbm>> -> memref<250x80xi32, #tpu.memory_space<hbm>>
      %dma_start3A_507 = arith.constant 0 : i32
      %dma_start3A_508 = tpu.memref_slice %arg5[%mul3A_4, %dma_start3A_507] : memref<4000x80xi32, #tpu.memory_space<hbm>> -> memref<250x80xi32, #tpu.memory_space<hbm>>
      tpu.enqueue_dma source(%dma_start3A_508 : memref<250x80xi32, #tpu.memory_space<hbm>>) target(%arg9 : memref<250x80xi32, #tpu.memory_space<vmem>>) target_semaphore(%run_scoped3A : memref<!tpu.dma_semaphore, #tpu.memory_space<semaphore_mem>>)
      %dma_wait3A_509 = arith.constant 0 : i32
      %dma_wait3A_510 = tpu.memref_slice %arg5[%mul3A_4, %dma_wait3A_509] : memref<4000x80xi32, #tpu.memory_space<hbm>> -> memref<250x80xi32, #tpu.memory_space<hbm>>
      %dma_wait3A_511 = arith.constant 0 : i32
      %dma_wait3A_512 = tpu.memref_slice %arg5[%mul3A_4, %dma_wait3A_511] : memref<4000x80xi32, #tpu.memory_space<hbm>> -> memref<250x80xi32, #tpu.memory_space<hbm>>
      tpu.wait_dma2 semaphore(%run_scoped3A : memref<!tpu.dma_semaphore, #tpu.memory_space<semaphore_mem>>) src(%dma_wait3A_512 : memref<250x80xi32, #tpu.memory_space<hbm>>) dst(%arg9 : memref<250x80xi32, #tpu.memory_space<vmem>>)
      tpu.yield
    }) : () -> ()
    "tpu.region"() ({
      %run_scoped3A = tpu.sem_alloc : memref<!tpu.dma_semaphore, #tpu.memory_space<semaphore_mem>>
      %dma_start3A_505 = tpu.memref_slice %arg3[%mul3A_0] : memref<20480xf32, #tpu.memory_space<hbm>> -> memref<640xf32, #tpu.memory_space<hbm>>
      %dma_start3A_506 = tpu.memref_slice %arg3[%mul3A_0] : memref<20480xf32, #tpu.memory_space<hbm>> -> memref<640xf32, #tpu.memory_space<hbm>>
      tpu.enqueue_dma source(%dma_start3A_506 : memref<640xf32, #tpu.memory_space<hbm>>) target(%arg12 : memref<640xf32, #tpu.memory_space<vmem>>) target_semaphore(%run_scoped3A : memref<!tpu.dma_semaphore, #tpu.memory_space<semaphore_mem>>)
      %dma_wait3A_507 = tpu.memref_slice %arg3[%mul3A_0] : memref<20480xf32, #tpu.memory_space<hbm>> -> memref<640xf32, #tpu.memory_space<hbm>>
      %dma_wait3A_508 = tpu.memref_slice %arg3[%mul3A_0] : memref<20480xf32, #tpu.memory_space<hbm>> -> memref<640xf32, #tpu.memory_space<hbm>>
      tpu.wait_dma2 semaphore(%run_scoped3A : memref<!tpu.dma_semaphore, #tpu.memory_space<semaphore_mem>>) src(%dma_wait3A_508 : memref<640xf32, #tpu.memory_space<hbm>>) dst(%arg12 : memref<640xf32, #tpu.memory_space<vmem>>)
      tpu.yield
    }) : () -> ()
    %add3A = arith.constant 10240 : i32
    %add3A_5 = arith.addi %add3A, %mul3A_0 : i32
    "tpu.region"() ({
      %run_scoped3A = tpu.sem_alloc : memref<!tpu.dma_semaphore, #tpu.memory_space<semaphore_mem>>
      %dma_start3A_505 = tpu.memref_slice %arg3[%add3A_5] : memref<20480xf32, #tpu.memory_space<hbm>> -> memref<640xf32, #tpu.memory_space<hbm>>
      %dma_start3A_506 = tpu.memref_slice %arg3[%add3A_5] : memref<20480xf32, #tpu.memory_space<hbm>> -> memref<640xf32, #tpu.memory_space<hbm>>
      tpu.enqueue_dma source(%dma_start3A_506 : memref<640xf32, #tpu.memory_space<hbm>>) target(%arg13 : memref<640xf32, #tpu.memory_space<vmem>>) target_semaphore(%run_scoped3A : memref<!tpu.dma_semaphore, #tpu.memory_space<semaphore_mem>>)
      %dma_wait3A_507 = tpu.memref_slice %arg3[%add3A_5] : memref<20480xf32, #tpu.memory_space<hbm>> -> memref<640xf32, #tpu.memory_space<hbm>>
      %dma_wait3A_508 = tpu.memref_slice %arg3[%add3A_5] : memref<20480xf32, #tpu.memory_space<hbm>> -> memref<640xf32, #tpu.memory_space<hbm>>
      tpu.wait_dma2 semaphore(%run_scoped3A : memref<!tpu.dma_semaphore, #tpu.memory_space<semaphore_mem>>) src(%dma_wait3A_508 : memref<640xf32, #tpu.memory_space<hbm>>) dst(%arg13 : memref<640xf32, #tpu.memory_space<vmem>>)
      tpu.yield
    }) : () -> ()
    %broadcast_in_dim3A = arith.constant 0.000000e+00 : f32
    %broadcast_in_dim3A_6 = vector.broadcast %broadcast_in_dim3A : f32 to vector<16xf32>
    "tpu.region"() ({
      %run_scoped3A = tpu.sem_alloc : memref<!tpu.dma_semaphore, #tpu.memory_space<semaphore_mem>>
      %dma_start3A_505 = arith.constant 0 : i32
      %dma_start3A_506 = tpu.memref_slice %arg2[%mul3A_0, %dma_start3A_505] : memref<10240x32xf32, #tpu.memory_space<hbm>> -> memref<640x32xf32, #tpu.memory_space<hbm>>
      %dma_start3A_507 = arith.constant 0 : i32
      %dma_start3A_508 = tpu.memref_slice %arg2[%mul3A_0, %dma_start3A_507] : memref<10240x32xf32, #tpu.memory_space<hbm>> -> memref<640x32xf32, #tpu.memory_space<hbm>>
      tpu.enqueue_dma source(%dma_start3A_508 : memref<640x32xf32, #tpu.memory_space<hbm>>) target(%arg10 : memref<640x32xf32, #tpu.memory_space<vmem>>) target_semaphore(%run_scoped3A : memref<!tpu.dma_semaphore, #tpu.memory_space<semaphore_mem>>)
      %dma_wait3A_509 = arith.constant 0 : i32
      %dma_wait3A_510 = tpu.memref_slice %arg2[%mul3A_0, %dma_wait3A_509] : memref<10240x32xf32, #tpu.memory_space<hbm>> -> memref<640x32xf32, #tpu.memory_space<hbm>>
      %dma_wait3A_511 = arith.constant 0 : i32
      %dma_wait3A_512 = tpu.memref_slice %arg2[%mul3A_0, %dma_wait3A_511] : memref<10240x32xf32, #tpu.memory_space<hbm>> -> memref<640x32xf32, #tpu.memory_space<hbm>>
      tpu.wait_dma2 semaphore(%run_scoped3A : memref<!tpu.dma_semaphore, #tpu.memory_space<semaphore_mem>>) src(%dma_wait3A_512 : memref<640x32xf32, #tpu.memory_space<hbm>>) dst(%arg10 : memref<640x32xf32, #tpu.memory_space<vmem>>)
      tpu.yield
    }) : () -> ()
    %scan3A = arith.constant 0 : i32
    %scan3A_7 = arith.constant 40 : i32
    %scan3A_8 = arith.addi %scan3A, %scan3A_7 : i32
    %scan3A_9 = arith.constant 1 : i32
    scf.for %scan3A_505 = %scan3A to %scan3A_8 step %scan3A_9  : i32 {
      %mul3A_506 = arith.constant 16 : i32
      %mul3A_507 = arith.muli %scan3A_505, %mul3A_506 : i32
      %get3A = arith.index_cast %mul3A_507 : i32 to index
      %get3A_508 = tpu.vector_load %arg12[%get3A] {strides = array<i32>} : memref<640xf32, #tpu.memory_space<vmem>>, vector<16xf32>,
      %slice3A = vector.extract_strided_slice %get3A_508 {offsets = [0], sizes = [1], strides = [1]} : vector<16xf32> to vector<1xf32>
      %squeeze3A = vector.extract %slice3A[0] : f32 from vector<1xf32>
      %mul3A_509 = arith.constant 16 : i32
      %mul3A_510 = arith.muli %scan3A_505, %mul3A_509 : i32
      %add3A_511 = arith.constant 0 : i32
      %add3A_512 = arith.addi %mul3A_510, %add3A_511 : i32
      %get3A_513 = arith.index_cast %add3A_512 : i32 to index
      %get3A_514 = arith.constant 0 : index
      %get3A_515 = tpu.vector_load %arg10[%get3A_513, %get3A_514] {strides = array<i32>} : memref<640x32xf32, #tpu.memory_space<vmem>>, vector<16xf32>,
      %mul3A_516 = vector.broadcast %squeeze3A : f32 to vector<16xf32>
      %mul3A_517 = arith.mulf %get3A_515, %mul3A_516 : vector<16xf32>
      %swap3A = arith.index_cast %add3A_512 : i32 to index
      %swap3A_518 = arith.constant 0 : index
      %swap3A_519 = tpu.vector_load %arg10[%swap3A, %swap3A_518] {strides = array<i32>} : memref<640x32xf32, #tpu.memory_space<vmem>>, vector<16xf32>,
      tpu.vector_store %arg10[%swap3A, %swap3A_518], %mul3A_517 {strides = array<i32>} : memref<640x32xf32, #tpu.memory_space<vmem>>, vector<16xf32>,
      %get3A_520 = arith.index_cast %add3A_512 : i32 to index
      %get3A_521 = arith.constant 16 : index
      %get3A_522 = tpu.vector_load %arg10[%get3A_520, %get3A_521] {strides = array<i32>} : memref<640x32xf32, #tpu.memory_space<vmem>>, vector<16xf32>,
      %mul3A_523 = vector.broadcast %squeeze3A : f32 to vector<16xf32>
      %mul3A_524 = arith.mulf %get3A_522, %mul3A_523 : vector<16xf32>
      %swap3A_525 = arith.index_cast %add3A_512 : i32 to index
      %swap3A_526 = arith.constant 16 : index
      %swap3A_527 = tpu.vector_load %arg10[%swap3A_525, %swap3A_526] {strides = array<i32>} : memref<640x32xf32, #tpu.memory_space<vmem>>, vector<16xf32>,
      tpu.vector_store %arg10[%swap3A_525, %swap3A_526], %mul3A_524 {strides = array<i32>} : memref<640x32xf32, #tpu.memory_space<vmem>>, vector<16xf32>,
      %slice3A_528 = vector.extract_strided_slice %get3A_508 {offsets = [1], sizes = [1], strides = [1]} : vector<16xf32> to vector<1xf32>
      %squeeze3A_529 = vector.extract %slice3A_528[0] : f32 from vector<1xf32>
      %mul3A_530 = arith.constant 16 : i32
      %mul3A_531 = arith.muli %scan3A_505, %mul3A_530 : i32
      %add3A_532 = arith.constant 1 : i32
      %add3A_533 = arith.addi %mul3A_531, %add3A_532 : i32
      %get3A_534 = arith.index_cast %add3A_533 : i32 to index
      %get3A_535 = arith.constant 0 : index
      %get3A_536 = tpu.vector_load %arg10[%get3A_534, %get3A_535] {strides = array<i32>} : memref<640x32xf32, #tpu.memory_space<vmem>>, vector<16xf32>,
      %mul3A_537 = vector.broadcast %squeeze3A_529 : f32 to vector<16xf32>
      %mul3A_538 = arith.mulf %get3A_536, %mul3A_537 : vector<16xf32>
      %swap3A_539 = arith.index_cast %add3A_533 : i32 to index
      %swap3A_540 = arith.constant 0 : index
      %swap3A_541 = tpu.vector_load %arg10[%swap3A_539, %swap3A_540] {strides = array<i32>} : memref<640x32xf32, #tpu.memory_space<vmem>>, vector<16xf32>,
      tpu.vector_store %arg10[%swap3A_539, %swap3A_540], %mul3A_538 {strides = array<i32>} : memref<640x32xf32, #tpu.memory_space<vmem>>, vector<16xf32>,
      %get3A_542 = arith.index_cast %add3A_533 : i32 to index
      %get3A_543 = arith.constant 16 : index
      %get3A_544 = tpu.vector_load %arg10[%get3A_542, %get3A_543] {strides = array<i32>} : memref<640x32xf32, #tpu.memory_space<vmem>>, vector<16xf32>,
      %mul3A_545 = vector.broadcast %squeeze3A_529 : f32 to vector<16xf32>
      %mul3A_546 = arith.mulf %get3A_544, %mul3A_545 : vector<16xf32>
      %swap3A_547 = arith.index_cast %add3A_533 : i32 to index
      %swap3A_548 = arith.constant 16 : index
      %swap3A_549 = tpu.vector_load %arg10[%swap3A_547, %swap3A_548] {strides = array<i32>} : memref<640x32xf32, #tpu.memory_space<vmem>>, vector<16xf32>,
      tpu.vector_store %arg10[%swap3A_547, %swap3A_548], %mul3A_546 {strides = array<i32>} : memref<640x32xf32, #tpu.memory_space<vmem>>, vector<16xf32>,
      %slice3A_550 = vector.extract_strided_slice %get3A_508 {offsets = [2], sizes = [1], strides = [1]} : vector<16xf32> to vector<1xf32>
      %squeeze3A_551 = vector.extract %slice3A_550[0] : f32 from vector<1xf32>
      %mul3A_552 = arith.constant 16 : i32
      %mul3A_553 = arith.muli %scan3A_505, %mul3A_552 : i32
      %add3A_554 = arith.constant 2 : i32
      %add3A_555 = arith.addi %mul3A_553, %add3A_554 : i32
      %get3A_556 = arith.index_cast %add3A_555 : i32 to index
      %get3A_557 = arith.constant 0 : index
      %get3A_558 = tpu.vector_load %arg10[%get3A_556, %get3A_557] {strides = array<i32>} : memref<640x32xf32, #tpu.memory_space<vmem>>, vector<16xf32>,
      %mul3A_559 = vector.broadcast %squeeze3A_551 : f32 to vector<16xf32>
      %mul3A_560 = arith.mulf %get3A_558, %mul3A_559 : vector<16xf32>
      %swap3A_561 = arith.index_cast %add3A_555 : i32 to index
      %swap3A_562 = arith.constant 0 : index
      %swap3A_563 = tpu.vector_load %arg10[%swap3A_561, %swap3A_562] {strides = array<i32>} : memref<640x32xf32, #tpu.memory_space<vmem>>, vector<16xf32>,
      tpu.vector_store %arg10[%swap3A_561, %swap3A_562], %mul3A_560 {strides = array<i32>} : memref<640x32xf32, #tpu.memory_space<vmem>>, vector<16xf32>,
      %get3A_564 = arith.index_cast %add3A_555 : i32 to index
      %get3A_565 = arith.constant 16 : index
      %get3A_566 = tpu.vector_load %arg10[%get3A_564, %get3A_565] {strides = array<i32>} : memref<640x32xf32, #tpu.memory_space<vmem>>, vector<16xf32>,
      %mul3A_567 = vector.broadcast %squeeze3A_551 : f32 to vector<16xf32>
      %mul3A_568 = arith.mulf %get3A_566, %mul3A_567 : vector<16xf32>
      %swap3A_569 = arith.index_cast %add3A_555 : i32 to index
      %swap3A_570 = arith.constant 16 : index
      %swap3A_571 = tpu.vector_load %arg10[%swap3A_569, %swap3A_570] {strides = array<i32>} : memref<640x32xf32, #tpu.memory_space<vmem>>, vector<16xf32>,
      tpu.vector_store %arg10[%swap3A_569, %swap3A_570], %mul3A_568 {strides = array<i32>} : memref<640x32xf32, #tpu.memory_space<vmem>>, vector<16xf32>,
      %slice3A_572 = vector.extract_strided_slice %get3A_508 {offsets = [3], sizes = [1], strides = [1]} : vector<16xf32> to vector<1xf32>
      %squeeze3A_573 = vector.extract %slice3A_572[0] : f32 from vector<1xf32>
      %mul3A_574 = arith.constant 16 : i32
      %mul3A_575 = arith.muli %scan3A_505, %mul3A_574 : i32
      %add3A_576 = arith.constant 3 : i32
      %add3A_577 = arith.addi %mul3A_575, %add3A_576 : i32
      %get3A_578 = arith.index_cast %add3A_577 : i32 to index
      %get3A_579 = arith.constant 0 : index
      %get3A_580 = tpu.vector_load %arg10[%get3A_578, %get3A_579] {strides = array<i32>} : memref<640x32xf32, #tpu.memory_space<vmem>>, vector<16xf32>,
      %mul3A_581 = vector.broadcast %squeeze3A_573 : f32 to vector<16xf32>
      %mul3A_582 = arith.mulf %get3A_580, %mul3A_581 : vector<16xf32>
      %swap3A_583 = arith.index_cast %add3A_577 : i32 to index
      %swap3A_584 = arith.constant 0 : index
      %swap3A_585 = tpu.vector_load %arg10[%swap3A_583, %swap3A_584] {strides = array<i32>} : memref<640x32xf32, #tpu.memory_space<vmem>>, vector<16xf32>,
      tpu.vector_store %arg10[%swap3A_583, %swap3A_584], %mul3A_582 {strides = array<i32>} : memref<640x32xf32, #tpu.memory_space<vmem>>, vector<16xf32>,
      %get3A_586 = arith.index_cast %add3A_577 : i32 to index
      %get3A_587 = arith.constant 16 : index
      %get3A_588 = tpu.vector_load %arg10[%get3A_586, %get3A_587] {strides = array<i32>} : memref<640x32xf32, #tpu.memory_space<vmem>>, vector<16xf32>,
      %mul3A_589 = vector.broadcast %squeeze3A_573 : f32 to vector<16xf32>
      %mul3A_590 = arith.mulf %get3A_588, %mul3A_589 : vector<16xf32>
      %swap3A_591 = arith.index_cast %add3A_577 : i32 to index
      %swap3A_592 = arith.constant 16 : index
      %swap3A_593 = tpu.vector_load %arg10[%swap3A_591, %swap3A_592] {strides = array<i32>} : memref<640x32xf32, #tpu.memory_space<vmem>>, vector<16xf32>,
      tpu.vector_store %arg10[%swap3A_591, %swap3A_592], %mul3A_590 {strides = array<i32>} : memref<640x32xf32, #tpu.memory_space<vmem>>, vector<16xf32>,
      %slice3A_594 = vector.extract_strided_slice %get3A_508 {offsets = [4], sizes = [1], strides = [1]} : vector<16xf32> to vector<1xf32>
      %squeeze3A_595 = vector.extract %slice3A_594[0] : f32 from vector<1xf32>
      %mul3A_596 = arith.constant 16 : i32
      %mul3A_597 = arith.muli %scan3A_505, %mul3A_596 : i32
      %add3A_598 = arith.constant 4 : i32
      %add3A_599 = arith.addi %mul3A_597, %add3A_598 : i32
      %get3A_600 = arith.index_cast %add3A_599 : i32 to index
      %get3A_601 = arith.constant 0 : index
      %get3A_602 = tpu.vector_load %arg10[%get3A_600, %get3A_601] {strides = array<i32>} : memref<640x32xf32, #tpu.memory_space<vmem>>, vector<16xf32>,
      %mul3A_603 = vector.broadcast %squeeze3A_595 : f32 to vector<16xf32>
      %mul3A_604 = arith.mulf %get3A_602, %mul3A_603 : vector<16xf32>
      %swap3A_605 = arith.index_cast %add3A_599 : i32 to index
      %swap3A_606 = arith.constant 0 : index
      %swap3A_607 = tpu.vector_load %arg10[%swap3A_605, %swap3A_606] {strides = array<i32>} : memref<640x32xf32, #tpu.memory_space<vmem>>, vector<16xf32>,
      tpu.vector_store %arg10[%swap3A_605, %swap3A_606], %mul3A_604 {strides = array<i32>} : memref<640x32xf32, #tpu.memory_space<vmem>>, vector<16xf32>,
      %get3A_608 = arith.index_cast %add3A_599 : i32 to index
      %get3A_609 = arith.constant 16 : index
      %get3A_610 = tpu.vector_load %arg10[%get3A_608, %get3A_609] {strides = array<i32>} : memref<640x32xf32, #tpu.memory_space<vmem>>, vector<16xf32>,
      %mul3A_611 = vector.broadcast %squeeze3A_595 : f32 to vector<16xf32>
      %mul3A_612 = arith.mulf %get3A_610, %mul3A_611 : vector<16xf32>
      %swap3A_613 = arith.index_cast %add3A_599 : i32 to index
      %swap3A_614 = arith.constant 16 : index
      %swap3A_615 = tpu.vector_load %arg10[%swap3A_613, %swap3A_614] {strides = array<i32>} : memref<640x32xf32, #tpu.memory_space<vmem>>, vector<16xf32>,
      tpu.vector_store %arg10[%swap3A_613, %swap3A_614], %mul3A_612 {strides = array<i32>} : memref<640x32xf32, #tpu.memory_space<vmem>>, vector<16xf32>,
      %slice3A_616 = vector.extract_strided_slice %get3A_508 {offsets = [5], sizes = [1], strides = [1]} : vector<16xf32> to vector<1xf32>
      %squeeze3A_617 = vector.extract %slice3A_616[0] : f32 from vector<1xf32>
      %mul3A_618 = arith.constant 16 : i32
      %mul3A_619 = arith.muli %scan3A_505, %mul3A_618 : i32
      %add3A_620 = arith.constant 5 : i32
      %add3A_621 = arith.addi %mul3A_619, %add3A_620 : i32
      %get3A_622 = arith.index_cast %add3A_621 : i32 to index
      %get3A_623 = arith.constant 0 : index
      %get3A_624 = tpu.vector_load %arg10[%get3A_622, %get3A_623] {strides = array<i32>} : memref<640x32xf32, #tpu.memory_space<vmem>>, vector<16xf32>,
      %mul3A_625 = vector.broadcast %squeeze3A_617 : f32 to vector<16xf32>
      %mul3A_626 = arith.mulf %get3A_624, %mul3A_625 : vector<16xf32>
      %swap3A_627 = arith.index_cast %add3A_621 : i32 to index
      %swap3A_628 = arith.constant 0 : index
      %swap3A_629 = tpu.vector_load %arg10[%swap3A_627, %swap3A_628] {strides = array<i32>} : memref<640x32xf32, #tpu.memory_space<vmem>>, vector<16xf32>,
      tpu.vector_store %arg10[%swap3A_627, %swap3A_628], %mul3A_626 {strides = array<i32>} : memref<640x32xf32, #tpu.memory_space<vmem>>, vector<16xf32>,
      %get3A_630 = arith.index_cast %add3A_621 : i32 to index
      %get3A_631 = arith.constant 16 : index
      %get3A_632 = tpu.vector_load %arg10[%get3A_630, %get3A_631] {strides = array<i32>} : memref<640x32xf32, #tpu.memory_space<vmem>>, vector<16xf32>,
      %mul3A_633 = vector.broadcast %squeeze3A_617 : f32 to vector<16xf32>
      %mul3A_634 = arith.mulf %get3A_632, %mul3A_633 : vector<16xf32>
      %swap3A_635 = arith.index_cast %add3A_621 : i32 to index
      %swap3A_636 = arith.constant 16 : index
      %swap3A_637 = tpu.vector_load %arg10[%swap3A_635, %swap3A_636] {strides = array<i32>} : memref<640x32xf32, #tpu.memory_space<vmem>>, vector<16xf32>,
      tpu.vector_store %arg10[%swap3A_635, %swap3A_636], %mul3A_634 {strides = array<i32>} : memref<640x32xf32, #tpu.memory_space<vmem>>, vector<16xf32>,
      %slice3A_638 = vector.extract_strided_slice %get3A_508 {offsets = [6], sizes = [1], strides = [1]} : vector<16xf32> to vector<1xf32>
      %squeeze3A_639 = vector.extract %slice3A_638[0] : f32 from vector<1xf32>
      %mul3A_640 = arith.constant 16 : i32
      %mul3A_641 = arith.muli %scan3A_505, %mul3A_640 : i32
      %add3A_642 = arith.constant 6 : i32
      %add3A_643 = arith.addi %mul3A_641, %add3A_642 : i32
      %get3A_644 = arith.index_cast %add3A_643 : i32 to index
      %get3A_645 = arith.constant 0 : index
      %get3A_646 = tpu.vector_load %arg10[%get3A_644, %get3A_645] {strides = array<i32>} : memref<640x32xf32, #tpu.memory_space<vmem>>, vector<16xf32>,
      %mul3A_647 = vector.broadcast %squeeze3A_639 : f32 to vector<16xf32>
      %mul3A_648 = arith.mulf %get3A_646, %mul3A_647 : vector<16xf32>
      %swap3A_649 = arith.index_cast %add3A_643 : i32 to index
      %swap3A_650 = arith.constant 0 : index
      %swap3A_651 = tpu.vector_load %arg10[%swap3A_649, %swap3A_650] {strides = array<i32>} : memref<640x32xf32, #tpu.memory_space<vmem>>, vector<16xf32>,
      tpu.vector_store %arg10[%swap3A_649, %swap3A_650], %mul3A_648 {strides = array<i32>} : memref<640x32xf32, #tpu.memory_space<vmem>>, vector<16xf32>,
      %get3A_652 = arith.index_cast %add3A_643 : i32 to index
      %get3A_653 = arith.constant 16 : index
      %get3A_654 = tpu.vector_load %arg10[%get3A_652, %get3A_653] {strides = array<i32>} : memref<640x32xf32, #tpu.memory_space<vmem>>, vector<16xf32>,
      %mul3A_655 = vector.broadcast %squeeze3A_639 : f32 to vector<16xf32>
      %mul3A_656 = arith.mulf %get3A_654, %mul3A_655 : vector<16xf32>
      %swap3A_657 = arith.index_cast %add3A_643 : i32 to index
      %swap3A_658 = arith.constant 16 : index
      %swap3A_659 = tpu.vector_load %arg10[%swap3A_657, %swap3A_658] {strides = array<i32>} : memref<640x32xf32, #tpu.memory_space<vmem>>, vector<16xf32>,
      tpu.vector_store %arg10[%swap3A_657, %swap3A_658], %mul3A_656 {strides = array<i32>} : memref<640x32xf32, #tpu.memory_space<vmem>>, vector<16xf32>,
      %slice3A_660 = vector.extract_strided_slice %get3A_508 {offsets = [7], sizes = [1], strides = [1]} : vector<16xf32> to vector<1xf32>
      %squeeze3A_661 = vector.extract %slice3A_660[0] : f32 from vector<1xf32>
      %mul3A_662 = arith.constant 16 : i32
      %mul3A_663 = arith.muli %scan3A_505, %mul3A_662 : i32
      %add3A_664 = arith.constant 7 : i32
      %add3A_665 = arith.addi %mul3A_663, %add3A_664 : i32
      %get3A_666 = arith.index_cast %add3A_665 : i32 to index
      %get3A_667 = arith.constant 0 : index
      %get3A_668 = tpu.vector_load %arg10[%get3A_666, %get3A_667] {strides = array<i32>} : memref<640x32xf32, #tpu.memory_space<vmem>>, vector<16xf32>,
      %mul3A_669 = vector.broadcast %squeeze3A_661 : f32 to vector<16xf32>
      %mul3A_670 = arith.mulf %get3A_668, %mul3A_669 : vector<16xf32>
      %swap3A_671 = arith.index_cast %add3A_665 : i32 to index
      %swap3A_672 = arith.constant 0 : index
      %swap3A_673 = tpu.vector_load %arg10[%swap3A_671, %swap3A_672] {strides = array<i32>} : memref<640x32xf32, #tpu.memory_space<vmem>>, vector<16xf32>,
      tpu.vector_store %arg10[%swap3A_671, %swap3A_672], %mul3A_670 {strides = array<i32>} : memref<640x32xf32, #tpu.memory_space<vmem>>, vector<16xf32>,
      %get3A_674 = arith.index_cast %add3A_665 : i32 to index
      %get3A_675 = arith.constant 16 : index
      %get3A_676 = tpu.vector_load %arg10[%get3A_674, %get3A_675] {strides = array<i32>} : memref<640x32xf32, #tpu.memory_space<vmem>>, vector<16xf32>,
      %mul3A_677 = vector.broadcast %squeeze3A_661 : f32 to vector<16xf32>
      %mul3A_678 = arith.mulf %get3A_676, %mul3A_677 : vector<16xf32>
      %swap3A_679 = arith.index_cast %add3A_665 : i32 to index
      %swap3A_680 = arith.constant 16 : index
      %swap3A_681 = tpu.vector_load %arg10[%swap3A_679, %swap3A_680] {strides = array<i32>} : memref<640x32xf32, #tpu.memory_space<vmem>>, vector<16xf32>,
      tpu.vector_store %arg10[%swap3A_679, %swap3A_680], %mul3A_678 {strides = array<i32>} : memref<640x32xf32, #tpu.memory_space<vmem>>, vector<16xf32>,
      %slice3A_682 = vector.extract_strided_slice %get3A_508 {offsets = [8], sizes = [1], strides = [1]} : vector<16xf32> to vector<1xf32>
      %squeeze3A_683 = vector.extract %slice3A_682[0] : f32 from vector<1xf32>
      %mul3A_684 = arith.constant 16 : i32
      %mul3A_685 = arith.muli %scan3A_505, %mul3A_684 : i32
      %add3A_686 = arith.constant 8 : i32
      %add3A_687 = arith.addi %mul3A_685, %add3A_686 : i32
      %get3A_688 = arith.index_cast %add3A_687 : i32 to index
      %get3A_689 = arith.constant 0 : index
      %get3A_690 = tpu.vector_load %arg10[%get3A_688, %get3A_689] {strides = array<i32>} : memref<640x32xf32, #tpu.memory_space<vmem>>, vector<16xf32>,
      %mul3A_691 = vector.broadcast %squeeze3A_683 : f32 to vector<16xf32>
      %mul3A_692 = arith.mulf %get3A_690, %mul3A_691 : vector<16xf32>
      %swap3A_693 = arith.index_cast %add3A_687 : i32 to index
      %swap3A_694 = arith.constant 0 : index
      %swap3A_695 = tpu.vector_load %arg10[%swap3A_693, %swap3A_694] {strides = array<i32>} : memref<640x32xf32, #tpu.memory_space<vmem>>, vector<16xf32>,
      tpu.vector_store %arg10[%swap3A_693, %swap3A_694], %mul3A_692 {strides = array<i32>} : memref<640x32xf32, #tpu.memory_space<vmem>>, vector<16xf32>,
      %get3A_696 = arith.index_cast %add3A_687 : i32 to index
      %get3A_697 = arith.constant 16 : index
      %get3A_698 = tpu.vector_load %arg10[%get3A_696, %get3A_697] {strides = array<i32>} : memref<640x32xf32, #tpu.memory_space<vmem>>, vector<16xf32>,
      %mul3A_699 = vector.broadcast %squeeze3A_683 : f32 to vector<16xf32>
      %mul3A_700 = arith.mulf %get3A_698, %mul3A_699 : vector<16xf32>
      %swap3A_701 = arith.index_cast %add3A_687 : i32 to index
      %swap3A_702 = arith.constant 16 : index
      %swap3A_703 = tpu.vector_load %arg10[%swap3A_701, %swap3A_702] {strides = array<i32>} : memref<640x32xf32, #tpu.memory_space<vmem>>, vector<16xf32>,
      tpu.vector_store %arg10[%swap3A_701, %swap3A_702], %mul3A_700 {strides = array<i32>} : memref<640x32xf32, #tpu.memory_space<vmem>>, vector<16xf32>,
      %slice3A_704 = vector.extract_strided_slice %get3A_508 {offsets = [9], sizes = [1], strides = [1]} : vector<16xf32> to vector<1xf32>
      %squeeze3A_705 = vector.extract %slice3A_704[0] : f32 from vector<1xf32>
      %mul3A_706 = arith.constant 16 : i32
      %mul3A_707 = arith.muli %scan3A_505, %mul3A_706 : i32
      %add3A_708 = arith.constant 9 : i32
      %add3A_709 = arith.addi %mul3A_707, %add3A_708 : i32
      %get3A_710 = arith.index_cast %add3A_709 : i32 to index
      %get3A_711 = arith.constant 0 : index
      %get3A_712 = tpu.vector_load %arg10[%get3A_710, %get3A_711] {strides = array<i32>} : memref<640x32xf32, #tpu.memory_space<vmem>>, vector<16xf32>,
      %mul3A_713 = vector.broadcast %squeeze3A_705 : f32 to vector<16xf32>
      %mul3A_714 = arith.mulf %get3A_712, %mul3A_713 : vector<16xf32>
      %swap3A_715 = arith.index_cast %add3A_709 : i32 to index
      %swap3A_716 = arith.constant 0 : index
      %swap3A_717 = tpu.vector_load %arg10[%swap3A_715, %swap3A_716] {strides = array<i32>} : memref<640x32xf32, #tpu.memory_space<vmem>>, vector<16xf32>,
      tpu.vector_store %arg10[%swap3A_715, %swap3A_716], %mul3A_714 {strides = array<i32>} : memref<640x32xf32, #tpu.memory_space<vmem>>, vector<16xf32>,
      %get3A_718 = arith.index_cast %add3A_709 : i32 to index
      %get3A_719 = arith.constant 16 : index
      %get3A_720 = tpu.vector_load %arg10[%get3A_718, %get3A_719] {strides = array<i32>} : memref<640x32xf32, #tpu.memory_space<vmem>>, vector<16xf32>,
      %mul3A_721 = vector.broadcast %squeeze3A_705 : f32 to vector<16xf32>
      %mul3A_722 = arith.mulf %get3A_720, %mul3A_721 : vector<16xf32>
      %swap3A_723 = arith.index_cast %add3A_709 : i32 to index
      %swap3A_724 = arith.constant 16 : index
      %swap3A_725 = tpu.vector_load %arg10[%swap3A_723, %swap3A_724] {strides = array<i32>} : memref<640x32xf32, #tpu.memory_space<vmem>>, vector<16xf32>,
      tpu.vector_store %arg10[%swap3A_723, %swap3A_724], %mul3A_722 {strides = array<i32>} : memref<640x32xf32, #tpu.memory_space<vmem>>, vector<16xf32>,
      %slice3A_726 = vector.extract_strided_slice %get3A_508 {offsets = [10], sizes = [1], strides = [1]} : vector<16xf32> to vector<1xf32>
      %squeeze3A_727 = vector.extract %slice3A_726[0] : f32 from vector<1xf32>
      %mul3A_728 = arith.constant 16 : i32
      %mul3A_729 = arith.muli %scan3A_505, %mul3A_728 : i32
      %add3A_730 = arith.constant 10 : i32
      %add3A_731 = arith.addi %mul3A_729, %add3A_730 : i32
      %get3A_732 = arith.index_cast %add3A_731 : i32 to index
      %get3A_733 = arith.constant 0 : index
      %get3A_734 = tpu.vector_load %arg10[%get3A_732, %get3A_733] {strides = array<i32>} : memref<640x32xf32, #tpu.memory_space<vmem>>, vector<16xf32>,
      %mul3A_735 = vector.broadcast %squeeze3A_727 : f32 to vector<16xf32>
      %mul3A_736 = arith.mulf %get3A_734, %mul3A_735 : vector<16xf32>
      %swap3A_737 = arith.index_cast %add3A_731 : i32 to index
      %swap3A_738 = arith.constant 0 : index
      %swap3A_739 = tpu.vector_load %arg10[%swap3A_737, %swap3A_738] {strides = array<i32>} : memref<640x32xf32, #tpu.memory_space<vmem>>, vector<16xf32>,
      tpu.vector_store %arg10[%swap3A_737, %swap3A_738], %mul3A_736 {strides = array<i32>} : memref<640x32xf32, #tpu.memory_space<vmem>>, vector<16xf32>,
      %get3A_740 = arith.index_cast %add3A_731 : i32 to index
      %get3A_741 = arith.constant 16 : index
      %get3A_742 = tpu.vector_load %arg10[%get3A_740, %get3A_741] {strides = array<i32>} : memref<640x32xf32, #tpu.memory_space<vmem>>, vector<16xf32>,
      %mul3A_743 = vector.broadcast %squeeze3A_727 : f32 to vector<16xf32>
      %mul3A_744 = arith.mulf %get3A_742, %mul3A_743 : vector<16xf32>
      %swap3A_745 = arith.index_cast %add3A_731 : i32 to index
      %swap3A_746 = arith.constant 16 : index
      %swap3A_747 = tpu.vector_load %arg10[%swap3A_745, %swap3A_746] {strides = array<i32>} : memref<640x32xf32, #tpu.memory_space<vmem>>, vector<16xf32>,
      tpu.vector_store %arg10[%swap3A_745, %swap3A_746], %mul3A_744 {strides = array<i32>} : memref<640x32xf32, #tpu.memory_space<vmem>>, vector<16xf32>,
      %slice3A_748 = vector.extract_strided_slice %get3A_508 {offsets = [11], sizes = [1], strides = [1]} : vector<16xf32> to vector<1xf32>
      %squeeze3A_749 = vector.extract %slice3A_748[0] : f32 from vector<1xf32>
      %mul3A_750 = arith.constant 16 : i32
      %mul3A_751 = arith.muli %scan3A_505, %mul3A_750 : i32
      %add3A_752 = arith.constant 11 : i32
      %add3A_753 = arith.addi %mul3A_751, %add3A_752 : i32
      %get3A_754 = arith.index_cast %add3A_753 : i32 to index
      %get3A_755 = arith.constant 0 : index
      %get3A_756 = tpu.vector_load %arg10[%get3A_754, %get3A_755] {strides = array<i32>} : memref<640x32xf32, #tpu.memory_space<vmem>>, vector<16xf32>,
      %mul3A_757 = vector.broadcast %squeeze3A_749 : f32 to vector<16xf32>
      %mul3A_758 = arith.mulf %get3A_756, %mul3A_757 : vector<16xf32>
      %swap3A_759 = arith.index_cast %add3A_753 : i32 to index
      %swap3A_760 = arith.constant 0 : index
      %swap3A_761 = tpu.vector_load %arg10[%swap3A_759, %swap3A_760] {strides = array<i32>} : memref<640x32xf32, #tpu.memory_space<vmem>>, vector<16xf32>,
      tpu.vector_store %arg10[%swap3A_759, %swap3A_760], %mul3A_758 {strides = array<i32>} : memref<640x32xf32, #tpu.memory_space<vmem>>, vector<16xf32>,
      %get3A_762 = arith.index_cast %add3A_753 : i32 to index
      %get3A_763 = arith.constant 16 : index
      %get3A_764 = tpu.vector_load %arg10[%get3A_762, %get3A_763] {strides = array<i32>} : memref<640x32xf32, #tpu.memory_space<vmem>>, vector<16xf32>,
      %mul3A_765 = vector.broadcast %squeeze3A_749 : f32 to vector<16xf32>
      %mul3A_766 = arith.mulf %get3A_764, %mul3A_765 : vector<16xf32>
      %swap3A_767 = arith.index_cast %add3A_753 : i32 to index
      %swap3A_768 = arith.constant 16 : index
      %swap3A_769 = tpu.vector_load %arg10[%swap3A_767, %swap3A_768] {strides = array<i32>} : memref<640x32xf32, #tpu.memory_space<vmem>>, vector<16xf32>,
      tpu.vector_store %arg10[%swap3A_767, %swap3A_768], %mul3A_766 {strides = array<i32>} : memref<640x32xf32, #tpu.memory_space<vmem>>, vector<16xf32>,
      %slice3A_770 = vector.extract_strided_slice %get3A_508 {offsets = [12], sizes = [1], strides = [1]} : vector<16xf32> to vector<1xf32>
      %squeeze3A_771 = vector.extract %slice3A_770[0] : f32 from vector<1xf32>
      %mul3A_772 = arith.constant 16 : i32
      %mul3A_773 = arith.muli %scan3A_505, %mul3A_772 : i32
      %add3A_774 = arith.constant 12 : i32
      %add3A_775 = arith.addi %mul3A_773, %add3A_774 : i32
      %get3A_776 = arith.index_cast %add3A_775 : i32 to index
      %get3A_777 = arith.constant 0 : index
      %get3A_778 = tpu.vector_load %arg10[%get3A_776, %get3A_777] {strides = array<i32>} : memref<640x32xf32, #tpu.memory_space<vmem>>, vector<16xf32>,
      %mul3A_779 = vector.broadcast %squeeze3A_771 : f32 to vector<16xf32>
      %mul3A_780 = arith.mulf %get3A_778, %mul3A_779 : vector<16xf32>
      %swap3A_781 = arith.index_cast %add3A_775 : i32 to index
      %swap3A_782 = arith.constant 0 : index
      %swap3A_783 = tpu.vector_load %arg10[%swap3A_781, %swap3A_782] {strides = array<i32>} : memref<640x32xf32, #tpu.memory_space<vmem>>, vector<16xf32>,
      tpu.vector_store %arg10[%swap3A_781, %swap3A_782], %mul3A_780 {strides = array<i32>} : memref<640x32xf32, #tpu.memory_space<vmem>>, vector<16xf32>,
      %get3A_784 = arith.index_cast %add3A_775 : i32 to index
      %get3A_785 = arith.constant 16 : index
      %get3A_786 = tpu.vector_load %arg10[%get3A_784, %get3A_785] {strides = array<i32>} : memref<640x32xf32, #tpu.memory_space<vmem>>, vector<16xf32>,
      %mul3A_787 = vector.broadcast %squeeze3A_771 : f32 to vector<16xf32>
      %mul3A_788 = arith.mulf %get3A_786, %mul3A_787 : vector<16xf32>
      %swap3A_789 = arith.index_cast %add3A_775 : i32 to index
      %swap3A_790 = arith.constant 16 : index
      %swap3A_791 = tpu.vector_load %arg10[%swap3A_789, %swap3A_790] {strides = array<i32>} : memref<640x32xf32, #tpu.memory_space<vmem>>, vector<16xf32>,
      tpu.vector_store %arg10[%swap3A_789, %swap3A_790], %mul3A_788 {strides = array<i32>} : memref<640x32xf32, #tpu.memory_space<vmem>>, vector<16xf32>,
      %slice3A_792 = vector.extract_strided_slice %get3A_508 {offsets = [13], sizes = [1], strides = [1]} : vector<16xf32> to vector<1xf32>
      %squeeze3A_793 = vector.extract %slice3A_792[0] : f32 from vector<1xf32>
      %mul3A_794 = arith.constant 16 : i32
      %mul3A_795 = arith.muli %scan3A_505, %mul3A_794 : i32
      %add3A_796 = arith.constant 13 : i32
      %add3A_797 = arith.addi %mul3A_795, %add3A_796 : i32
      %get3A_798 = arith.index_cast %add3A_797 : i32 to index
      %get3A_799 = arith.constant 0 : index
      %get3A_800 = tpu.vector_load %arg10[%get3A_798, %get3A_799] {strides = array<i32>} : memref<640x32xf32, #tpu.memory_space<vmem>>, vector<16xf32>,
      %mul3A_801 = vector.broadcast %squeeze3A_793 : f32 to vector<16xf32>
      %mul3A_802 = arith.mulf %get3A_800, %mul3A_801 : vector<16xf32>
      %swap3A_803 = arith.index_cast %add3A_797 : i32 to index
      %swap3A_804 = arith.constant 0 : index
      %swap3A_805 = tpu.vector_load %arg10[%swap3A_803, %swap3A_804] {strides = array<i32>} : memref<640x32xf32, #tpu.memory_space<vmem>>, vector<16xf32>,
      tpu.vector_store %arg10[%swap3A_803, %swap3A_804], %mul3A_802 {strides = array<i32>} : memref<640x32xf32, #tpu.memory_space<vmem>>, vector<16xf32>,
      %get3A_806 = arith.index_cast %add3A_797 : i32 to index
      %get3A_807 = arith.constant 16 : index
      %get3A_808 = tpu.vector_load %arg10[%get3A_806, %get3A_807] {strides = array<i32>} : memref<640x32xf32, #tpu.memory_space<vmem>>, vector<16xf32>,
      %mul3A_809 = vector.broadcast %squeeze3A_793 : f32 to vector<16xf32>
      %mul3A_810 = arith.mulf %get3A_808, %mul3A_809 : vector<16xf32>
      %swap3A_811 = arith.index_cast %add3A_797 : i32 to index
      %swap3A_812 = arith.constant 16 : index
      %swap3A_813 = tpu.vector_load %arg10[%swap3A_811, %swap3A_812] {strides = array<i32>} : memref<640x32xf32, #tpu.memory_space<vmem>>, vector<16xf32>,
      tpu.vector_store %arg10[%swap3A_811, %swap3A_812], %mul3A_810 {strides = array<i32>} : memref<640x32xf32, #tpu.memory_space<vmem>>, vector<16xf32>,
      %slice3A_814 = vector.extract_strided_slice %get3A_508 {offsets = [14], sizes = [1], strides = [1]} : vector<16xf32> to vector<1xf32>
      %squeeze3A_815 = vector.extract %slice3A_814[0] : f32 from vector<1xf32>
      %mul3A_816 = arith.constant 16 : i32
      %mul3A_817 = arith.muli %scan3A_505, %mul3A_816 : i32
      %add3A_818 = arith.constant 14 : i32
      %add3A_819 = arith.addi %mul3A_817, %add3A_818 : i32
      %get3A_820 = arith.index_cast %add3A_819 : i32 to index
      %get3A_821 = arith.constant 0 : index
      %get3A_822 = tpu.vector_load %arg10[%get3A_820, %get3A_821] {strides = array<i32>} : memref<640x32xf32, #tpu.memory_space<vmem>>, vector<16xf32>,
      %mul3A_823 = vector.broadcast %squeeze3A_815 : f32 to vector<16xf32>
      %mul3A_824 = arith.mulf %get3A_822, %mul3A_823 : vector<16xf32>
      %swap3A_825 = arith.index_cast %add3A_819 : i32 to index
      %swap3A_826 = arith.constant 0 : index
      %swap3A_827 = tpu.vector_load %arg10[%swap3A_825, %swap3A_826] {strides = array<i32>} : memref<640x32xf32, #tpu.memory_space<vmem>>, vector<16xf32>,
      tpu.vector_store %arg10[%swap3A_825, %swap3A_826], %mul3A_824 {strides = array<i32>} : memref<640x32xf32, #tpu.memory_space<vmem>>, vector<16xf32>,
      %get3A_828 = arith.index_cast %add3A_819 : i32 to index
      %get3A_829 = arith.constant 16 : index
      %get3A_830 = tpu.vector_load %arg10[%get3A_828, %get3A_829] {strides = array<i32>} : memref<640x32xf32, #tpu.memory_space<vmem>>, vector<16xf32>,
      %mul3A_831 = vector.broadcast %squeeze3A_815 : f32 to vector<16xf32>
      %mul3A_832 = arith.mulf %get3A_830, %mul3A_831 : vector<16xf32>
      %swap3A_833 = arith.index_cast %add3A_819 : i32 to index
      %swap3A_834 = arith.constant 16 : index
      %swap3A_835 = tpu.vector_load %arg10[%swap3A_833, %swap3A_834] {strides = array<i32>} : memref<640x32xf32, #tpu.memory_space<vmem>>, vector<16xf32>,
      tpu.vector_store %arg10[%swap3A_833, %swap3A_834], %mul3A_832 {strides = array<i32>} : memref<640x32xf32, #tpu.memory_space<vmem>>, vector<16xf32>,
      %slice3A_836 = vector.extract_strided_slice %get3A_508 {offsets = [15], sizes = [1], strides = [1]} : vector<16xf32> to vector<1xf32>
      %squeeze3A_837 = vector.extract %slice3A_836[0] : f32 from vector<1xf32>
      %mul3A_838 = arith.constant 16 : i32
      %mul3A_839 = arith.muli %scan3A_505, %mul3A_838 : i32
      %add3A_840 = arith.constant 15 : i32
      %add3A_841 = arith.addi %mul3A_839, %add3A_840 : i32
      %get3A_842 = arith.index_cast %add3A_841 : i32 to index
      %get3A_843 = arith.constant 0 : index
      %get3A_844 = tpu.vector_load %arg10[%get3A_842, %get3A_843] {strides = array<i32>} : memref<640x32xf32, #tpu.memory_space<vmem>>, vector<16xf32>,
      %mul3A_845 = vector.broadcast %squeeze3A_837 : f32 to vector<16xf32>
      %mul3A_846 = arith.mulf %get3A_844, %mul3A_845 : vector<16xf32>
      %swap3A_847 = arith.index_cast %add3A_841 : i32 to index
      %swap3A_848 = arith.constant 0 : index
      %swap3A_849 = tpu.vector_load %arg10[%swap3A_847, %swap3A_848] {strides = array<i32>} : memref<640x32xf32, #tpu.memory_space<vmem>>, vector<16xf32>,
      tpu.vector_store %arg10[%swap3A_847, %swap3A_848], %mul3A_846 {strides = array<i32>} : memref<640x32xf32, #tpu.memory_space<vmem>>, vector<16xf32>,
      %get3A_850 = arith.index_cast %add3A_841 : i32 to index
      %get3A_851 = arith.constant 16 : index
      %get3A_852 = tpu.vector_load %arg10[%get3A_850, %get3A_851] {strides = array<i32>} : memref<640x32xf32, #tpu.memory_space<vmem>>, vector<16xf32>,
      %mul3A_853 = vector.broadcast %squeeze3A_837 : f32 to vector<16xf32>
      %mul3A_854 = arith.mulf %get3A_852, %mul3A_853 : vector<16xf32>
      %swap3A_855 = arith.index_cast %add3A_841 : i32 to index
      %swap3A_856 = arith.constant 16 : index
      %swap3A_857 = tpu.vector_load %arg10[%swap3A_855, %swap3A_856] {strides = array<i32>} : memref<640x32xf32, #tpu.memory_space<vmem>>, vector<16xf32>,
      tpu.vector_store %arg10[%swap3A_855, %swap3A_856], %mul3A_854 {strides = array<i32>} : memref<640x32xf32, #tpu.memory_space<vmem>>, vector<16xf32>,
    }
    %scan3A_10 = arith.constant 40 : i32
    "tpu.region"() ({
      %run_scoped3A = tpu.sem_alloc : memref<!tpu.dma_semaphore, #tpu.memory_space<semaphore_mem>>
      %dma_start3A_505 = arith.constant 0 : i32
      %dma_start3A_506 = tpu.memref_slice %arg6[%mul3A_0, %dma_start3A_505] : memref<10240x32xf32, #tpu.memory_space<hbm>> -> memref<640x32xf32, #tpu.memory_space<hbm>>
      %dma_start3A_507 = arith.constant 0 : i32
      %dma_start3A_508 = tpu.memref_slice %arg6[%mul3A_0, %dma_start3A_507] : memref<10240x32xf32, #tpu.memory_space<hbm>> -> memref<640x32xf32, #tpu.memory_space<hbm>>
      tpu.enqueue_dma source(%arg10 : memref<640x32xf32, #tpu.memory_space<vmem>>) target(%dma_start3A_508 : memref<640x32xf32, #tpu.memory_space<hbm>>) target_semaphore(%run_scoped3A : memref<!tpu.dma_semaphore, #tpu.memory_space<semaphore_mem>>)
      %dma_wait3A_509 = arith.constant 0 : i32
      %dma_wait3A_510 = tpu.memref_slice %arg6[%mul3A_0, %dma_wait3A_509] : memref<10240x32xf32, #tpu.memory_space<hbm>> -> memref<640x32xf32, #tpu.memory_space<hbm>>
      %dma_wait3A_511 = arith.constant 0 : i32
      %dma_wait3A_512 = tpu.memref_slice %arg6[%mul3A_0, %dma_wait3A_511] : memref<10240x32xf32, #tpu.memory_space<hbm>> -> memref<640x32xf32, #tpu.memory_space<hbm>>
      tpu.wait_dma2 semaphore(%run_scoped3A : memref<!tpu.dma_semaphore, #tpu.memory_space<semaphore_mem>>) src(%arg10 : memref<640x32xf32, #tpu.memory_space<vmem>>) dst(%dma_wait3A_512 : memref<640x32xf32, #tpu.memory_space<hbm>>)
      tpu.yield
    }) : () -> ()
    %scan3A_11 = arith.constant 0 : i32
    %scan3A_12 = arith.constant 640 : i32
    %scan3A_13 = arith.addi %scan3A_11, %scan3A_12 : i32
    %scan3A_14 = arith.constant 1 : i32
    scf.for %scan3A_505 = %scan3A_11 to %scan3A_13 step %scan3A_14  : i32 {
      %swap3A = arith.index_cast %scan3A_505 : i32 to index
      %swap3A_506 = arith.constant 0 : index
      %swap3A_507 = tpu.vector_load %arg10[%swap3A, %swap3A_506] {strides = array<i32>} : memref<640x32xf32, #tpu.memory_space<vmem>>, vector<16xf32>,
      tpu.vector_store %arg10[%swap3A, %swap3A_506], %broadcast_in_dim3A_6 {strides = array<i32>} : memref<640x32xf32, #tpu.memory_space<vmem>>, vector<16xf32>,
      %swap3A_508 = arith.index_cast %scan3A_505 : i32 to index
      %swap3A_509 = arith.constant 16 : index
      %swap3A_510 = tpu.vector_load %arg10[%swap3A_508, %swap3A_509] {strides = array<i32>} : memref<640x32xf32, #tpu.memory_space<vmem>>, vector<16xf32>,
      tpu.vector_store %arg10[%swap3A_508, %swap3A_509], %broadcast_in_dim3A_6 {strides = array<i32>} : memref<640x32xf32, #tpu.memory_space<vmem>>, vector<16xf32>,
    }
    %scan3A_15 = arith.constant 640 : i32
    "tpu.region"() ({
      %run_scoped3A = tpu.sem_alloc : memref<!tpu.dma_semaphore, #tpu.memory_space<semaphore_mem>>
      %dma_start3A_505 = arith.constant 0 : i32
      %dma_start3A_506 = tpu.memref_slice %arg14[%mul3A_0, %dma_start3A_505] : memref<10240x32xf32, #tpu.memory_space<vmem_shared>> -> memref<640x32xf32, #tpu.memory_space<vmem_shared>>
      %dma_start3A_507 = arith.constant 0 : i32
      %dma_start3A_508 = tpu.memref_slice %arg14[%mul3A_0, %dma_start3A_507] : memref<10240x32xf32, #tpu.memory_space<vmem_shared>> -> memref<640x32xf32, #tpu.memory_space<vmem_shared>>
      tpu.enqueue_dma source(%arg10 : memref<640x32xf32, #tpu.memory_space<vmem>>) target(%dma_start3A_508 : memref<640x32xf32, #tpu.memory_space<vmem_shared>>) target_semaphore(%run_scoped3A : memref<!tpu.dma_semaphore, #tpu.memory_space<semaphore_mem>>)
      %dma_wait3A_509 = arith.constant 0 : i32
      %dma_wait3A_510 = tpu.memref_slice %arg14[%mul3A_0, %dma_wait3A_509] : memref<10240x32xf32, #tpu.memory_space<vmem_shared>> -> memref<640x32xf32, #tpu.memory_space<vmem_shared>>
      %dma_wait3A_511 = arith.constant 0 : i32
      %dma_wait3A_512 = tpu.memref_slice %arg14[%mul3A_0, %dma_wait3A_511] : memref<10240x32xf32, #tpu.memory_space<vmem_shared>> -> memref<640x32xf32, #tpu.memory_space<vmem_shared>>
      tpu.wait_dma2 semaphore(%run_scoped3A : memref<!tpu.dma_semaphore, #tpu.memory_space<semaphore_mem>>) src(%arg10 : memref<640x32xf32, #tpu.memory_space<vmem>>) dst(%dma_wait3A_512 : memref<640x32xf32, #tpu.memory_space<vmem_shared>>)
      tpu.yield
    }) : () -> ()
    %barrier3A = arith.constant 0 : index
    tpu.barrier barrier_id(%barrier3A)
    %dma_start3A = arith.constant 0 : i32
    %dma_start3A_16 = arith.constant 0 : i32
    %dma_start3A_17 = arith.constant 0 : i32
    %dma_start3A_18 = arith.constant 0 : i32
    %dma_start3A_19 = tpu.memref_slice %arg11[%dma_start3A_16, %dma_start3A_17, %dma_start3A_18] : memref<10x80x32xf32, #tpu.memory_space<vmem>> -> memref<1x80x32xf32, #tpu.memory_space<vmem>>
    %dma_start3A_20 = tpu.memref_squeeze %dma_start3A_19 : memref<1x80x32xf32, #tpu.memory_space<vmem>> -> memref<80x32xf32, #tpu.memory_space<vmem>>
    %dma_start3A_21 = arith.constant 0 : i32
    %dma_start3A_22 = tpu.memref_slice %arg8[%dma_start3A, %dma_start3A_21] : memref<250x80xi32, #tpu.memory_space<vmem>> -> memref<1x80xi32, #tpu.memory_space<vmem>>
    %dma_start3A_23 = tpu.memref_squeeze %dma_start3A_22 : memref<1x80xi32, #tpu.memory_space<vmem>> -> memref<80xi32, #tpu.memory_space<vmem>>
    %dma_start3A_24 = arith.constant 0 : i32
    %dma_start3A_25 = arith.constant 0 : i32
    %dma_start3A_26 = tpu.memref_slice %arg6[%dma_start3A_24, %dma_start3A_25] : memref<10240x32xf32, #tpu.memory_space<hbm>> -> memref<10240x32xf32, #tpu.memory_space<hbm>>
    tpu.enqueue_indirect_dma source(%dma_start3A_26 : memref<10240x32xf32, #tpu.memory_space<hbm>>) target(%dma_start3A_20 : memref<80x32xf32, #tpu.memory_space<vmem>>) offsets(%dma_start3A_23 : memref<80xi32, #tpu.memory_space<vmem>>) semaphore(%arg15 : memref<!tpu.dma_semaphore, #tpu.memory_space<semaphore_mem>>)
    %dma_start3A_27 = arith.constant 1 : i32
    %dma_start3A_28 = arith.constant 1 : i32
    %dma_start3A_29 = arith.constant 0 : i32
    %dma_start3A_30 = arith.constant 0 : i32
    %dma_start3A_31 = tpu.memref_slice %arg11[%dma_start3A_28, %dma_start3A_29, %dma_start3A_30] : memref<10x80x32xf32, #tpu.memory_space<vmem>> -> memref<1x80x32xf32, #tpu.memory_space<vmem>>
    %dma_start3A_32 = tpu.memref_squeeze %dma_start3A_31 : memref<1x80x32xf32, #tpu.memory_space<vmem>> -> memref<80x32xf32, #tpu.memory_space<vmem>>
    %dma_start3A_33 = arith.constant 0 : i32
    %dma_start3A_34 = tpu.memref_slice %arg8[%dma_start3A_27, %dma_start3A_33] : memref<250x80xi32, #tpu.memory_space<vmem>> -> memref<1x80xi32, #tpu.memory_space<vmem>>
    %dma_start3A_35 = tpu.memref_squeeze %dma_start3A_34 : memref<1x80xi32, #tpu.memory_space<vmem>> -> memref<80xi32, #tpu.memory_space<vmem>>
    %dma_start3A_36 = arith.constant 0 : i32
    %dma_start3A_37 = arith.constant 0 : i32
    %dma_start3A_38 = tpu.memref_slice %arg6[%dma_start3A_36, %dma_start3A_37] : memref<10240x32xf32, #tpu.memory_space<hbm>> -> memref<10240x32xf32, #tpu.memory_space<hbm>>
    tpu.enqueue_indirect_dma source(%dma_start3A_38 : memref<10240x32xf32, #tpu.memory_space<hbm>>) target(%dma_start3A_32 : memref<80x32xf32, #tpu.memory_space<vmem>>) offsets(%dma_start3A_35 : memref<80xi32, #tpu.memory_space<vmem>>) semaphore(%arg16 : memref<!tpu.dma_semaphore, #tpu.memory_space<semaphore_mem>>)
    %dma_start3A_39 = arith.constant 2 : i32
    %dma_start3A_40 = arith.constant 2 : i32
    %dma_start3A_41 = arith.constant 0 : i32
    %dma_start3A_42 = arith.constant 0 : i32
    %dma_start3A_43 = tpu.memref_slice %arg11[%dma_start3A_40, %dma_start3A_41, %dma_start3A_42] : memref<10x80x32xf32, #tpu.memory_space<vmem>> -> memref<1x80x32xf32, #tpu.memory_space<vmem>>
    %dma_start3A_44 = tpu.memref_squeeze %dma_start3A_43 : memref<1x80x32xf32, #tpu.memory_space<vmem>> -> memref<80x32xf32, #tpu.memory_space<vmem>>
    %dma_start3A_45 = arith.constant 0 : i32
    %dma_start3A_46 = tpu.memref_slice %arg8[%dma_start3A_39, %dma_start3A_45] : memref<250x80xi32, #tpu.memory_space<vmem>> -> memref<1x80xi32, #tpu.memory_space<vmem>>
    %dma_start3A_47 = tpu.memref_squeeze %dma_start3A_46 : memref<1x80xi32, #tpu.memory_space<vmem>> -> memref<80xi32, #tpu.memory_space<vmem>>
    %dma_start3A_48 = arith.constant 0 : i32
    %dma_start3A_49 = arith.constant 0 : i32
    %dma_start3A_50 = tpu.memref_slice %arg6[%dma_start3A_48, %dma_start3A_49] : memref<10240x32xf32, #tpu.memory_space<hbm>> -> memref<10240x32xf32, #tpu.memory_space<hbm>>
    tpu.enqueue_indirect_dma source(%dma_start3A_50 : memref<10240x32xf32, #tpu.memory_space<hbm>>) target(%dma_start3A_44 : memref<80x32xf32, #tpu.memory_space<vmem>>) offsets(%dma_start3A_47 : memref<80xi32, #tpu.memory_space<vmem>>) semaphore(%arg17 : memref<!tpu.dma_semaphore, #tpu.memory_space<semaphore_mem>>)
    %dma_start3A_51 = arith.constant 3 : i32
    %dma_start3A_52 = arith.constant 3 : i32
    %dma_start3A_53 = arith.constant 0 : i32
    %dma_start3A_54 = arith.constant 0 : i32
    %dma_start3A_55 = tpu.memref_slice %arg11[%dma_start3A_52, %dma_start3A_53, %dma_start3A_54] : memref<10x80x32xf32, #tpu.memory_space<vmem>> -> memref<1x80x32xf32, #tpu.memory_space<vmem>>
    %dma_start3A_56 = tpu.memref_squeeze %dma_start3A_55 : memref<1x80x32xf32, #tpu.memory_space<vmem>> -> memref<80x32xf32, #tpu.memory_space<vmem>>
    %dma_start3A_57 = arith.constant 0 : i32
    %dma_start3A_58 = tpu.memref_slice %arg8[%dma_start3A_51, %dma_start3A_57] : memref<250x80xi32, #tpu.memory_space<vmem>> -> memref<1x80xi32, #tpu.memory_space<vmem>>
    %dma_start3A_59 = tpu.memref_squeeze %dma_start3A_58 : memref<1x80xi32, #tpu.memory_space<vmem>> -> memref<80xi32, #tpu.memory_space<vmem>>
    %dma_start3A_60 = arith.constant 0 : i32
    %dma_start3A_61 = arith.constant 0 : i32
    %dma_start3A_62 = tpu.memref_slice %arg6[%dma_start3A_60, %dma_start3A_61] : memref<10240x32xf32, #tpu.memory_space<hbm>> -> memref<10240x32xf32, #tpu.memory_space<hbm>>
    tpu.enqueue_indirect_dma source(%dma_start3A_62 : memref<10240x32xf32, #tpu.memory_space<hbm>>) target(%dma_start3A_56 : memref<80x32xf32, #tpu.memory_space<vmem>>) offsets(%dma_start3A_59 : memref<80xi32, #tpu.memory_space<vmem>>) semaphore(%arg18 : memref<!tpu.dma_semaphore, #tpu.memory_space<semaphore_mem>>)
    %dma_start3A_63 = arith.constant 4 : i32
    %dma_start3A_64 = arith.constant 4 : i32
    %dma_start3A_65 = arith.constant 0 : i32
    %dma_start3A_66 = arith.constant 0 : i32
    %dma_start3A_67 = tpu.memref_slice %arg11[%dma_start3A_64, %dma_start3A_65, %dma_start3A_66] : memref<10x80x32xf32, #tpu.memory_space<vmem>> -> memref<1x80x32xf32, #tpu.memory_space<vmem>>
    %dma_start3A_68 = tpu.memref_squeeze %dma_start3A_67 : memref<1x80x32xf32, #tpu.memory_space<vmem>> -> memref<80x32xf32, #tpu.memory_space<vmem>>
    %dma_start3A_69 = arith.constant 0 : i32
    %dma_start3A_70 = tpu.memref_slice %arg8[%dma_start3A_63, %dma_start3A_69] : memref<250x80xi32, #tpu.memory_space<vmem>> -> memref<1x80xi32, #tpu.memory_space<vmem>>
    %dma_start3A_71 = tpu.memref_squeeze %dma_start3A_70 : memref<1x80xi32, #tpu.memory_space<vmem>> -> memref<80xi32, #tpu.memory_space<vmem>>
    %dma_start3A_72 = arith.constant 0 : i32
    %dma_start3A_73 = arith.constant 0 : i32
    %dma_start3A_74 = tpu.memref_slice %arg6[%dma_start3A_72, %dma_start3A_73] : memref<10240x32xf32, #tpu.memory_space<hbm>> -> memref<10240x32xf32, #tpu.memory_space<hbm>>
    tpu.enqueue_indirect_dma source(%dma_start3A_74 : memref<10240x32xf32, #tpu.memory_space<hbm>>) target(%dma_start3A_68 : memref<80x32xf32, #tpu.memory_space<vmem>>) offsets(%dma_start3A_71 : memref<80xi32, #tpu.memory_space<vmem>>) semaphore(%arg19 : memref<!tpu.dma_semaphore, #tpu.memory_space<semaphore_mem>>)
    %dma_start3A_75 = arith.constant 5 : i32
    %dma_start3A_76 = arith.constant 5 : i32
    %dma_start3A_77 = arith.constant 0 : i32
    %dma_start3A_78 = arith.constant 0 : i32
    %dma_start3A_79 = tpu.memref_slice %arg11[%dma_start3A_76, %dma_start3A_77, %dma_start3A_78] : memref<10x80x32xf32, #tpu.memory_space<vmem>> -> memref<1x80x32xf32, #tpu.memory_space<vmem>>
    %dma_start3A_80 = tpu.memref_squeeze %dma_start3A_79 : memref<1x80x32xf32, #tpu.memory_space<vmem>> -> memref<80x32xf32, #tpu.memory_space<vmem>>
    %dma_start3A_81 = arith.constant 0 : i32
    %dma_start3A_82 = tpu.memref_slice %arg8[%dma_start3A_75, %dma_start3A_81] : memref<250x80xi32, #tpu.memory_space<vmem>> -> memref<1x80xi32, #tpu.memory_space<vmem>>
    %dma_start3A_83 = tpu.memref_squeeze %dma_start3A_82 : memref<1x80xi32, #tpu.memory_space<vmem>> -> memref<80xi32, #tpu.memory_space<vmem>>
    %dma_start3A_84 = arith.constant 0 : i32
    %dma_start3A_85 = arith.constant 0 : i32
    %dma_start3A_86 = tpu.memref_slice %arg6[%dma_start3A_84, %dma_start3A_85] : memref<10240x32xf32, #tpu.memory_space<hbm>> -> memref<10240x32xf32, #tpu.memory_space<hbm>>
    tpu.enqueue_indirect_dma source(%dma_start3A_86 : memref<10240x32xf32, #tpu.memory_space<hbm>>) target(%dma_start3A_80 : memref<80x32xf32, #tpu.memory_space<vmem>>) offsets(%dma_start3A_83 : memref<80xi32, #tpu.memory_space<vmem>>) semaphore(%arg20 : memref<!tpu.dma_semaphore, #tpu.memory_space<semaphore_mem>>)
    %dma_start3A_87 = arith.constant 6 : i32
    %dma_start3A_88 = arith.constant 6 : i32
    %dma_start3A_89 = arith.constant 0 : i32
    %dma_start3A_90 = arith.constant 0 : i32
    %dma_start3A_91 = tpu.memref_slice %arg11[%dma_start3A_88, %dma_start3A_89, %dma_start3A_90] : memref<10x80x32xf32, #tpu.memory_space<vmem>> -> memref<1x80x32xf32, #tpu.memory_space<vmem>>
    %dma_start3A_92 = tpu.memref_squeeze %dma_start3A_91 : memref<1x80x32xf32, #tpu.memory_space<vmem>> -> memref<80x32xf32, #tpu.memory_space<vmem>>
    %dma_start3A_93 = arith.constant 0 : i32
    %dma_start3A_94 = tpu.memref_slice %arg8[%dma_start3A_87, %dma_start3A_93] : memref<250x80xi32, #tpu.memory_space<vmem>> -> memref<1x80xi32, #tpu.memory_space<vmem>>
    %dma_start3A_95 = tpu.memref_squeeze %dma_start3A_94 : memref<1x80xi32, #tpu.memory_space<vmem>> -> memref<80xi32, #tpu.memory_space<vmem>>
    %dma_start3A_96 = arith.constant 0 : i32
    %dma_start3A_97 = arith.constant 0 : i32
    %dma_start3A_98 = tpu.memref_slice %arg6[%dma_start3A_96, %dma_start3A_97] : memref<10240x32xf32, #tpu.memory_space<hbm>> -> memref<10240x32xf32, #tpu.memory_space<hbm>>
    tpu.enqueue_indirect_dma source(%dma_start3A_98 : memref<10240x32xf32, #tpu.memory_space<hbm>>) target(%dma_start3A_92 : memref<80x32xf32, #tpu.memory_space<vmem>>) offsets(%dma_start3A_95 : memref<80xi32, #tpu.memory_space<vmem>>) semaphore(%arg21 : memref<!tpu.dma_semaphore, #tpu.memory_space<semaphore_mem>>)
    %dma_start3A_99 = arith.constant 7 : i32
    %dma_start3A_100 = arith.constant 7 : i32
    %dma_start3A_101 = arith.constant 0 : i32
    %dma_start3A_102 = arith.constant 0 : i32
    %dma_start3A_103 = tpu.memref_slice %arg11[%dma_start3A_100, %dma_start3A_101, %dma_start3A_102] : memref<10x80x32xf32, #tpu.memory_space<vmem>> -> memref<1x80x32xf32, #tpu.memory_space<vmem>>
    %dma_start3A_104 = tpu.memref_squeeze %dma_start3A_103 : memref<1x80x32xf32, #tpu.memory_space<vmem>> -> memref<80x32xf32, #tpu.memory_space<vmem>>
    %dma_start3A_105 = arith.constant 0 : i32
    %dma_start3A_106 = tpu.memref_slice %arg8[%dma_start3A_99, %dma_start3A_105] : memref<250x80xi32, #tpu.memory_space<vmem>> -> memref<1x80xi32, #tpu.memory_space<vmem>>
    %dma_start3A_107 = tpu.memref_squeeze %dma_start3A_106 : memref<1x80xi32, #tpu.memory_space<vmem>> -> memref<80xi32, #tpu.memory_space<vmem>>
    %dma_start3A_108 = arith.constant 0 : i32
    %dma_start3A_109 = arith.constant 0 : i32
    %dma_start3A_110 = tpu.memref_slice %arg6[%dma_start3A_108, %dma_start3A_109] : memref<10240x32xf32, #tpu.memory_space<hbm>> -> memref<10240x32xf32, #tpu.memory_space<hbm>>
    tpu.enqueue_indirect_dma source(%dma_start3A_110 : memref<10240x32xf32, #tpu.memory_space<hbm>>) target(%dma_start3A_104 : memref<80x32xf32, #tpu.memory_space<vmem>>) offsets(%dma_start3A_107 : memref<80xi32, #tpu.memory_space<vmem>>) semaphore(%arg22 : memref<!tpu.dma_semaphore, #tpu.memory_space<semaphore_mem>>)
    %dma_start3A_111 = arith.constant 8 : i32
    %dma_start3A_112 = arith.constant 8 : i32
    %dma_start3A_113 = arith.constant 0 : i32
    %dma_start3A_114 = arith.constant 0 : i32
    %dma_start3A_115 = tpu.memref_slice %arg11[%dma_start3A_112, %dma_start3A_113, %dma_start3A_114] : memref<10x80x32xf32, #tpu.memory_space<vmem>> -> memref<1x80x32xf32, #tpu.memory_space<vmem>>
    %dma_start3A_116 = tpu.memref_squeeze %dma_start3A_115 : memref<1x80x32xf32, #tpu.memory_space<vmem>> -> memref<80x32xf32, #tpu.memory_space<vmem>>
    %dma_start3A_117 = arith.constant 0 : i32
    %dma_start3A_118 = tpu.memref_slice %arg8[%dma_start3A_111, %dma_start3A_117] : memref<250x80xi32, #tpu.memory_space<vmem>> -> memref<1x80xi32, #tpu.memory_space<vmem>>
    %dma_start3A_119 = tpu.memref_squeeze %dma_start3A_118 : memref<1x80xi32, #tpu.memory_space<vmem>> -> memref<80xi32, #tpu.memory_space<vmem>>
    %dma_start3A_120 = arith.constant 0 : i32
    %dma_start3A_121 = arith.constant 0 : i32
    %dma_start3A_122 = tpu.memref_slice %arg6[%dma_start3A_120, %dma_start3A_121] : memref<10240x32xf32, #tpu.memory_space<hbm>> -> memref<10240x32xf32, #tpu.memory_space<hbm>>
    tpu.enqueue_indirect_dma source(%dma_start3A_122 : memref<10240x32xf32, #tpu.memory_space<hbm>>) target(%dma_start3A_116 : memref<80x32xf32, #tpu.memory_space<vmem>>) offsets(%dma_start3A_119 : memref<80xi32, #tpu.memory_space<vmem>>) semaphore(%arg23 : memref<!tpu.dma_semaphore, #tpu.memory_space<semaphore_mem>>)
    %dma_start3A_123 = arith.constant 9 : i32
    %dma_start3A_124 = arith.constant 9 : i32
    %dma_start3A_125 = arith.constant 0 : i32
    %dma_start3A_126 = arith.constant 0 : i32
    %dma_start3A_127 = tpu.memref_slice %arg11[%dma_start3A_124, %dma_start3A_125, %dma_start3A_126] : memref<10x80x32xf32, #tpu.memory_space<vmem>> -> memref<1x80x32xf32, #tpu.memory_space<vmem>>
    %dma_start3A_128 = tpu.memref_squeeze %dma_start3A_127 : memref<1x80x32xf32, #tpu.memory_space<vmem>> -> memref<80x32xf32, #tpu.memory_space<vmem>>
    %dma_start3A_129 = arith.constant 0 : i32
    %dma_start3A_130 = tpu.memref_slice %arg8[%dma_start3A_123, %dma_start3A_129] : memref<250x80xi32, #tpu.memory_space<vmem>> -> memref<1x80xi32, #tpu.memory_space<vmem>>
    %dma_start3A_131 = tpu.memref_squeeze %dma_start3A_130 : memref<1x80xi32, #tpu.memory_space<vmem>> -> memref<80xi32, #tpu.memory_space<vmem>>
    %dma_start3A_132 = arith.constant 0 : i32
    %dma_start3A_133 = arith.constant 0 : i32
    %dma_start3A_134 = tpu.memref_slice %arg6[%dma_start3A_132, %dma_start3A_133] : memref<10240x32xf32, #tpu.memory_space<hbm>> -> memref<10240x32xf32, #tpu.memory_space<hbm>>
    tpu.enqueue_indirect_dma source(%dma_start3A_134 : memref<10240x32xf32, #tpu.memory_space<hbm>>) target(%dma_start3A_128 : memref<80x32xf32, #tpu.memory_space<vmem>>) offsets(%dma_start3A_131 : memref<80xi32, #tpu.memory_space<vmem>>) semaphore(%arg24 : memref<!tpu.dma_semaphore, #tpu.memory_space<semaphore_mem>>)
    %scan3A_135 = arith.constant 0 : i32
    %scan3A_136 = arith.constant 24 : i32
    %scan3A_137 = arith.addi %scan3A_135, %scan3A_136 : i32
    %scan3A_138 = arith.constant 1 : i32
    scf.for %scan3A_505 = %scan3A_135 to %scan3A_137 step %scan3A_138  : i32 {
      %mul3A_506 = arith.constant 10 : i32
      %mul3A_507 = arith.muli %scan3A_505, %mul3A_506 : i32
      %add3A_508 = arith.constant 0 : i32
      %add3A_509 = arith.addi %mul3A_507, %add3A_508 : i32
      %dma_wait3A_510 = arith.constant 0 : i32
      %dma_wait3A_511 = arith.constant 0 : i32
      %dma_wait3A_512 = arith.constant 0 : i32
      %dma_wait3A_513 = tpu.memref_slice %arg11[%dma_wait3A_510, %dma_wait3A_511, %dma_wait3A_512] : memref<10x80x32xf32, #tpu.memory_space<vmem>> -> memref<1x80x32xf32, #tpu.memory_space<vmem>>
      %dma_wait3A_514 = tpu.memref_squeeze %dma_wait3A_513 : memref<1x80x32xf32, #tpu.memory_space<vmem>> -> memref<80x32xf32, #tpu.memory_space<vmem>>
      %dma_wait3A_515 = arith.constant 0 : i32
      %dma_wait3A_516 = tpu.memref_slice %arg8[%add3A_509, %dma_wait3A_515] : memref<250x80xi32, #tpu.memory_space<vmem>> -> memref<1x80xi32, #tpu.memory_space<vmem>>
      %dma_wait3A_517 = tpu.memref_squeeze %dma_wait3A_516 : memref<1x80xi32, #tpu.memory_space<vmem>> -> memref<80xi32, #tpu.memory_space<vmem>>
      %dma_wait3A_518 = arith.constant 0 : i32
      %dma_wait3A_519 = arith.constant 0 : i32
      %dma_wait3A_520 = tpu.memref_slice %arg6[%dma_wait3A_518, %dma_wait3A_519] : memref<10240x32xf32, #tpu.memory_space<hbm>> -> memref<10240x32xf32, #tpu.memory_space<hbm>>
      tpu.wait_indirect_dma semaphore(%arg15 : memref<!tpu.dma_semaphore, #tpu.memory_space<semaphore_mem>>) src(%dma_wait3A_520 : memref<10240x32xf32, #tpu.memory_space<hbm>>) dst(%dma_wait3A_514 : memref<80x32xf32, #tpu.memory_space<vmem>>)
      %dma_start3A_521 = arith.constant 0 : i32
      %dma_start3A_522 = arith.constant 0 : i32
      %dma_start3A_523 = arith.constant 0 : i32
      %dma_start3A_524 = tpu.memref_slice %arg11[%dma_start3A_521, %dma_start3A_522, %dma_start3A_523] : memref<10x80x32xf32, #tpu.memory_space<vmem>> -> memref<1x80x32xf32, #tpu.memory_space<vmem>>
      %dma_start3A_525 = tpu.memref_squeeze %dma_start3A_524 : memref<1x80x32xf32, #tpu.memory_space<vmem>> -> memref<80x32xf32, #tpu.memory_space<vmem>>
      %dma_start3A_526 = arith.constant 0 : i32
      %dma_start3A_527 = tpu.memref_slice %arg9[%add3A_509, %dma_start3A_526] : memref<250x80xi32, #tpu.memory_space<vmem>> -> memref<1x80xi32, #tpu.memory_space<vmem>>
      %dma_start3A_528 = tpu.memref_squeeze %dma_start3A_527 : memref<1x80xi32, #tpu.memory_space<vmem>> -> memref<80xi32, #tpu.memory_space<vmem>>
      %dma_start3A_529 = arith.constant 0 : i32
      %dma_start3A_530 = arith.constant 0 : i32
      %dma_start3A_531 = tpu.memref_slice %arg14[%dma_start3A_529, %dma_start3A_530] : memref<10240x32xf32, #tpu.memory_space<vmem_shared>> -> memref<10240x32xf32, #tpu.memory_space<vmem_shared>>
      tpu.enqueue_indirect_dma source(%dma_start3A_525 : memref<80x32xf32, #tpu.memory_space<vmem>>) target(%dma_start3A_531 : memref<10240x32xf32, #tpu.memory_space<vmem_shared>>) offsets(%dma_start3A_528 : memref<80xi32, #tpu.memory_space<vmem>>) semaphore(%arg25 : memref<!tpu.dma_semaphore, #tpu.memory_space<semaphore_mem>>) {add = true}
      %dma_wait3A_532 = arith.constant 0 : i32
      %dma_wait3A_533 = arith.constant 0 : i32
      %dma_wait3A_534 = arith.constant 0 : i32
      %dma_wait3A_535 = tpu.memref_slice %arg11[%dma_wait3A_532, %dma_wait3A_533, %dma_wait3A_534] : memref<10x80x32xf32, #tpu.memory_space<vmem>> -> memref<1x80x32xf32, #tpu.memory_space<vmem>>
      %dma_wait3A_536 = tpu.memref_squeeze %dma_wait3A_535 : memref<1x80x32xf32, #tpu.memory_space<vmem>> -> memref<80x32xf32, #tpu.memory_space<vmem>>
      %dma_wait3A_537 = arith.constant 0 : i32
      %dma_wait3A_538 = tpu.memref_slice %arg9[%add3A_509, %dma_wait3A_537] : memref<250x80xi32, #tpu.memory_space<vmem>> -> memref<1x80xi32, #tpu.memory_space<vmem>>
      %dma_wait3A_539 = tpu.memref_squeeze %dma_wait3A_538 : memref<1x80xi32, #tpu.memory_space<vmem>> -> memref<80xi32, #tpu.memory_space<vmem>>
      %dma_wait3A_540 = arith.constant 0 : i32
      %dma_wait3A_541 = arith.constant 0 : i32
      %dma_wait3A_542 = tpu.memref_slice %arg14[%dma_wait3A_540, %dma_wait3A_541] : memref<10240x32xf32, #tpu.memory_space<vmem_shared>> -> memref<10240x32xf32, #tpu.memory_space<vmem_shared>>
      tpu.wait_indirect_dma semaphore(%arg25 : memref<!tpu.dma_semaphore, #tpu.memory_space<semaphore_mem>>) src(%dma_wait3A_536 : memref<80x32xf32, #tpu.memory_space<vmem>>) dst(%dma_wait3A_542 : memref<10240x32xf32, #tpu.memory_space<vmem_shared>>)
      %add3A_543 = arith.constant 10 : i32
      %add3A_544 = arith.addi %add3A_509, %add3A_543 : i32
      %dma_start3A_545 = arith.constant 0 : i32
      %dma_start3A_546 = arith.constant 0 : i32
      %dma_start3A_547 = arith.constant 0 : i32
      %dma_start3A_548 = tpu.memref_slice %arg11[%dma_start3A_545, %dma_start3A_546, %dma_start3A_547] : memref<10x80x32xf32, #tpu.memory_space<vmem>> -> memref<1x80x32xf32, #tpu.memory_space<vmem>>
      %dma_start3A_549 = tpu.memref_squeeze %dma_start3A_548 : memref<1x80x32xf32, #tpu.memory_space<vmem>> -> memref<80x32xf32, #tpu.memory_space<vmem>>
      %dma_start3A_550 = arith.constant 0 : i32
      %dma_start3A_551 = tpu.memref_slice %arg8[%add3A_544, %dma_start3A_550] : memref<250x80xi32, #tpu.memory_space<vmem>> -> memref<1x80xi32, #tpu.memory_space<vmem>>
      %dma_start3A_552 = tpu.memref_squeeze %dma_start3A_551 : memref<1x80xi32, #tpu.memory_space<vmem>> -> memref<80xi32, #tpu.memory_space<vmem>>
      %dma_start3A_553 = arith.constant 0 : i32
      %dma_start3A_554 = arith.constant 0 : i32
      %dma_start3A_555 = tpu.memref_slice %arg6[%dma_start3A_553, %dma_start3A_554] : memref<10240x32xf32, #tpu.memory_space<hbm>> -> memref<10240x32xf32, #tpu.memory_space<hbm>>
      tpu.enqueue_indirect_dma source(%dma_start3A_555 : memref<10240x32xf32, #tpu.memory_space<hbm>>) target(%dma_start3A_549 : memref<80x32xf32, #tpu.memory_space<vmem>>) offsets(%dma_start3A_552 : memref<80xi32, #tpu.memory_space<vmem>>) semaphore(%arg15 : memref<!tpu.dma_semaphore, #tpu.memory_space<semaphore_mem>>)
      %mul3A_556 = arith.constant 10 : i32
      %mul3A_557 = arith.muli %scan3A_505, %mul3A_556 : i32
      %add3A_558 = arith.constant 1 : i32
      %add3A_559 = arith.addi %mul3A_557, %add3A_558 : i32
      %dma_wait3A_560 = arith.constant 1 : i32
      %dma_wait3A_561 = arith.constant 0 : i32
      %dma_wait3A_562 = arith.constant 0 : i32
      %dma_wait3A_563 = tpu.memref_slice %arg11[%dma_wait3A_560, %dma_wait3A_561, %dma_wait3A_562] : memref<10x80x32xf32, #tpu.memory_space<vmem>> -> memref<1x80x32xf32, #tpu.memory_space<vmem>>
      %dma_wait3A_564 = tpu.memref_squeeze %dma_wait3A_563 : memref<1x80x32xf32, #tpu.memory_space<vmem>> -> memref<80x32xf32, #tpu.memory_space<vmem>>
      %dma_wait3A_565 = arith.constant 0 : i32
      %dma_wait3A_566 = tpu.memref_slice %arg8[%add3A_559, %dma_wait3A_565] : memref<250x80xi32, #tpu.memory_space<vmem>> -> memref<1x80xi32, #tpu.memory_space<vmem>>
      %dma_wait3A_567 = tpu.memref_squeeze %dma_wait3A_566 : memref<1x80xi32, #tpu.memory_space<vmem>> -> memref<80xi32, #tpu.memory_space<vmem>>
      %dma_wait3A_568 = arith.constant 0 : i32
      %dma_wait3A_569 = arith.constant 0 : i32
      %dma_wait3A_570 = tpu.memref_slice %arg6[%dma_wait3A_568, %dma_wait3A_569] : memref<10240x32xf32, #tpu.memory_space<hbm>> -> memref<10240x32xf32, #tpu.memory_space<hbm>>
      tpu.wait_indirect_dma semaphore(%arg16 : memref<!tpu.dma_semaphore, #tpu.memory_space<semaphore_mem>>) src(%dma_wait3A_570 : memref<10240x32xf32, #tpu.memory_space<hbm>>) dst(%dma_wait3A_564 : memref<80x32xf32, #tpu.memory_space<vmem>>)
      %dma_start3A_571 = arith.constant 1 : i32
      %dma_start3A_572 = arith.constant 0 : i32
      %dma_start3A_573 = arith.constant 0 : i32
      %dma_start3A_574 = tpu.memref_slice %arg11[%dma_start3A_571, %dma_start3A_572, %dma_start3A_573] : memref<10x80x32xf32, #tpu.memory_space<vmem>> -> memref<1x80x32xf32, #tpu.memory_space<vmem>>
      %dma_start3A_575 = tpu.memref_squeeze %dma_start3A_574 : memref<1x80x32xf32, #tpu.memory_space<vmem>> -> memref<80x32xf32, #tpu.memory_space<vmem>>
      %dma_start3A_576 = arith.constant 0 : i32
      %dma_start3A_577 = tpu.memref_slice %arg9[%add3A_559, %dma_start3A_576] : memref<250x80xi32, #tpu.memory_space<vmem>> -> memref<1x80xi32, #tpu.memory_space<vmem>>
      %dma_start3A_578 = tpu.memref_squeeze %dma_start3A_577 : memref<1x80xi32, #tpu.memory_space<vmem>> -> memref<80xi32, #tpu.memory_space<vmem>>
      %dma_start3A_579 = arith.constant 0 : i32
      %dma_start3A_580 = arith.constant 0 : i32
      %dma_start3A_581 = tpu.memref_slice %arg14[%dma_start3A_579, %dma_start3A_580] : memref<10240x32xf32, #tpu.memory_space<vmem_shared>> -> memref<10240x32xf32, #tpu.memory_space<vmem_shared>>
      tpu.enqueue_indirect_dma source(%dma_start3A_575 : memref<80x32xf32, #tpu.memory_space<vmem>>) target(%dma_start3A_581 : memref<10240x32xf32, #tpu.memory_space<vmem_shared>>) offsets(%dma_start3A_578 : memref<80xi32, #tpu.memory_space<vmem>>) semaphore(%arg26 : memref<!tpu.dma_semaphore, #tpu.memory_space<semaphore_mem>>) {add = true}
      %dma_wait3A_582 = arith.constant 1 : i32
      %dma_wait3A_583 = arith.constant 0 : i32
      %dma_wait3A_584 = arith.constant 0 : i32
      %dma_wait3A_585 = tpu.memref_slice %arg11[%dma_wait3A_582, %dma_wait3A_583, %dma_wait3A_584] : memref<10x80x32xf32, #tpu.memory_space<vmem>> -> memref<1x80x32xf32, #tpu.memory_space<vmem>>
      %dma_wait3A_586 = tpu.memref_squeeze %dma_wait3A_585 : memref<1x80x32xf32, #tpu.memory_space<vmem>> -> memref<80x32xf32, #tpu.memory_space<vmem>>
      %dma_wait3A_587 = arith.constant 0 : i32
      %dma_wait3A_588 = tpu.memref_slice %arg9[%add3A_559, %dma_wait3A_587] : memref<250x80xi32, #tpu.memory_space<vmem>> -> memref<1x80xi32, #tpu.memory_space<vmem>>
      %dma_wait3A_589 = tpu.memref_squeeze %dma_wait3A_588 : memref<1x80xi32, #tpu.memory_space<vmem>> -> memref<80xi32, #tpu.memory_space<vmem>>
      %dma_wait3A_590 = arith.constant 0 : i32
      %dma_wait3A_591 = arith.constant 0 : i32
      %dma_wait3A_592 = tpu.memref_slice %arg14[%dma_wait3A_590, %dma_wait3A_591] : memref<10240x32xf32, #tpu.memory_space<vmem_shared>> -> memref<10240x32xf32, #tpu.memory_space<vmem_shared>>
      tpu.wait_indirect_dma semaphore(%arg26 : memref<!tpu.dma_semaphore, #tpu.memory_space<semaphore_mem>>) src(%dma_wait3A_586 : memref<80x32xf32, #tpu.memory_space<vmem>>) dst(%dma_wait3A_592 : memref<10240x32xf32, #tpu.memory_space<vmem_shared>>)
      %add3A_593 = arith.constant 10 : i32
      %add3A_594 = arith.addi %add3A_559, %add3A_593 : i32
      %dma_start3A_595 = arith.constant 1 : i32
      %dma_start3A_596 = arith.constant 0 : i32
      %dma_start3A_597 = arith.constant 0 : i32
      %dma_start3A_598 = tpu.memref_slice %arg11[%dma_start3A_595, %dma_start3A_596, %dma_start3A_597] : memref<10x80x32xf32, #tpu.memory_space<vmem>> -> memref<1x80x32xf32, #tpu.memory_space<vmem>>
      %dma_start3A_599 = tpu.memref_squeeze %dma_start3A_598 : memref<1x80x32xf32, #tpu.memory_space<vmem>> -> memref<80x32xf32, #tpu.memory_space<vmem>>
      %dma_start3A_600 = arith.constant 0 : i32
      %dma_start3A_601 = tpu.memref_slice %arg8[%add3A_594, %dma_start3A_600] : memref<250x80xi32, #tpu.memory_space<vmem>> -> memref<1x80xi32, #tpu.memory_space<vmem>>
      %dma_start3A_602 = tpu.memref_squeeze %dma_start3A_601 : memref<1x80xi32, #tpu.memory_space<vmem>> -> memref<80xi32, #tpu.memory_space<vmem>>
      %dma_start3A_603 = arith.constant 0 : i32
      %dma_start3A_604 = arith.constant 0 : i32
      %dma_start3A_605 = tpu.memref_slice %arg6[%dma_start3A_603, %dma_start3A_604] : memref<10240x32xf32, #tpu.memory_space<hbm>> -> memref<10240x32xf32, #tpu.memory_space<hbm>>
      tpu.enqueue_indirect_dma source(%dma_start3A_605 : memref<10240x32xf32, #tpu.memory_space<hbm>>) target(%dma_start3A_599 : memref<80x32xf32, #tpu.memory_space<vmem>>) offsets(%dma_start3A_602 : memref<80xi32, #tpu.memory_space<vmem>>) semaphore(%arg16 : memref<!tpu.dma_semaphore, #tpu.memory_space<semaphore_mem>>)
      %mul3A_606 = arith.constant 10 : i32
      %mul3A_607 = arith.muli %scan3A_505, %mul3A_606 : i32
      %add3A_608 = arith.constant 2 : i32
      %add3A_609 = arith.addi %mul3A_607, %add3A_608 : i32
      %dma_wait3A_610 = arith.constant 2 : i32
      %dma_wait3A_611 = arith.constant 0 : i32
      %dma_wait3A_612 = arith.constant 0 : i32
      %dma_wait3A_613 = tpu.memref_slice %arg11[%dma_wait3A_610, %dma_wait3A_611, %dma_wait3A_612] : memref<10x80x32xf32, #tpu.memory_space<vmem>> -> memref<1x80x32xf32, #tpu.memory_space<vmem>>
      %dma_wait3A_614 = tpu.memref_squeeze %dma_wait3A_613 : memref<1x80x32xf32, #tpu.memory_space<vmem>> -> memref<80x32xf32, #tpu.memory_space<vmem>>
      %dma_wait3A_615 = arith.constant 0 : i32
      %dma_wait3A_616 = tpu.memref_slice %arg8[%add3A_609, %dma_wait3A_615] : memref<250x80xi32, #tpu.memory_space<vmem>> -> memref<1x80xi32, #tpu.memory_space<vmem>>
      %dma_wait3A_617 = tpu.memref_squeeze %dma_wait3A_616 : memref<1x80xi32, #tpu.memory_space<vmem>> -> memref<80xi32, #tpu.memory_space<vmem>>
      %dma_wait3A_618 = arith.constant 0 : i32
      %dma_wait3A_619 = arith.constant 0 : i32
      %dma_wait3A_620 = tpu.memref_slice %arg6[%dma_wait3A_618, %dma_wait3A_619] : memref<10240x32xf32, #tpu.memory_space<hbm>> -> memref<10240x32xf32, #tpu.memory_space<hbm>>
      tpu.wait_indirect_dma semaphore(%arg17 : memref<!tpu.dma_semaphore, #tpu.memory_space<semaphore_mem>>) src(%dma_wait3A_620 : memref<10240x32xf32, #tpu.memory_space<hbm>>) dst(%dma_wait3A_614 : memref<80x32xf32, #tpu.memory_space<vmem>>)
      %dma_start3A_621 = arith.constant 2 : i32
      %dma_start3A_622 = arith.constant 0 : i32
      %dma_start3A_623 = arith.constant 0 : i32
      %dma_start3A_624 = tpu.memref_slice %arg11[%dma_start3A_621, %dma_start3A_622, %dma_start3A_623] : memref<10x80x32xf32, #tpu.memory_space<vmem>> -> memref<1x80x32xf32, #tpu.memory_space<vmem>>
      %dma_start3A_625 = tpu.memref_squeeze %dma_start3A_624 : memref<1x80x32xf32, #tpu.memory_space<vmem>> -> memref<80x32xf32, #tpu.memory_space<vmem>>
      %dma_start3A_626 = arith.constant 0 : i32
      %dma_start3A_627 = tpu.memref_slice %arg9[%add3A_609, %dma_start3A_626] : memref<250x80xi32, #tpu.memory_space<vmem>> -> memref<1x80xi32, #tpu.memory_space<vmem>>
      %dma_start3A_628 = tpu.memref_squeeze %dma_start3A_627 : memref<1x80xi32, #tpu.memory_space<vmem>> -> memref<80xi32, #tpu.memory_space<vmem>>
      %dma_start3A_629 = arith.constant 0 : i32
      %dma_start3A_630 = arith.constant 0 : i32
      %dma_start3A_631 = tpu.memref_slice %arg14[%dma_start3A_629, %dma_start3A_630] : memref<10240x32xf32, #tpu.memory_space<vmem_shared>> -> memref<10240x32xf32, #tpu.memory_space<vmem_shared>>
      tpu.enqueue_indirect_dma source(%dma_start3A_625 : memref<80x32xf32, #tpu.memory_space<vmem>>) target(%dma_start3A_631 : memref<10240x32xf32, #tpu.memory_space<vmem_shared>>) offsets(%dma_start3A_628 : memref<80xi32, #tpu.memory_space<vmem>>) semaphore(%arg27 : memref<!tpu.dma_semaphore, #tpu.memory_space<semaphore_mem>>) {add = true}
      %dma_wait3A_632 = arith.constant 2 : i32
      %dma_wait3A_633 = arith.constant 0 : i32
      %dma_wait3A_634 = arith.constant 0 : i32
      %dma_wait3A_635 = tpu.memref_slice %arg11[%dma_wait3A_632, %dma_wait3A_633, %dma_wait3A_634] : memref<10x80x32xf32, #tpu.memory_space<vmem>> -> memref<1x80x32xf32, #tpu.memory_space<vmem>>
      %dma_wait3A_636 = tpu.memref_squeeze %dma_wait3A_635 : memref<1x80x32xf32, #tpu.memory_space<vmem>> -> memref<80x32xf32, #tpu.memory_space<vmem>>
      %dma_wait3A_637 = arith.constant 0 : i32
      %dma_wait3A_638 = tpu.memref_slice %arg9[%add3A_609, %dma_wait3A_637] : memref<250x80xi32, #tpu.memory_space<vmem>> -> memref<1x80xi32, #tpu.memory_space<vmem>>
      %dma_wait3A_639 = tpu.memref_squeeze %dma_wait3A_638 : memref<1x80xi32, #tpu.memory_space<vmem>> -> memref<80xi32, #tpu.memory_space<vmem>>
      %dma_wait3A_640 = arith.constant 0 : i32
      %dma_wait3A_641 = arith.constant 0 : i32
      %dma_wait3A_642 = tpu.memref_slice %arg14[%dma_wait3A_640, %dma_wait3A_641] : memref<10240x32xf32, #tpu.memory_space<vmem_shared>> -> memref<10240x32xf32, #tpu.memory_space<vmem_shared>>
      tpu.wait_indirect_dma semaphore(%arg27 : memref<!tpu.dma_semaphore, #tpu.memory_space<semaphore_mem>>) src(%dma_wait3A_636 : memref<80x32xf32, #tpu.memory_space<vmem>>) dst(%dma_wait3A_642 : memref<10240x32xf32, #tpu.memory_space<vmem_shared>>)
      %add3A_643 = arith.constant 10 : i32
      %add3A_644 = arith.addi %add3A_609, %add3A_643 : i32
      %dma_start3A_645 = arith.constant 2 : i32
      %dma_start3A_646 = arith.constant 0 : i32
      %dma_start3A_647 = arith.constant 0 : i32
      %dma_start3A_648 = tpu.memref_slice %arg11[%dma_start3A_645, %dma_start3A_646, %dma_start3A_647] : memref<10x80x32xf32, #tpu.memory_space<vmem>> -> memref<1x80x32xf32, #tpu.memory_space<vmem>>
      %dma_start3A_649 = tpu.memref_squeeze %dma_start3A_648 : memref<1x80x32xf32, #tpu.memory_space<vmem>> -> memref<80x32xf32, #tpu.memory_space<vmem>>
      %dma_start3A_650 = arith.constant 0 : i32
      %dma_start3A_651 = tpu.memref_slice %arg8[%add3A_644, %dma_start3A_650] : memref<250x80xi32, #tpu.memory_space<vmem>> -> memref<1x80xi32, #tpu.memory_space<vmem>>
      %dma_start3A_652 = tpu.memref_squeeze %dma_start3A_651 : memref<1x80xi32, #tpu.memory_space<vmem>> -> memref<80xi32, #tpu.memory_space<vmem>>
      %dma_start3A_653 = arith.constant 0 : i32
      %dma_start3A_654 = arith.constant 0 : i32
      %dma_start3A_655 = tpu.memref_slice %arg6[%dma_start3A_653, %dma_start3A_654] : memref<10240x32xf32, #tpu.memory_space<hbm>> -> memref<10240x32xf32, #tpu.memory_space<hbm>>
      tpu.enqueue_indirect_dma source(%dma_start3A_655 : memref<10240x32xf32, #tpu.memory_space<hbm>>) target(%dma_start3A_649 : memref<80x32xf32, #tpu.memory_space<vmem>>) offsets(%dma_start3A_652 : memref<80xi32, #tpu.memory_space<vmem>>) semaphore(%arg17 : memref<!tpu.dma_semaphore, #tpu.memory_space<semaphore_mem>>)
      %mul3A_656 = arith.constant 10 : i32
      %mul3A_657 = arith.muli %scan3A_505, %mul3A_656 : i32
      %add3A_658 = arith.constant 3 : i32
      %add3A_659 = arith.addi %mul3A_657, %add3A_658 : i32
      %dma_wait3A_660 = arith.constant 3 : i32
      %dma_wait3A_661 = arith.constant 0 : i32
      %dma_wait3A_662 = arith.constant 0 : i32
      %dma_wait3A_663 = tpu.memref_slice %arg11[%dma_wait3A_660, %dma_wait3A_661, %dma_wait3A_662] : memref<10x80x32xf32, #tpu.memory_space<vmem>> -> memref<1x80x32xf32, #tpu.memory_space<vmem>>
      %dma_wait3A_664 = tpu.memref_squeeze %dma_wait3A_663 : memref<1x80x32xf32, #tpu.memory_space<vmem>> -> memref<80x32xf32, #tpu.memory_space<vmem>>
      %dma_wait3A_665 = arith.constant 0 : i32
      %dma_wait3A_666 = tpu.memref_slice %arg8[%add3A_659, %dma_wait3A_665] : memref<250x80xi32, #tpu.memory_space<vmem>> -> memref<1x80xi32, #tpu.memory_space<vmem>>
      %dma_wait3A_667 = tpu.memref_squeeze %dma_wait3A_666 : memref<1x80xi32, #tpu.memory_space<vmem>> -> memref<80xi32, #tpu.memory_space<vmem>>
      %dma_wait3A_668 = arith.constant 0 : i32
      %dma_wait3A_669 = arith.constant 0 : i32
      %dma_wait3A_670 = tpu.memref_slice %arg6[%dma_wait3A_668, %dma_wait3A_669] : memref<10240x32xf32, #tpu.memory_space<hbm>> -> memref<10240x32xf32, #tpu.memory_space<hbm>>
      tpu.wait_indirect_dma semaphore(%arg18 : memref<!tpu.dma_semaphore, #tpu.memory_space<semaphore_mem>>) src(%dma_wait3A_670 : memref<10240x32xf32, #tpu.memory_space<hbm>>) dst(%dma_wait3A_664 : memref<80x32xf32, #tpu.memory_space<vmem>>)
      %dma_start3A_671 = arith.constant 3 : i32
      %dma_start3A_672 = arith.constant 0 : i32
      %dma_start3A_673 = arith.constant 0 : i32
      %dma_start3A_674 = tpu.memref_slice %arg11[%dma_start3A_671, %dma_start3A_672, %dma_start3A_673] : memref<10x80x32xf32, #tpu.memory_space<vmem>> -> memref<1x80x32xf32, #tpu.memory_space<vmem>>
      %dma_start3A_675 = tpu.memref_squeeze %dma_start3A_674 : memref<1x80x32xf32, #tpu.memory_space<vmem>> -> memref<80x32xf32, #tpu.memory_space<vmem>>
      %dma_start3A_676 = arith.constant 0 : i32
      %dma_start3A_677 = tpu.memref_slice %arg9[%add3A_659, %dma_start3A_676] : memref<250x80xi32, #tpu.memory_space<vmem>> -> memref<1x80xi32, #tpu.memory_space<vmem>>
      %dma_start3A_678 = tpu.memref_squeeze %dma_start3A_677 : memref<1x80xi32, #tpu.memory_space<vmem>> -> memref<80xi32, #tpu.memory_space<vmem>>
      %dma_start3A_679 = arith.constant 0 : i32
      %dma_start3A_680 = arith.constant 0 : i32
      %dma_start3A_681 = tpu.memref_slice %arg14[%dma_start3A_679, %dma_start3A_680] : memref<10240x32xf32, #tpu.memory_space<vmem_shared>> -> memref<10240x32xf32, #tpu.memory_space<vmem_shared>>
      tpu.enqueue_indirect_dma source(%dma_start3A_675 : memref<80x32xf32, #tpu.memory_space<vmem>>) target(%dma_start3A_681 : memref<10240x32xf32, #tpu.memory_space<vmem_shared>>) offsets(%dma_start3A_678 : memref<80xi32, #tpu.memory_space<vmem>>) semaphore(%arg28 : memref<!tpu.dma_semaphore, #tpu.memory_space<semaphore_mem>>) {add = true}
      %dma_wait3A_682 = arith.constant 3 : i32
      %dma_wait3A_683 = arith.constant 0 : i32
      %dma_wait3A_684 = arith.constant 0 : i32
      %dma_wait3A_685 = tpu.memref_slice %arg11[%dma_wait3A_682, %dma_wait3A_683, %dma_wait3A_684] : memref<10x80x32xf32, #tpu.memory_space<vmem>> -> memref<1x80x32xf32, #tpu.memory_space<vmem>>
      %dma_wait3A_686 = tpu.memref_squeeze %dma_wait3A_685 : memref<1x80x32xf32, #tpu.memory_space<vmem>> -> memref<80x32xf32, #tpu.memory_space<vmem>>
      %dma_wait3A_687 = arith.constant 0 : i32
      %dma_wait3A_688 = tpu.memref_slice %arg9[%add3A_659, %dma_wait3A_687] : memref<250x80xi32, #tpu.memory_space<vmem>> -> memref<1x80xi32, #tpu.memory_space<vmem>>
      %dma_wait3A_689 = tpu.memref_squeeze %dma_wait3A_688 : memref<1x80xi32, #tpu.memory_space<vmem>> -> memref<80xi32, #tpu.memory_space<vmem>>
      %dma_wait3A_690 = arith.constant 0 : i32
      %dma_wait3A_691 = arith.constant 0 : i32
      %dma_wait3A_692 = tpu.memref_slice %arg14[%dma_wait3A_690, %dma_wait3A_691] : memref<10240x32xf32, #tpu.memory_space<vmem_shared>> -> memref<10240x32xf32, #tpu.memory_space<vmem_shared>>
      tpu.wait_indirect_dma semaphore(%arg28 : memref<!tpu.dma_semaphore, #tpu.memory_space<semaphore_mem>>) src(%dma_wait3A_686 : memref<80x32xf32, #tpu.memory_space<vmem>>) dst(%dma_wait3A_692 : memref<10240x32xf32, #tpu.memory_space<vmem_shared>>)
      %add3A_693 = arith.constant 10 : i32
      %add3A_694 = arith.addi %add3A_659, %add3A_693 : i32
      %dma_start3A_695 = arith.constant 3 : i32
      %dma_start3A_696 = arith.constant 0 : i32
      %dma_start3A_697 = arith.constant 0 : i32
      %dma_start3A_698 = tpu.memref_slice %arg11[%dma_start3A_695, %dma_start3A_696, %dma_start3A_697] : memref<10x80x32xf32, #tpu.memory_space<vmem>> -> memref<1x80x32xf32, #tpu.memory_space<vmem>>
      %dma_start3A_699 = tpu.memref_squeeze %dma_start3A_698 : memref<1x80x32xf32, #tpu.memory_space<vmem>> -> memref<80x32xf32, #tpu.memory_space<vmem>>
      %dma_start3A_700 = arith.constant 0 : i32
      %dma_start3A_701 = tpu.memref_slice %arg8[%add3A_694, %dma_start3A_700] : memref<250x80xi32, #tpu.memory_space<vmem>> -> memref<1x80xi32, #tpu.memory_space<vmem>>
      %dma_start3A_702 = tpu.memref_squeeze %dma_start3A_701 : memref<1x80xi32, #tpu.memory_space<vmem>> -> memref<80xi32, #tpu.memory_space<vmem>>
      %dma_start3A_703 = arith.constant 0 : i32
      %dma_start3A_704 = arith.constant 0 : i32
      %dma_start3A_705 = tpu.memref_slice %arg6[%dma_start3A_703, %dma_start3A_704] : memref<10240x32xf32, #tpu.memory_space<hbm>> -> memref<10240x32xf32, #tpu.memory_space<hbm>>
      tpu.enqueue_indirect_dma source(%dma_start3A_705 : memref<10240x32xf32, #tpu.memory_space<hbm>>) target(%dma_start3A_699 : memref<80x32xf32, #tpu.memory_space<vmem>>) offsets(%dma_start3A_702 : memref<80xi32, #tpu.memory_space<vmem>>) semaphore(%arg18 : memref<!tpu.dma_semaphore, #tpu.memory_space<semaphore_mem>>)
      %mul3A_706 = arith.constant 10 : i32
      %mul3A_707 = arith.muli %scan3A_505, %mul3A_706 : i32
      %add3A_708 = arith.constant 4 : i32
      %add3A_709 = arith.addi %mul3A_707, %add3A_708 : i32
      %dma_wait3A_710 = arith.constant 4 : i32
      %dma_wait3A_711 = arith.constant 0 : i32
      %dma_wait3A_712 = arith.constant 0 : i32
      %dma_wait3A_713 = tpu.memref_slice %arg11[%dma_wait3A_710, %dma_wait3A_711, %dma_wait3A_712] : memref<10x80x32xf32, #tpu.memory_space<vmem>> -> memref<1x80x32xf32, #tpu.memory_space<vmem>>
      %dma_wait3A_714 = tpu.memref_squeeze %dma_wait3A_713 : memref<1x80x32xf32, #tpu.memory_space<vmem>> -> memref<80x32xf32, #tpu.memory_space<vmem>>
      %dma_wait3A_715 = arith.constant 0 : i32
      %dma_wait3A_716 = tpu.memref_slice %arg8[%add3A_709, %dma_wait3A_715] : memref<250x80xi32, #tpu.memory_space<vmem>> -> memref<1x80xi32, #tpu.memory_space<vmem>>
      %dma_wait3A_717 = tpu.memref_squeeze %dma_wait3A_716 : memref<1x80xi32, #tpu.memory_space<vmem>> -> memref<80xi32, #tpu.memory_space<vmem>>
      %dma_wait3A_718 = arith.constant 0 : i32
      %dma_wait3A_719 = arith.constant 0 : i32
      %dma_wait3A_720 = tpu.memref_slice %arg6[%dma_wait3A_718, %dma_wait3A_719] : memref<10240x32xf32, #tpu.memory_space<hbm>> -> memref<10240x32xf32, #tpu.memory_space<hbm>>
      tpu.wait_indirect_dma semaphore(%arg19 : memref<!tpu.dma_semaphore, #tpu.memory_space<semaphore_mem>>) src(%dma_wait3A_720 : memref<10240x32xf32, #tpu.memory_space<hbm>>) dst(%dma_wait3A_714 : memref<80x32xf32, #tpu.memory_space<vmem>>)
      %dma_start3A_721 = arith.constant 4 : i32
      %dma_start3A_722 = arith.constant 0 : i32
      %dma_start3A_723 = arith.constant 0 : i32
      %dma_start3A_724 = tpu.memref_slice %arg11[%dma_start3A_721, %dma_start3A_722, %dma_start3A_723] : memref<10x80x32xf32, #tpu.memory_space<vmem>> -> memref<1x80x32xf32, #tpu.memory_space<vmem>>
      %dma_start3A_725 = tpu.memref_squeeze %dma_start3A_724 : memref<1x80x32xf32, #tpu.memory_space<vmem>> -> memref<80x32xf32, #tpu.memory_space<vmem>>
      %dma_start3A_726 = arith.constant 0 : i32
      %dma_start3A_727 = tpu.memref_slice %arg9[%add3A_709, %dma_start3A_726] : memref<250x80xi32, #tpu.memory_space<vmem>> -> memref<1x80xi32, #tpu.memory_space<vmem>>
      %dma_start3A_728 = tpu.memref_squeeze %dma_start3A_727 : memref<1x80xi32, #tpu.memory_space<vmem>> -> memref<80xi32, #tpu.memory_space<vmem>>
      %dma_start3A_729 = arith.constant 0 : i32
      %dma_start3A_730 = arith.constant 0 : i32
      %dma_start3A_731 = tpu.memref_slice %arg14[%dma_start3A_729, %dma_start3A_730] : memref<10240x32xf32, #tpu.memory_space<vmem_shared>> -> memref<10240x32xf32, #tpu.memory_space<vmem_shared>>
      tpu.enqueue_indirect_dma source(%dma_start3A_725 : memref<80x32xf32, #tpu.memory_space<vmem>>) target(%dma_start3A_731 : memref<10240x32xf32, #tpu.memory_space<vmem_shared>>) offsets(%dma_start3A_728 : memref<80xi32, #tpu.memory_space<vmem>>) semaphore(%arg29 : memref<!tpu.dma_semaphore, #tpu.memory_space<semaphore_mem>>) {add = true}
      %dma_wait3A_732 = arith.constant 4 : i32
      %dma_wait3A_733 = arith.constant 0 : i32
      %dma_wait3A_734 = arith.constant 0 : i32
      %dma_wait3A_735 = tpu.memref_slice %arg11[%dma_wait3A_732, %dma_wait3A_733, %dma_wait3A_734] : memref<10x80x32xf32, #tpu.memory_space<vmem>> -> memref<1x80x32xf32, #tpu.memory_space<vmem>>
      %dma_wait3A_736 = tpu.memref_squeeze %dma_wait3A_735 : memref<1x80x32xf32, #tpu.memory_space<vmem>> -> memref<80x32xf32, #tpu.memory_space<vmem>>
      %dma_wait3A_737 = arith.constant 0 : i32
      %dma_wait3A_738 = tpu.memref_slice %arg9[%add3A_709, %dma_wait3A_737] : memref<250x80xi32, #tpu.memory_space<vmem>> -> memref<1x80xi32, #tpu.memory_space<vmem>>
      %dma_wait3A_739 = tpu.memref_squeeze %dma_wait3A_738 : memref<1x80xi32, #tpu.memory_space<vmem>> -> memref<80xi32, #tpu.memory_space<vmem>>
      %dma_wait3A_740 = arith.constant 0 : i32
      %dma_wait3A_741 = arith.constant 0 : i32
      %dma_wait3A_742 = tpu.memref_slice %arg14[%dma_wait3A_740, %dma_wait3A_741] : memref<10240x32xf32, #tpu.memory_space<vmem_shared>> -> memref<10240x32xf32, #tpu.memory_space<vmem_shared>>
      tpu.wait_indirect_dma semaphore(%arg29 : memref<!tpu.dma_semaphore, #tpu.memory_space<semaphore_mem>>) src(%dma_wait3A_736 : memref<80x32xf32, #tpu.memory_space<vmem>>) dst(%dma_wait3A_742 : memref<10240x32xf32, #tpu.memory_space<vmem_shared>>)
      %add3A_743 = arith.constant 10 : i32
      %add3A_744 = arith.addi %add3A_709, %add3A_743 : i32
      %dma_start3A_745 = arith.constant 4 : i32
      %dma_start3A_746 = arith.constant 0 : i32
      %dma_start3A_747 = arith.constant 0 : i32
      %dma_start3A_748 = tpu.memref_slice %arg11[%dma_start3A_745, %dma_start3A_746, %dma_start3A_747] : memref<10x80x32xf32, #tpu.memory_space<vmem>> -> memref<1x80x32xf32, #tpu.memory_space<vmem>>
      %dma_start3A_749 = tpu.memref_squeeze %dma_start3A_748 : memref<1x80x32xf32, #tpu.memory_space<vmem>> -> memref<80x32xf32, #tpu.memory_space<vmem>>
      %dma_start3A_750 = arith.constant 0 : i32
      %dma_start3A_751 = tpu.memref_slice %arg8[%add3A_744, %dma_start3A_750] : memref<250x80xi32, #tpu.memory_space<vmem>> -> memref<1x80xi32, #tpu.memory_space<vmem>>
      %dma_start3A_752 = tpu.memref_squeeze %dma_start3A_751 : memref<1x80xi32, #tpu.memory_space<vmem>> -> memref<80xi32, #tpu.memory_space<vmem>>
      %dma_start3A_753 = arith.constant 0 : i32
      %dma_start3A_754 = arith.constant 0 : i32
      %dma_start3A_755 = tpu.memref_slice %arg6[%dma_start3A_753, %dma_start3A_754] : memref<10240x32xf32, #tpu.memory_space<hbm>> -> memref<10240x32xf32, #tpu.memory_space<hbm>>
      tpu.enqueue_indirect_dma source(%dma_start3A_755 : memref<10240x32xf32, #tpu.memory_space<hbm>>) target(%dma_start3A_749 : memref<80x32xf32, #tpu.memory_space<vmem>>) offsets(%dma_start3A_752 : memref<80xi32, #tpu.memory_space<vmem>>) semaphore(%arg19 : memref<!tpu.dma_semaphore, #tpu.memory_space<semaphore_mem>>)
      %mul3A_756 = arith.constant 10 : i32
      %mul3A_757 = arith.muli %scan3A_505, %mul3A_756 : i32
      %add3A_758 = arith.constant 5 : i32
      %add3A_759 = arith.addi %mul3A_757, %add3A_758 : i32
      %dma_wait3A_760 = arith.constant 5 : i32
      %dma_wait3A_761 = arith.constant 0 : i32
      %dma_wait3A_762 = arith.constant 0 : i32
      %dma_wait3A_763 = tpu.memref_slice %arg11[%dma_wait3A_760, %dma_wait3A_761, %dma_wait3A_762] : memref<10x80x32xf32, #tpu.memory_space<vmem>> -> memref<1x80x32xf32, #tpu.memory_space<vmem>>
      %dma_wait3A_764 = tpu.memref_squeeze %dma_wait3A_763 : memref<1x80x32xf32, #tpu.memory_space<vmem>> -> memref<80x32xf32, #tpu.memory_space<vmem>>
      %dma_wait3A_765 = arith.constant 0 : i32
      %dma_wait3A_766 = tpu.memref_slice %arg8[%add3A_759, %dma_wait3A_765] : memref<250x80xi32, #tpu.memory_space<vmem>> -> memref<1x80xi32, #tpu.memory_space<vmem>>
      %dma_wait3A_767 = tpu.memref_squeeze %dma_wait3A_766 : memref<1x80xi32, #tpu.memory_space<vmem>> -> memref<80xi32, #tpu.memory_space<vmem>>
      %dma_wait3A_768 = arith.constant 0 : i32
      %dma_wait3A_769 = arith.constant 0 : i32
      %dma_wait3A_770 = tpu.memref_slice %arg6[%dma_wait3A_768, %dma_wait3A_769] : memref<10240x32xf32, #tpu.memory_space<hbm>> -> memref<10240x32xf32, #tpu.memory_space<hbm>>
      tpu.wait_indirect_dma semaphore(%arg20 : memref<!tpu.dma_semaphore, #tpu.memory_space<semaphore_mem>>) src(%dma_wait3A_770 : memref<10240x32xf32, #tpu.memory_space<hbm>>) dst(%dma_wait3A_764 : memref<80x32xf32, #tpu.memory_space<vmem>>)
      %dma_start3A_771 = arith.constant 5 : i32
      %dma_start3A_772 = arith.constant 0 : i32
      %dma_start3A_773 = arith.constant 0 : i32
      %dma_start3A_774 = tpu.memref_slice %arg11[%dma_start3A_771, %dma_start3A_772, %dma_start3A_773] : memref<10x80x32xf32, #tpu.memory_space<vmem>> -> memref<1x80x32xf32, #tpu.memory_space<vmem>>
      %dma_start3A_775 = tpu.memref_squeeze %dma_start3A_774 : memref<1x80x32xf32, #tpu.memory_space<vmem>> -> memref<80x32xf32, #tpu.memory_space<vmem>>
      %dma_start3A_776 = arith.constant 0 : i32
      %dma_start3A_777 = tpu.memref_slice %arg9[%add3A_759, %dma_start3A_776] : memref<250x80xi32, #tpu.memory_space<vmem>> -> memref<1x80xi32, #tpu.memory_space<vmem>>
      %dma_start3A_778 = tpu.memref_squeeze %dma_start3A_777 : memref<1x80xi32, #tpu.memory_space<vmem>> -> memref<80xi32, #tpu.memory_space<vmem>>
      %dma_start3A_779 = arith.constant 0 : i32
      %dma_start3A_780 = arith.constant 0 : i32
      %dma_start3A_781 = tpu.memref_slice %arg14[%dma_start3A_779, %dma_start3A_780] : memref<10240x32xf32, #tpu.memory_space<vmem_shared>> -> memref<10240x32xf32, #tpu.memory_space<vmem_shared>>
      tpu.enqueue_indirect_dma source(%dma_start3A_775 : memref<80x32xf32, #tpu.memory_space<vmem>>) target(%dma_start3A_781 : memref<10240x32xf32, #tpu.memory_space<vmem_shared>>) offsets(%dma_start3A_778 : memref<80xi32, #tpu.memory_space<vmem>>) semaphore(%arg30 : memref<!tpu.dma_semaphore, #tpu.memory_space<semaphore_mem>>) {add = true}
      %dma_wait3A_782 = arith.constant 5 : i32
      %dma_wait3A_783 = arith.constant 0 : i32
      %dma_wait3A_784 = arith.constant 0 : i32
      %dma_wait3A_785 = tpu.memref_slice %arg11[%dma_wait3A_782, %dma_wait3A_783, %dma_wait3A_784] : memref<10x80x32xf32, #tpu.memory_space<vmem>> -> memref<1x80x32xf32, #tpu.memory_space<vmem>>
      %dma_wait3A_786 = tpu.memref_squeeze %dma_wait3A_785 : memref<1x80x32xf32, #tpu.memory_space<vmem>> -> memref<80x32xf32, #tpu.memory_space<vmem>>
      %dma_wait3A_787 = arith.constant 0 : i32
      %dma_wait3A_788 = tpu.memref_slice %arg9[%add3A_759, %dma_wait3A_787] : memref<250x80xi32, #tpu.memory_space<vmem>> -> memref<1x80xi32, #tpu.memory_space<vmem>>
      %dma_wait3A_789 = tpu.memref_squeeze %dma_wait3A_788 : memref<1x80xi32, #tpu.memory_space<vmem>> -> memref<80xi32, #tpu.memory_space<vmem>>
      %dma_wait3A_790 = arith.constant 0 : i32
      %dma_wait3A_791 = arith.constant 0 : i32
      %dma_wait3A_792 = tpu.memref_slice %arg14[%dma_wait3A_790, %dma_wait3A_791] : memref<10240x32xf32, #tpu.memory_space<vmem_shared>> -> memref<10240x32xf32, #tpu.memory_space<vmem_shared>>
      tpu.wait_indirect_dma semaphore(%arg30 : memref<!tpu.dma_semaphore, #tpu.memory_space<semaphore_mem>>) src(%dma_wait3A_786 : memref<80x32xf32, #tpu.memory_space<vmem>>) dst(%dma_wait3A_792 : memref<10240x32xf32, #tpu.memory_space<vmem_shared>>)
      %add3A_793 = arith.constant 10 : i32
      %add3A_794 = arith.addi %add3A_759, %add3A_793 : i32
      %dma_start3A_795 = arith.constant 5 : i32
      %dma_start3A_796 = arith.constant 0 : i32
      %dma_start3A_797 = arith.constant 0 : i32
      %dma_start3A_798 = tpu.memref_slice %arg11[%dma_start3A_795, %dma_start3A_796, %dma_start3A_797] : memref<10x80x32xf32, #tpu.memory_space<vmem>> -> memref<1x80x32xf32, #tpu.memory_space<vmem>>
      %dma_start3A_799 = tpu.memref_squeeze %dma_start3A_798 : memref<1x80x32xf32, #tpu.memory_space<vmem>> -> memref<80x32xf32, #tpu.memory_space<vmem>>
      %dma_start3A_800 = arith.constant 0 : i32
      %dma_start3A_801 = tpu.memref_slice %arg8[%add3A_794, %dma_start3A_800] : memref<250x80xi32, #tpu.memory_space<vmem>> -> memref<1x80xi32, #tpu.memory_space<vmem>>
      %dma_start3A_802 = tpu.memref_squeeze %dma_start3A_801 : memref<1x80xi32, #tpu.memory_space<vmem>> -> memref<80xi32, #tpu.memory_space<vmem>>
      %dma_start3A_803 = arith.constant 0 : i32
      %dma_start3A_804 = arith.constant 0 : i32
      %dma_start3A_805 = tpu.memref_slice %arg6[%dma_start3A_803, %dma_start3A_804] : memref<10240x32xf32, #tpu.memory_space<hbm>> -> memref<10240x32xf32, #tpu.memory_space<hbm>>
      tpu.enqueue_indirect_dma source(%dma_start3A_805 : memref<10240x32xf32, #tpu.memory_space<hbm>>) target(%dma_start3A_799 : memref<80x32xf32, #tpu.memory_space<vmem>>) offsets(%dma_start3A_802 : memref<80xi32, #tpu.memory_space<vmem>>) semaphore(%arg20 : memref<!tpu.dma_semaphore, #tpu.memory_space<semaphore_mem>>)
      %mul3A_806 = arith.constant 10 : i32
      %mul3A_807 = arith.muli %scan3A_505, %mul3A_806 : i32
      %add3A_808 = arith.constant 6 : i32
      %add3A_809 = arith.addi %mul3A_807, %add3A_808 : i32
      %dma_wait3A_810 = arith.constant 6 : i32
      %dma_wait3A_811 = arith.constant 0 : i32
      %dma_wait3A_812 = arith.constant 0 : i32
      %dma_wait3A_813 = tpu.memref_slice %arg11[%dma_wait3A_810, %dma_wait3A_811, %dma_wait3A_812] : memref<10x80x32xf32, #tpu.memory_space<vmem>> -> memref<1x80x32xf32, #tpu.memory_space<vmem>>
      %dma_wait3A_814 = tpu.memref_squeeze %dma_wait3A_813 : memref<1x80x32xf32, #tpu.memory_space<vmem>> -> memref<80x32xf32, #tpu.memory_space<vmem>>
      %dma_wait3A_815 = arith.constant 0 : i32
      %dma_wait3A_816 = tpu.memref_slice %arg8[%add3A_809, %dma_wait3A_815] : memref<250x80xi32, #tpu.memory_space<vmem>> -> memref<1x80xi32, #tpu.memory_space<vmem>>
      %dma_wait3A_817 = tpu.memref_squeeze %dma_wait3A_816 : memref<1x80xi32, #tpu.memory_space<vmem>> -> memref<80xi32, #tpu.memory_space<vmem>>
      %dma_wait3A_818 = arith.constant 0 : i32
      %dma_wait3A_819 = arith.constant 0 : i32
      %dma_wait3A_820 = tpu.memref_slice %arg6[%dma_wait3A_818, %dma_wait3A_819] : memref<10240x32xf32, #tpu.memory_space<hbm>> -> memref<10240x32xf32, #tpu.memory_space<hbm>>
      tpu.wait_indirect_dma semaphore(%arg21 : memref<!tpu.dma_semaphore, #tpu.memory_space<semaphore_mem>>) src(%dma_wait3A_820 : memref<10240x32xf32, #tpu.memory_space<hbm>>) dst(%dma_wait3A_814 : memref<80x32xf32, #tpu.memory_space<vmem>>)
      %dma_start3A_821 = arith.constant 6 : i32
      %dma_start3A_822 = arith.constant 0 : i32
      %dma_start3A_823 = arith.constant 0 : i32
      %dma_start3A_824 = tpu.memref_slice %arg11[%dma_start3A_821, %dma_start3A_822, %dma_start3A_823] : memref<10x80x32xf32, #tpu.memory_space<vmem>> -> memref<1x80x32xf32, #tpu.memory_space<vmem>>
      %dma_start3A_825 = tpu.memref_squeeze %dma_start3A_824 : memref<1x80x32xf32, #tpu.memory_space<vmem>> -> memref<80x32xf32, #tpu.memory_space<vmem>>
      %dma_start3A_826 = arith.constant 0 : i32
      %dma_start3A_827 = tpu.memref_slice %arg9[%add3A_809, %dma_start3A_826] : memref<250x80xi32, #tpu.memory_space<vmem>> -> memref<1x80xi32, #tpu.memory_space<vmem>>
      %dma_start3A_828 = tpu.memref_squeeze %dma_start3A_827 : memref<1x80xi32, #tpu.memory_space<vmem>> -> memref<80xi32, #tpu.memory_space<vmem>>
      %dma_start3A_829 = arith.constant 0 : i32
      %dma_start3A_830 = arith.constant 0 : i32
      %dma_start3A_831 = tpu.memref_slice %arg14[%dma_start3A_829, %dma_start3A_830] : memref<10240x32xf32, #tpu.memory_space<vmem_shared>> -> memref<10240x32xf32, #tpu.memory_space<vmem_shared>>
      tpu.enqueue_indirect_dma source(%dma_start3A_825 : memref<80x32xf32, #tpu.memory_space<vmem>>) target(%dma_start3A_831 : memref<10240x32xf32, #tpu.memory_space<vmem_shared>>) offsets(%dma_start3A_828 : memref<80xi32, #tpu.memory_space<vmem>>) semaphore(%arg31 : memref<!tpu.dma_semaphore, #tpu.memory_space<semaphore_mem>>) {add = true}
      %dma_wait3A_832 = arith.constant 6 : i32
      %dma_wait3A_833 = arith.constant 0 : i32
      %dma_wait3A_834 = arith.constant 0 : i32
      %dma_wait3A_835 = tpu.memref_slice %arg11[%dma_wait3A_832, %dma_wait3A_833, %dma_wait3A_834] : memref<10x80x32xf32, #tpu.memory_space<vmem>> -> memref<1x80x32xf32, #tpu.memory_space<vmem>>
      %dma_wait3A_836 = tpu.memref_squeeze %dma_wait3A_835 : memref<1x80x32xf32, #tpu.memory_space<vmem>> -> memref<80x32xf32, #tpu.memory_space<vmem>>
      %dma_wait3A_837 = arith.constant 0 : i32
      %dma_wait3A_838 = tpu.memref_slice %arg9[%add3A_809, %dma_wait3A_837] : memref<250x80xi32, #tpu.memory_space<vmem>> -> memref<1x80xi32, #tpu.memory_space<vmem>>
      %dma_wait3A_839 = tpu.memref_squeeze %dma_wait3A_838 : memref<1x80xi32, #tpu.memory_space<vmem>> -> memref<80xi32, #tpu.memory_space<vmem>>
      %dma_wait3A_840 = arith.constant 0 : i32
      %dma_wait3A_841 = arith.constant 0 : i32
      %dma_wait3A_842 = tpu.memref_slice %arg14[%dma_wait3A_840, %dma_wait3A_841] : memref<10240x32xf32, #tpu.memory_space<vmem_shared>> -> memref<10240x32xf32, #tpu.memory_space<vmem_shared>>
      tpu.wait_indirect_dma semaphore(%arg31 : memref<!tpu.dma_semaphore, #tpu.memory_space<semaphore_mem>>) src(%dma_wait3A_836 : memref<80x32xf32, #tpu.memory_space<vmem>>) dst(%dma_wait3A_842 : memref<10240x32xf32, #tpu.memory_space<vmem_shared>>)
      %add3A_843 = arith.constant 10 : i32
      %add3A_844 = arith.addi %add3A_809, %add3A_843 : i32
      %dma_start3A_845 = arith.constant 6 : i32
      %dma_start3A_846 = arith.constant 0 : i32
      %dma_start3A_847 = arith.constant 0 : i32
      %dma_start3A_848 = tpu.memref_slice %arg11[%dma_start3A_845, %dma_start3A_846, %dma_start3A_847] : memref<10x80x32xf32, #tpu.memory_space<vmem>> -> memref<1x80x32xf32, #tpu.memory_space<vmem>>
      %dma_start3A_849 = tpu.memref_squeeze %dma_start3A_848 : memref<1x80x32xf32, #tpu.memory_space<vmem>> -> memref<80x32xf32, #tpu.memory_space<vmem>>
      %dma_start3A_850 = arith.constant 0 : i32
      %dma_start3A_851 = tpu.memref_slice %arg8[%add3A_844, %dma_start3A_850] : memref<250x80xi32, #tpu.memory_space<vmem>> -> memref<1x80xi32, #tpu.memory_space<vmem>>
      %dma_start3A_852 = tpu.memref_squeeze %dma_start3A_851 : memref<1x80xi32, #tpu.memory_space<vmem>> -> memref<80xi32, #tpu.memory_space<vmem>>
      %dma_start3A_853 = arith.constant 0 : i32
      %dma_start3A_854 = arith.constant 0 : i32
      %dma_start3A_855 = tpu.memref_slice %arg6[%dma_start3A_853, %dma_start3A_854] : memref<10240x32xf32, #tpu.memory_space<hbm>> -> memref<10240x32xf32, #tpu.memory_space<hbm>>
      tpu.enqueue_indirect_dma source(%dma_start3A_855 : memref<10240x32xf32, #tpu.memory_space<hbm>>) target(%dma_start3A_849 : memref<80x32xf32, #tpu.memory_space<vmem>>) offsets(%dma_start3A_852 : memref<80xi32, #tpu.memory_space<vmem>>) semaphore(%arg21 : memref<!tpu.dma_semaphore, #tpu.memory_space<semaphore_mem>>)
      %mul3A_856 = arith.constant 10 : i32
      %mul3A_857 = arith.muli %scan3A_505, %mul3A_856 : i32
      %add3A_858 = arith.constant 7 : i32
      %add3A_859 = arith.addi %mul3A_857, %add3A_858 : i32
      %dma_wait3A_860 = arith.constant 7 : i32
      %dma_wait3A_861 = arith.constant 0 : i32
      %dma_wait3A_862 = arith.constant 0 : i32
      %dma_wait3A_863 = tpu.memref_slice %arg11[%dma_wait3A_860, %dma_wait3A_861, %dma_wait3A_862] : memref<10x80x32xf32, #tpu.memory_space<vmem>> -> memref<1x80x32xf32, #tpu.memory_space<vmem>>
      %dma_wait3A_864 = tpu.memref_squeeze %dma_wait3A_863 : memref<1x80x32xf32, #tpu.memory_space<vmem>> -> memref<80x32xf32, #tpu.memory_space<vmem>>
      %dma_wait3A_865 = arith.constant 0 : i32
      %dma_wait3A_866 = tpu.memref_slice %arg8[%add3A_859, %dma_wait3A_865] : memref<250x80xi32, #tpu.memory_space<vmem>> -> memref<1x80xi32, #tpu.memory_space<vmem>>
      %dma_wait3A_867 = tpu.memref_squeeze %dma_wait3A_866 : memref<1x80xi32, #tpu.memory_space<vmem>> -> memref<80xi32, #tpu.memory_space<vmem>>
      %dma_wait3A_868 = arith.constant 0 : i32
      %dma_wait3A_869 = arith.constant 0 : i32
      %dma_wait3A_870 = tpu.memref_slice %arg6[%dma_wait3A_868, %dma_wait3A_869] : memref<10240x32xf32, #tpu.memory_space<hbm>> -> memref<10240x32xf32, #tpu.memory_space<hbm>>
      tpu.wait_indirect_dma semaphore(%arg22 : memref<!tpu.dma_semaphore, #tpu.memory_space<semaphore_mem>>) src(%dma_wait3A_870 : memref<10240x32xf32, #tpu.memory_space<hbm>>) dst(%dma_wait3A_864 : memref<80x32xf32, #tpu.memory_space<vmem>>)
      %dma_start3A_871 = arith.constant 7 : i32
      %dma_start3A_872 = arith.constant 0 : i32
      %dma_start3A_873 = arith.constant 0 : i32
      %dma_start3A_874 = tpu.memref_slice %arg11[%dma_start3A_871, %dma_start3A_872, %dma_start3A_873] : memref<10x80x32xf32, #tpu.memory_space<vmem>> -> memref<1x80x32xf32, #tpu.memory_space<vmem>>
      %dma_start3A_875 = tpu.memref_squeeze %dma_start3A_874 : memref<1x80x32xf32, #tpu.memory_space<vmem>> -> memref<80x32xf32, #tpu.memory_space<vmem>>
      %dma_start3A_876 = arith.constant 0 : i32
      %dma_start3A_877 = tpu.memref_slice %arg9[%add3A_859, %dma_start3A_876] : memref<250x80xi32, #tpu.memory_space<vmem>> -> memref<1x80xi32, #tpu.memory_space<vmem>>
      %dma_start3A_878 = tpu.memref_squeeze %dma_start3A_877 : memref<1x80xi32, #tpu.memory_space<vmem>> -> memref<80xi32, #tpu.memory_space<vmem>>
      %dma_start3A_879 = arith.constant 0 : i32
      %dma_start3A_880 = arith.constant 0 : i32
      %dma_start3A_881 = tpu.memref_slice %arg14[%dma_start3A_879, %dma_start3A_880] : memref<10240x32xf32, #tpu.memory_space<vmem_shared>> -> memref<10240x32xf32, #tpu.memory_space<vmem_shared>>
      tpu.enqueue_indirect_dma source(%dma_start3A_875 : memref<80x32xf32, #tpu.memory_space<vmem>>) target(%dma_start3A_881 : memref<10240x32xf32, #tpu.memory_space<vmem_shared>>) offsets(%dma_start3A_878 : memref<80xi32, #tpu.memory_space<vmem>>) semaphore(%arg32 : memref<!tpu.dma_semaphore, #tpu.memory_space<semaphore_mem>>) {add = true}
      %dma_wait3A_882 = arith.constant 7 : i32
      %dma_wait3A_883 = arith.constant 0 : i32
      %dma_wait3A_884 = arith.constant 0 : i32
      %dma_wait3A_885 = tpu.memref_slice %arg11[%dma_wait3A_882, %dma_wait3A_883, %dma_wait3A_884] : memref<10x80x32xf32, #tpu.memory_space<vmem>> -> memref<1x80x32xf32, #tpu.memory_space<vmem>>
      %dma_wait3A_886 = tpu.memref_squeeze %dma_wait3A_885 : memref<1x80x32xf32, #tpu.memory_space<vmem>> -> memref<80x32xf32, #tpu.memory_space<vmem>>
      %dma_wait3A_887 = arith.constant 0 : i32
      %dma_wait3A_888 = tpu.memref_slice %arg9[%add3A_859, %dma_wait3A_887] : memref<250x80xi32, #tpu.memory_space<vmem>> -> memref<1x80xi32, #tpu.memory_space<vmem>>
      %dma_wait3A_889 = tpu.memref_squeeze %dma_wait3A_888 : memref<1x80xi32, #tpu.memory_space<vmem>> -> memref<80xi32, #tpu.memory_space<vmem>>
      %dma_wait3A_890 = arith.constant 0 : i32
      %dma_wait3A_891 = arith.constant 0 : i32
      %dma_wait3A_892 = tpu.memref_slice %arg14[%dma_wait3A_890, %dma_wait3A_891] : memref<10240x32xf32, #tpu.memory_space<vmem_shared>> -> memref<10240x32xf32, #tpu.memory_space<vmem_shared>>
      tpu.wait_indirect_dma semaphore(%arg32 : memref<!tpu.dma_semaphore, #tpu.memory_space<semaphore_mem>>) src(%dma_wait3A_886 : memref<80x32xf32, #tpu.memory_space<vmem>>) dst(%dma_wait3A_892 : memref<10240x32xf32, #tpu.memory_space<vmem_shared>>)
      %add3A_893 = arith.constant 10 : i32
      %add3A_894 = arith.addi %add3A_859, %add3A_893 : i32
      %dma_start3A_895 = arith.constant 7 : i32
      %dma_start3A_896 = arith.constant 0 : i32
      %dma_start3A_897 = arith.constant 0 : i32
      %dma_start3A_898 = tpu.memref_slice %arg11[%dma_start3A_895, %dma_start3A_896, %dma_start3A_897] : memref<10x80x32xf32, #tpu.memory_space<vmem>> -> memref<1x80x32xf32, #tpu.memory_space<vmem>>
      %dma_start3A_899 = tpu.memref_squeeze %dma_start3A_898 : memref<1x80x32xf32, #tpu.memory_space<vmem>> -> memref<80x32xf32, #tpu.memory_space<vmem>>
      %dma_start3A_900 = arith.constant 0 : i32
      %dma_start3A_901 = tpu.memref_slice %arg8[%add3A_894, %dma_start3A_900] : memref<250x80xi32, #tpu.memory_space<vmem>> -> memref<1x80xi32, #tpu.memory_space<vmem>>
      %dma_start3A_902 = tpu.memref_squeeze %dma_start3A_901 : memref<1x80xi32, #tpu.memory_space<vmem>> -> memref<80xi32, #tpu.memory_space<vmem>>
      %dma_start3A_903 = arith.constant 0 : i32
      %dma_start3A_904 = arith.constant 0 : i32
      %dma_start3A_905 = tpu.memref_slice %arg6[%dma_start3A_903, %dma_start3A_904] : memref<10240x32xf32, #tpu.memory_space<hbm>> -> memref<10240x32xf32, #tpu.memory_space<hbm>>
      tpu.enqueue_indirect_dma source(%dma_start3A_905 : memref<10240x32xf32, #tpu.memory_space<hbm>>) target(%dma_start3A_899 : memref<80x32xf32, #tpu.memory_space<vmem>>) offsets(%dma_start3A_902 : memref<80xi32, #tpu.memory_space<vmem>>) semaphore(%arg22 : memref<!tpu.dma_semaphore, #tpu.memory_space<semaphore_mem>>)
      %mul3A_906 = arith.constant 10 : i32
      %mul3A_907 = arith.muli %scan3A_505, %mul3A_906 : i32
      %add3A_908 = arith.constant 8 : i32
      %add3A_909 = arith.addi %mul3A_907, %add3A_908 : i32
      %dma_wait3A_910 = arith.constant 8 : i32
      %dma_wait3A_911 = arith.constant 0 : i32
      %dma_wait3A_912 = arith.constant 0 : i32
      %dma_wait3A_913 = tpu.memref_slice %arg11[%dma_wait3A_910, %dma_wait3A_911, %dma_wait3A_912] : memref<10x80x32xf32, #tpu.memory_space<vmem>> -> memref<1x80x32xf32, #tpu.memory_space<vmem>>
      %dma_wait3A_914 = tpu.memref_squeeze %dma_wait3A_913 : memref<1x80x32xf32, #tpu.memory_space<vmem>> -> memref<80x32xf32, #tpu.memory_space<vmem>>
      %dma_wait3A_915 = arith.constant 0 : i32
      %dma_wait3A_916 = tpu.memref_slice %arg8[%add3A_909, %dma_wait3A_915] : memref<250x80xi32, #tpu.memory_space<vmem>> -> memref<1x80xi32, #tpu.memory_space<vmem>>
      %dma_wait3A_917 = tpu.memref_squeeze %dma_wait3A_916 : memref<1x80xi32, #tpu.memory_space<vmem>> -> memref<80xi32, #tpu.memory_space<vmem>>
      %dma_wait3A_918 = arith.constant 0 : i32
      %dma_wait3A_919 = arith.constant 0 : i32
      %dma_wait3A_920 = tpu.memref_slice %arg6[%dma_wait3A_918, %dma_wait3A_919] : memref<10240x32xf32, #tpu.memory_space<hbm>> -> memref<10240x32xf32, #tpu.memory_space<hbm>>
      tpu.wait_indirect_dma semaphore(%arg23 : memref<!tpu.dma_semaphore, #tpu.memory_space<semaphore_mem>>) src(%dma_wait3A_920 : memref<10240x32xf32, #tpu.memory_space<hbm>>) dst(%dma_wait3A_914 : memref<80x32xf32, #tpu.memory_space<vmem>>)
      %dma_start3A_921 = arith.constant 8 : i32
      %dma_start3A_922 = arith.constant 0 : i32
      %dma_start3A_923 = arith.constant 0 : i32
      %dma_start3A_924 = tpu.memref_slice %arg11[%dma_start3A_921, %dma_start3A_922, %dma_start3A_923] : memref<10x80x32xf32, #tpu.memory_space<vmem>> -> memref<1x80x32xf32, #tpu.memory_space<vmem>>
      %dma_start3A_925 = tpu.memref_squeeze %dma_start3A_924 : memref<1x80x32xf32, #tpu.memory_space<vmem>> -> memref<80x32xf32, #tpu.memory_space<vmem>>
      %dma_start3A_926 = arith.constant 0 : i32
      %dma_start3A_927 = tpu.memref_slice %arg9[%add3A_909, %dma_start3A_926] : memref<250x80xi32, #tpu.memory_space<vmem>> -> memref<1x80xi32, #tpu.memory_space<vmem>>
      %dma_start3A_928 = tpu.memref_squeeze %dma_start3A_927 : memref<1x80xi32, #tpu.memory_space<vmem>> -> memref<80xi32, #tpu.memory_space<vmem>>
      %dma_start3A_929 = arith.constant 0 : i32
      %dma_start3A_930 = arith.constant 0 : i32
      %dma_start3A_931 = tpu.memref_slice %arg14[%dma_start3A_929, %dma_start3A_930] : memref<10240x32xf32, #tpu.memory_space<vmem_shared>> -> memref<10240x32xf32, #tpu.memory_space<vmem_shared>>
      tpu.enqueue_indirect_dma source(%dma_start3A_925 : memref<80x32xf32, #tpu.memory_space<vmem>>) target(%dma_start3A_931 : memref<10240x32xf32, #tpu.memory_space<vmem_shared>>) offsets(%dma_start3A_928 : memref<80xi32, #tpu.memory_space<vmem>>) semaphore(%arg33 : memref<!tpu.dma_semaphore, #tpu.memory_space<semaphore_mem>>) {add = true}
      %dma_wait3A_932 = arith.constant 8 : i32
      %dma_wait3A_933 = arith.constant 0 : i32
      %dma_wait3A_934 = arith.constant 0 : i32
      %dma_wait3A_935 = tpu.memref_slice %arg11[%dma_wait3A_932, %dma_wait3A_933, %dma_wait3A_934] : memref<10x80x32xf32, #tpu.memory_space<vmem>> -> memref<1x80x32xf32, #tpu.memory_space<vmem>>
      %dma_wait3A_936 = tpu.memref_squeeze %dma_wait3A_935 : memref<1x80x32xf32, #tpu.memory_space<vmem>> -> memref<80x32xf32, #tpu.memory_space<vmem>>
      %dma_wait3A_937 = arith.constant 0 : i32
      %dma_wait3A_938 = tpu.memref_slice %arg9[%add3A_909, %dma_wait3A_937] : memref<250x80xi32, #tpu.memory_space<vmem>> -> memref<1x80xi32, #tpu.memory_space<vmem>>
      %dma_wait3A_939 = tpu.memref_squeeze %dma_wait3A_938 : memref<1x80xi32, #tpu.memory_space<vmem>> -> memref<80xi32, #tpu.memory_space<vmem>>
      %dma_wait3A_940 = arith.constant 0 : i32
      %dma_wait3A_941 = arith.constant 0 : i32
      %dma_wait3A_942 = tpu.memref_slice %arg14[%dma_wait3A_940, %dma_wait3A_941] : memref<10240x32xf32, #tpu.memory_space<vmem_shared>> -> memref<10240x32xf32, #tpu.memory_space<vmem_shared>>
      tpu.wait_indirect_dma semaphore(%arg33 : memref<!tpu.dma_semaphore, #tpu.memory_space<semaphore_mem>>) src(%dma_wait3A_936 : memref<80x32xf32, #tpu.memory_space<vmem>>) dst(%dma_wait3A_942 : memref<10240x32xf32, #tpu.memory_space<vmem_shared>>)
      %add3A_943 = arith.constant 10 : i32
      %add3A_944 = arith.addi %add3A_909, %add3A_943 : i32
      %dma_start3A_945 = arith.constant 8 : i32
      %dma_start3A_946 = arith.constant 0 : i32
      %dma_start3A_947 = arith.constant 0 : i32
      %dma_start3A_948 = tpu.memref_slice %arg11[%dma_start3A_945, %dma_start3A_946, %dma_start3A_947] : memref<10x80x32xf32, #tpu.memory_space<vmem>> -> memref<1x80x32xf32, #tpu.memory_space<vmem>>
      %dma_start3A_949 = tpu.memref_squeeze %dma_start3A_948 : memref<1x80x32xf32, #tpu.memory_space<vmem>> -> memref<80x32xf32, #tpu.memory_space<vmem>>
      %dma_start3A_950 = arith.constant 0 : i32
      %dma_start3A_951 = tpu.memref_slice %arg8[%add3A_944, %dma_start3A_950] : memref<250x80xi32, #tpu.memory_space<vmem>> -> memref<1x80xi32, #tpu.memory_space<vmem>>
      %dma_start3A_952 = tpu.memref_squeeze %dma_start3A_951 : memref<1x80xi32, #tpu.memory_space<vmem>> -> memref<80xi32, #tpu.memory_space<vmem>>
      %dma_start3A_953 = arith.constant 0 : i32
      %dma_start3A_954 = arith.constant 0 : i32
      %dma_start3A_955 = tpu.memref_slice %arg6[%dma_start3A_953, %dma_start3A_954] : memref<10240x32xf32, #tpu.memory_space<hbm>> -> memref<10240x32xf32, #tpu.memory_space<hbm>>
      tpu.enqueue_indirect_dma source(%dma_start3A_955 : memref<10240x32xf32, #tpu.memory_space<hbm>>) target(%dma_start3A_949 : memref<80x32xf32, #tpu.memory_space<vmem>>) offsets(%dma_start3A_952 : memref<80xi32, #tpu.memory_space<vmem>>) semaphore(%arg23 : memref<!tpu.dma_semaphore, #tpu.memory_space<semaphore_mem>>)
      %mul3A_956 = arith.constant 10 : i32
      %mul3A_957 = arith.muli %scan3A_505, %mul3A_956 : i32
      %add3A_958 = arith.constant 9 : i32
      %add3A_959 = arith.addi %mul3A_957, %add3A_958 : i32
      %dma_wait3A_960 = arith.constant 9 : i32
      %dma_wait3A_961 = arith.constant 0 : i32
      %dma_wait3A_962 = arith.constant 0 : i32
      %dma_wait3A_963 = tpu.memref_slice %arg11[%dma_wait3A_960, %dma_wait3A_961, %dma_wait3A_962] : memref<10x80x32xf32, #tpu.memory_space<vmem>> -> memref<1x80x32xf32, #tpu.memory_space<vmem>>
      %dma_wait3A_964 = tpu.memref_squeeze %dma_wait3A_963 : memref<1x80x32xf32, #tpu.memory_space<vmem>> -> memref<80x32xf32, #tpu.memory_space<vmem>>
      %dma_wait3A_965 = arith.constant 0 : i32
      %dma_wait3A_966 = tpu.memref_slice %arg8[%add3A_959, %dma_wait3A_965] : memref<250x80xi32, #tpu.memory_space<vmem>> -> memref<1x80xi32, #tpu.memory_space<vmem>>
      %dma_wait3A_967 = tpu.memref_squeeze %dma_wait3A_966 : memref<1x80xi32, #tpu.memory_space<vmem>> -> memref<80xi32, #tpu.memory_space<vmem>>
      %dma_wait3A_968 = arith.constant 0 : i32
      %dma_wait3A_969 = arith.constant 0 : i32
      %dma_wait3A_970 = tpu.memref_slice %arg6[%dma_wait3A_968, %dma_wait3A_969] : memref<10240x32xf32, #tpu.memory_space<hbm>> -> memref<10240x32xf32, #tpu.memory_space<hbm>>
      tpu.wait_indirect_dma semaphore(%arg24 : memref<!tpu.dma_semaphore, #tpu.memory_space<semaphore_mem>>) src(%dma_wait3A_970 : memref<10240x32xf32, #tpu.memory_space<hbm>>) dst(%dma_wait3A_964 : memref<80x32xf32, #tpu.memory_space<vmem>>)
      %dma_start3A_971 = arith.constant 9 : i32
      %dma_start3A_972 = arith.constant 0 : i32
      %dma_start3A_973 = arith.constant 0 : i32
      %dma_start3A_974 = tpu.memref_slice %arg11[%dma_start3A_971, %dma_start3A_972, %dma_start3A_973] : memref<10x80x32xf32, #tpu.memory_space<vmem>> -> memref<1x80x32xf32, #tpu.memory_space<vmem>>
      %dma_start3A_975 = tpu.memref_squeeze %dma_start3A_974 : memref<1x80x32xf32, #tpu.memory_space<vmem>> -> memref<80x32xf32, #tpu.memory_space<vmem>>
      %dma_start3A_976 = arith.constant 0 : i32
      %dma_start3A_977 = tpu.memref_slice %arg9[%add3A_959, %dma_start3A_976] : memref<250x80xi32, #tpu.memory_space<vmem>> -> memref<1x80xi32, #tpu.memory_space<vmem>>
      %dma_start3A_978 = tpu.memref_squeeze %dma_start3A_977 : memref<1x80xi32, #tpu.memory_space<vmem>> -> memref<80xi32, #tpu.memory_space<vmem>>
      %dma_start3A_979 = arith.constant 0 : i32
      %dma_start3A_980 = arith.constant 0 : i32
      %dma_start3A_981 = tpu.memref_slice %arg14[%dma_start3A_979, %dma_start3A_980] : memref<10240x32xf32, #tpu.memory_space<vmem_shared>> -> memref<10240x32xf32, #tpu.memory_space<vmem_shared>>
      tpu.enqueue_indirect_dma source(%dma_start3A_975 : memref<80x32xf32, #tpu.memory_space<vmem>>) target(%dma_start3A_981 : memref<10240x32xf32, #tpu.memory_space<vmem_shared>>) offsets(%dma_start3A_978 : memref<80xi32, #tpu.memory_space<vmem>>) semaphore(%arg34 : memref<!tpu.dma_semaphore, #tpu.memory_space<semaphore_mem>>) {add = true}
      %dma_wait3A_982 = arith.constant 9 : i32
      %dma_wait3A_983 = arith.constant 0 : i32
      %dma_wait3A_984 = arith.constant 0 : i32
      %dma_wait3A_985 = tpu.memref_slice %arg11[%dma_wait3A_982, %dma_wait3A_983, %dma_wait3A_984] : memref<10x80x32xf32, #tpu.memory_space<vmem>> -> memref<1x80x32xf32, #tpu.memory_space<vmem>>
      %dma_wait3A_986 = tpu.memref_squeeze %dma_wait3A_985 : memref<1x80x32xf32, #tpu.memory_space<vmem>> -> memref<80x32xf32, #tpu.memory_space<vmem>>
      %dma_wait3A_987 = arith.constant 0 : i32
      %dma_wait3A_988 = tpu.memref_slice %arg9[%add3A_959, %dma_wait3A_987] : memref<250x80xi32, #tpu.memory_space<vmem>> -> memref<1x80xi32, #tpu.memory_space<vmem>>
      %dma_wait3A_989 = tpu.memref_squeeze %dma_wait3A_988 : memref<1x80xi32, #tpu.memory_space<vmem>> -> memref<80xi32, #tpu.memory_space<vmem>>
      %dma_wait3A_990 = arith.constant 0 : i32
      %dma_wait3A_991 = arith.constant 0 : i32
      %dma_wait3A_992 = tpu.memref_slice %arg14[%dma_wait3A_990, %dma_wait3A_991] : memref<10240x32xf32, #tpu.memory_space<vmem_shared>> -> memref<10240x32xf32, #tpu.memory_space<vmem_shared>>
      tpu.wait_indirect_dma semaphore(%arg34 : memref<!tpu.dma_semaphore, #tpu.memory_space<semaphore_mem>>) src(%dma_wait3A_986 : memref<80x32xf32, #tpu.memory_space<vmem>>) dst(%dma_wait3A_992 : memref<10240x32xf32, #tpu.memory_space<vmem_shared>>)
      %add3A_993 = arith.constant 10 : i32
      %add3A_994 = arith.addi %add3A_959, %add3A_993 : i32
      %dma_start3A_995 = arith.constant 9 : i32
      %dma_start3A_996 = arith.constant 0 : i32
      %dma_start3A_997 = arith.constant 0 : i32
      %dma_start3A_998 = tpu.memref_slice %arg11[%dma_start3A_995, %dma_start3A_996, %dma_start3A_997] : memref<10x80x32xf32, #tpu.memory_space<vmem>> -> memref<1x80x32xf32, #tpu.memory_space<vmem>>
      %dma_start3A_999 = tpu.memref_squeeze %dma_start3A_998 : memref<1x80x32xf32, #tpu.memory_space<vmem>> -> memref<80x32xf32, #tpu.memory_space<vmem>>
      %dma_start3A_1000 = arith.constant 0 : i32
      %dma_start3A_1001 = tpu.memref_slice %arg8[%add3A_994, %dma_start3A_1000] : memref<250x80xi32, #tpu.memory_space<vmem>> -> memref<1x80xi32, #tpu.memory_space<vmem>>
      %dma_start3A_1002 = tpu.memref_squeeze %dma_start3A_1001 : memref<1x80xi32, #tpu.memory_space<vmem>> -> memref<80xi32, #tpu.memory_space<vmem>>
      %dma_start3A_1003 = arith.constant 0 : i32
      %dma_start3A_1004 = arith.constant 0 : i32
      %dma_start3A_1005 = tpu.memref_slice %arg6[%dma_start3A_1003, %dma_start3A_1004] : memref<10240x32xf32, #tpu.memory_space<hbm>> -> memref<10240x32xf32, #tpu.memory_space<hbm>>
      tpu.enqueue_indirect_dma source(%dma_start3A_1005 : memref<10240x32xf32, #tpu.memory_space<hbm>>) target(%dma_start3A_999 : memref<80x32xf32, #tpu.memory_space<vmem>>) offsets(%dma_start3A_1002 : memref<80xi32, #tpu.memory_space<vmem>>) semaphore(%arg24 : memref<!tpu.dma_semaphore, #tpu.memory_space<semaphore_mem>>)
    }
    %scan3A_139 = arith.constant 24 : i32
    %dma_wait3A = arith.constant 240 : i32
    %dma_wait3A_140 = arith.constant 0 : i32
    %dma_wait3A_141 = arith.constant 0 : i32
    %dma_wait3A_142 = arith.constant 0 : i32
    %dma_wait3A_143 = tpu.memref_slice %arg11[%dma_wait3A_140, %dma_wait3A_141, %dma_wait3A_142] : memref<10x80x32xf32, #tpu.memory_space<vmem>> -> memref<1x80x32xf32, #tpu.memory_space<vmem>>
    %dma_wait3A_144 = tpu.memref_squeeze %dma_wait3A_143 : memref<1x80x32xf32, #tpu.memory_space<vmem>> -> memref<80x32xf32, #tpu.memory_space<vmem>>
    %dma_wait3A_145 = arith.constant 0 : i32
    %dma_wait3A_146 = tpu.memref_slice %arg8[%dma_wait3A, %dma_wait3A_145] : memref<250x80xi32, #tpu.memory_space<vmem>> -> memref<1x80xi32, #tpu.memory_space<vmem>>
    %dma_wait3A_147 = tpu.memref_squeeze %dma_wait3A_146 : memref<1x80xi32, #tpu.memory_space<vmem>> -> memref<80xi32, #tpu.memory_space<vmem>>
    %dma_wait3A_148 = arith.constant 0 : i32
    %dma_wait3A_149 = arith.constant 0 : i32
    %dma_wait3A_150 = tpu.memref_slice %arg6[%dma_wait3A_148, %dma_wait3A_149] : memref<10240x32xf32, #tpu.memory_space<hbm>> -> memref<10240x32xf32, #tpu.memory_space<hbm>>
    tpu.wait_indirect_dma semaphore(%arg15 : memref<!tpu.dma_semaphore, #tpu.memory_space<semaphore_mem>>) src(%dma_wait3A_150 : memref<10240x32xf32, #tpu.memory_space<hbm>>) dst(%dma_wait3A_144 : memref<80x32xf32, #tpu.memory_space<vmem>>)
    %dma_start3A_151 = arith.constant 0 : i32
    %dma_start3A_152 = arith.constant 240 : i32
    %dma_start3A_153 = arith.constant 0 : i32
    %dma_start3A_154 = arith.constant 0 : i32
    %dma_start3A_155 = tpu.memref_slice %arg11[%dma_start3A_151, %dma_start3A_153, %dma_start3A_154] : memref<10x80x32xf32, #tpu.memory_space<vmem>> -> memref<1x80x32xf32, #tpu.memory_space<vmem>>
    %dma_start3A_156 = tpu.memref_squeeze %dma_start3A_155 : memref<1x80x32xf32, #tpu.memory_space<vmem>> -> memref<80x32xf32, #tpu.memory_space<vmem>>
    %dma_start3A_157 = arith.constant 0 : i32
    %dma_start3A_158 = tpu.memref_slice %arg9[%dma_start3A_152, %dma_start3A_157] : memref<250x80xi32, #tpu.memory_space<vmem>> -> memref<1x80xi32, #tpu.memory_space<vmem>>
    %dma_start3A_159 = tpu.memref_squeeze %dma_start3A_158 : memref<1x80xi32, #tpu.memory_space<vmem>> -> memref<80xi32, #tpu.memory_space<vmem>>
    %dma_start3A_160 = arith.constant 0 : i32
    %dma_start3A_161 = arith.constant 0 : i32
    %dma_start3A_162 = tpu.memref_slice %arg14[%dma_start3A_160, %dma_start3A_161] : memref<10240x32xf32, #tpu.memory_space<vmem_shared>> -> memref<10240x32xf32, #tpu.memory_space<vmem_shared>>
    tpu.enqueue_indirect_dma source(%dma_start3A_156 : memref<80x32xf32, #tpu.memory_space<vmem>>) target(%dma_start3A_162 : memref<10240x32xf32, #tpu.memory_space<vmem_shared>>) offsets(%dma_start3A_159 : memref<80xi32, #tpu.memory_space<vmem>>) semaphore(%arg25 : memref<!tpu.dma_semaphore, #tpu.memory_space<semaphore_mem>>) {add = true}
    %dma_wait3A_163 = arith.constant 0 : i32
    %dma_wait3A_164 = arith.constant 240 : i32
    %dma_wait3A_165 = arith.constant 0 : i32
    %dma_wait3A_166 = arith.constant 0 : i32
    %dma_wait3A_167 = tpu.memref_slice %arg11[%dma_wait3A_163, %dma_wait3A_165, %dma_wait3A_166] : memref<10x80x32xf32, #tpu.memory_space<vmem>> -> memref<1x80x32xf32, #tpu.memory_space<vmem>>
    %dma_wait3A_168 = tpu.memref_squeeze %dma_wait3A_167 : memref<1x80x32xf32, #tpu.memory_space<vmem>> -> memref<80x32xf32, #tpu.memory_space<vmem>>
    %dma_wait3A_169 = arith.constant 0 : i32
    %dma_wait3A_170 = tpu.memref_slice %arg9[%dma_wait3A_164, %dma_wait3A_169] : memref<250x80xi32, #tpu.memory_space<vmem>> -> memref<1x80xi32, #tpu.memory_space<vmem>>
    %dma_wait3A_171 = tpu.memref_squeeze %dma_wait3A_170 : memref<1x80xi32, #tpu.memory_space<vmem>> -> memref<80xi32, #tpu.memory_space<vmem>>
    %dma_wait3A_172 = arith.constant 0 : i32
    %dma_wait3A_173 = arith.constant 0 : i32
    %dma_wait3A_174 = tpu.memref_slice %arg14[%dma_wait3A_172, %dma_wait3A_173] : memref<10240x32xf32, #tpu.memory_space<vmem_shared>> -> memref<10240x32xf32, #tpu.memory_space<vmem_shared>>
    tpu.wait_indirect_dma semaphore(%arg25 : memref<!tpu.dma_semaphore, #tpu.memory_space<semaphore_mem>>) src(%dma_wait3A_168 : memref<80x32xf32, #tpu.memory_space<vmem>>) dst(%dma_wait3A_174 : memref<10240x32xf32, #tpu.memory_space<vmem_shared>>)
    %dma_wait3A_175 = arith.constant 241 : i32
    %dma_wait3A_176 = arith.constant 1 : i32
    %dma_wait3A_177 = arith.constant 0 : i32
    %dma_wait3A_178 = arith.constant 0 : i32
    %dma_wait3A_179 = tpu.memref_slice %arg11[%dma_wait3A_176, %dma_wait3A_177, %dma_wait3A_178] : memref<10x80x32xf32, #tpu.memory_space<vmem>> -> memref<1x80x32xf32, #tpu.memory_space<vmem>>
    %dma_wait3A_180 = tpu.memref_squeeze %dma_wait3A_179 : memref<1x80x32xf32, #tpu.memory_space<vmem>> -> memref<80x32xf32, #tpu.memory_space<vmem>>
    %dma_wait3A_181 = arith.constant 0 : i32
    %dma_wait3A_182 = tpu.memref_slice %arg8[%dma_wait3A_175, %dma_wait3A_181] : memref<250x80xi32, #tpu.memory_space<vmem>> -> memref<1x80xi32, #tpu.memory_space<vmem>>
    %dma_wait3A_183 = tpu.memref_squeeze %dma_wait3A_182 : memref<1x80xi32, #tpu.memory_space<vmem>> -> memref<80xi32, #tpu.memory_space<vmem>>
    %dma_wait3A_184 = arith.constant 0 : i32
    %dma_wait3A_185 = arith.constant 0 : i32
    %dma_wait3A_186 = tpu.memref_slice %arg6[%dma_wait3A_184, %dma_wait3A_185] : memref<10240x32xf32, #tpu.memory_space<hbm>> -> memref<10240x32xf32, #tpu.memory_space<hbm>>
    tpu.wait_indirect_dma semaphore(%arg16 : memref<!tpu.dma_semaphore, #tpu.memory_space<semaphore_mem>>) src(%dma_wait3A_186 : memref<10240x32xf32, #tpu.memory_space<hbm>>) dst(%dma_wait3A_180 : memref<80x32xf32, #tpu.memory_space<vmem>>)
    %dma_start3A_187 = arith.constant 1 : i32
    %dma_start3A_188 = arith.constant 241 : i32
    %dma_start3A_189 = arith.constant 0 : i32
    %dma_start3A_190 = arith.constant 0 : i32
    %dma_start3A_191 = tpu.memref_slice %arg11[%dma_start3A_187, %dma_start3A_189, %dma_start3A_190] : memref<10x80x32xf32, #tpu.memory_space<vmem>> -> memref<1x80x32xf32, #tpu.memory_space<vmem>>
    %dma_start3A_192 = tpu.memref_squeeze %dma_start3A_191 : memref<1x80x32xf32, #tpu.memory_space<vmem>> -> memref<80x32xf32, #tpu.memory_space<vmem>>
    %dma_start3A_193 = arith.constant 0 : i32
    %dma_start3A_194 = tpu.memref_slice %arg9[%dma_start3A_188, %dma_start3A_193] : memref<250x80xi32, #tpu.memory_space<vmem>> -> memref<1x80xi32, #tpu.memory_space<vmem>>
    %dma_start3A_195 = tpu.memref_squeeze %dma_start3A_194 : memref<1x80xi32, #tpu.memory_space<vmem>> -> memref<80xi32, #tpu.memory_space<vmem>>
    %dma_start3A_196 = arith.constant 0 : i32
    %dma_start3A_197 = arith.constant 0 : i32
    %dma_start3A_198 = tpu.memref_slice %arg14[%dma_start3A_196, %dma_start3A_197] : memref<10240x32xf32, #tpu.memory_space<vmem_shared>> -> memref<10240x32xf32, #tpu.memory_space<vmem_shared>>
    tpu.enqueue_indirect_dma source(%dma_start3A_192 : memref<80x32xf32, #tpu.memory_space<vmem>>) target(%dma_start3A_198 : memref<10240x32xf32, #tpu.memory_space<vmem_shared>>) offsets(%dma_start3A_195 : memref<80xi32, #tpu.memory_space<vmem>>) semaphore(%arg26 : memref<!tpu.dma_semaphore, #tpu.memory_space<semaphore_mem>>) {add = true}
    %dma_wait3A_199 = arith.constant 1 : i32
    %dma_wait3A_200 = arith.constant 241 : i32
    %dma_wait3A_201 = arith.constant 0 : i32
    %dma_wait3A_202 = arith.constant 0 : i32
    %dma_wait3A_203 = tpu.memref_slice %arg11[%dma_wait3A_199, %dma_wait3A_201, %dma_wait3A_202] : memref<10x80x32xf32, #tpu.memory_space<vmem>> -> memref<1x80x32xf32, #tpu.memory_space<vmem>>
    %dma_wait3A_204 = tpu.memref_squeeze %dma_wait3A_203 : memref<1x80x32xf32, #tpu.memory_space<vmem>> -> memref<80x32xf32, #tpu.memory_space<vmem>>
    %dma_wait3A_205 = arith.constant 0 : i32
    %dma_wait3A_206 = tpu.memref_slice %arg9[%dma_wait3A_200, %dma_wait3A_205] : memref<250x80xi32, #tpu.memory_space<vmem>> -> memref<1x80xi32, #tpu.memory_space<vmem>>
    %dma_wait3A_207 = tpu.memref_squeeze %dma_wait3A_206 : memref<1x80xi32, #tpu.memory_space<vmem>> -> memref<80xi32, #tpu.memory_space<vmem>>
    %dma_wait3A_208 = arith.constant 0 : i32
    %dma_wait3A_209 = arith.constant 0 : i32
    %dma_wait3A_210 = tpu.memref_slice %arg14[%dma_wait3A_208, %dma_wait3A_209] : memref<10240x32xf32, #tpu.memory_space<vmem_shared>> -> memref<10240x32xf32, #tpu.memory_space<vmem_shared>>
    tpu.wait_indirect_dma semaphore(%arg26 : memref<!tpu.dma_semaphore, #tpu.memory_space<semaphore_mem>>) src(%dma_wait3A_204 : memref<80x32xf32, #tpu.memory_space<vmem>>) dst(%dma_wait3A_210 : memref<10240x32xf32, #tpu.memory_space<vmem_shared>>)
    %dma_wait3A_211 = arith.constant 242 : i32
    %dma_wait3A_212 = arith.constant 2 : i32
    %dma_wait3A_213 = arith.constant 0 : i32
    %dma_wait3A_214 = arith.constant 0 : i32
    %dma_wait3A_215 = tpu.memref_slice %arg11[%dma_wait3A_212, %dma_wait3A_213, %dma_wait3A_214] : memref<10x80x32xf32, #tpu.memory_space<vmem>> -> memref<1x80x32xf32, #tpu.memory_space<vmem>>
    %dma_wait3A_216 = tpu.memref_squeeze %dma_wait3A_215 : memref<1x80x32xf32, #tpu.memory_space<vmem>> -> memref<80x32xf32, #tpu.memory_space<vmem>>
    %dma_wait3A_217 = arith.constant 0 : i32
    %dma_wait3A_218 = tpu.memref_slice %arg8[%dma_wait3A_211, %dma_wait3A_217] : memref<250x80xi32, #tpu.memory_space<vmem>> -> memref<1x80xi32, #tpu.memory_space<vmem>>
    %dma_wait3A_219 = tpu.memref_squeeze %dma_wait3A_218 : memref<1x80xi32, #tpu.memory_space<vmem>> -> memref<80xi32, #tpu.memory_space<vmem>>
    %dma_wait3A_220 = arith.constant 0 : i32
    %dma_wait3A_221 = arith.constant 0 : i32
    %dma_wait3A_222 = tpu.memref_slice %arg6[%dma_wait3A_220, %dma_wait3A_221] : memref<10240x32xf32, #tpu.memory_space<hbm>> -> memref<10240x32xf32, #tpu.memory_space<hbm>>
    tpu.wait_indirect_dma semaphore(%arg17 : memref<!tpu.dma_semaphore, #tpu.memory_space<semaphore_mem>>) src(%dma_wait3A_222 : memref<10240x32xf32, #tpu.memory_space<hbm>>) dst(%dma_wait3A_216 : memref<80x32xf32, #tpu.memory_space<vmem>>)
    %dma_start3A_223 = arith.constant 2 : i32
    %dma_start3A_224 = arith.constant 242 : i32
    %dma_start3A_225 = arith.constant 0 : i32
    %dma_start3A_226 = arith.constant 0 : i32
    %dma_start3A_227 = tpu.memref_slice %arg11[%dma_start3A_223, %dma_start3A_225, %dma_start3A_226] : memref<10x80x32xf32, #tpu.memory_space<vmem>> -> memref<1x80x32xf32, #tpu.memory_space<vmem>>
    %dma_start3A_228 = tpu.memref_squeeze %dma_start3A_227 : memref<1x80x32xf32, #tpu.memory_space<vmem>> -> memref<80x32xf32, #tpu.memory_space<vmem>>
    %dma_start3A_229 = arith.constant 0 : i32
    %dma_start3A_230 = tpu.memref_slice %arg9[%dma_start3A_224, %dma_start3A_229] : memref<250x80xi32, #tpu.memory_space<vmem>> -> memref<1x80xi32, #tpu.memory_space<vmem>>
    %dma_start3A_231 = tpu.memref_squeeze %dma_start3A_230 : memref<1x80xi32, #tpu.memory_space<vmem>> -> memref<80xi32, #tpu.memory_space<vmem>>
    %dma_start3A_232 = arith.constant 0 : i32
    %dma_start3A_233 = arith.constant 0 : i32
    %dma_start3A_234 = tpu.memref_slice %arg14[%dma_start3A_232, %dma_start3A_233] : memref<10240x32xf32, #tpu.memory_space<vmem_shared>> -> memref<10240x32xf32, #tpu.memory_space<vmem_shared>>
    tpu.enqueue_indirect_dma source(%dma_start3A_228 : memref<80x32xf32, #tpu.memory_space<vmem>>) target(%dma_start3A_234 : memref<10240x32xf32, #tpu.memory_space<vmem_shared>>) offsets(%dma_start3A_231 : memref<80xi32, #tpu.memory_space<vmem>>) semaphore(%arg27 : memref<!tpu.dma_semaphore, #tpu.memory_space<semaphore_mem>>) {add = true}
    %dma_wait3A_235 = arith.constant 2 : i32
    %dma_wait3A_236 = arith.constant 242 : i32
    %dma_wait3A_237 = arith.constant 0 : i32
    %dma_wait3A_238 = arith.constant 0 : i32
    %dma_wait3A_239 = tpu.memref_slice %arg11[%dma_wait3A_235, %dma_wait3A_237, %dma_wait3A_238] : memref<10x80x32xf32, #tpu.memory_space<vmem>> -> memref<1x80x32xf32, #tpu.memory_space<vmem>>
    %dma_wait3A_240 = tpu.memref_squeeze %dma_wait3A_239 : memref<1x80x32xf32, #tpu.memory_space<vmem>> -> memref<80x32xf32, #tpu.memory_space<vmem>>
    %dma_wait3A_241 = arith.constant 0 : i32
    %dma_wait3A_242 = tpu.memref_slice %arg9[%dma_wait3A_236, %dma_wait3A_241] : memref<250x80xi32, #tpu.memory_space<vmem>> -> memref<1x80xi32, #tpu.memory_space<vmem>>
    %dma_wait3A_243 = tpu.memref_squeeze %dma_wait3A_242 : memref<1x80xi32, #tpu.memory_space<vmem>> -> memref<80xi32, #tpu.memory_space<vmem>>
    %dma_wait3A_244 = arith.constant 0 : i32
    %dma_wait3A_245 = arith.constant 0 : i32
    %dma_wait3A_246 = tpu.memref_slice %arg14[%dma_wait3A_244, %dma_wait3A_245] : memref<10240x32xf32, #tpu.memory_space<vmem_shared>> -> memref<10240x32xf32, #tpu.memory_space<vmem_shared>>
    tpu.wait_indirect_dma semaphore(%arg27 : memref<!tpu.dma_semaphore, #tpu.memory_space<semaphore_mem>>) src(%dma_wait3A_240 : memref<80x32xf32, #tpu.memory_space<vmem>>) dst(%dma_wait3A_246 : memref<10240x32xf32, #tpu.memory_space<vmem_shared>>)
    %dma_wait3A_247 = arith.constant 243 : i32
    %dma_wait3A_248 = arith.constant 3 : i32
    %dma_wait3A_249 = arith.constant 0 : i32
    %dma_wait3A_250 = arith.constant 0 : i32
    %dma_wait3A_251 = tpu.memref_slice %arg11[%dma_wait3A_248, %dma_wait3A_249, %dma_wait3A_250] : memref<10x80x32xf32, #tpu.memory_space<vmem>> -> memref<1x80x32xf32, #tpu.memory_space<vmem>>
    %dma_wait3A_252 = tpu.memref_squeeze %dma_wait3A_251 : memref<1x80x32xf32, #tpu.memory_space<vmem>> -> memref<80x32xf32, #tpu.memory_space<vmem>>
    %dma_wait3A_253 = arith.constant 0 : i32
    %dma_wait3A_254 = tpu.memref_slice %arg8[%dma_wait3A_247, %dma_wait3A_253] : memref<250x80xi32, #tpu.memory_space<vmem>> -> memref<1x80xi32, #tpu.memory_space<vmem>>
    %dma_wait3A_255 = tpu.memref_squeeze %dma_wait3A_254 : memref<1x80xi32, #tpu.memory_space<vmem>> -> memref<80xi32, #tpu.memory_space<vmem>>
    %dma_wait3A_256 = arith.constant 0 : i32
    %dma_wait3A_257 = arith.constant 0 : i32
    %dma_wait3A_258 = tpu.memref_slice %arg6[%dma_wait3A_256, %dma_wait3A_257] : memref<10240x32xf32, #tpu.memory_space<hbm>> -> memref<10240x32xf32, #tpu.memory_space<hbm>>
    tpu.wait_indirect_dma semaphore(%arg18 : memref<!tpu.dma_semaphore, #tpu.memory_space<semaphore_mem>>) src(%dma_wait3A_258 : memref<10240x32xf32, #tpu.memory_space<hbm>>) dst(%dma_wait3A_252 : memref<80x32xf32, #tpu.memory_space<vmem>>)
    %dma_start3A_259 = arith.constant 3 : i32
    %dma_start3A_260 = arith.constant 243 : i32
    %dma_start3A_261 = arith.constant 0 : i32
    %dma_start3A_262 = arith.constant 0 : i32
    %dma_start3A_263 = tpu.memref_slice %arg11[%dma_start3A_259, %dma_start3A_261, %dma_start3A_262] : memref<10x80x32xf32, #tpu.memory_space<vmem>> -> memref<1x80x32xf32, #tpu.memory_space<vmem>>
    %dma_start3A_264 = tpu.memref_squeeze %dma_start3A_263 : memref<1x80x32xf32, #tpu.memory_space<vmem>> -> memref<80x32xf32, #tpu.memory_space<vmem>>
    %dma_start3A_265 = arith.constant 0 : i32
    %dma_start3A_266 = tpu.memref_slice %arg9[%dma_start3A_260, %dma_start3A_265] : memref<250x80xi32, #tpu.memory_space<vmem>> -> memref<1x80xi32, #tpu.memory_space<vmem>>
    %dma_start3A_267 = tpu.memref_squeeze %dma_start3A_266 : memref<1x80xi32, #tpu.memory_space<vmem>> -> memref<80xi32, #tpu.memory_space<vmem>>
    %dma_start3A_268 = arith.constant 0 : i32
    %dma_start3A_269 = arith.constant 0 : i32
    %dma_start3A_270 = tpu.memref_slice %arg14[%dma_start3A_268, %dma_start3A_269] : memref<10240x32xf32, #tpu.memory_space<vmem_shared>> -> memref<10240x32xf32, #tpu.memory_space<vmem_shared>>
    tpu.enqueue_indirect_dma source(%dma_start3A_264 : memref<80x32xf32, #tpu.memory_space<vmem>>) target(%dma_start3A_270 : memref<10240x32xf32, #tpu.memory_space<vmem_shared>>) offsets(%dma_start3A_267 : memref<80xi32, #tpu.memory_space<vmem>>) semaphore(%arg28 : memref<!tpu.dma_semaphore, #tpu.memory_space<semaphore_mem>>) {add = true}
    %dma_wait3A_271 = arith.constant 3 : i32
    %dma_wait3A_272 = arith.constant 243 : i32
    %dma_wait3A_273 = arith.constant 0 : i32
    %dma_wait3A_274 = arith.constant 0 : i32
    %dma_wait3A_275 = tpu.memref_slice %arg11[%dma_wait3A_271, %dma_wait3A_273, %dma_wait3A_274] : memref<10x80x32xf32, #tpu.memory_space<vmem>> -> memref<1x80x32xf32, #tpu.memory_space<vmem>>
    %dma_wait3A_276 = tpu.memref_squeeze %dma_wait3A_275 : memref<1x80x32xf32, #tpu.memory_space<vmem>> -> memref<80x32xf32, #tpu.memory_space<vmem>>
    %dma_wait3A_277 = arith.constant 0 : i32
    %dma_wait3A_278 = tpu.memref_slice %arg9[%dma_wait3A_272, %dma_wait3A_277] : memref<250x80xi32, #tpu.memory_space<vmem>> -> memref<1x80xi32, #tpu.memory_space<vmem>>
    %dma_wait3A_279 = tpu.memref_squeeze %dma_wait3A_278 : memref<1x80xi32, #tpu.memory_space<vmem>> -> memref<80xi32, #tpu.memory_space<vmem>>
    %dma_wait3A_280 = arith.constant 0 : i32
    %dma_wait3A_281 = arith.constant 0 : i32
    %dma_wait3A_282 = tpu.memref_slice %arg14[%dma_wait3A_280, %dma_wait3A_281] : memref<10240x32xf32, #tpu.memory_space<vmem_shared>> -> memref<10240x32xf32, #tpu.memory_space<vmem_shared>>
    tpu.wait_indirect_dma semaphore(%arg28 : memref<!tpu.dma_semaphore, #tpu.memory_space<semaphore_mem>>) src(%dma_wait3A_276 : memref<80x32xf32, #tpu.memory_space<vmem>>) dst(%dma_wait3A_282 : memref<10240x32xf32, #tpu.memory_space<vmem_shared>>)
    %dma_wait3A_283 = arith.constant 244 : i32
    %dma_wait3A_284 = arith.constant 4 : i32
    %dma_wait3A_285 = arith.constant 0 : i32
    %dma_wait3A_286 = arith.constant 0 : i32
    %dma_wait3A_287 = tpu.memref_slice %arg11[%dma_wait3A_284, %dma_wait3A_285, %dma_wait3A_286] : memref<10x80x32xf32, #tpu.memory_space<vmem>> -> memref<1x80x32xf32, #tpu.memory_space<vmem>>
    %dma_wait3A_288 = tpu.memref_squeeze %dma_wait3A_287 : memref<1x80x32xf32, #tpu.memory_space<vmem>> -> memref<80x32xf32, #tpu.memory_space<vmem>>
    %dma_wait3A_289 = arith.constant 0 : i32
    %dma_wait3A_290 = tpu.memref_slice %arg8[%dma_wait3A_283, %dma_wait3A_289] : memref<250x80xi32, #tpu.memory_space<vmem>> -> memref<1x80xi32, #tpu.memory_space<vmem>>
    %dma_wait3A_291 = tpu.memref_squeeze %dma_wait3A_290 : memref<1x80xi32, #tpu.memory_space<vmem>> -> memref<80xi32, #tpu.memory_space<vmem>>
    %dma_wait3A_292 = arith.constant 0 : i32
    %dma_wait3A_293 = arith.constant 0 : i32
    %dma_wait3A_294 = tpu.memref_slice %arg6[%dma_wait3A_292, %dma_wait3A_293] : memref<10240x32xf32, #tpu.memory_space<hbm>> -> memref<10240x32xf32, #tpu.memory_space<hbm>>
    tpu.wait_indirect_dma semaphore(%arg19 : memref<!tpu.dma_semaphore, #tpu.memory_space<semaphore_mem>>) src(%dma_wait3A_294 : memref<10240x32xf32, #tpu.memory_space<hbm>>) dst(%dma_wait3A_288 : memref<80x32xf32, #tpu.memory_space<vmem>>)
    %dma_start3A_295 = arith.constant 4 : i32
    %dma_start3A_296 = arith.constant 244 : i32
    %dma_start3A_297 = arith.constant 0 : i32
    %dma_start3A_298 = arith.constant 0 : i32
    %dma_start3A_299 = tpu.memref_slice %arg11[%dma_start3A_295, %dma_start3A_297, %dma_start3A_298] : memref<10x80x32xf32, #tpu.memory_space<vmem>> -> memref<1x80x32xf32, #tpu.memory_space<vmem>>
    %dma_start3A_300 = tpu.memref_squeeze %dma_start3A_299 : memref<1x80x32xf32, #tpu.memory_space<vmem>> -> memref<80x32xf32, #tpu.memory_space<vmem>>
    %dma_start3A_301 = arith.constant 0 : i32
    %dma_start3A_302 = tpu.memref_slice %arg9[%dma_start3A_296, %dma_start3A_301] : memref<250x80xi32, #tpu.memory_space<vmem>> -> memref<1x80xi32, #tpu.memory_space<vmem>>
    %dma_start3A_303 = tpu.memref_squeeze %dma_start3A_302 : memref<1x80xi32, #tpu.memory_space<vmem>> -> memref<80xi32, #tpu.memory_space<vmem>>
    %dma_start3A_304 = arith.constant 0 : i32
    %dma_start3A_305 = arith.constant 0 : i32
    %dma_start3A_306 = tpu.memref_slice %arg14[%dma_start3A_304, %dma_start3A_305] : memref<10240x32xf32, #tpu.memory_space<vmem_shared>> -> memref<10240x32xf32, #tpu.memory_space<vmem_shared>>
    tpu.enqueue_indirect_dma source(%dma_start3A_300 : memref<80x32xf32, #tpu.memory_space<vmem>>) target(%dma_start3A_306 : memref<10240x32xf32, #tpu.memory_space<vmem_shared>>) offsets(%dma_start3A_303 : memref<80xi32, #tpu.memory_space<vmem>>) semaphore(%arg29 : memref<!tpu.dma_semaphore, #tpu.memory_space<semaphore_mem>>) {add = true}
    %dma_wait3A_307 = arith.constant 4 : i32
    %dma_wait3A_308 = arith.constant 244 : i32
    %dma_wait3A_309 = arith.constant 0 : i32
    %dma_wait3A_310 = arith.constant 0 : i32
    %dma_wait3A_311 = tpu.memref_slice %arg11[%dma_wait3A_307, %dma_wait3A_309, %dma_wait3A_310] : memref<10x80x32xf32, #tpu.memory_space<vmem>> -> memref<1x80x32xf32, #tpu.memory_space<vmem>>
    %dma_wait3A_312 = tpu.memref_squeeze %dma_wait3A_311 : memref<1x80x32xf32, #tpu.memory_space<vmem>> -> memref<80x32xf32, #tpu.memory_space<vmem>>
    %dma_wait3A_313 = arith.constant 0 : i32
    %dma_wait3A_314 = tpu.memref_slice %arg9[%dma_wait3A_308, %dma_wait3A_313] : memref<250x80xi32, #tpu.memory_space<vmem>> -> memref<1x80xi32, #tpu.memory_space<vmem>>
    %dma_wait3A_315 = tpu.memref_squeeze %dma_wait3A_314 : memref<1x80xi32, #tpu.memory_space<vmem>> -> memref<80xi32, #tpu.memory_space<vmem>>
    %dma_wait3A_316 = arith.constant 0 : i32
    %dma_wait3A_317 = arith.constant 0 : i32
    %dma_wait3A_318 = tpu.memref_slice %arg14[%dma_wait3A_316, %dma_wait3A_317] : memref<10240x32xf32, #tpu.memory_space<vmem_shared>> -> memref<10240x32xf32, #tpu.memory_space<vmem_shared>>
    tpu.wait_indirect_dma semaphore(%arg29 : memref<!tpu.dma_semaphore, #tpu.memory_space<semaphore_mem>>) src(%dma_wait3A_312 : memref<80x32xf32, #tpu.memory_space<vmem>>) dst(%dma_wait3A_318 : memref<10240x32xf32, #tpu.memory_space<vmem_shared>>)
    %dma_wait3A_319 = arith.constant 245 : i32
    %dma_wait3A_320 = arith.constant 5 : i32
    %dma_wait3A_321 = arith.constant 0 : i32
    %dma_wait3A_322 = arith.constant 0 : i32
    %dma_wait3A_323 = tpu.memref_slice %arg11[%dma_wait3A_320, %dma_wait3A_321, %dma_wait3A_322] : memref<10x80x32xf32, #tpu.memory_space<vmem>> -> memref<1x80x32xf32, #tpu.memory_space<vmem>>
    %dma_wait3A_324 = tpu.memref_squeeze %dma_wait3A_323 : memref<1x80x32xf32, #tpu.memory_space<vmem>> -> memref<80x32xf32, #tpu.memory_space<vmem>>
    %dma_wait3A_325 = arith.constant 0 : i32
    %dma_wait3A_326 = tpu.memref_slice %arg8[%dma_wait3A_319, %dma_wait3A_325] : memref<250x80xi32, #tpu.memory_space<vmem>> -> memref<1x80xi32, #tpu.memory_space<vmem>>
    %dma_wait3A_327 = tpu.memref_squeeze %dma_wait3A_326 : memref<1x80xi32, #tpu.memory_space<vmem>> -> memref<80xi32, #tpu.memory_space<vmem>>
    %dma_wait3A_328 = arith.constant 0 : i32
    %dma_wait3A_329 = arith.constant 0 : i32
    %dma_wait3A_330 = tpu.memref_slice %arg6[%dma_wait3A_328, %dma_wait3A_329] : memref<10240x32xf32, #tpu.memory_space<hbm>> -> memref<10240x32xf32, #tpu.memory_space<hbm>>
    tpu.wait_indirect_dma semaphore(%arg20 : memref<!tpu.dma_semaphore, #tpu.memory_space<semaphore_mem>>) src(%dma_wait3A_330 : memref<10240x32xf32, #tpu.memory_space<hbm>>) dst(%dma_wait3A_324 : memref<80x32xf32, #tpu.memory_space<vmem>>)
    %dma_start3A_331 = arith.constant 5 : i32
    %dma_start3A_332 = arith.constant 245 : i32
    %dma_start3A_333 = arith.constant 0 : i32
    %dma_start3A_334 = arith.constant 0 : i32
    %dma_start3A_335 = tpu.memref_slice %arg11[%dma_start3A_331, %dma_start3A_333, %dma_start3A_334] : memref<10x80x32xf32, #tpu.memory_space<vmem>> -> memref<1x80x32xf32, #tpu.memory_space<vmem>>
    %dma_start3A_336 = tpu.memref_squeeze %dma_start3A_335 : memref<1x80x32xf32, #tpu.memory_space<vmem>> -> memref<80x32xf32, #tpu.memory_space<vmem>>
    %dma_start3A_337 = arith.constant 0 : i32
    %dma_start3A_338 = tpu.memref_slice %arg9[%dma_start3A_332, %dma_start3A_337] : memref<250x80xi32, #tpu.memory_space<vmem>> -> memref<1x80xi32, #tpu.memory_space<vmem>>
    %dma_start3A_339 = tpu.memref_squeeze %dma_start3A_338 : memref<1x80xi32, #tpu.memory_space<vmem>> -> memref<80xi32, #tpu.memory_space<vmem>>
    %dma_start3A_340 = arith.constant 0 : i32
    %dma_start3A_341 = arith.constant 0 : i32
    %dma_start3A_342 = tpu.memref_slice %arg14[%dma_start3A_340, %dma_start3A_341] : memref<10240x32xf32, #tpu.memory_space<vmem_shared>> -> memref<10240x32xf32, #tpu.memory_space<vmem_shared>>
    tpu.enqueue_indirect_dma source(%dma_start3A_336 : memref<80x32xf32, #tpu.memory_space<vmem>>) target(%dma_start3A_342 : memref<10240x32xf32, #tpu.memory_space<vmem_shared>>) offsets(%dma_start3A_339 : memref<80xi32, #tpu.memory_space<vmem>>) semaphore(%arg30 : memref<!tpu.dma_semaphore, #tpu.memory_space<semaphore_mem>>) {add = true}
    %dma_wait3A_343 = arith.constant 5 : i32
    %dma_wait3A_344 = arith.constant 245 : i32
    %dma_wait3A_345 = arith.constant 0 : i32
    %dma_wait3A_346 = arith.constant 0 : i32
    %dma_wait3A_347 = tpu.memref_slice %arg11[%dma_wait3A_343, %dma_wait3A_345, %dma_wait3A_346] : memref<10x80x32xf32, #tpu.memory_space<vmem>> -> memref<1x80x32xf32, #tpu.memory_space<vmem>>
    %dma_wait3A_348 = tpu.memref_squeeze %dma_wait3A_347 : memref<1x80x32xf32, #tpu.memory_space<vmem>> -> memref<80x32xf32, #tpu.memory_space<vmem>>
    %dma_wait3A_349 = arith.constant 0 : i32
    %dma_wait3A_350 = tpu.memref_slice %arg9[%dma_wait3A_344, %dma_wait3A_349] : memref<250x80xi32, #tpu.memory_space<vmem>> -> memref<1x80xi32, #tpu.memory_space<vmem>>
    %dma_wait3A_351 = tpu.memref_squeeze %dma_wait3A_350 : memref<1x80xi32, #tpu.memory_space<vmem>> -> memref<80xi32, #tpu.memory_space<vmem>>
    %dma_wait3A_352 = arith.constant 0 : i32
    %dma_wait3A_353 = arith.constant 0 : i32
    %dma_wait3A_354 = tpu.memref_slice %arg14[%dma_wait3A_352, %dma_wait3A_353] : memref<10240x32xf32, #tpu.memory_space<vmem_shared>> -> memref<10240x32xf32, #tpu.memory_space<vmem_shared>>
    tpu.wait_indirect_dma semaphore(%arg30 : memref<!tpu.dma_semaphore, #tpu.memory_space<semaphore_mem>>) src(%dma_wait3A_348 : memref<80x32xf32, #tpu.memory_space<vmem>>) dst(%dma_wait3A_354 : memref<10240x32xf32, #tpu.memory_space<vmem_shared>>)
    %dma_wait3A_355 = arith.constant 246 : i32
    %dma_wait3A_356 = arith.constant 6 : i32
    %dma_wait3A_357 = arith.constant 0 : i32
    %dma_wait3A_358 = arith.constant 0 : i32
    %dma_wait3A_359 = tpu.memref_slice %arg11[%dma_wait3A_356, %dma_wait3A_357, %dma_wait3A_358] : memref<10x80x32xf32, #tpu.memory_space<vmem>> -> memref<1x80x32xf32, #tpu.memory_space<vmem>>
    %dma_wait3A_360 = tpu.memref_squeeze %dma_wait3A_359 : memref<1x80x32xf32, #tpu.memory_space<vmem>> -> memref<80x32xf32, #tpu.memory_space<vmem>>
    %dma_wait3A_361 = arith.constant 0 : i32
    %dma_wait3A_362 = tpu.memref_slice %arg8[%dma_wait3A_355, %dma_wait3A_361] : memref<250x80xi32, #tpu.memory_space<vmem>> -> memref<1x80xi32, #tpu.memory_space<vmem>>
    %dma_wait3A_363 = tpu.memref_squeeze %dma_wait3A_362 : memref<1x80xi32, #tpu.memory_space<vmem>> -> memref<80xi32, #tpu.memory_space<vmem>>
    %dma_wait3A_364 = arith.constant 0 : i32
    %dma_wait3A_365 = arith.constant 0 : i32
    %dma_wait3A_366 = tpu.memref_slice %arg6[%dma_wait3A_364, %dma_wait3A_365] : memref<10240x32xf32, #tpu.memory_space<hbm>> -> memref<10240x32xf32, #tpu.memory_space<hbm>>
    tpu.wait_indirect_dma semaphore(%arg21 : memref<!tpu.dma_semaphore, #tpu.memory_space<semaphore_mem>>) src(%dma_wait3A_366 : memref<10240x32xf32, #tpu.memory_space<hbm>>) dst(%dma_wait3A_360 : memref<80x32xf32, #tpu.memory_space<vmem>>)
    %dma_start3A_367 = arith.constant 6 : i32
    %dma_start3A_368 = arith.constant 246 : i32
    %dma_start3A_369 = arith.constant 0 : i32
    %dma_start3A_370 = arith.constant 0 : i32
    %dma_start3A_371 = tpu.memref_slice %arg11[%dma_start3A_367, %dma_start3A_369, %dma_start3A_370] : memref<10x80x32xf32, #tpu.memory_space<vmem>> -> memref<1x80x32xf32, #tpu.memory_space<vmem>>
    %dma_start3A_372 = tpu.memref_squeeze %dma_start3A_371 : memref<1x80x32xf32, #tpu.memory_space<vmem>> -> memref<80x32xf32, #tpu.memory_space<vmem>>
    %dma_start3A_373 = arith.constant 0 : i32
    %dma_start3A_374 = tpu.memref_slice %arg9[%dma_start3A_368, %dma_start3A_373] : memref<250x80xi32, #tpu.memory_space<vmem>> -> memref<1x80xi32, #tpu.memory_space<vmem>>
    %dma_start3A_375 = tpu.memref_squeeze %dma_start3A_374 : memref<1x80xi32, #tpu.memory_space<vmem>> -> memref<80xi32, #tpu.memory_space<vmem>>
    %dma_start3A_376 = arith.constant 0 : i32
    %dma_start3A_377 = arith.constant 0 : i32
    %dma_start3A_378 = tpu.memref_slice %arg14[%dma_start3A_376, %dma_start3A_377] : memref<10240x32xf32, #tpu.memory_space<vmem_shared>> -> memref<10240x32xf32, #tpu.memory_space<vmem_shared>>
    tpu.enqueue_indirect_dma source(%dma_start3A_372 : memref<80x32xf32, #tpu.memory_space<vmem>>) target(%dma_start3A_378 : memref<10240x32xf32, #tpu.memory_space<vmem_shared>>) offsets(%dma_start3A_375 : memref<80xi32, #tpu.memory_space<vmem>>) semaphore(%arg31 : memref<!tpu.dma_semaphore, #tpu.memory_space<semaphore_mem>>) {add = true}
    %dma_wait3A_379 = arith.constant 6 : i32
    %dma_wait3A_380 = arith.constant 246 : i32
    %dma_wait3A_381 = arith.constant 0 : i32
    %dma_wait3A_382 = arith.constant 0 : i32
    %dma_wait3A_383 = tpu.memref_slice %arg11[%dma_wait3A_379, %dma_wait3A_381, %dma_wait3A_382] : memref<10x80x32xf32, #tpu.memory_space<vmem>> -> memref<1x80x32xf32, #tpu.memory_space<vmem>>
    %dma_wait3A_384 = tpu.memref_squeeze %dma_wait3A_383 : memref<1x80x32xf32, #tpu.memory_space<vmem>> -> memref<80x32xf32, #tpu.memory_space<vmem>>
    %dma_wait3A_385 = arith.constant 0 : i32
    %dma_wait3A_386 = tpu.memref_slice %arg9[%dma_wait3A_380, %dma_wait3A_385] : memref<250x80xi32, #tpu.memory_space<vmem>> -> memref<1x80xi32, #tpu.memory_space<vmem>>
    %dma_wait3A_387 = tpu.memref_squeeze %dma_wait3A_386 : memref<1x80xi32, #tpu.memory_space<vmem>> -> memref<80xi32, #tpu.memory_space<vmem>>
    %dma_wait3A_388 = arith.constant 0 : i32
    %dma_wait3A_389 = arith.constant 0 : i32
    %dma_wait3A_390 = tpu.memref_slice %arg14[%dma_wait3A_388, %dma_wait3A_389] : memref<10240x32xf32, #tpu.memory_space<vmem_shared>> -> memref<10240x32xf32, #tpu.memory_space<vmem_shared>>
    tpu.wait_indirect_dma semaphore(%arg31 : memref<!tpu.dma_semaphore, #tpu.memory_space<semaphore_mem>>) src(%dma_wait3A_384 : memref<80x32xf32, #tpu.memory_space<vmem>>) dst(%dma_wait3A_390 : memref<10240x32xf32, #tpu.memory_space<vmem_shared>>)
    %dma_wait3A_391 = arith.constant 247 : i32
    %dma_wait3A_392 = arith.constant 7 : i32
    %dma_wait3A_393 = arith.constant 0 : i32
    %dma_wait3A_394 = arith.constant 0 : i32
    %dma_wait3A_395 = tpu.memref_slice %arg11[%dma_wait3A_392, %dma_wait3A_393, %dma_wait3A_394] : memref<10x80x32xf32, #tpu.memory_space<vmem>> -> memref<1x80x32xf32, #tpu.memory_space<vmem>>
    %dma_wait3A_396 = tpu.memref_squeeze %dma_wait3A_395 : memref<1x80x32xf32, #tpu.memory_space<vmem>> -> memref<80x32xf32, #tpu.memory_space<vmem>>
    %dma_wait3A_397 = arith.constant 0 : i32
    %dma_wait3A_398 = tpu.memref_slice %arg8[%dma_wait3A_391, %dma_wait3A_397] : memref<250x80xi32, #tpu.memory_space<vmem>> -> memref<1x80xi32, #tpu.memory_space<vmem>>
    %dma_wait3A_399 = tpu.memref_squeeze %dma_wait3A_398 : memref<1x80xi32, #tpu.memory_space<vmem>> -> memref<80xi32, #tpu.memory_space<vmem>>
    %dma_wait3A_400 = arith.constant 0 : i32
    %dma_wait3A_401 = arith.constant 0 : i32
    %dma_wait3A_402 = tpu.memref_slice %arg6[%dma_wait3A_400, %dma_wait3A_401] : memref<10240x32xf32, #tpu.memory_space<hbm>> -> memref<10240x32xf32, #tpu.memory_space<hbm>>
    tpu.wait_indirect_dma semaphore(%arg22 : memref<!tpu.dma_semaphore, #tpu.memory_space<semaphore_mem>>) src(%dma_wait3A_402 : memref<10240x32xf32, #tpu.memory_space<hbm>>) dst(%dma_wait3A_396 : memref<80x32xf32, #tpu.memory_space<vmem>>)
    %dma_start3A_403 = arith.constant 7 : i32
    %dma_start3A_404 = arith.constant 247 : i32
    %dma_start3A_405 = arith.constant 0 : i32
    %dma_start3A_406 = arith.constant 0 : i32
    %dma_start3A_407 = tpu.memref_slice %arg11[%dma_start3A_403, %dma_start3A_405, %dma_start3A_406] : memref<10x80x32xf32, #tpu.memory_space<vmem>> -> memref<1x80x32xf32, #tpu.memory_space<vmem>>
    %dma_start3A_408 = tpu.memref_squeeze %dma_start3A_407 : memref<1x80x32xf32, #tpu.memory_space<vmem>> -> memref<80x32xf32, #tpu.memory_space<vmem>>
    %dma_start3A_409 = arith.constant 0 : i32
    %dma_start3A_410 = tpu.memref_slice %arg9[%dma_start3A_404, %dma_start3A_409] : memref<250x80xi32, #tpu.memory_space<vmem>> -> memref<1x80xi32, #tpu.memory_space<vmem>>
    %dma_start3A_411 = tpu.memref_squeeze %dma_start3A_410 : memref<1x80xi32, #tpu.memory_space<vmem>> -> memref<80xi32, #tpu.memory_space<vmem>>
    %dma_start3A_412 = arith.constant 0 : i32
    %dma_start3A_413 = arith.constant 0 : i32
    %dma_start3A_414 = tpu.memref_slice %arg14[%dma_start3A_412, %dma_start3A_413] : memref<10240x32xf32, #tpu.memory_space<vmem_shared>> -> memref<10240x32xf32, #tpu.memory_space<vmem_shared>>
    tpu.enqueue_indirect_dma source(%dma_start3A_408 : memref<80x32xf32, #tpu.memory_space<vmem>>) target(%dma_start3A_414 : memref<10240x32xf32, #tpu.memory_space<vmem_shared>>) offsets(%dma_start3A_411 : memref<80xi32, #tpu.memory_space<vmem>>) semaphore(%arg32 : memref<!tpu.dma_semaphore, #tpu.memory_space<semaphore_mem>>) {add = true}
    %dma_wait3A_415 = arith.constant 7 : i32
    %dma_wait3A_416 = arith.constant 247 : i32
    %dma_wait3A_417 = arith.constant 0 : i32
    %dma_wait3A_418 = arith.constant 0 : i32
    %dma_wait3A_419 = tpu.memref_slice %arg11[%dma_wait3A_415, %dma_wait3A_417, %dma_wait3A_418] : memref<10x80x32xf32, #tpu.memory_space<vmem>> -> memref<1x80x32xf32, #tpu.memory_space<vmem>>
    %dma_wait3A_420 = tpu.memref_squeeze %dma_wait3A_419 : memref<1x80x32xf32, #tpu.memory_space<vmem>> -> memref<80x32xf32, #tpu.memory_space<vmem>>
    %dma_wait3A_421 = arith.constant 0 : i32
    %dma_wait3A_422 = tpu.memref_slice %arg9[%dma_wait3A_416, %dma_wait3A_421] : memref<250x80xi32, #tpu.memory_space<vmem>> -> memref<1x80xi32, #tpu.memory_space<vmem>>
    %dma_wait3A_423 = tpu.memref_squeeze %dma_wait3A_422 : memref<1x80xi32, #tpu.memory_space<vmem>> -> memref<80xi32, #tpu.memory_space<vmem>>
    %dma_wait3A_424 = arith.constant 0 : i32
    %dma_wait3A_425 = arith.constant 0 : i32
    %dma_wait3A_426 = tpu.memref_slice %arg14[%dma_wait3A_424, %dma_wait3A_425] : memref<10240x32xf32, #tpu.memory_space<vmem_shared>> -> memref<10240x32xf32, #tpu.memory_space<vmem_shared>>
    tpu.wait_indirect_dma semaphore(%arg32 : memref<!tpu.dma_semaphore, #tpu.memory_space<semaphore_mem>>) src(%dma_wait3A_420 : memref<80x32xf32, #tpu.memory_space<vmem>>) dst(%dma_wait3A_426 : memref<10240x32xf32, #tpu.memory_space<vmem_shared>>)
    %dma_wait3A_427 = arith.constant 248 : i32
    %dma_wait3A_428 = arith.constant 8 : i32
    %dma_wait3A_429 = arith.constant 0 : i32
    %dma_wait3A_430 = arith.constant 0 : i32
    %dma_wait3A_431 = tpu.memref_slice %arg11[%dma_wait3A_428, %dma_wait3A_429, %dma_wait3A_430] : memref<10x80x32xf32, #tpu.memory_space<vmem>> -> memref<1x80x32xf32, #tpu.memory_space<vmem>>
    %dma_wait3A_432 = tpu.memref_squeeze %dma_wait3A_431 : memref<1x80x32xf32, #tpu.memory_space<vmem>> -> memref<80x32xf32, #tpu.memory_space<vmem>>
    %dma_wait3A_433 = arith.constant 0 : i32
    %dma_wait3A_434 = tpu.memref_slice %arg8[%dma_wait3A_427, %dma_wait3A_433] : memref<250x80xi32, #tpu.memory_space<vmem>> -> memref<1x80xi32, #tpu.memory_space<vmem>>
    %dma_wait3A_435 = tpu.memref_squeeze %dma_wait3A_434 : memref<1x80xi32, #tpu.memory_space<vmem>> -> memref<80xi32, #tpu.memory_space<vmem>>
    %dma_wait3A_436 = arith.constant 0 : i32
    %dma_wait3A_437 = arith.constant 0 : i32
    %dma_wait3A_438 = tpu.memref_slice %arg6[%dma_wait3A_436, %dma_wait3A_437] : memref<10240x32xf32, #tpu.memory_space<hbm>> -> memref<10240x32xf32, #tpu.memory_space<hbm>>
    tpu.wait_indirect_dma semaphore(%arg23 : memref<!tpu.dma_semaphore, #tpu.memory_space<semaphore_mem>>) src(%dma_wait3A_438 : memref<10240x32xf32, #tpu.memory_space<hbm>>) dst(%dma_wait3A_432 : memref<80x32xf32, #tpu.memory_space<vmem>>)
    %dma_start3A_439 = arith.constant 8 : i32
    %dma_start3A_440 = arith.constant 248 : i32
    %dma_start3A_441 = arith.constant 0 : i32
    %dma_start3A_442 = arith.constant 0 : i32
    %dma_start3A_443 = tpu.memref_slice %arg11[%dma_start3A_439, %dma_start3A_441, %dma_start3A_442] : memref<10x80x32xf32, #tpu.memory_space<vmem>> -> memref<1x80x32xf32, #tpu.memory_space<vmem>>
    %dma_start3A_444 = tpu.memref_squeeze %dma_start3A_443 : memref<1x80x32xf32, #tpu.memory_space<vmem>> -> memref<80x32xf32, #tpu.memory_space<vmem>>
    %dma_start3A_445 = arith.constant 0 : i32
    %dma_start3A_446 = tpu.memref_slice %arg9[%dma_start3A_440, %dma_start3A_445] : memref<250x80xi32, #tpu.memory_space<vmem>> -> memref<1x80xi32, #tpu.memory_space<vmem>>
    %dma_start3A_447 = tpu.memref_squeeze %dma_start3A_446 : memref<1x80xi32, #tpu.memory_space<vmem>> -> memref<80xi32, #tpu.memory_space<vmem>>
    %dma_start3A_448 = arith.constant 0 : i32
    %dma_start3A_449 = arith.constant 0 : i32
    %dma_start3A_450 = tpu.memref_slice %arg14[%dma_start3A_448, %dma_start3A_449] : memref<10240x32xf32, #tpu.memory_space<vmem_shared>> -> memref<10240x32xf32, #tpu.memory_space<vmem_shared>>
    tpu.enqueue_indirect_dma source(%dma_start3A_444 : memref<80x32xf32, #tpu.memory_space<vmem>>) target(%dma_start3A_450 : memref<10240x32xf32, #tpu.memory_space<vmem_shared>>) offsets(%dma_start3A_447 : memref<80xi32, #tpu.memory_space<vmem>>) semaphore(%arg33 : memref<!tpu.dma_semaphore, #tpu.memory_space<semaphore_mem>>) {add = true}
    %dma_wait3A_451 = arith.constant 8 : i32
    %dma_wait3A_452 = arith.constant 248 : i32
    %dma_wait3A_453 = arith.constant 0 : i32
    %dma_wait3A_454 = arith.constant 0 : i32
    %dma_wait3A_455 = tpu.memref_slice %arg11[%dma_wait3A_451, %dma_wait3A_453, %dma_wait3A_454] : memref<10x80x32xf32, #tpu.memory_space<vmem>> -> memref<1x80x32xf32, #tpu.memory_space<vmem>>
    %dma_wait3A_456 = tpu.memref_squeeze %dma_wait3A_455 : memref<1x80x32xf32, #tpu.memory_space<vmem>> -> memref<80x32xf32, #tpu.memory_space<vmem>>
    %dma_wait3A_457 = arith.constant 0 : i32
    %dma_wait3A_458 = tpu.memref_slice %arg9[%dma_wait3A_452, %dma_wait3A_457] : memref<250x80xi32, #tpu.memory_space<vmem>> -> memref<1x80xi32, #tpu.memory_space<vmem>>
    %dma_wait3A_459 = tpu.memref_squeeze %dma_wait3A_458 : memref<1x80xi32, #tpu.memory_space<vmem>> -> memref<80xi32, #tpu.memory_space<vmem>>
    %dma_wait3A_460 = arith.constant 0 : i32
    %dma_wait3A_461 = arith.constant 0 : i32
    %dma_wait3A_462 = tpu.memref_slice %arg14[%dma_wait3A_460, %dma_wait3A_461] : memref<10240x32xf32, #tpu.memory_space<vmem_shared>> -> memref<10240x32xf32, #tpu.memory_space<vmem_shared>>
    tpu.wait_indirect_dma semaphore(%arg33 : memref<!tpu.dma_semaphore, #tpu.memory_space<semaphore_mem>>) src(%dma_wait3A_456 : memref<80x32xf32, #tpu.memory_space<vmem>>) dst(%dma_wait3A_462 : memref<10240x32xf32, #tpu.memory_space<vmem_shared>>)
    %dma_wait3A_463 = arith.constant 249 : i32
    %dma_wait3A_464 = arith.constant 9 : i32
    %dma_wait3A_465 = arith.constant 0 : i32
    %dma_wait3A_466 = arith.constant 0 : i32
    %dma_wait3A_467 = tpu.memref_slice %arg11[%dma_wait3A_464, %dma_wait3A_465, %dma_wait3A_466] : memref<10x80x32xf32, #tpu.memory_space<vmem>> -> memref<1x80x32xf32, #tpu.memory_space<vmem>>
    %dma_wait3A_468 = tpu.memref_squeeze %dma_wait3A_467 : memref<1x80x32xf32, #tpu.memory_space<vmem>> -> memref<80x32xf32, #tpu.memory_space<vmem>>
    %dma_wait3A_469 = arith.constant 0 : i32
    %dma_wait3A_470 = tpu.memref_slice %arg8[%dma_wait3A_463, %dma_wait3A_469] : memref<250x80xi32, #tpu.memory_space<vmem>> -> memref<1x80xi32, #tpu.memory_space<vmem>>
    %dma_wait3A_471 = tpu.memref_squeeze %dma_wait3A_470 : memref<1x80xi32, #tpu.memory_space<vmem>> -> memref<80xi32, #tpu.memory_space<vmem>>
    %dma_wait3A_472 = arith.constant 0 : i32
    %dma_wait3A_473 = arith.constant 0 : i32
    %dma_wait3A_474 = tpu.memref_slice %arg6[%dma_wait3A_472, %dma_wait3A_473] : memref<10240x32xf32, #tpu.memory_space<hbm>> -> memref<10240x32xf32, #tpu.memory_space<hbm>>
    tpu.wait_indirect_dma semaphore(%arg24 : memref<!tpu.dma_semaphore, #tpu.memory_space<semaphore_mem>>) src(%dma_wait3A_474 : memref<10240x32xf32, #tpu.memory_space<hbm>>) dst(%dma_wait3A_468 : memref<80x32xf32, #tpu.memory_space<vmem>>)
    %dma_start3A_475 = arith.constant 9 : i32
    %dma_start3A_476 = arith.constant 249 : i32
    %dma_start3A_477 = arith.constant 0 : i32
    %dma_start3A_478 = arith.constant 0 : i32
    %dma_start3A_479 = tpu.memref_slice %arg11[%dma_start3A_475, %dma_start3A_477, %dma_start3A_478] : memref<10x80x32xf32, #tpu.memory_space<vmem>> -> memref<1x80x32xf32, #tpu.memory_space<vmem>>
    %dma_start3A_480 = tpu.memref_squeeze %dma_start3A_479 : memref<1x80x32xf32, #tpu.memory_space<vmem>> -> memref<80x32xf32, #tpu.memory_space<vmem>>
    %dma_start3A_481 = arith.constant 0 : i32
    %dma_start3A_482 = tpu.memref_slice %arg9[%dma_start3A_476, %dma_start3A_481] : memref<250x80xi32, #tpu.memory_space<vmem>> -> memref<1x80xi32, #tpu.memory_space<vmem>>
    %dma_start3A_483 = tpu.memref_squeeze %dma_start3A_482 : memref<1x80xi32, #tpu.memory_space<vmem>> -> memref<80xi32, #tpu.memory_space<vmem>>
    %dma_start3A_484 = arith.constant 0 : i32
    %dma_start3A_485 = arith.constant 0 : i32
    %dma_start3A_486 = tpu.memref_slice %arg14[%dma_start3A_484, %dma_start3A_485] : memref<10240x32xf32, #tpu.memory_space<vmem_shared>> -> memref<10240x32xf32, #tpu.memory_space<vmem_shared>>
    tpu.enqueue_indirect_dma source(%dma_start3A_480 : memref<80x32xf32, #tpu.memory_space<vmem>>) target(%dma_start3A_486 : memref<10240x32xf32, #tpu.memory_space<vmem_shared>>) offsets(%dma_start3A_483 : memref<80xi32, #tpu.memory_space<vmem>>) semaphore(%arg34 : memref<!tpu.dma_semaphore, #tpu.memory_space<semaphore_mem>>) {add = true}
    %dma_wait3A_487 = arith.constant 9 : i32
    %dma_wait3A_488 = arith.constant 249 : i32
    %dma_wait3A_489 = arith.constant 0 : i32
    %dma_wait3A_490 = arith.constant 0 : i32
    %dma_wait3A_491 = tpu.memref_slice %arg11[%dma_wait3A_487, %dma_wait3A_489, %dma_wait3A_490] : memref<10x80x32xf32, #tpu.memory_space<vmem>> -> memref<1x80x32xf32, #tpu.memory_space<vmem>>
    %dma_wait3A_492 = tpu.memref_squeeze %dma_wait3A_491 : memref<1x80x32xf32, #tpu.memory_space<vmem>> -> memref<80x32xf32, #tpu.memory_space<vmem>>
    %dma_wait3A_493 = arith.constant 0 : i32
    %dma_wait3A_494 = tpu.memref_slice %arg9[%dma_wait3A_488, %dma_wait3A_493] : memref<250x80xi32, #tpu.memory_space<vmem>> -> memref<1x80xi32, #tpu.memory_space<vmem>>
    %dma_wait3A_495 = tpu.memref_squeeze %dma_wait3A_494 : memref<1x80xi32, #tpu.memory_space<vmem>> -> memref<80xi32, #tpu.memory_space<vmem>>
    %dma_wait3A_496 = arith.constant 0 : i32
    %dma_wait3A_497 = arith.constant 0 : i32
    %dma_wait3A_498 = tpu.memref_slice %arg14[%dma_wait3A_496, %dma_wait3A_497] : memref<10240x32xf32, #tpu.memory_space<vmem_shared>> -> memref<10240x32xf32, #tpu.memory_space<vmem_shared>>
    tpu.wait_indirect_dma semaphore(%arg34 : memref<!tpu.dma_semaphore, #tpu.memory_space<semaphore_mem>>) src(%dma_wait3A_492 : memref<80x32xf32, #tpu.memory_space<vmem>>) dst(%dma_wait3A_498 : memref<10240x32xf32, #tpu.memory_space<vmem_shared>>)
    %barrier3A_499 = arith.constant 0 : index
    tpu.barrier barrier_id(%barrier3A_499)
    "tpu.region"() ({
      %run_scoped3A = tpu.sem_alloc : memref<!tpu.dma_semaphore, #tpu.memory_space<semaphore_mem>>
      %dma_start3A_505 = arith.constant 0 : i32
      %dma_start3A_506 = tpu.memref_slice %arg14[%mul3A_0, %dma_start3A_505] : memref<10240x32xf32, #tpu.memory_space<vmem_shared>> -> memref<640x32xf32, #tpu.memory_space<vmem_shared>>
      %dma_start3A_507 = arith.constant 0 : i32
      %dma_start3A_508 = tpu.memref_slice %arg14[%mul3A_0, %dma_start3A_507] : memref<10240x32xf32, #tpu.memory_space<vmem_shared>> -> memref<640x32xf32, #tpu.memory_space<vmem_shared>>
      tpu.enqueue_dma source(%dma_start3A_508 : memref<640x32xf32, #tpu.memory_space<vmem_shared>>) target(%arg10 : memref<640x32xf32, #tpu.memory_space<vmem>>) target_semaphore(%run_scoped3A : memref<!tpu.dma_semaphore, #tpu.memory_space<semaphore_mem>>)
      %dma_wait3A_509 = arith.constant 0 : i32
      %dma_wait3A_510 = tpu.memref_slice %arg14[%mul3A_0, %dma_wait3A_509] : memref<10240x32xf32, #tpu.memory_space<vmem_shared>> -> memref<640x32xf32, #tpu.memory_space<vmem_shared>>
      %dma_wait3A_511 = arith.constant 0 : i32
      %dma_wait3A_512 = tpu.memref_slice %arg14[%mul3A_0, %dma_wait3A_511] : memref<10240x32xf32, #tpu.memory_space<vmem_shared>> -> memref<640x32xf32, #tpu.memory_space<vmem_shared>>
      tpu.wait_dma2 semaphore(%run_scoped3A : memref<!tpu.dma_semaphore, #tpu.memory_space<semaphore_mem>>) src(%dma_wait3A_512 : memref<640x32xf32, #tpu.memory_space<vmem_shared>>) dst(%arg10 : memref<640x32xf32, #tpu.memory_space<vmem>>)
      tpu.yield
    }) : () -> ()
    %scan3A_500 = arith.constant 0 : i32
    %scan3A_501 = arith.constant 40 : i32
    %scan3A_502 = arith.addi %scan3A_500, %scan3A_501 : i32
    %scan3A_503 = arith.constant 1 : i32
    scf.for %scan3A_505 = %scan3A_500 to %scan3A_502 step %scan3A_503  : i32 {
      %mul3A_506 = arith.constant 16 : i32
      %mul3A_507 = arith.muli %scan3A_505, %mul3A_506 : i32
      %get3A = arith.index_cast %mul3A_507 : i32 to index
      %get3A_508 = tpu.vector_load %arg13[%get3A] {strides = array<i32>} : memref<640xf32, #tpu.memory_space<vmem>>, vector<16xf32>,
      %slice3A = vector.extract_strided_slice %get3A_508 {offsets = [0], sizes = [1], strides = [1]} : vector<16xf32> to vector<1xf32>
      %squeeze3A = vector.extract %slice3A[0] : f32 from vector<1xf32>
      %mul3A_509 = arith.constant 16 : i32
      %mul3A_510 = arith.muli %scan3A_505, %mul3A_509 : i32
      %add3A_511 = arith.constant 0 : i32
      %add3A_512 = arith.addi %mul3A_510, %add3A_511 : i32
      %get3A_513 = arith.index_cast %add3A_512 : i32 to index
      %get3A_514 = arith.constant 0 : index
      %get3A_515 = tpu.vector_load %arg10[%get3A_513, %get3A_514] {strides = array<i32>} : memref<640x32xf32, #tpu.memory_space<vmem>>, vector<16xf32>,
      %mul3A_516 = vector.broadcast %squeeze3A : f32 to vector<16xf32>
      %mul3A_517 = arith.mulf %get3A_515, %mul3A_516 : vector<16xf32>
      %swap3A = arith.index_cast %add3A_512 : i32 to index
      %swap3A_518 = arith.constant 0 : index
      %swap3A_519 = tpu.vector_load %arg10[%swap3A, %swap3A_518] {strides = array<i32>} : memref<640x32xf32, #tpu.memory_space<vmem>>, vector<16xf32>,
      tpu.vector_store %arg10[%swap3A, %swap3A_518], %mul3A_517 {strides = array<i32>} : memref<640x32xf32, #tpu.memory_space<vmem>>, vector<16xf32>,
      %get3A_520 = arith.index_cast %add3A_512 : i32 to index
      %get3A_521 = arith.constant 16 : index
      %get3A_522 = tpu.vector_load %arg10[%get3A_520, %get3A_521] {strides = array<i32>} : memref<640x32xf32, #tpu.memory_space<vmem>>, vector<16xf32>,
      %mul3A_523 = vector.broadcast %squeeze3A : f32 to vector<16xf32>
      %mul3A_524 = arith.mulf %get3A_522, %mul3A_523 : vector<16xf32>
      %swap3A_525 = arith.index_cast %add3A_512 : i32 to index
      %swap3A_526 = arith.constant 16 : index
      %swap3A_527 = tpu.vector_load %arg10[%swap3A_525, %swap3A_526] {strides = array<i32>} : memref<640x32xf32, #tpu.memory_space<vmem>>, vector<16xf32>,
      tpu.vector_store %arg10[%swap3A_525, %swap3A_526], %mul3A_524 {strides = array<i32>} : memref<640x32xf32, #tpu.memory_space<vmem>>, vector<16xf32>,
      %slice3A_528 = vector.extract_strided_slice %get3A_508 {offsets = [1], sizes = [1], strides = [1]} : vector<16xf32> to vector<1xf32>
      %squeeze3A_529 = vector.extract %slice3A_528[0] : f32 from vector<1xf32>
      %mul3A_530 = arith.constant 16 : i32
      %mul3A_531 = arith.muli %scan3A_505, %mul3A_530 : i32
      %add3A_532 = arith.constant 1 : i32
      %add3A_533 = arith.addi %mul3A_531, %add3A_532 : i32
      %get3A_534 = arith.index_cast %add3A_533 : i32 to index
      %get3A_535 = arith.constant 0 : index
      %get3A_536 = tpu.vector_load %arg10[%get3A_534, %get3A_535] {strides = array<i32>} : memref<640x32xf32, #tpu.memory_space<vmem>>, vector<16xf32>,
      %mul3A_537 = vector.broadcast %squeeze3A_529 : f32 to vector<16xf32>
      %mul3A_538 = arith.mulf %get3A_536, %mul3A_537 : vector<16xf32>
      %swap3A_539 = arith.index_cast %add3A_533 : i32 to index
      %swap3A_540 = arith.constant 0 : index
      %swap3A_541 = tpu.vector_load %arg10[%swap3A_539, %swap3A_540] {strides = array<i32>} : memref<640x32xf32, #tpu.memory_space<vmem>>, vector<16xf32>,
      tpu.vector_store %arg10[%swap3A_539, %swap3A_540], %mul3A_538 {strides = array<i32>} : memref<640x32xf32, #tpu.memory_space<vmem>>, vector<16xf32>,
      %get3A_542 = arith.index_cast %add3A_533 : i32 to index
      %get3A_543 = arith.constant 16 : index
      %get3A_544 = tpu.vector_load %arg10[%get3A_542, %get3A_543] {strides = array<i32>} : memref<640x32xf32, #tpu.memory_space<vmem>>, vector<16xf32>,
      %mul3A_545 = vector.broadcast %squeeze3A_529 : f32 to vector<16xf32>
      %mul3A_546 = arith.mulf %get3A_544, %mul3A_545 : vector<16xf32>
      %swap3A_547 = arith.index_cast %add3A_533 : i32 to index
      %swap3A_548 = arith.constant 16 : index
      %swap3A_549 = tpu.vector_load %arg10[%swap3A_547, %swap3A_548] {strides = array<i32>} : memref<640x32xf32, #tpu.memory_space<vmem>>, vector<16xf32>,
      tpu.vector_store %arg10[%swap3A_547, %swap3A_548], %mul3A_546 {strides = array<i32>} : memref<640x32xf32, #tpu.memory_space<vmem>>, vector<16xf32>,
      %slice3A_550 = vector.extract_strided_slice %get3A_508 {offsets = [2], sizes = [1], strides = [1]} : vector<16xf32> to vector<1xf32>
      %squeeze3A_551 = vector.extract %slice3A_550[0] : f32 from vector<1xf32>
      %mul3A_552 = arith.constant 16 : i32
      %mul3A_553 = arith.muli %scan3A_505, %mul3A_552 : i32
      %add3A_554 = arith.constant 2 : i32
      %add3A_555 = arith.addi %mul3A_553, %add3A_554 : i32
      %get3A_556 = arith.index_cast %add3A_555 : i32 to index
      %get3A_557 = arith.constant 0 : index
      %get3A_558 = tpu.vector_load %arg10[%get3A_556, %get3A_557] {strides = array<i32>} : memref<640x32xf32, #tpu.memory_space<vmem>>, vector<16xf32>,
      %mul3A_559 = vector.broadcast %squeeze3A_551 : f32 to vector<16xf32>
      %mul3A_560 = arith.mulf %get3A_558, %mul3A_559 : vector<16xf32>
      %swap3A_561 = arith.index_cast %add3A_555 : i32 to index
      %swap3A_562 = arith.constant 0 : index
      %swap3A_563 = tpu.vector_load %arg10[%swap3A_561, %swap3A_562] {strides = array<i32>} : memref<640x32xf32, #tpu.memory_space<vmem>>, vector<16xf32>,
      tpu.vector_store %arg10[%swap3A_561, %swap3A_562], %mul3A_560 {strides = array<i32>} : memref<640x32xf32, #tpu.memory_space<vmem>>, vector<16xf32>,
      %get3A_564 = arith.index_cast %add3A_555 : i32 to index
      %get3A_565 = arith.constant 16 : index
      %get3A_566 = tpu.vector_load %arg10[%get3A_564, %get3A_565] {strides = array<i32>} : memref<640x32xf32, #tpu.memory_space<vmem>>, vector<16xf32>,
      %mul3A_567 = vector.broadcast %squeeze3A_551 : f32 to vector<16xf32>
      %mul3A_568 = arith.mulf %get3A_566, %mul3A_567 : vector<16xf32>
      %swap3A_569 = arith.index_cast %add3A_555 : i32 to index
      %swap3A_570 = arith.constant 16 : index
      %swap3A_571 = tpu.vector_load %arg10[%swap3A_569, %swap3A_570] {strides = array<i32>} : memref<640x32xf32, #tpu.memory_space<vmem>>, vector<16xf32>,
      tpu.vector_store %arg10[%swap3A_569, %swap3A_570], %mul3A_568 {strides = array<i32>} : memref<640x32xf32, #tpu.memory_space<vmem>>, vector<16xf32>,
      %slice3A_572 = vector.extract_strided_slice %get3A_508 {offsets = [3], sizes = [1], strides = [1]} : vector<16xf32> to vector<1xf32>
      %squeeze3A_573 = vector.extract %slice3A_572[0] : f32 from vector<1xf32>
      %mul3A_574 = arith.constant 16 : i32
      %mul3A_575 = arith.muli %scan3A_505, %mul3A_574 : i32
      %add3A_576 = arith.constant 3 : i32
      %add3A_577 = arith.addi %mul3A_575, %add3A_576 : i32
      %get3A_578 = arith.index_cast %add3A_577 : i32 to index
      %get3A_579 = arith.constant 0 : index
      %get3A_580 = tpu.vector_load %arg10[%get3A_578, %get3A_579] {strides = array<i32>} : memref<640x32xf32, #tpu.memory_space<vmem>>, vector<16xf32>,
      %mul3A_581 = vector.broadcast %squeeze3A_573 : f32 to vector<16xf32>
      %mul3A_582 = arith.mulf %get3A_580, %mul3A_581 : vector<16xf32>
      %swap3A_583 = arith.index_cast %add3A_577 : i32 to index
      %swap3A_584 = arith.constant 0 : index
      %swap3A_585 = tpu.vector_load %arg10[%swap3A_583, %swap3A_584] {strides = array<i32>} : memref<640x32xf32, #tpu.memory_space<vmem>>, vector<16xf32>,
      tpu.vector_store %arg10[%swap3A_583, %swap3A_584], %mul3A_582 {strides = array<i32>} : memref<640x32xf32, #tpu.memory_space<vmem>>, vector<16xf32>,
      %get3A_586 = arith.index_cast %add3A_577 : i32 to index
      %get3A_587 = arith.constant 16 : index
      %get3A_588 = tpu.vector_load %arg10[%get3A_586, %get3A_587] {strides = array<i32>} : memref<640x32xf32, #tpu.memory_space<vmem>>, vector<16xf32>,
      %mul3A_589 = vector.broadcast %squeeze3A_573 : f32 to vector<16xf32>
      %mul3A_590 = arith.mulf %get3A_588, %mul3A_589 : vector<16xf32>
      %swap3A_591 = arith.index_cast %add3A_577 : i32 to index
      %swap3A_592 = arith.constant 16 : index
      %swap3A_593 = tpu.vector_load %arg10[%swap3A_591, %swap3A_592] {strides = array<i32>} : memref<640x32xf32, #tpu.memory_space<vmem>>, vector<16xf32>,
      tpu.vector_store %arg10[%swap3A_591, %swap3A_592], %mul3A_590 {strides = array<i32>} : memref<640x32xf32, #tpu.memory_space<vmem>>, vector<16xf32>,
      %slice3A_594 = vector.extract_strided_slice %get3A_508 {offsets = [4], sizes = [1], strides = [1]} : vector<16xf32> to vector<1xf32>
      %squeeze3A_595 = vector.extract %slice3A_594[0] : f32 from vector<1xf32>
      %mul3A_596 = arith.constant 16 : i32
      %mul3A_597 = arith.muli %scan3A_505, %mul3A_596 : i32
      %add3A_598 = arith.constant 4 : i32
      %add3A_599 = arith.addi %mul3A_597, %add3A_598 : i32
      %get3A_600 = arith.index_cast %add3A_599 : i32 to index
      %get3A_601 = arith.constant 0 : index
      %get3A_602 = tpu.vector_load %arg10[%get3A_600, %get3A_601] {strides = array<i32>} : memref<640x32xf32, #tpu.memory_space<vmem>>, vector<16xf32>,
      %mul3A_603 = vector.broadcast %squeeze3A_595 : f32 to vector<16xf32>
      %mul3A_604 = arith.mulf %get3A_602, %mul3A_603 : vector<16xf32>
      %swap3A_605 = arith.index_cast %add3A_599 : i32 to index
      %swap3A_606 = arith.constant 0 : index
      %swap3A_607 = tpu.vector_load %arg10[%swap3A_605, %swap3A_606] {strides = array<i32>} : memref<640x32xf32, #tpu.memory_space<vmem>>, vector<16xf32>,
      tpu.vector_store %arg10[%swap3A_605, %swap3A_606], %mul3A_604 {strides = array<i32>} : memref<640x32xf32, #tpu.memory_space<vmem>>, vector<16xf32>,
      %get3A_608 = arith.index_cast %add3A_599 : i32 to index
      %get3A_609 = arith.constant 16 : index
      %get3A_610 = tpu.vector_load %arg10[%get3A_608, %get3A_609] {strides = array<i32>} : memref<640x32xf32, #tpu.memory_space<vmem>>, vector<16xf32>,
      %mul3A_611 = vector.broadcast %squeeze3A_595 : f32 to vector<16xf32>
      %mul3A_612 = arith.mulf %get3A_610, %mul3A_611 : vector<16xf32>
      %swap3A_613 = arith.index_cast %add3A_599 : i32 to index
      %swap3A_614 = arith.constant 16 : index
      %swap3A_615 = tpu.vector_load %arg10[%swap3A_613, %swap3A_614] {strides = array<i32>} : memref<640x32xf32, #tpu.memory_space<vmem>>, vector<16xf32>,
      tpu.vector_store %arg10[%swap3A_613, %swap3A_614], %mul3A_612 {strides = array<i32>} : memref<640x32xf32, #tpu.memory_space<vmem>>, vector<16xf32>,
      %slice3A_616 = vector.extract_strided_slice %get3A_508 {offsets = [5], sizes = [1], strides = [1]} : vector<16xf32> to vector<1xf32>
      %squeeze3A_617 = vector.extract %slice3A_616[0] : f32 from vector<1xf32>
      %mul3A_618 = arith.constant 16 : i32
      %mul3A_619 = arith.muli %scan3A_505, %mul3A_618 : i32
      %add3A_620 = arith.constant 5 : i32
      %add3A_621 = arith.addi %mul3A_619, %add3A_620 : i32
      %get3A_622 = arith.index_cast %add3A_621 : i32 to index
      %get3A_623 = arith.constant 0 : index
      %get3A_624 = tpu.vector_load %arg10[%get3A_622, %get3A_623] {strides = array<i32>} : memref<640x32xf32, #tpu.memory_space<vmem>>, vector<16xf32>,
      %mul3A_625 = vector.broadcast %squeeze3A_617 : f32 to vector<16xf32>
      %mul3A_626 = arith.mulf %get3A_624, %mul3A_625 : vector<16xf32>
      %swap3A_627 = arith.index_cast %add3A_621 : i32 to index
      %swap3A_628 = arith.constant 0 : index
      %swap3A_629 = tpu.vector_load %arg10[%swap3A_627, %swap3A_628] {strides = array<i32>} : memref<640x32xf32, #tpu.memory_space<vmem>>, vector<16xf32>,
      tpu.vector_store %arg10[%swap3A_627, %swap3A_628], %mul3A_626 {strides = array<i32>} : memref<640x32xf32, #tpu.memory_space<vmem>>, vector<16xf32>,
      %get3A_630 = arith.index_cast %add3A_621 : i32 to index
      %get3A_631 = arith.constant 16 : index
      %get3A_632 = tpu.vector_load %arg10[%get3A_630, %get3A_631] {strides = array<i32>} : memref<640x32xf32, #tpu.memory_space<vmem>>, vector<16xf32>,
      %mul3A_633 = vector.broadcast %squeeze3A_617 : f32 to vector<16xf32>
      %mul3A_634 = arith.mulf %get3A_632, %mul3A_633 : vector<16xf32>
      %swap3A_635 = arith.index_cast %add3A_621 : i32 to index
      %swap3A_636 = arith.constant 16 : index
      %swap3A_637 = tpu.vector_load %arg10[%swap3A_635, %swap3A_636] {strides = array<i32>} : memref<640x32xf32, #tpu.memory_space<vmem>>, vector<16xf32>,
      tpu.vector_store %arg10[%swap3A_635, %swap3A_636], %mul3A_634 {strides = array<i32>} : memref<640x32xf32, #tpu.memory_space<vmem>>, vector<16xf32>,
      %slice3A_638 = vector.extract_strided_slice %get3A_508 {offsets = [6], sizes = [1], strides = [1]} : vector<16xf32> to vector<1xf32>
      %squeeze3A_639 = vector.extract %slice3A_638[0] : f32 from vector<1xf32>
      %mul3A_640 = arith.constant 16 : i32
      %mul3A_641 = arith.muli %scan3A_505, %mul3A_640 : i32
      %add3A_642 = arith.constant 6 : i32
      %add3A_643 = arith.addi %mul3A_641, %add3A_642 : i32
      %get3A_644 = arith.index_cast %add3A_643 : i32 to index
      %get3A_645 = arith.constant 0 : index
      %get3A_646 = tpu.vector_load %arg10[%get3A_644, %get3A_645] {strides = array<i32>} : memref<640x32xf32, #tpu.memory_space<vmem>>, vector<16xf32>,
      %mul3A_647 = vector.broadcast %squeeze3A_639 : f32 to vector<16xf32>
      %mul3A_648 = arith.mulf %get3A_646, %mul3A_647 : vector<16xf32>
      %swap3A_649 = arith.index_cast %add3A_643 : i32 to index
      %swap3A_650 = arith.constant 0 : index
      %swap3A_651 = tpu.vector_load %arg10[%swap3A_649, %swap3A_650] {strides = array<i32>} : memref<640x32xf32, #tpu.memory_space<vmem>>, vector<16xf32>,
      tpu.vector_store %arg10[%swap3A_649, %swap3A_650], %mul3A_648 {strides = array<i32>} : memref<640x32xf32, #tpu.memory_space<vmem>>, vector<16xf32>,
      %get3A_652 = arith.index_cast %add3A_643 : i32 to index
      %get3A_653 = arith.constant 16 : index
      %get3A_654 = tpu.vector_load %arg10[%get3A_652, %get3A_653] {strides = array<i32>} : memref<640x32xf32, #tpu.memory_space<vmem>>, vector<16xf32>,
      %mul3A_655 = vector.broadcast %squeeze3A_639 : f32 to vector<16xf32>
      %mul3A_656 = arith.mulf %get3A_654, %mul3A_655 : vector<16xf32>
      %swap3A_657 = arith.index_cast %add3A_643 : i32 to index
      %swap3A_658 = arith.constant 16 : index
      %swap3A_659 = tpu.vector_load %arg10[%swap3A_657, %swap3A_658] {strides = array<i32>} : memref<640x32xf32, #tpu.memory_space<vmem>>, vector<16xf32>,
      tpu.vector_store %arg10[%swap3A_657, %swap3A_658], %mul3A_656 {strides = array<i32>} : memref<640x32xf32, #tpu.memory_space<vmem>>, vector<16xf32>,
      %slice3A_660 = vector.extract_strided_slice %get3A_508 {offsets = [7], sizes = [1], strides = [1]} : vector<16xf32> to vector<1xf32>
      %squeeze3A_661 = vector.extract %slice3A_660[0] : f32 from vector<1xf32>
      %mul3A_662 = arith.constant 16 : i32
      %mul3A_663 = arith.muli %scan3A_505, %mul3A_662 : i32
      %add3A_664 = arith.constant 7 : i32
      %add3A_665 = arith.addi %mul3A_663, %add3A_664 : i32
      %get3A_666 = arith.index_cast %add3A_665 : i32 to index
      %get3A_667 = arith.constant 0 : index
      %get3A_668 = tpu.vector_load %arg10[%get3A_666, %get3A_667] {strides = array<i32>} : memref<640x32xf32, #tpu.memory_space<vmem>>, vector<16xf32>,
      %mul3A_669 = vector.broadcast %squeeze3A_661 : f32 to vector<16xf32>
      %mul3A_670 = arith.mulf %get3A_668, %mul3A_669 : vector<16xf32>
      %swap3A_671 = arith.index_cast %add3A_665 : i32 to index
      %swap3A_672 = arith.constant 0 : index
      %swap3A_673 = tpu.vector_load %arg10[%swap3A_671, %swap3A_672] {strides = array<i32>} : memref<640x32xf32, #tpu.memory_space<vmem>>, vector<16xf32>,
      tpu.vector_store %arg10[%swap3A_671, %swap3A_672], %mul3A_670 {strides = array<i32>} : memref<640x32xf32, #tpu.memory_space<vmem>>, vector<16xf32>,
      %get3A_674 = arith.index_cast %add3A_665 : i32 to index
      %get3A_675 = arith.constant 16 : index
      %get3A_676 = tpu.vector_load %arg10[%get3A_674, %get3A_675] {strides = array<i32>} : memref<640x32xf32, #tpu.memory_space<vmem>>, vector<16xf32>,
      %mul3A_677 = vector.broadcast %squeeze3A_661 : f32 to vector<16xf32>
      %mul3A_678 = arith.mulf %get3A_676, %mul3A_677 : vector<16xf32>
      %swap3A_679 = arith.index_cast %add3A_665 : i32 to index
      %swap3A_680 = arith.constant 16 : index
      %swap3A_681 = tpu.vector_load %arg10[%swap3A_679, %swap3A_680] {strides = array<i32>} : memref<640x32xf32, #tpu.memory_space<vmem>>, vector<16xf32>,
      tpu.vector_store %arg10[%swap3A_679, %swap3A_680], %mul3A_678 {strides = array<i32>} : memref<640x32xf32, #tpu.memory_space<vmem>>, vector<16xf32>,
      %slice3A_682 = vector.extract_strided_slice %get3A_508 {offsets = [8], sizes = [1], strides = [1]} : vector<16xf32> to vector<1xf32>
      %squeeze3A_683 = vector.extract %slice3A_682[0] : f32 from vector<1xf32>
      %mul3A_684 = arith.constant 16 : i32
      %mul3A_685 = arith.muli %scan3A_505, %mul3A_684 : i32
      %add3A_686 = arith.constant 8 : i32
      %add3A_687 = arith.addi %mul3A_685, %add3A_686 : i32
      %get3A_688 = arith.index_cast %add3A_687 : i32 to index
      %get3A_689 = arith.constant 0 : index
      %get3A_690 = tpu.vector_load %arg10[%get3A_688, %get3A_689] {strides = array<i32>} : memref<640x32xf32, #tpu.memory_space<vmem>>, vector<16xf32>,
      %mul3A_691 = vector.broadcast %squeeze3A_683 : f32 to vector<16xf32>
      %mul3A_692 = arith.mulf %get3A_690, %mul3A_691 : vector<16xf32>
      %swap3A_693 = arith.index_cast %add3A_687 : i32 to index
      %swap3A_694 = arith.constant 0 : index
      %swap3A_695 = tpu.vector_load %arg10[%swap3A_693, %swap3A_694] {strides = array<i32>} : memref<640x32xf32, #tpu.memory_space<vmem>>, vector<16xf32>,
      tpu.vector_store %arg10[%swap3A_693, %swap3A_694], %mul3A_692 {strides = array<i32>} : memref<640x32xf32, #tpu.memory_space<vmem>>, vector<16xf32>,
      %get3A_696 = arith.index_cast %add3A_687 : i32 to index
      %get3A_697 = arith.constant 16 : index
      %get3A_698 = tpu.vector_load %arg10[%get3A_696, %get3A_697] {strides = array<i32>} : memref<640x32xf32, #tpu.memory_space<vmem>>, vector<16xf32>,
      %mul3A_699 = vector.broadcast %squeeze3A_683 : f32 to vector<16xf32>
      %mul3A_700 = arith.mulf %get3A_698, %mul3A_699 : vector<16xf32>
      %swap3A_701 = arith.index_cast %add3A_687 : i32 to index
      %swap3A_702 = arith.constant 16 : index
      %swap3A_703 = tpu.vector_load %arg10[%swap3A_701, %swap3A_702] {strides = array<i32>} : memref<640x32xf32, #tpu.memory_space<vmem>>, vector<16xf32>,
      tpu.vector_store %arg10[%swap3A_701, %swap3A_702], %mul3A_700 {strides = array<i32>} : memref<640x32xf32, #tpu.memory_space<vmem>>, vector<16xf32>,
      %slice3A_704 = vector.extract_strided_slice %get3A_508 {offsets = [9], sizes = [1], strides = [1]} : vector<16xf32> to vector<1xf32>
      %squeeze3A_705 = vector.extract %slice3A_704[0] : f32 from vector<1xf32>
      %mul3A_706 = arith.constant 16 : i32
      %mul3A_707 = arith.muli %scan3A_505, %mul3A_706 : i32
      %add3A_708 = arith.constant 9 : i32
      %add3A_709 = arith.addi %mul3A_707, %add3A_708 : i32
      %get3A_710 = arith.index_cast %add3A_709 : i32 to index
      %get3A_711 = arith.constant 0 : index
      %get3A_712 = tpu.vector_load %arg10[%get3A_710, %get3A_711] {strides = array<i32>} : memref<640x32xf32, #tpu.memory_space<vmem>>, vector<16xf32>,
      %mul3A_713 = vector.broadcast %squeeze3A_705 : f32 to vector<16xf32>
      %mul3A_714 = arith.mulf %get3A_712, %mul3A_713 : vector<16xf32>
      %swap3A_715 = arith.index_cast %add3A_709 : i32 to index
      %swap3A_716 = arith.constant 0 : index
      %swap3A_717 = tpu.vector_load %arg10[%swap3A_715, %swap3A_716] {strides = array<i32>} : memref<640x32xf32, #tpu.memory_space<vmem>>, vector<16xf32>,
      tpu.vector_store %arg10[%swap3A_715, %swap3A_716], %mul3A_714 {strides = array<i32>} : memref<640x32xf32, #tpu.memory_space<vmem>>, vector<16xf32>,
      %get3A_718 = arith.index_cast %add3A_709 : i32 to index
      %get3A_719 = arith.constant 16 : index
      %get3A_720 = tpu.vector_load %arg10[%get3A_718, %get3A_719] {strides = array<i32>} : memref<640x32xf32, #tpu.memory_space<vmem>>, vector<16xf32>,
      %mul3A_721 = vector.broadcast %squeeze3A_705 : f32 to vector<16xf32>
      %mul3A_722 = arith.mulf %get3A_720, %mul3A_721 : vector<16xf32>
      %swap3A_723 = arith.index_cast %add3A_709 : i32 to index
      %swap3A_724 = arith.constant 16 : index
      %swap3A_725 = tpu.vector_load %arg10[%swap3A_723, %swap3A_724] {strides = array<i32>} : memref<640x32xf32, #tpu.memory_space<vmem>>, vector<16xf32>,
      tpu.vector_store %arg10[%swap3A_723, %swap3A_724], %mul3A_722 {strides = array<i32>} : memref<640x32xf32, #tpu.memory_space<vmem>>, vector<16xf32>,
      %slice3A_726 = vector.extract_strided_slice %get3A_508 {offsets = [10], sizes = [1], strides = [1]} : vector<16xf32> to vector<1xf32>
      %squeeze3A_727 = vector.extract %slice3A_726[0] : f32 from vector<1xf32>
      %mul3A_728 = arith.constant 16 : i32
      %mul3A_729 = arith.muli %scan3A_505, %mul3A_728 : i32
      %add3A_730 = arith.constant 10 : i32
      %add3A_731 = arith.addi %mul3A_729, %add3A_730 : i32
      %get3A_732 = arith.index_cast %add3A_731 : i32 to index
      %get3A_733 = arith.constant 0 : index
      %get3A_734 = tpu.vector_load %arg10[%get3A_732, %get3A_733] {strides = array<i32>} : memref<640x32xf32, #tpu.memory_space<vmem>>, vector<16xf32>,
      %mul3A_735 = vector.broadcast %squeeze3A_727 : f32 to vector<16xf32>
      %mul3A_736 = arith.mulf %get3A_734, %mul3A_735 : vector<16xf32>
      %swap3A_737 = arith.index_cast %add3A_731 : i32 to index
      %swap3A_738 = arith.constant 0 : index
      %swap3A_739 = tpu.vector_load %arg10[%swap3A_737, %swap3A_738] {strides = array<i32>} : memref<640x32xf32, #tpu.memory_space<vmem>>, vector<16xf32>,
      tpu.vector_store %arg10[%swap3A_737, %swap3A_738], %mul3A_736 {strides = array<i32>} : memref<640x32xf32, #tpu.memory_space<vmem>>, vector<16xf32>,
      %get3A_740 = arith.index_cast %add3A_731 : i32 to index
      %get3A_741 = arith.constant 16 : index
      %get3A_742 = tpu.vector_load %arg10[%get3A_740, %get3A_741] {strides = array<i32>} : memref<640x32xf32, #tpu.memory_space<vmem>>, vector<16xf32>,
      %mul3A_743 = vector.broadcast %squeeze3A_727 : f32 to vector<16xf32>
      %mul3A_744 = arith.mulf %get3A_742, %mul3A_743 : vector<16xf32>
      %swap3A_745 = arith.index_cast %add3A_731 : i32 to index
      %swap3A_746 = arith.constant 16 : index
      %swap3A_747 = tpu.vector_load %arg10[%swap3A_745, %swap3A_746] {strides = array<i32>} : memref<640x32xf32, #tpu.memory_space<vmem>>, vector<16xf32>,
      tpu.vector_store %arg10[%swap3A_745, %swap3A_746], %mul3A_744 {strides = array<i32>} : memref<640x32xf32, #tpu.memory_space<vmem>>, vector<16xf32>,
      %slice3A_748 = vector.extract_strided_slice %get3A_508 {offsets = [11], sizes = [1], strides = [1]} : vector<16xf32> to vector<1xf32>
      %squeeze3A_749 = vector.extract %slice3A_748[0] : f32 from vector<1xf32>
      %mul3A_750 = arith.constant 16 : i32
      %mul3A_751 = arith.muli %scan3A_505, %mul3A_750 : i32
      %add3A_752 = arith.constant 11 : i32
      %add3A_753 = arith.addi %mul3A_751, %add3A_752 : i32
      %get3A_754 = arith.index_cast %add3A_753 : i32 to index
      %get3A_755 = arith.constant 0 : index
      %get3A_756 = tpu.vector_load %arg10[%get3A_754, %get3A_755] {strides = array<i32>} : memref<640x32xf32, #tpu.memory_space<vmem>>, vector<16xf32>,
      %mul3A_757 = vector.broadcast %squeeze3A_749 : f32 to vector<16xf32>
      %mul3A_758 = arith.mulf %get3A_756, %mul3A_757 : vector<16xf32>
      %swap3A_759 = arith.index_cast %add3A_753 : i32 to index
      %swap3A_760 = arith.constant 0 : index
      %swap3A_761 = tpu.vector_load %arg10[%swap3A_759, %swap3A_760] {strides = array<i32>} : memref<640x32xf32, #tpu.memory_space<vmem>>, vector<16xf32>,
      tpu.vector_store %arg10[%swap3A_759, %swap3A_760], %mul3A_758 {strides = array<i32>} : memref<640x32xf32, #tpu.memory_space<vmem>>, vector<16xf32>,
      %get3A_762 = arith.index_cast %add3A_753 : i32 to index
      %get3A_763 = arith.constant 16 : index
      %get3A_764 = tpu.vector_load %arg10[%get3A_762, %get3A_763] {strides = array<i32>} : memref<640x32xf32, #tpu.memory_space<vmem>>, vector<16xf32>,
      %mul3A_765 = vector.broadcast %squeeze3A_749 : f32 to vector<16xf32>
      %mul3A_766 = arith.mulf %get3A_764, %mul3A_765 : vector<16xf32>
      %swap3A_767 = arith.index_cast %add3A_753 : i32 to index
      %swap3A_768 = arith.constant 16 : index
      %swap3A_769 = tpu.vector_load %arg10[%swap3A_767, %swap3A_768] {strides = array<i32>} : memref<640x32xf32, #tpu.memory_space<vmem>>, vector<16xf32>,
      tpu.vector_store %arg10[%swap3A_767, %swap3A_768], %mul3A_766 {strides = array<i32>} : memref<640x32xf32, #tpu.memory_space<vmem>>, vector<16xf32>,
      %slice3A_770 = vector.extract_strided_slice %get3A_508 {offsets = [12], sizes = [1], strides = [1]} : vector<16xf32> to vector<1xf32>
      %squeeze3A_771 = vector.extract %slice3A_770[0] : f32 from vector<1xf32>
      %mul3A_772 = arith.constant 16 : i32
      %mul3A_773 = arith.muli %scan3A_505, %mul3A_772 : i32
      %add3A_774 = arith.constant 12 : i32
      %add3A_775 = arith.addi %mul3A_773, %add3A_774 : i32
      %get3A_776 = arith.index_cast %add3A_775 : i32 to index
      %get3A_777 = arith.constant 0 : index
      %get3A_778 = tpu.vector_load %arg10[%get3A_776, %get3A_777] {strides = array<i32>} : memref<640x32xf32, #tpu.memory_space<vmem>>, vector<16xf32>,
      %mul3A_779 = vector.broadcast %squeeze3A_771 : f32 to vector<16xf32>
      %mul3A_780 = arith.mulf %get3A_778, %mul3A_779 : vector<16xf32>
      %swap3A_781 = arith.index_cast %add3A_775 : i32 to index
      %swap3A_782 = arith.constant 0 : index
      %swap3A_783 = tpu.vector_load %arg10[%swap3A_781, %swap3A_782] {strides = array<i32>} : memref<640x32xf32, #tpu.memory_space<vmem>>, vector<16xf32>,
      tpu.vector_store %arg10[%swap3A_781, %swap3A_782], %mul3A_780 {strides = array<i32>} : memref<640x32xf32, #tpu.memory_space<vmem>>, vector<16xf32>,
      %get3A_784 = arith.index_cast %add3A_775 : i32 to index
      %get3A_785 = arith.constant 16 : index
      %get3A_786 = tpu.vector_load %arg10[%get3A_784, %get3A_785] {strides = array<i32>} : memref<640x32xf32, #tpu.memory_space<vmem>>, vector<16xf32>,
      %mul3A_787 = vector.broadcast %squeeze3A_771 : f32 to vector<16xf32>
      %mul3A_788 = arith.mulf %get3A_786, %mul3A_787 : vector<16xf32>
      %swap3A_789 = arith.index_cast %add3A_775 : i32 to index
      %swap3A_790 = arith.constant 16 : index
      %swap3A_791 = tpu.vector_load %arg10[%swap3A_789, %swap3A_790] {strides = array<i32>} : memref<640x32xf32, #tpu.memory_space<vmem>>, vector<16xf32>,
      tpu.vector_store %arg10[%swap3A_789, %swap3A_790], %mul3A_788 {strides = array<i32>} : memref<640x32xf32, #tpu.memory_space<vmem>>, vector<16xf32>,
      %slice3A_792 = vector.extract_strided_slice %get3A_508 {offsets = [13], sizes = [1], strides = [1]} : vector<16xf32> to vector<1xf32>
      %squeeze3A_793 = vector.extract %slice3A_792[0] : f32 from vector<1xf32>
      %mul3A_794 = arith.constant 16 : i32
      %mul3A_795 = arith.muli %scan3A_505, %mul3A_794 : i32
      %add3A_796 = arith.constant 13 : i32
      %add3A_797 = arith.addi %mul3A_795, %add3A_796 : i32
      %get3A_798 = arith.index_cast %add3A_797 : i32 to index
      %get3A_799 = arith.constant 0 : index
      %get3A_800 = tpu.vector_load %arg10[%get3A_798, %get3A_799] {strides = array<i32>} : memref<640x32xf32, #tpu.memory_space<vmem>>, vector<16xf32>,
      %mul3A_801 = vector.broadcast %squeeze3A_793 : f32 to vector<16xf32>
      %mul3A_802 = arith.mulf %get3A_800, %mul3A_801 : vector<16xf32>
      %swap3A_803 = arith.index_cast %add3A_797 : i32 to index
      %swap3A_804 = arith.constant 0 : index
      %swap3A_805 = tpu.vector_load %arg10[%swap3A_803, %swap3A_804] {strides = array<i32>} : memref<640x32xf32, #tpu.memory_space<vmem>>, vector<16xf32>,
      tpu.vector_store %arg10[%swap3A_803, %swap3A_804], %mul3A_802 {strides = array<i32>} : memref<640x32xf32, #tpu.memory_space<vmem>>, vector<16xf32>,
      %get3A_806 = arith.index_cast %add3A_797 : i32 to index
      %get3A_807 = arith.constant 16 : index
      %get3A_808 = tpu.vector_load %arg10[%get3A_806, %get3A_807] {strides = array<i32>} : memref<640x32xf32, #tpu.memory_space<vmem>>, vector<16xf32>,
      %mul3A_809 = vector.broadcast %squeeze3A_793 : f32 to vector<16xf32>
      %mul3A_810 = arith.mulf %get3A_808, %mul3A_809 : vector<16xf32>
      %swap3A_811 = arith.index_cast %add3A_797 : i32 to index
      %swap3A_812 = arith.constant 16 : index
      %swap3A_813 = tpu.vector_load %arg10[%swap3A_811, %swap3A_812] {strides = array<i32>} : memref<640x32xf32, #tpu.memory_space<vmem>>, vector<16xf32>,
      tpu.vector_store %arg10[%swap3A_811, %swap3A_812], %mul3A_810 {strides = array<i32>} : memref<640x32xf32, #tpu.memory_space<vmem>>, vector<16xf32>,
      %slice3A_814 = vector.extract_strided_slice %get3A_508 {offsets = [14], sizes = [1], strides = [1]} : vector<16xf32> to vector<1xf32>
      %squeeze3A_815 = vector.extract %slice3A_814[0] : f32 from vector<1xf32>
      %mul3A_816 = arith.constant 16 : i32
      %mul3A_817 = arith.muli %scan3A_505, %mul3A_816 : i32
      %add3A_818 = arith.constant 14 : i32
      %add3A_819 = arith.addi %mul3A_817, %add3A_818 : i32
      %get3A_820 = arith.index_cast %add3A_819 : i32 to index
      %get3A_821 = arith.constant 0 : index
      %get3A_822 = tpu.vector_load %arg10[%get3A_820, %get3A_821] {strides = array<i32>} : memref<640x32xf32, #tpu.memory_space<vmem>>, vector<16xf32>,
      %mul3A_823 = vector.broadcast %squeeze3A_815 : f32 to vector<16xf32>
      %mul3A_824 = arith.mulf %get3A_822, %mul3A_823 : vector<16xf32>
      %swap3A_825 = arith.index_cast %add3A_819 : i32 to index
      %swap3A_826 = arith.constant 0 : index
      %swap3A_827 = tpu.vector_load %arg10[%swap3A_825, %swap3A_826] {strides = array<i32>} : memref<640x32xf32, #tpu.memory_space<vmem>>, vector<16xf32>,
      tpu.vector_store %arg10[%swap3A_825, %swap3A_826], %mul3A_824 {strides = array<i32>} : memref<640x32xf32, #tpu.memory_space<vmem>>, vector<16xf32>,
      %get3A_828 = arith.index_cast %add3A_819 : i32 to index
      %get3A_829 = arith.constant 16 : index
      %get3A_830 = tpu.vector_load %arg10[%get3A_828, %get3A_829] {strides = array<i32>} : memref<640x32xf32, #tpu.memory_space<vmem>>, vector<16xf32>,
      %mul3A_831 = vector.broadcast %squeeze3A_815 : f32 to vector<16xf32>
      %mul3A_832 = arith.mulf %get3A_830, %mul3A_831 : vector<16xf32>
      %swap3A_833 = arith.index_cast %add3A_819 : i32 to index
      %swap3A_834 = arith.constant 16 : index
      %swap3A_835 = tpu.vector_load %arg10[%swap3A_833, %swap3A_834] {strides = array<i32>} : memref<640x32xf32, #tpu.memory_space<vmem>>, vector<16xf32>,
      tpu.vector_store %arg10[%swap3A_833, %swap3A_834], %mul3A_832 {strides = array<i32>} : memref<640x32xf32, #tpu.memory_space<vmem>>, vector<16xf32>,
      %slice3A_836 = vector.extract_strided_slice %get3A_508 {offsets = [15], sizes = [1], strides = [1]} : vector<16xf32> to vector<1xf32>
      %squeeze3A_837 = vector.extract %slice3A_836[0] : f32 from vector<1xf32>
      %mul3A_838 = arith.constant 16 : i32
      %mul3A_839 = arith.muli %scan3A_505, %mul3A_838 : i32
      %add3A_840 = arith.constant 15 : i32
      %add3A_841 = arith.addi %mul3A_839, %add3A_840 : i32
      %get3A_842 = arith.index_cast %add3A_841 : i32 to index
      %get3A_843 = arith.constant 0 : index
      %get3A_844 = tpu.vector_load %arg10[%get3A_842, %get3A_843] {strides = array<i32>} : memref<640x32xf32, #tpu.memory_space<vmem>>, vector<16xf32>,
      %mul3A_845 = vector.broadcast %squeeze3A_837 : f32 to vector<16xf32>
      %mul3A_846 = arith.mulf %get3A_844, %mul3A_845 : vector<16xf32>
      %swap3A_847 = arith.index_cast %add3A_841 : i32 to index
      %swap3A_848 = arith.constant 0 : index
      %swap3A_849 = tpu.vector_load %arg10[%swap3A_847, %swap3A_848] {strides = array<i32>} : memref<640x32xf32, #tpu.memory_space<vmem>>, vector<16xf32>,
      tpu.vector_store %arg10[%swap3A_847, %swap3A_848], %mul3A_846 {strides = array<i32>} : memref<640x32xf32, #tpu.memory_space<vmem>>, vector<16xf32>,
      %get3A_850 = arith.index_cast %add3A_841 : i32 to index
      %get3A_851 = arith.constant 16 : index
      %get3A_852 = tpu.vector_load %arg10[%get3A_850, %get3A_851] {strides = array<i32>} : memref<640x32xf32, #tpu.memory_space<vmem>>, vector<16xf32>,
      %mul3A_853 = vector.broadcast %squeeze3A_837 : f32 to vector<16xf32>
      %mul3A_854 = arith.mulf %get3A_852, %mul3A_853 : vector<16xf32>
      %swap3A_855 = arith.index_cast %add3A_841 : i32 to index
      %swap3A_856 = arith.constant 16 : index
      %swap3A_857 = tpu.vector_load %arg10[%swap3A_855, %swap3A_856] {strides = array<i32>} : memref<640x32xf32, #tpu.memory_space<vmem>>, vector<16xf32>,
      tpu.vector_store %arg10[%swap3A_855, %swap3A_856], %mul3A_854 {strides = array<i32>} : memref<640x32xf32, #tpu.memory_space<vmem>>, vector<16xf32>,
    }
    %scan3A_504 = arith.constant 40 : i32
    "tpu.region"() ({
      %run_scoped3A = tpu.sem_alloc : memref<!tpu.dma_semaphore, #tpu.memory_space<semaphore_mem>>
      %dma_start3A_505 = arith.constant 0 : i32
      %dma_start3A_506 = tpu.memref_slice %arg7[%mul3A_0, %dma_start3A_505] : memref<10240x32xf32, #tpu.memory_space<hbm>> -> memref<640x32xf32, #tpu.memory_space<hbm>>
      %dma_start3A_507 = arith.constant 0 : i32
      %dma_start3A_508 = tpu.memref_slice %arg7[%mul3A_0, %dma_start3A_507] : memref<10240x32xf32, #tpu.memory_space<hbm>> -> memref<640x32xf32, #tpu.memory_space<hbm>>
      tpu.enqueue_dma source(%arg10 : memref<640x32xf32, #tpu.memory_space<vmem>>) target(%dma_start3A_508 : memref<640x32xf32, #tpu.memory_space<hbm>>) target_semaphore(%run_scoped3A : memref<!tpu.dma_semaphore, #tpu.memory_space<semaphore_mem>>)
      %dma_wait3A_509 = arith.constant 0 : i32
      %dma_wait3A_510 = tpu.memref_slice %arg7[%mul3A_0, %dma_wait3A_509] : memref<10240x32xf32, #tpu.memory_space<hbm>> -> memref<640x32xf32, #tpu.memory_space<hbm>>
      %dma_wait3A_511 = arith.constant 0 : i32
      %dma_wait3A_512 = tpu.memref_slice %arg7[%mul3A_0, %dma_wait3A_511] : memref<10240x32xf32, #tpu.memory_space<hbm>> -> memref<640x32xf32, #tpu.memory_space<hbm>>
      tpu.wait_dma2 semaphore(%run_scoped3A : memref<!tpu.dma_semaphore, #tpu.memory_space<semaphore_mem>>) src(%arg10 : memref<640x32xf32, #tpu.memory_space<vmem>>) dst(%dma_wait3A_512 : memref<640x32xf32, #tpu.memory_space<hbm>>)
      tpu.yield
    }) : () -> ()
    return
  }
}

#map = affine_map<(d0, d1) -> (0)>
module attributes {stable_mosaic.version = 14 : i64} {
  func.func @_sc_norms_body(%arg0: i32, %arg1: i32, %arg2: memref<320000xi32, #tpu.memory_space<hbm>>, %arg3: memref<320000xi32, #tpu.memory_space<hbm>>, %arg4: memref<20480xf32, #tpu.memory_space<hbm>>, %arg5: memref<20000xi32, #tpu.memory_space<vmem>>, %arg6: memref<20000xi32, #tpu.memory_space<vmem>>, %arg7: memref<20480xf32, #tpu.memory_space<vmem>>, %arg8: memref<16x640xf32, #tpu.memory_space<vmem>>, %arg9: memref<640xf32, #tpu.memory_space<vmem>>, %arg10: memref<640xf32, #tpu.memory_space<vmem>>, %arg11: memref<16x20480xf32, #tpu.memory_space<vmem_shared>>) attributes {dimension_semantics = [#tpu.dimension_semantics<core_parallel>, #tpu.dimension_semantics<subcore_parallel>], iteration_bounds = array<i64: 1, 16>, scalar_prefetch = 0 : i64, scratch_operands = 7 : i64, tpu.core_type = #tpu.core_type<sc_vector_subcore>, window_params = [{transform_indices = #map}, {transform_indices = #map}, {transform_indices = #map}]} {
    %mul3A = arith.constant 640 : i32
    %mul3A_0 = arith.muli %arg1, %mul3A : i32
    %mul3A_1 = arith.constant 20000 : i32
    %mul3A_2 = arith.muli %arg1, %mul3A_1 : i32
    "tpu.region"() ({
      %run_scoped3A = tpu.sem_alloc : memref<!tpu.dma_semaphore, #tpu.memory_space<semaphore_mem>>
      %dma_start3A = tpu.memref_slice %arg2[%mul3A_2] : memref<320000xi32, #tpu.memory_space<hbm>> -> memref<20000xi32, #tpu.memory_space<hbm>>
      %dma_start3A_30 = tpu.memref_slice %arg2[%mul3A_2] : memref<320000xi32, #tpu.memory_space<hbm>> -> memref<20000xi32, #tpu.memory_space<hbm>>
      tpu.enqueue_dma source(%dma_start3A_30 : memref<20000xi32, #tpu.memory_space<hbm>>) target(%arg5 : memref<20000xi32, #tpu.memory_space<vmem>>) target_semaphore(%run_scoped3A : memref<!tpu.dma_semaphore, #tpu.memory_space<semaphore_mem>>)
      %dma_wait3A = tpu.memref_slice %arg2[%mul3A_2] : memref<320000xi32, #tpu.memory_space<hbm>> -> memref<20000xi32, #tpu.memory_space<hbm>>
      %dma_wait3A_31 = tpu.memref_slice %arg2[%mul3A_2] : memref<320000xi32, #tpu.memory_space<hbm>> -> memref<20000xi32, #tpu.memory_space<hbm>>
      tpu.wait_dma2 semaphore(%run_scoped3A : memref<!tpu.dma_semaphore, #tpu.memory_space<semaphore_mem>>) src(%dma_wait3A_31 : memref<20000xi32, #tpu.memory_space<hbm>>) dst(%arg5 : memref<20000xi32, #tpu.memory_space<vmem>>)
      tpu.yield
    }) : () -> ()
    %mul3A_3 = arith.constant 20000 : i32
    %mul3A_4 = arith.muli %arg1, %mul3A_3 : i32
    "tpu.region"() ({
      %run_scoped3A = tpu.sem_alloc : memref<!tpu.dma_semaphore, #tpu.memory_space<semaphore_mem>>
      %dma_start3A = tpu.memref_slice %arg3[%mul3A_4] : memref<320000xi32, #tpu.memory_space<hbm>> -> memref<20000xi32, #tpu.memory_space<hbm>>
      %dma_start3A_30 = tpu.memref_slice %arg3[%mul3A_4] : memref<320000xi32, #tpu.memory_space<hbm>> -> memref<20000xi32, #tpu.memory_space<hbm>>
      tpu.enqueue_dma source(%dma_start3A_30 : memref<20000xi32, #tpu.memory_space<hbm>>) target(%arg6 : memref<20000xi32, #tpu.memory_space<vmem>>) target_semaphore(%run_scoped3A : memref<!tpu.dma_semaphore, #tpu.memory_space<semaphore_mem>>)
      %dma_wait3A = tpu.memref_slice %arg3[%mul3A_4] : memref<320000xi32, #tpu.memory_space<hbm>> -> memref<20000xi32, #tpu.memory_space<hbm>>
      %dma_wait3A_31 = tpu.memref_slice %arg3[%mul3A_4] : memref<320000xi32, #tpu.memory_space<hbm>> -> memref<20000xi32, #tpu.memory_space<hbm>>
      tpu.wait_dma2 semaphore(%run_scoped3A : memref<!tpu.dma_semaphore, #tpu.memory_space<semaphore_mem>>) src(%dma_wait3A_31 : memref<20000xi32, #tpu.memory_space<hbm>>) dst(%arg6 : memref<20000xi32, #tpu.memory_space<vmem>>)
      tpu.yield
    }) : () -> ()
    %broadcast_in_dim3A = arith.constant 0.000000e+00 : f32
    %broadcast_in_dim3A_5 = vector.broadcast %broadcast_in_dim3A : f32 to vector<16xf32>
    %broadcast_in_dim3A_6 = arith.constant 1.000000e+00 : f32
    %broadcast_in_dim3A_7 = vector.broadcast %broadcast_in_dim3A_6 : f32 to vector<16xf32>
    %scan3A = arith.constant 0 : i32
    %scan3A_8 = arith.constant 160 : i32
    %scan3A_9 = arith.addi %scan3A, %scan3A_8 : i32
    %scan3A_10 = arith.constant 1 : i32
    scf.for %scan3A_30 = %scan3A to %scan3A_9 step %scan3A_10  : i32 {
      %mul3A_31 = arith.constant 8 : i32
      %mul3A_32 = arith.muli %scan3A_30, %mul3A_31 : i32
      %add3A_33 = arith.constant 0 : i32
      %add3A_34 = arith.addi %mul3A_32, %add3A_33 : i32
      %mul3A_35 = arith.constant 16 : i32
      %mul3A_36 = arith.muli %add3A_34, %mul3A_35 : i32
      %swap3A = arith.index_cast %mul3A_36 : i32 to index
      %swap3A_37 = tpu.vector_load %arg7[%swap3A] {strides = array<i32>} : memref<20480xf32, #tpu.memory_space<vmem>>, vector<16xf32>,
      tpu.vector_store %arg7[%swap3A], %broadcast_in_dim3A_5 {strides = array<i32>} : memref<20480xf32, #tpu.memory_space<vmem>>, vector<16xf32>,
      %mul3A_38 = arith.constant 8 : i32
      %mul3A_39 = arith.muli %scan3A_30, %mul3A_38 : i32
      %add3A_40 = arith.constant 1 : i32
      %add3A_41 = arith.addi %mul3A_39, %add3A_40 : i32
      %mul3A_42 = arith.constant 16 : i32
      %mul3A_43 = arith.muli %add3A_41, %mul3A_42 : i32
      %swap3A_44 = arith.index_cast %mul3A_43 : i32 to index
      %swap3A_45 = tpu.vector_load %arg7[%swap3A_44] {strides = array<i32>} : memref<20480xf32, #tpu.memory_space<vmem>>, vector<16xf32>,
      tpu.vector_store %arg7[%swap3A_44], %broadcast_in_dim3A_5 {strides = array<i32>} : memref<20480xf32, #tpu.memory_space<vmem>>, vector<16xf32>,
      %mul3A_46 = arith.constant 8 : i32
      %mul3A_47 = arith.muli %scan3A_30, %mul3A_46 : i32
      %add3A_48 = arith.constant 2 : i32
      %add3A_49 = arith.addi %mul3A_47, %add3A_48 : i32
      %mul3A_50 = arith.constant 16 : i32
      %mul3A_51 = arith.muli %add3A_49, %mul3A_50 : i32
      %swap3A_52 = arith.index_cast %mul3A_51 : i32 to index
      %swap3A_53 = tpu.vector_load %arg7[%swap3A_52] {strides = array<i32>} : memref<20480xf32, #tpu.memory_space<vmem>>, vector<16xf32>,
      tpu.vector_store %arg7[%swap3A_52], %broadcast_in_dim3A_5 {strides = array<i32>} : memref<20480xf32, #tpu.memory_space<vmem>>, vector<16xf32>,
      %mul3A_54 = arith.constant 8 : i32
      %mul3A_55 = arith.muli %scan3A_30, %mul3A_54 : i32
      %add3A_56 = arith.constant 3 : i32
      %add3A_57 = arith.addi %mul3A_55, %add3A_56 : i32
      %mul3A_58 = arith.constant 16 : i32
      %mul3A_59 = arith.muli %add3A_57, %mul3A_58 : i32
      %swap3A_60 = arith.index_cast %mul3A_59 : i32 to index
      %swap3A_61 = tpu.vector_load %arg7[%swap3A_60] {strides = array<i32>} : memref<20480xf32, #tpu.memory_space<vmem>>, vector<16xf32>,
      tpu.vector_store %arg7[%swap3A_60], %broadcast_in_dim3A_5 {strides = array<i32>} : memref<20480xf32, #tpu.memory_space<vmem>>, vector<16xf32>,
      %mul3A_62 = arith.constant 8 : i32
      %mul3A_63 = arith.muli %scan3A_30, %mul3A_62 : i32
      %add3A_64 = arith.constant 4 : i32
      %add3A_65 = arith.addi %mul3A_63, %add3A_64 : i32
      %mul3A_66 = arith.constant 16 : i32
      %mul3A_67 = arith.muli %add3A_65, %mul3A_66 : i32
      %swap3A_68 = arith.index_cast %mul3A_67 : i32 to index
      %swap3A_69 = tpu.vector_load %arg7[%swap3A_68] {strides = array<i32>} : memref<20480xf32, #tpu.memory_space<vmem>>, vector<16xf32>,
      tpu.vector_store %arg7[%swap3A_68], %broadcast_in_dim3A_5 {strides = array<i32>} : memref<20480xf32, #tpu.memory_space<vmem>>, vector<16xf32>,
      %mul3A_70 = arith.constant 8 : i32
      %mul3A_71 = arith.muli %scan3A_30, %mul3A_70 : i32
      %add3A_72 = arith.constant 5 : i32
      %add3A_73 = arith.addi %mul3A_71, %add3A_72 : i32
      %mul3A_74 = arith.constant 16 : i32
      %mul3A_75 = arith.muli %add3A_73, %mul3A_74 : i32
      %swap3A_76 = arith.index_cast %mul3A_75 : i32 to index
      %swap3A_77 = tpu.vector_load %arg7[%swap3A_76] {strides = array<i32>} : memref<20480xf32, #tpu.memory_space<vmem>>, vector<16xf32>,
      tpu.vector_store %arg7[%swap3A_76], %broadcast_in_dim3A_5 {strides = array<i32>} : memref<20480xf32, #tpu.memory_space<vmem>>, vector<16xf32>,
      %mul3A_78 = arith.constant 8 : i32
      %mul3A_79 = arith.muli %scan3A_30, %mul3A_78 : i32
      %add3A_80 = arith.constant 6 : i32
      %add3A_81 = arith.addi %mul3A_79, %add3A_80 : i32
      %mul3A_82 = arith.constant 16 : i32
      %mul3A_83 = arith.muli %add3A_81, %mul3A_82 : i32
      %swap3A_84 = arith.index_cast %mul3A_83 : i32 to index
      %swap3A_85 = tpu.vector_load %arg7[%swap3A_84] {strides = array<i32>} : memref<20480xf32, #tpu.memory_space<vmem>>, vector<16xf32>,
      tpu.vector_store %arg7[%swap3A_84], %broadcast_in_dim3A_5 {strides = array<i32>} : memref<20480xf32, #tpu.memory_space<vmem>>, vector<16xf32>,
      %mul3A_86 = arith.constant 8 : i32
      %mul3A_87 = arith.muli %scan3A_30, %mul3A_86 : i32
      %add3A_88 = arith.constant 7 : i32
      %add3A_89 = arith.addi %mul3A_87, %add3A_88 : i32
      %mul3A_90 = arith.constant 16 : i32
      %mul3A_91 = arith.muli %add3A_89, %mul3A_90 : i32
      %swap3A_92 = arith.index_cast %mul3A_91 : i32 to index
      %swap3A_93 = tpu.vector_load %arg7[%swap3A_92] {strides = array<i32>} : memref<20480xf32, #tpu.memory_space<vmem>>, vector<16xf32>,
      tpu.vector_store %arg7[%swap3A_92], %broadcast_in_dim3A_5 {strides = array<i32>} : memref<20480xf32, #tpu.memory_space<vmem>>, vector<16xf32>,
    }
    %scan3A_11 = arith.constant 160 : i32
    %scan3A_12 = arith.constant 0 : i32
    %scan3A_13 = arith.constant 250 : i32
    %scan3A_14 = arith.addi %scan3A_12, %scan3A_13 : i32
    %scan3A_15 = arith.constant 1 : i32
    scf.for %scan3A_30 = %scan3A_12 to %scan3A_14 step %scan3A_15  : i32 {
      %mul3A_31 = arith.constant 5 : i32
      %mul3A_32 = arith.muli %scan3A_30, %mul3A_31 : i32
      %add3A_33 = arith.constant 0 : i32
      %add3A_34 = arith.addi %mul3A_32, %add3A_33 : i32
      %mul3A_35 = arith.constant 16 : i32
      %mul3A_36 = arith.muli %add3A_34, %mul3A_35 : i32
      %get3A = arith.index_cast %mul3A_36 : i32 to index
      %get3A_37 = tpu.vector_load %arg5[%get3A] {strides = array<i32>} : memref<20000xi32, #tpu.memory_space<vmem>>, vector<16xi32>,
      tpu.vector_store_idx %arg7[%get3A_37], %broadcast_in_dim3A_7 {add = true} : memref<20480xf32, #tpu.memory_space<vmem>>[vector<16xi32>], vector<16xf32>,
      %mul3A_38 = arith.constant 5 : i32
      %mul3A_39 = arith.muli %scan3A_30, %mul3A_38 : i32
      %add3A_40 = arith.constant 0 : i32
      %add3A_41 = arith.addi %mul3A_39, %add3A_40 : i32
      %mul3A_42 = arith.constant 16 : i32
      %mul3A_43 = arith.muli %add3A_41, %mul3A_42 : i32
      %get3A_44 = arith.index_cast %mul3A_43 : i32 to index
      %get3A_45 = tpu.vector_load %arg6[%get3A_44] {strides = array<i32>} : memref<20000xi32, #tpu.memory_space<vmem>>, vector<16xi32>,
      %add3A_46 = arith.constant 10240 : i32
      %add3A_47 = vector.broadcast %add3A_46 : i32 to vector<16xi32>
      %add3A_48 = arith.addi %get3A_45, %add3A_47 : vector<16xi32>
      tpu.vector_store_idx %arg7[%add3A_48], %broadcast_in_dim3A_7 {add = true} : memref<20480xf32, #tpu.memory_space<vmem>>[vector<16xi32>], vector<16xf32>,
      %mul3A_49 = arith.constant 5 : i32
      %mul3A_50 = arith.muli %scan3A_30, %mul3A_49 : i32
      %add3A_51 = arith.constant 1 : i32
      %add3A_52 = arith.addi %mul3A_50, %add3A_51 : i32
      %mul3A_53 = arith.constant 16 : i32
      %mul3A_54 = arith.muli %add3A_52, %mul3A_53 : i32
      %get3A_55 = arith.index_cast %mul3A_54 : i32 to index
      %get3A_56 = tpu.vector_load %arg5[%get3A_55] {strides = array<i32>} : memref<20000xi32, #tpu.memory_space<vmem>>, vector<16xi32>,
      tpu.vector_store_idx %arg7[%get3A_56], %broadcast_in_dim3A_7 {add = true} : memref<20480xf32, #tpu.memory_space<vmem>>[vector<16xi32>], vector<16xf32>,
      %mul3A_57 = arith.constant 5 : i32
      %mul3A_58 = arith.muli %scan3A_30, %mul3A_57 : i32
      %add3A_59 = arith.constant 1 : i32
      %add3A_60 = arith.addi %mul3A_58, %add3A_59 : i32
      %mul3A_61 = arith.constant 16 : i32
      %mul3A_62 = arith.muli %add3A_60, %mul3A_61 : i32
      %get3A_63 = arith.index_cast %mul3A_62 : i32 to index
      %get3A_64 = tpu.vector_load %arg6[%get3A_63] {strides = array<i32>} : memref<20000xi32, #tpu.memory_space<vmem>>, vector<16xi32>,
      %add3A_65 = arith.constant 10240 : i32
      %add3A_66 = vector.broadcast %add3A_65 : i32 to vector<16xi32>
      %add3A_67 = arith.addi %get3A_64, %add3A_66 : vector<16xi32>
      tpu.vector_store_idx %arg7[%add3A_67], %broadcast_in_dim3A_7 {add = true} : memref<20480xf32, #tpu.memory_space<vmem>>[vector<16xi32>], vector<16xf32>,
      %mul3A_68 = arith.constant 5 : i32
      %mul3A_69 = arith.muli %scan3A_30, %mul3A_68 : i32
      %add3A_70 = arith.constant 2 : i32
      %add3A_71 = arith.addi %mul3A_69, %add3A_70 : i32
      %mul3A_72 = arith.constant 16 : i32
      %mul3A_73 = arith.muli %add3A_71, %mul3A_72 : i32
      %get3A_74 = arith.index_cast %mul3A_73 : i32 to index
      %get3A_75 = tpu.vector_load %arg5[%get3A_74] {strides = array<i32>} : memref<20000xi32, #tpu.memory_space<vmem>>, vector<16xi32>,
      tpu.vector_store_idx %arg7[%get3A_75], %broadcast_in_dim3A_7 {add = true} : memref<20480xf32, #tpu.memory_space<vmem>>[vector<16xi32>], vector<16xf32>,
      %mul3A_76 = arith.constant 5 : i32
      %mul3A_77 = arith.muli %scan3A_30, %mul3A_76 : i32
      %add3A_78 = arith.constant 2 : i32
      %add3A_79 = arith.addi %mul3A_77, %add3A_78 : i32
      %mul3A_80 = arith.constant 16 : i32
      %mul3A_81 = arith.muli %add3A_79, %mul3A_80 : i32
      %get3A_82 = arith.index_cast %mul3A_81 : i32 to index
      %get3A_83 = tpu.vector_load %arg6[%get3A_82] {strides = array<i32>} : memref<20000xi32, #tpu.memory_space<vmem>>, vector<16xi32>,
      %add3A_84 = arith.constant 10240 : i32
      %add3A_85 = vector.broadcast %add3A_84 : i32 to vector<16xi32>
      %add3A_86 = arith.addi %get3A_83, %add3A_85 : vector<16xi32>
      tpu.vector_store_idx %arg7[%add3A_86], %broadcast_in_dim3A_7 {add = true} : memref<20480xf32, #tpu.memory_space<vmem>>[vector<16xi32>], vector<16xf32>,
      %mul3A_87 = arith.constant 5 : i32
      %mul3A_88 = arith.muli %scan3A_30, %mul3A_87 : i32
      %add3A_89 = arith.constant 3 : i32
      %add3A_90 = arith.addi %mul3A_88, %add3A_89 : i32
      %mul3A_91 = arith.constant 16 : i32
      %mul3A_92 = arith.muli %add3A_90, %mul3A_91 : i32
      %get3A_93 = arith.index_cast %mul3A_92 : i32 to index
      %get3A_94 = tpu.vector_load %arg5[%get3A_93] {strides = array<i32>} : memref<20000xi32, #tpu.memory_space<vmem>>, vector<16xi32>,
      tpu.vector_store_idx %arg7[%get3A_94], %broadcast_in_dim3A_7 {add = true} : memref<20480xf32, #tpu.memory_space<vmem>>[vector<16xi32>], vector<16xf32>,
      %mul3A_95 = arith.constant 5 : i32
      %mul3A_96 = arith.muli %scan3A_30, %mul3A_95 : i32
      %add3A_97 = arith.constant 3 : i32
      %add3A_98 = arith.addi %mul3A_96, %add3A_97 : i32
      %mul3A_99 = arith.constant 16 : i32
      %mul3A_100 = arith.muli %add3A_98, %mul3A_99 : i32
      %get3A_101 = arith.index_cast %mul3A_100 : i32 to index
      %get3A_102 = tpu.vector_load %arg6[%get3A_101] {strides = array<i32>} : memref<20000xi32, #tpu.memory_space<vmem>>, vector<16xi32>,
      %add3A_103 = arith.constant 10240 : i32
      %add3A_104 = vector.broadcast %add3A_103 : i32 to vector<16xi32>
      %add3A_105 = arith.addi %get3A_102, %add3A_104 : vector<16xi32>
      tpu.vector_store_idx %arg7[%add3A_105], %broadcast_in_dim3A_7 {add = true} : memref<20480xf32, #tpu.memory_space<vmem>>[vector<16xi32>], vector<16xf32>,
      %mul3A_106 = arith.constant 5 : i32
      %mul3A_107 = arith.muli %scan3A_30, %mul3A_106 : i32
      %add3A_108 = arith.constant 4 : i32
      %add3A_109 = arith.addi %mul3A_107, %add3A_108 : i32
      %mul3A_110 = arith.constant 16 : i32
      %mul3A_111 = arith.muli %add3A_109, %mul3A_110 : i32
      %get3A_112 = arith.index_cast %mul3A_111 : i32 to index
      %get3A_113 = tpu.vector_load %arg5[%get3A_112] {strides = array<i32>} : memref<20000xi32, #tpu.memory_space<vmem>>, vector<16xi32>,
      tpu.vector_store_idx %arg7[%get3A_113], %broadcast_in_dim3A_7 {add = true} : memref<20480xf32, #tpu.memory_space<vmem>>[vector<16xi32>], vector<16xf32>,
      %mul3A_114 = arith.constant 5 : i32
      %mul3A_115 = arith.muli %scan3A_30, %mul3A_114 : i32
      %add3A_116 = arith.constant 4 : i32
      %add3A_117 = arith.addi %mul3A_115, %add3A_116 : i32
      %mul3A_118 = arith.constant 16 : i32
      %mul3A_119 = arith.muli %add3A_117, %mul3A_118 : i32
      %get3A_120 = arith.index_cast %mul3A_119 : i32 to index
      %get3A_121 = tpu.vector_load %arg6[%get3A_120] {strides = array<i32>} : memref<20000xi32, #tpu.memory_space<vmem>>, vector<16xi32>,
      %add3A_122 = arith.constant 10240 : i32
      %add3A_123 = vector.broadcast %add3A_122 : i32 to vector<16xi32>
      %add3A_124 = arith.addi %get3A_121, %add3A_123 : vector<16xi32>
      tpu.vector_store_idx %arg7[%add3A_124], %broadcast_in_dim3A_7 {add = true} : memref<20480xf32, #tpu.memory_space<vmem>>[vector<16xi32>], vector<16xf32>,
    }
    %scan3A_16 = arith.constant 250 : i32
    "tpu.region"() ({
      %run_scoped3A = tpu.sem_alloc : memref<!tpu.dma_semaphore, #tpu.memory_space<semaphore_mem>>
      %dma_start3A = arith.constant 0 : i32
      %dma_start3A_30 = tpu.memref_slice %arg11[%arg1, %dma_start3A] : memref<16x20480xf32, #tpu.memory_space<vmem_shared>> -> memref<1x20480xf32, #tpu.memory_space<vmem_shared>>
      %dma_start3A_31 = tpu.memref_squeeze %dma_start3A_30 : memref<1x20480xf32, #tpu.memory_space<vmem_shared>> -> memref<20480xf32, #tpu.memory_space<vmem_shared>>
      %dma_start3A_32 = arith.constant 0 : i32
      %dma_start3A_33 = tpu.memref_slice %arg11[%arg1, %dma_start3A_32] : memref<16x20480xf32, #tpu.memory_space<vmem_shared>> -> memref<1x20480xf32, #tpu.memory_space<vmem_shared>>
      %dma_start3A_34 = tpu.memref_squeeze %dma_start3A_33 : memref<1x20480xf32, #tpu.memory_space<vmem_shared>> -> memref<20480xf32, #tpu.memory_space<vmem_shared>>
      tpu.enqueue_dma source(%arg7 : memref<20480xf32, #tpu.memory_space<vmem>>) target(%dma_start3A_34 : memref<20480xf32, #tpu.memory_space<vmem_shared>>) target_semaphore(%run_scoped3A : memref<!tpu.dma_semaphore, #tpu.memory_space<semaphore_mem>>)
      %dma_wait3A = arith.constant 0 : i32
      %dma_wait3A_35 = tpu.memref_slice %arg11[%arg1, %dma_wait3A] : memref<16x20480xf32, #tpu.memory_space<vmem_shared>> -> memref<1x20480xf32, #tpu.memory_space<vmem_shared>>
      %dma_wait3A_36 = tpu.memref_squeeze %dma_wait3A_35 : memref<1x20480xf32, #tpu.memory_space<vmem_shared>> -> memref<20480xf32, #tpu.memory_space<vmem_shared>>
      %dma_wait3A_37 = arith.constant 0 : i32
      %dma_wait3A_38 = tpu.memref_slice %arg11[%arg1, %dma_wait3A_37] : memref<16x20480xf32, #tpu.memory_space<vmem_shared>> -> memref<1x20480xf32, #tpu.memory_space<vmem_shared>>
      %dma_wait3A_39 = tpu.memref_squeeze %dma_wait3A_38 : memref<1x20480xf32, #tpu.memory_space<vmem_shared>> -> memref<20480xf32, #tpu.memory_space<vmem_shared>>
      tpu.wait_dma2 semaphore(%run_scoped3A : memref<!tpu.dma_semaphore, #tpu.memory_space<semaphore_mem>>) src(%arg7 : memref<20480xf32, #tpu.memory_space<vmem>>) dst(%dma_wait3A_39 : memref<20480xf32, #tpu.memory_space<vmem_shared>>)
      tpu.yield
    }) : () -> ()
    %barrier3A = arith.constant 0 : index
    tpu.barrier barrier_id(%barrier3A)
    "tpu.region"() ({
      %run_scoped3A = tpu.sem_alloc : memref<!tpu.dma_semaphore, #tpu.memory_space<semaphore_mem>>
      %dma_start3A = arith.constant 0 : i32
      %dma_start3A_30 = tpu.memref_slice %arg11[%dma_start3A, %mul3A_0] : memref<16x20480xf32, #tpu.memory_space<vmem_shared>> -> memref<16x640xf32, #tpu.memory_space<vmem_shared>>
      %dma_start3A_31 = arith.constant 0 : i32
      %dma_start3A_32 = tpu.memref_slice %arg11[%dma_start3A_31, %mul3A_0] : memref<16x20480xf32, #tpu.memory_space<vmem_shared>> -> memref<16x640xf32, #tpu.memory_space<vmem_shared>>
      tpu.enqueue_dma source(%dma_start3A_32 : memref<16x640xf32, #tpu.memory_space<vmem_shared>>) target(%arg8 : memref<16x640xf32, #tpu.memory_space<vmem>>) target_semaphore(%run_scoped3A : memref<!tpu.dma_semaphore, #tpu.memory_space<semaphore_mem>>)
      %dma_wait3A = arith.constant 0 : i32
      %dma_wait3A_33 = tpu.memref_slice %arg11[%dma_wait3A, %mul3A_0] : memref<16x20480xf32, #tpu.memory_space<vmem_shared>> -> memref<16x640xf32, #tpu.memory_space<vmem_shared>>
      %dma_wait3A_34 = arith.constant 0 : i32
      %dma_wait3A_35 = tpu.memref_slice %arg11[%dma_wait3A_34, %mul3A_0] : memref<16x20480xf32, #tpu.memory_space<vmem_shared>> -> memref<16x640xf32, #tpu.memory_space<vmem_shared>>
      tpu.wait_dma2 semaphore(%run_scoped3A : memref<!tpu.dma_semaphore, #tpu.memory_space<semaphore_mem>>) src(%dma_wait3A_35 : memref<16x640xf32, #tpu.memory_space<vmem_shared>>) dst(%arg8 : memref<16x640xf32, #tpu.memory_space<vmem>>)
      tpu.yield
    }) : () -> ()
    %scan3A_17 = arith.constant 0 : i32
    %scan3A_18 = arith.constant 40 : i32
    %scan3A_19 = arith.addi %scan3A_17, %scan3A_18 : i32
    %scan3A_20 = arith.constant 1 : i32
    scf.for %scan3A_30 = %scan3A_17 to %scan3A_19 step %scan3A_20  : i32 {
      %mul3A_31 = arith.constant 16 : i32
      %mul3A_32 = arith.muli %scan3A_30, %mul3A_31 : i32
      %get3A = arith.constant 0 : i32
      %get3A_33 = arith.index_cast %get3A : i32 to index
      %get3A_34 = arith.index_cast %mul3A_32 : i32 to index
      %get3A_35 = tpu.vector_load %arg8[%get3A_33, %get3A_34] {strides = array<i32>} : memref<16x640xf32, #tpu.memory_space<vmem>>, vector<16xf32>,
      %add3A_36 = arith.addf %broadcast_in_dim3A_5, %get3A_35 : vector<16xf32>
      %mul3A_37 = arith.constant 16 : i32
      %mul3A_38 = arith.muli %scan3A_30, %mul3A_37 : i32
      %get3A_39 = arith.constant 1 : i32
      %get3A_40 = arith.index_cast %get3A_39 : i32 to index
      %get3A_41 = arith.index_cast %mul3A_38 : i32 to index
      %get3A_42 = tpu.vector_load %arg8[%get3A_40, %get3A_41] {strides = array<i32>} : memref<16x640xf32, #tpu.memory_space<vmem>>, vector<16xf32>,
      %add3A_43 = arith.addf %add3A_36, %get3A_42 : vector<16xf32>
      %mul3A_44 = arith.constant 16 : i32
      %mul3A_45 = arith.muli %scan3A_30, %mul3A_44 : i32
      %get3A_46 = arith.constant 2 : i32
      %get3A_47 = arith.index_cast %get3A_46 : i32 to index
      %get3A_48 = arith.index_cast %mul3A_45 : i32 to index
      %get3A_49 = tpu.vector_load %arg8[%get3A_47, %get3A_48] {strides = array<i32>} : memref<16x640xf32, #tpu.memory_space<vmem>>, vector<16xf32>,
      %add3A_50 = arith.addf %add3A_43, %get3A_49 : vector<16xf32>
      %mul3A_51 = arith.constant 16 : i32
      %mul3A_52 = arith.muli %scan3A_30, %mul3A_51 : i32
      %get3A_53 = arith.constant 3 : i32
      %get3A_54 = arith.index_cast %get3A_53 : i32 to index
      %get3A_55 = arith.index_cast %mul3A_52 : i32 to index
      %get3A_56 = tpu.vector_load %arg8[%get3A_54, %get3A_55] {strides = array<i32>} : memref<16x640xf32, #tpu.memory_space<vmem>>, vector<16xf32>,
      %add3A_57 = arith.addf %add3A_50, %get3A_56 : vector<16xf32>
      %mul3A_58 = arith.constant 16 : i32
      %mul3A_59 = arith.muli %scan3A_30, %mul3A_58 : i32
      %get3A_60 = arith.constant 4 : i32
      %get3A_61 = arith.index_cast %get3A_60 : i32 to index
      %get3A_62 = arith.index_cast %mul3A_59 : i32 to index
      %get3A_63 = tpu.vector_load %arg8[%get3A_61, %get3A_62] {strides = array<i32>} : memref<16x640xf32, #tpu.memory_space<vmem>>, vector<16xf32>,
      %add3A_64 = arith.addf %add3A_57, %get3A_63 : vector<16xf32>
      %mul3A_65 = arith.constant 16 : i32
      %mul3A_66 = arith.muli %scan3A_30, %mul3A_65 : i32
      %get3A_67 = arith.constant 5 : i32
      %get3A_68 = arith.index_cast %get3A_67 : i32 to index
      %get3A_69 = arith.index_cast %mul3A_66 : i32 to index
      %get3A_70 = tpu.vector_load %arg8[%get3A_68, %get3A_69] {strides = array<i32>} : memref<16x640xf32, #tpu.memory_space<vmem>>, vector<16xf32>,
      %add3A_71 = arith.addf %add3A_64, %get3A_70 : vector<16xf32>
      %mul3A_72 = arith.constant 16 : i32
      %mul3A_73 = arith.muli %scan3A_30, %mul3A_72 : i32
      %get3A_74 = arith.constant 6 : i32
      %get3A_75 = arith.index_cast %get3A_74 : i32 to index
      %get3A_76 = arith.index_cast %mul3A_73 : i32 to index
      %get3A_77 = tpu.vector_load %arg8[%get3A_75, %get3A_76] {strides = array<i32>} : memref<16x640xf32, #tpu.memory_space<vmem>>, vector<16xf32>,
      %add3A_78 = arith.addf %add3A_71, %get3A_77 : vector<16xf32>
      %mul3A_79 = arith.constant 16 : i32
      %mul3A_80 = arith.muli %scan3A_30, %mul3A_79 : i32
      %get3A_81 = arith.constant 7 : i32
      %get3A_82 = arith.index_cast %get3A_81 : i32 to index
      %get3A_83 = arith.index_cast %mul3A_80 : i32 to index
      %get3A_84 = tpu.vector_load %arg8[%get3A_82, %get3A_83] {strides = array<i32>} : memref<16x640xf32, #tpu.memory_space<vmem>>, vector<16xf32>,
      %add3A_85 = arith.addf %add3A_78, %get3A_84 : vector<16xf32>
      %mul3A_86 = arith.constant 16 : i32
      %mul3A_87 = arith.muli %scan3A_30, %mul3A_86 : i32
      %get3A_88 = arith.constant 8 : i32
      %get3A_89 = arith.index_cast %get3A_88 : i32 to index
      %get3A_90 = arith.index_cast %mul3A_87 : i32 to index
      %get3A_91 = tpu.vector_load %arg8[%get3A_89, %get3A_90] {strides = array<i32>} : memref<16x640xf32, #tpu.memory_space<vmem>>, vector<16xf32>,
      %add3A_92 = arith.addf %add3A_85, %get3A_91 : vector<16xf32>
      %mul3A_93 = arith.constant 16 : i32
      %mul3A_94 = arith.muli %scan3A_30, %mul3A_93 : i32
      %get3A_95 = arith.constant 9 : i32
      %get3A_96 = arith.index_cast %get3A_95 : i32 to index
      %get3A_97 = arith.index_cast %mul3A_94 : i32 to index
      %get3A_98 = tpu.vector_load %arg8[%get3A_96, %get3A_97] {strides = array<i32>} : memref<16x640xf32, #tpu.memory_space<vmem>>, vector<16xf32>,
      %add3A_99 = arith.addf %add3A_92, %get3A_98 : vector<16xf32>
      %mul3A_100 = arith.constant 16 : i32
      %mul3A_101 = arith.muli %scan3A_30, %mul3A_100 : i32
      %get3A_102 = arith.constant 10 : i32
      %get3A_103 = arith.index_cast %get3A_102 : i32 to index
      %get3A_104 = arith.index_cast %mul3A_101 : i32 to index
      %get3A_105 = tpu.vector_load %arg8[%get3A_103, %get3A_104] {strides = array<i32>} : memref<16x640xf32, #tpu.memory_space<vmem>>, vector<16xf32>,
      %add3A_106 = arith.addf %add3A_99, %get3A_105 : vector<16xf32>
      %mul3A_107 = arith.constant 16 : i32
      %mul3A_108 = arith.muli %scan3A_30, %mul3A_107 : i32
      %get3A_109 = arith.constant 11 : i32
      %get3A_110 = arith.index_cast %get3A_109 : i32 to index
      %get3A_111 = arith.index_cast %mul3A_108 : i32 to index
      %get3A_112 = tpu.vector_load %arg8[%get3A_110, %get3A_111] {strides = array<i32>} : memref<16x640xf32, #tpu.memory_space<vmem>>, vector<16xf32>,
      %add3A_113 = arith.addf %add3A_106, %get3A_112 : vector<16xf32>
      %mul3A_114 = arith.constant 16 : i32
      %mul3A_115 = arith.muli %scan3A_30, %mul3A_114 : i32
      %get3A_116 = arith.constant 12 : i32
      %get3A_117 = arith.index_cast %get3A_116 : i32 to index
      %get3A_118 = arith.index_cast %mul3A_115 : i32 to index
      %get3A_119 = tpu.vector_load %arg8[%get3A_117, %get3A_118] {strides = array<i32>} : memref<16x640xf32, #tpu.memory_space<vmem>>, vector<16xf32>,
      %add3A_120 = arith.addf %add3A_113, %get3A_119 : vector<16xf32>
      %mul3A_121 = arith.constant 16 : i32
      %mul3A_122 = arith.muli %scan3A_30, %mul3A_121 : i32
      %get3A_123 = arith.constant 13 : i32
      %get3A_124 = arith.index_cast %get3A_123 : i32 to index
      %get3A_125 = arith.index_cast %mul3A_122 : i32 to index
      %get3A_126 = tpu.vector_load %arg8[%get3A_124, %get3A_125] {strides = array<i32>} : memref<16x640xf32, #tpu.memory_space<vmem>>, vector<16xf32>,
      %add3A_127 = arith.addf %add3A_120, %get3A_126 : vector<16xf32>
      %mul3A_128 = arith.constant 16 : i32
      %mul3A_129 = arith.muli %scan3A_30, %mul3A_128 : i32
      %get3A_130 = arith.constant 14 : i32
      %get3A_131 = arith.index_cast %get3A_130 : i32 to index
      %get3A_132 = arith.index_cast %mul3A_129 : i32 to index
      %get3A_133 = tpu.vector_load %arg8[%get3A_131, %get3A_132] {strides = array<i32>} : memref<16x640xf32, #tpu.memory_space<vmem>>, vector<16xf32>,
      %add3A_134 = arith.addf %add3A_127, %get3A_133 : vector<16xf32>
      %mul3A_135 = arith.constant 16 : i32
      %mul3A_136 = arith.muli %scan3A_30, %mul3A_135 : i32
      %get3A_137 = arith.constant 15 : i32
      %get3A_138 = arith.index_cast %get3A_137 : i32 to index
      %get3A_139 = arith.index_cast %mul3A_136 : i32 to index
      %get3A_140 = tpu.vector_load %arg8[%get3A_138, %get3A_139] {strides = array<i32>} : memref<16x640xf32, #tpu.memory_space<vmem>>, vector<16xf32>,
      %add3A_141 = arith.addf %add3A_134, %get3A_140 : vector<16xf32>
      %max3A = arith.constant 1.000000e+00 : f32
      %max3A_142 = vector.broadcast %max3A : f32 to vector<16xf32>
      %max3A_143 = arith.maximumf %add3A_141, %max3A_142 : vector<16xf32>
      %broadcast_in_dim3A_144 = arith.constant 1597463007 : i32
      %broadcast_in_dim3A_145 = vector.broadcast %broadcast_in_dim3A_144 : i32 to vector<16xi32>
      %bitcast3A = vector.bitcast %max3A_143 : vector<16xf32> to vector<16xi32>
      %shift_right_arithmetic3A = arith.constant 1 : i32
      %shift_right_arithmetic3A_146 = vector.broadcast %shift_right_arithmetic3A : i32 to vector<16xi32>
      %shift_right_arithmetic3A_147 = arith.shrsi %bitcast3A, %shift_right_arithmetic3A_146 : vector<16xi32>
      %sub3A = arith.subi %broadcast_in_dim3A_145, %shift_right_arithmetic3A_147 : vector<16xi32>
      %bitcast3A_148 = vector.bitcast %sub3A : vector<16xi32> to vector<16xf32>
      %mul3A_149 = arith.constant 5.000000e-01 : f32
      %mul3A_150 = vector.broadcast %mul3A_149 : f32 to vector<16xf32>
      %mul3A_151 = arith.mulf %mul3A_150, %max3A_143 : vector<16xf32>
      %mul3A_152 = arith.mulf %mul3A_151, %bitcast3A_148 : vector<16xf32>
      %mul3A_153 = arith.mulf %mul3A_152, %bitcast3A_148 : vector<16xf32>
      %sub3A_154 = arith.constant 1.500000e+00 : f32
      %sub3A_155 = vector.broadcast %sub3A_154 : f32 to vector<16xf32>
      %sub3A_156 = arith.subf %sub3A_155, %mul3A_153 : vector<16xf32>
      %mul3A_157 = arith.mulf %bitcast3A_148, %sub3A_156 : vector<16xf32>
      %mul3A_158 = arith.constant 5.000000e-01 : f32
      %mul3A_159 = vector.broadcast %mul3A_158 : f32 to vector<16xf32>
      %mul3A_160 = arith.mulf %mul3A_159, %max3A_143 : vector<16xf32>
      %mul3A_161 = arith.mulf %mul3A_160, %mul3A_157 : vector<16xf32>
      %mul3A_162 = arith.mulf %mul3A_161, %mul3A_157 : vector<16xf32>
      %sub3A_163 = arith.constant 1.500000e+00 : f32
      %sub3A_164 = vector.broadcast %sub3A_163 : f32 to vector<16xf32>
      %sub3A_165 = arith.subf %sub3A_164, %mul3A_162 : vector<16xf32>
      %mul3A_166 = arith.mulf %mul3A_157, %sub3A_165 : vector<16xf32>
      %mul3A_167 = arith.constant 5.000000e-01 : f32
      %mul3A_168 = vector.broadcast %mul3A_167 : f32 to vector<16xf32>
      %mul3A_169 = arith.mulf %mul3A_168, %max3A_143 : vector<16xf32>
      %mul3A_170 = arith.mulf %mul3A_169, %mul3A_166 : vector<16xf32>
      %mul3A_171 = arith.mulf %mul3A_170, %mul3A_166 : vector<16xf32>
      %sub3A_172 = arith.constant 1.500000e+00 : f32
      %sub3A_173 = vector.broadcast %sub3A_172 : f32 to vector<16xf32>
      %sub3A_174 = arith.subf %sub3A_173, %mul3A_171 : vector<16xf32>
      %mul3A_175 = arith.mulf %mul3A_166, %sub3A_174 : vector<16xf32>
      %mul3A_176 = arith.constant 16 : i32
      %mul3A_177 = arith.muli %scan3A_30, %mul3A_176 : i32
      %swap3A = arith.index_cast %mul3A_177 : i32 to index
      %swap3A_178 = tpu.vector_load %arg9[%swap3A] {strides = array<i32>} : memref<640xf32, #tpu.memory_space<vmem>>, vector<16xf32>,
      tpu.vector_store %arg9[%swap3A], %mul3A_175 {strides = array<i32>} : memref<640xf32, #tpu.memory_space<vmem>>, vector<16xf32>,
    }
    %scan3A_21 = arith.constant 40 : i32
    %add3A = arith.constant 10240 : i32
    %add3A_22 = arith.addi %add3A, %mul3A_0 : i32
    "tpu.region"() ({
      %run_scoped3A = tpu.sem_alloc : memref<!tpu.dma_semaphore, #tpu.memory_space<semaphore_mem>>
      %dma_start3A = arith.constant 0 : i32
      %dma_start3A_30 = tpu.memref_slice %arg11[%dma_start3A, %add3A_22] : memref<16x20480xf32, #tpu.memory_space<vmem_shared>> -> memref<16x640xf32, #tpu.memory_space<vmem_shared>>
      %dma_start3A_31 = arith.constant 0 : i32
      %dma_start3A_32 = tpu.memref_slice %arg11[%dma_start3A_31, %add3A_22] : memref<16x20480xf32, #tpu.memory_space<vmem_shared>> -> memref<16x640xf32, #tpu.memory_space<vmem_shared>>
      tpu.enqueue_dma source(%dma_start3A_32 : memref<16x640xf32, #tpu.memory_space<vmem_shared>>) target(%arg8 : memref<16x640xf32, #tpu.memory_space<vmem>>) target_semaphore(%run_scoped3A : memref<!tpu.dma_semaphore, #tpu.memory_space<semaphore_mem>>)
      %dma_wait3A = arith.constant 0 : i32
      %dma_wait3A_33 = tpu.memref_slice %arg11[%dma_wait3A, %add3A_22] : memref<16x20480xf32, #tpu.memory_space<vmem_shared>> -> memref<16x640xf32, #tpu.memory_space<vmem_shared>>
      %dma_wait3A_34 = arith.constant 0 : i32
      %dma_wait3A_35 = tpu.memref_slice %arg11[%dma_wait3A_34, %add3A_22] : memref<16x20480xf32, #tpu.memory_space<vmem_shared>> -> memref<16x640xf32, #tpu.memory_space<vmem_shared>>
      tpu.wait_dma2 semaphore(%run_scoped3A : memref<!tpu.dma_semaphore, #tpu.memory_space<semaphore_mem>>) src(%dma_wait3A_35 : memref<16x640xf32, #tpu.memory_space<vmem_shared>>) dst(%arg8 : memref<16x640xf32, #tpu.memory_space<vmem>>)
      tpu.yield
    }) : () -> ()
    %scan3A_23 = arith.constant 0 : i32
    %scan3A_24 = arith.constant 40 : i32
    %scan3A_25 = arith.addi %scan3A_23, %scan3A_24 : i32
    %scan3A_26 = arith.constant 1 : i32
    scf.for %scan3A_30 = %scan3A_23 to %scan3A_25 step %scan3A_26  : i32 {
      %mul3A_31 = arith.constant 16 : i32
      %mul3A_32 = arith.muli %scan3A_30, %mul3A_31 : i32
      %get3A = arith.constant 0 : i32
      %get3A_33 = arith.index_cast %get3A : i32 to index
      %get3A_34 = arith.index_cast %mul3A_32 : i32 to index
      %get3A_35 = tpu.vector_load %arg8[%get3A_33, %get3A_34] {strides = array<i32>} : memref<16x640xf32, #tpu.memory_space<vmem>>, vector<16xf32>,
      %add3A_36 = arith.addf %broadcast_in_dim3A_5, %get3A_35 : vector<16xf32>
      %mul3A_37 = arith.constant 16 : i32
      %mul3A_38 = arith.muli %scan3A_30, %mul3A_37 : i32
      %get3A_39 = arith.constant 1 : i32
      %get3A_40 = arith.index_cast %get3A_39 : i32 to index
      %get3A_41 = arith.index_cast %mul3A_38 : i32 to index
      %get3A_42 = tpu.vector_load %arg8[%get3A_40, %get3A_41] {strides = array<i32>} : memref<16x640xf32, #tpu.memory_space<vmem>>, vector<16xf32>,
      %add3A_43 = arith.addf %add3A_36, %get3A_42 : vector<16xf32>
      %mul3A_44 = arith.constant 16 : i32
      %mul3A_45 = arith.muli %scan3A_30, %mul3A_44 : i32
      %get3A_46 = arith.constant 2 : i32
      %get3A_47 = arith.index_cast %get3A_46 : i32 to index
      %get3A_48 = arith.index_cast %mul3A_45 : i32 to index
      %get3A_49 = tpu.vector_load %arg8[%get3A_47, %get3A_48] {strides = array<i32>} : memref<16x640xf32, #tpu.memory_space<vmem>>, vector<16xf32>,
      %add3A_50 = arith.addf %add3A_43, %get3A_49 : vector<16xf32>
      %mul3A_51 = arith.constant 16 : i32
      %mul3A_52 = arith.muli %scan3A_30, %mul3A_51 : i32
      %get3A_53 = arith.constant 3 : i32
      %get3A_54 = arith.index_cast %get3A_53 : i32 to index
      %get3A_55 = arith.index_cast %mul3A_52 : i32 to index
      %get3A_56 = tpu.vector_load %arg8[%get3A_54, %get3A_55] {strides = array<i32>} : memref<16x640xf32, #tpu.memory_space<vmem>>, vector<16xf32>,
      %add3A_57 = arith.addf %add3A_50, %get3A_56 : vector<16xf32>
      %mul3A_58 = arith.constant 16 : i32
      %mul3A_59 = arith.muli %scan3A_30, %mul3A_58 : i32
      %get3A_60 = arith.constant 4 : i32
      %get3A_61 = arith.index_cast %get3A_60 : i32 to index
      %get3A_62 = arith.index_cast %mul3A_59 : i32 to index
      %get3A_63 = tpu.vector_load %arg8[%get3A_61, %get3A_62] {strides = array<i32>} : memref<16x640xf32, #tpu.memory_space<vmem>>, vector<16xf32>,
      %add3A_64 = arith.addf %add3A_57, %get3A_63 : vector<16xf32>
      %mul3A_65 = arith.constant 16 : i32
      %mul3A_66 = arith.muli %scan3A_30, %mul3A_65 : i32
      %get3A_67 = arith.constant 5 : i32
      %get3A_68 = arith.index_cast %get3A_67 : i32 to index
      %get3A_69 = arith.index_cast %mul3A_66 : i32 to index
      %get3A_70 = tpu.vector_load %arg8[%get3A_68, %get3A_69] {strides = array<i32>} : memref<16x640xf32, #tpu.memory_space<vmem>>, vector<16xf32>,
      %add3A_71 = arith.addf %add3A_64, %get3A_70 : vector<16xf32>
      %mul3A_72 = arith.constant 16 : i32
      %mul3A_73 = arith.muli %scan3A_30, %mul3A_72 : i32
      %get3A_74 = arith.constant 6 : i32
      %get3A_75 = arith.index_cast %get3A_74 : i32 to index
      %get3A_76 = arith.index_cast %mul3A_73 : i32 to index
      %get3A_77 = tpu.vector_load %arg8[%get3A_75, %get3A_76] {strides = array<i32>} : memref<16x640xf32, #tpu.memory_space<vmem>>, vector<16xf32>,
      %add3A_78 = arith.addf %add3A_71, %get3A_77 : vector<16xf32>
      %mul3A_79 = arith.constant 16 : i32
      %mul3A_80 = arith.muli %scan3A_30, %mul3A_79 : i32
      %get3A_81 = arith.constant 7 : i32
      %get3A_82 = arith.index_cast %get3A_81 : i32 to index
      %get3A_83 = arith.index_cast %mul3A_80 : i32 to index
      %get3A_84 = tpu.vector_load %arg8[%get3A_82, %get3A_83] {strides = array<i32>} : memref<16x640xf32, #tpu.memory_space<vmem>>, vector<16xf32>,
      %add3A_85 = arith.addf %add3A_78, %get3A_84 : vector<16xf32>
      %mul3A_86 = arith.constant 16 : i32
      %mul3A_87 = arith.muli %scan3A_30, %mul3A_86 : i32
      %get3A_88 = arith.constant 8 : i32
      %get3A_89 = arith.index_cast %get3A_88 : i32 to index
      %get3A_90 = arith.index_cast %mul3A_87 : i32 to index
      %get3A_91 = tpu.vector_load %arg8[%get3A_89, %get3A_90] {strides = array<i32>} : memref<16x640xf32, #tpu.memory_space<vmem>>, vector<16xf32>,
      %add3A_92 = arith.addf %add3A_85, %get3A_91 : vector<16xf32>
      %mul3A_93 = arith.constant 16 : i32
      %mul3A_94 = arith.muli %scan3A_30, %mul3A_93 : i32
      %get3A_95 = arith.constant 9 : i32
      %get3A_96 = arith.index_cast %get3A_95 : i32 to index
      %get3A_97 = arith.index_cast %mul3A_94 : i32 to index
      %get3A_98 = tpu.vector_load %arg8[%get3A_96, %get3A_97] {strides = array<i32>} : memref<16x640xf32, #tpu.memory_space<vmem>>, vector<16xf32>,
      %add3A_99 = arith.addf %add3A_92, %get3A_98 : vector<16xf32>
      %mul3A_100 = arith.constant 16 : i32
      %mul3A_101 = arith.muli %scan3A_30, %mul3A_100 : i32
      %get3A_102 = arith.constant 10 : i32
      %get3A_103 = arith.index_cast %get3A_102 : i32 to index
      %get3A_104 = arith.index_cast %mul3A_101 : i32 to index
      %get3A_105 = tpu.vector_load %arg8[%get3A_103, %get3A_104] {strides = array<i32>} : memref<16x640xf32, #tpu.memory_space<vmem>>, vector<16xf32>,
      %add3A_106 = arith.addf %add3A_99, %get3A_105 : vector<16xf32>
      %mul3A_107 = arith.constant 16 : i32
      %mul3A_108 = arith.muli %scan3A_30, %mul3A_107 : i32
      %get3A_109 = arith.constant 11 : i32
      %get3A_110 = arith.index_cast %get3A_109 : i32 to index
      %get3A_111 = arith.index_cast %mul3A_108 : i32 to index
      %get3A_112 = tpu.vector_load %arg8[%get3A_110, %get3A_111] {strides = array<i32>} : memref<16x640xf32, #tpu.memory_space<vmem>>, vector<16xf32>,
      %add3A_113 = arith.addf %add3A_106, %get3A_112 : vector<16xf32>
      %mul3A_114 = arith.constant 16 : i32
      %mul3A_115 = arith.muli %scan3A_30, %mul3A_114 : i32
      %get3A_116 = arith.constant 12 : i32
      %get3A_117 = arith.index_cast %get3A_116 : i32 to index
      %get3A_118 = arith.index_cast %mul3A_115 : i32 to index
      %get3A_119 = tpu.vector_load %arg8[%get3A_117, %get3A_118] {strides = array<i32>} : memref<16x640xf32, #tpu.memory_space<vmem>>, vector<16xf32>,
      %add3A_120 = arith.addf %add3A_113, %get3A_119 : vector<16xf32>
      %mul3A_121 = arith.constant 16 : i32
      %mul3A_122 = arith.muli %scan3A_30, %mul3A_121 : i32
      %get3A_123 = arith.constant 13 : i32
      %get3A_124 = arith.index_cast %get3A_123 : i32 to index
      %get3A_125 = arith.index_cast %mul3A_122 : i32 to index
      %get3A_126 = tpu.vector_load %arg8[%get3A_124, %get3A_125] {strides = array<i32>} : memref<16x640xf32, #tpu.memory_space<vmem>>, vector<16xf32>,
      %add3A_127 = arith.addf %add3A_120, %get3A_126 : vector<16xf32>
      %mul3A_128 = arith.constant 16 : i32
      %mul3A_129 = arith.muli %scan3A_30, %mul3A_128 : i32
      %get3A_130 = arith.constant 14 : i32
      %get3A_131 = arith.index_cast %get3A_130 : i32 to index
      %get3A_132 = arith.index_cast %mul3A_129 : i32 to index
      %get3A_133 = tpu.vector_load %arg8[%get3A_131, %get3A_132] {strides = array<i32>} : memref<16x640xf32, #tpu.memory_space<vmem>>, vector<16xf32>,
      %add3A_134 = arith.addf %add3A_127, %get3A_133 : vector<16xf32>
      %mul3A_135 = arith.constant 16 : i32
      %mul3A_136 = arith.muli %scan3A_30, %mul3A_135 : i32
      %get3A_137 = arith.constant 15 : i32
      %get3A_138 = arith.index_cast %get3A_137 : i32 to index
      %get3A_139 = arith.index_cast %mul3A_136 : i32 to index
      %get3A_140 = tpu.vector_load %arg8[%get3A_138, %get3A_139] {strides = array<i32>} : memref<16x640xf32, #tpu.memory_space<vmem>>, vector<16xf32>,
      %add3A_141 = arith.addf %add3A_134, %get3A_140 : vector<16xf32>
      %max3A = arith.constant 1.000000e+00 : f32
      %max3A_142 = vector.broadcast %max3A : f32 to vector<16xf32>
      %max3A_143 = arith.maximumf %add3A_141, %max3A_142 : vector<16xf32>
      %broadcast_in_dim3A_144 = arith.constant 1597463007 : i32
      %broadcast_in_dim3A_145 = vector.broadcast %broadcast_in_dim3A_144 : i32 to vector<16xi32>
      %bitcast3A = vector.bitcast %max3A_143 : vector<16xf32> to vector<16xi32>
      %shift_right_arithmetic3A = arith.constant 1 : i32
      %shift_right_arithmetic3A_146 = vector.broadcast %shift_right_arithmetic3A : i32 to vector<16xi32>
      %shift_right_arithmetic3A_147 = arith.shrsi %bitcast3A, %shift_right_arithmetic3A_146 : vector<16xi32>
      %sub3A = arith.subi %broadcast_in_dim3A_145, %shift_right_arithmetic3A_147 : vector<16xi32>
      %bitcast3A_148 = vector.bitcast %sub3A : vector<16xi32> to vector<16xf32>
      %mul3A_149 = arith.constant 5.000000e-01 : f32
      %mul3A_150 = vector.broadcast %mul3A_149 : f32 to vector<16xf32>
      %mul3A_151 = arith.mulf %mul3A_150, %max3A_143 : vector<16xf32>
      %mul3A_152 = arith.mulf %mul3A_151, %bitcast3A_148 : vector<16xf32>
      %mul3A_153 = arith.mulf %mul3A_152, %bitcast3A_148 : vector<16xf32>
      %sub3A_154 = arith.constant 1.500000e+00 : f32
      %sub3A_155 = vector.broadcast %sub3A_154 : f32 to vector<16xf32>
      %sub3A_156 = arith.subf %sub3A_155, %mul3A_153 : vector<16xf32>
      %mul3A_157 = arith.mulf %bitcast3A_148, %sub3A_156 : vector<16xf32>
      %mul3A_158 = arith.constant 5.000000e-01 : f32
      %mul3A_159 = vector.broadcast %mul3A_158 : f32 to vector<16xf32>
      %mul3A_160 = arith.mulf %mul3A_159, %max3A_143 : vector<16xf32>
      %mul3A_161 = arith.mulf %mul3A_160, %mul3A_157 : vector<16xf32>
      %mul3A_162 = arith.mulf %mul3A_161, %mul3A_157 : vector<16xf32>
      %sub3A_163 = arith.constant 1.500000e+00 : f32
      %sub3A_164 = vector.broadcast %sub3A_163 : f32 to vector<16xf32>
      %sub3A_165 = arith.subf %sub3A_164, %mul3A_162 : vector<16xf32>
      %mul3A_166 = arith.mulf %mul3A_157, %sub3A_165 : vector<16xf32>
      %mul3A_167 = arith.constant 5.000000e-01 : f32
      %mul3A_168 = vector.broadcast %mul3A_167 : f32 to vector<16xf32>
      %mul3A_169 = arith.mulf %mul3A_168, %max3A_143 : vector<16xf32>
      %mul3A_170 = arith.mulf %mul3A_169, %mul3A_166 : vector<16xf32>
      %mul3A_171 = arith.mulf %mul3A_170, %mul3A_166 : vector<16xf32>
      %sub3A_172 = arith.constant 1.500000e+00 : f32
      %sub3A_173 = vector.broadcast %sub3A_172 : f32 to vector<16xf32>
      %sub3A_174 = arith.subf %sub3A_173, %mul3A_171 : vector<16xf32>
      %mul3A_175 = arith.mulf %mul3A_166, %sub3A_174 : vector<16xf32>
      %mul3A_176 = arith.constant 16 : i32
      %mul3A_177 = arith.muli %scan3A_30, %mul3A_176 : i32
      %swap3A = arith.index_cast %mul3A_177 : i32 to index
      %swap3A_178 = tpu.vector_load %arg10[%swap3A] {strides = array<i32>} : memref<640xf32, #tpu.memory_space<vmem>>, vector<16xf32>,
      tpu.vector_store %arg10[%swap3A], %mul3A_175 {strides = array<i32>} : memref<640xf32, #tpu.memory_space<vmem>>, vector<16xf32>,
    }
    %scan3A_27 = arith.constant 40 : i32
    "tpu.region"() ({
      %run_scoped3A = tpu.sem_alloc : memref<!tpu.dma_semaphore, #tpu.memory_space<semaphore_mem>>
      %dma_start3A = tpu.memref_slice %arg4[%mul3A_0] : memref<20480xf32, #tpu.memory_space<hbm>> -> memref<640xf32, #tpu.memory_space<hbm>>
      %dma_start3A_30 = tpu.memref_slice %arg4[%mul3A_0] : memref<20480xf32, #tpu.memory_space<hbm>> -> memref<640xf32, #tpu.memory_space<hbm>>
      tpu.enqueue_dma source(%arg9 : memref<640xf32, #tpu.memory_space<vmem>>) target(%dma_start3A_30 : memref<640xf32, #tpu.memory_space<hbm>>) target_semaphore(%run_scoped3A : memref<!tpu.dma_semaphore, #tpu.memory_space<semaphore_mem>>)
      %dma_wait3A = tpu.memref_slice %arg4[%mul3A_0] : memref<20480xf32, #tpu.memory_space<hbm>> -> memref<640xf32, #tpu.memory_space<hbm>>
      %dma_wait3A_31 = tpu.memref_slice %arg4[%mul3A_0] : memref<20480xf32, #tpu.memory_space<hbm>> -> memref<640xf32, #tpu.memory_space<hbm>>
      tpu.wait_dma2 semaphore(%run_scoped3A : memref<!tpu.dma_semaphore, #tpu.memory_space<semaphore_mem>>) src(%arg9 : memref<640xf32, #tpu.memory_space<vmem>>) dst(%dma_wait3A_31 : memref<640xf32, #tpu.memory_space<hbm>>)
      tpu.yield
    }) : () -> ()
    %add3A_28 = arith.constant 10240 : i32
    %add3A_29 = arith.addi %add3A_28, %mul3A_0 : i32
    "tpu.region"() ({
      %run_scoped3A = tpu.sem_alloc : memref<!tpu.dma_semaphore, #tpu.memory_space<semaphore_mem>>
      %dma_start3A = tpu.memref_slice %arg4[%add3A_29] : memref<20480xf32, #tpu.memory_space<hbm>> -> memref<640xf32, #tpu.memory_space<hbm>>
      %dma_start3A_30 = tpu.memref_slice %arg4[%add3A_29] : memref<20480xf32, #tpu.memory_space<hbm>> -> memref<640xf32, #tpu.memory_space<hbm>>
      tpu.enqueue_dma source(%arg10 : memref<640xf32, #tpu.memory_space<vmem>>) target(%dma_start3A_30 : memref<640xf32, #tpu.memory_space<hbm>>) target_semaphore(%run_scoped3A : memref<!tpu.dma_semaphore, #tpu.memory_space<semaphore_mem>>)
      %dma_wait3A = tpu.memref_slice %arg4[%add3A_29] : memref<20480xf32, #tpu.memory_space<hbm>> -> memref<640xf32, #tpu.memory_space<hbm>>
      %dma_wait3A_31 = tpu.memref_slice %arg4[%add3A_29] : memref<20480xf32, #tpu.memory_space<hbm>> -> memref<640xf32, #tpu.memory_space<hbm>>
      tpu.wait_dma2 semaphore(%run_scoped3A : memref<!tpu.dma_semaphore, #tpu.memory_space<semaphore_mem>>) src(%arg10 : memref<640xf32, #tpu.memory_space<vmem>>) dst(%dma_wait3A_31 : memref<640xf32, #tpu.memory_space<hbm>>)
      tpu.yield
    }) : () -> ()
    return
  }
}

module attributes {stable_mosaic.version = 14 : i64} {
  func.func @_tc_z1_body(%arg0: memref<10000x128xf32, #tpu.memory_space<vmem>>, %arg1: memref<128x32xf32, #tpu.memory_space<vmem>>, %arg2: memref<1x32xf32, #tpu.memory_space<vmem>>, %arg3: memref<10240x32xf32, #tpu.memory_space<vmem>>) attributes {dimension_semantics = [], scalar_prefetch = 0 : i64, scratch_operands = 0 : i64, tpu.core_type = #tpu.core_type<tc>} {
    %get3A = arith.constant 0 : index
    %get3A_0 = arith.constant 0 : index
    %get3A_1 = vector.load %arg0[%get3A, %get3A_0] : memref<10000x128xf32, #tpu.memory_space<vmem>>, vector<10000x128xf32>
    %get3A_2 = arith.constant 0 : index
    %get3A_3 = arith.constant 0 : index
    %get3A_4 = vector.load %arg1[%get3A_2, %get3A_3] : memref<128x32xf32, #tpu.memory_space<vmem>>, vector<128x32xf32>
    %dot_general3A = arith.constant dense<0.000000e+00> : vector<10000x32xf32>
    %dot_general3A_5 = tpu.matmul %get3A_1, %get3A_4, %dot_general3A {dimension_numbers = #tpu.dot_dimension_numbers<[1], [0], [0], [1], [0, 0, 1, 1], [], []>, transpose_lhs_hint = false} : vector<10000x128xf32>, vector<128x32xf32>, vector<10000x32xf32> -> vector<10000x32xf32>
    %get3A_6 = arith.constant 0 : index
    %get3A_7 = arith.constant 0 : index
    %get3A_8 = vector.load %arg2[%get3A_6, %get3A_7] : memref<1x32xf32, #tpu.memory_space<vmem>>, vector<1x32xf32>
    %add3A = vector.broadcast %get3A_8 : vector<1x32xf32> to vector<10000x32xf32>
    %add3A_9 = arith.addf %dot_general3A_5, %add3A : vector<10000x32xf32>
    %swap3A = arith.constant 0 : index
    %swap3A_10 = arith.constant 0 : index
    %swap3A_11 = vector.load %arg3[%swap3A, %swap3A_10] : memref<10240x32xf32, #tpu.memory_space<vmem>>, vector<10000x32xf32>
    tpu.vector_store %arg3[%swap3A, %swap3A_10], %add3A_9 {strides = array<i32>} : memref<10240x32xf32, #tpu.memory_space<vmem>>, vector<10000x32xf32>,
    %broadcast_in_dim3A = arith.constant 0.000000e+00 : f32
    %broadcast_in_dim3A_12 = vector.broadcast %broadcast_in_dim3A : f32 to vector<240x32xf32>
    %swap3A_13 = arith.constant 10000 : index
    %swap3A_14 = arith.constant 0 : index
    %swap3A_15 = vector.load %arg3[%swap3A_13, %swap3A_14] : memref<10240x32xf32, #tpu.memory_space<vmem>>, vector<240x32xf32>
    tpu.vector_store %arg3[%swap3A_13, %swap3A_14], %broadcast_in_dim3A_12 {strides = array<i32>} : memref<10240x32xf32, #tpu.memory_space<vmem>>, vector<240x32xf32>,
    return
  }
}

module attributes {stable_mosaic.version = 14 : i64} {
  func.func @_tc_post_body(%arg0: memref<10240x32xf32, #tpu.memory_space<vmem>>, %arg1: memref<32x32xf32, #tpu.memory_space<vmem>>, %arg2: memref<1x32xf32, #tpu.memory_space<vmem>>, %arg3: memref<10000x32xf32, #tpu.memory_space<vmem>>) attributes {dimension_semantics = [], scalar_prefetch = 0 : i64, scratch_operands = 0 : i64, tpu.core_type = #tpu.core_type<tc>} {
    %get3A = arith.constant 0 : index
    %get3A_0 = arith.constant 0 : index
    %get3A_1 = vector.load %arg0[%get3A, %get3A_0] : memref<10240x32xf32, #tpu.memory_space<vmem>>, vector<10000x32xf32>
    %get3A_2 = arith.constant 0 : index
    %get3A_3 = arith.constant 0 : index
    %get3A_4 = vector.load %arg1[%get3A_2, %get3A_3] : memref<32x32xf32, #tpu.memory_space<vmem>>, vector<32x32xf32>
    %dot_general3A = arith.constant dense<0.000000e+00> : vector<10000x32xf32>
    %dot_general3A_5 = tpu.matmul %get3A_1, %get3A_4, %dot_general3A {dimension_numbers = #tpu.dot_dimension_numbers<[1], [0], [0], [1], [0, 0, 1, 1], [], []>, transpose_lhs_hint = false} : vector<10000x32xf32>, vector<32x32xf32>, vector<10000x32xf32> -> vector<10000x32xf32>
    %get3A_6 = arith.constant 0 : index
    %get3A_7 = arith.constant 0 : index
    %get3A_8 = vector.load %arg2[%get3A_6, %get3A_7] : memref<1x32xf32, #tpu.memory_space<vmem>>, vector<1x32xf32>
    %add3A = vector.broadcast %get3A_8 : vector<1x32xf32> to vector<10000x32xf32>
    %add3A_9 = arith.addf %dot_general3A_5, %add3A : vector<10000x32xf32>
    %max3A = arith.constant 0.000000e+00 : f32
    %max3A_10 = vector.broadcast %max3A : f32 to vector<10000x32xf32>
    %max3A_11 = arith.maximumf %add3A_9, %max3A_10 : vector<10000x32xf32>
    %swap3A = arith.constant 0 : index
    %swap3A_12 = arith.constant 0 : index
    %swap3A_13 = vector.load %arg3[%swap3A, %swap3A_12] : memref<10000x32xf32, #tpu.memory_space<vmem>>, vector<10000x32xf32>
    tpu.vector_store %arg3[%swap3A, %swap3A_12], %max3A_11 {strides = array<i32>} : memref<10000x32xf32, #tpu.memory_space<vmem>>, vector<10000x32xf32>,
    return
  }
}

</mosaic_0001>

<sc_bundles>
// kernel: kernel.6.cloned.1.call-start
scs
__scs_entry_jumppad:
0x0: {  	(pc) =	sbr.rel $0x88, $3  }
0x1: {  	(tag) =	ssettag $0x0;
	lr =	simm.s32 $0x1  }
0x2: {  	[smem:$0x3F9B] =	sst lr;
	_ =	strace $0xD0000000  }
0x3: {  	_ = 	snop  }
0x4: {  	_ = 	snop  }
0x5: {  	_ = 	snop  }
0x6: {  	_ = 	snop  }
0x7: {  	_ = 	snop  }
__scs_overlays_trampoline_lowered:
0x8: {  	[smem:$0x3FAA] =	sst s0  }
0x9: {  	[smem:$0x3FAB] =	sst s1  }
0xa: {  	[smem:$0x3FAC] =	sst s2  }
0xb: {  	[smem:$0x3FAD] =	sst s3  }
0xc: {  	[smem:$0x3FAE] =	sst s4  }
0xd: {  	[smem:$0x3FAF] =	sst s5  }
0xe: {  	[smem:$0x3FB0] =	sst s6  }
0xf: {  	[smem:$0x3FB1] =	sst s7  }
0x10: {  	[smem:$0x3FB2] =	sst s8  }
0x11: {  	[smem:$0x3FB3] =	sst s9;
	s0 =	simm.s32 @!p0 $0x0  }
0x12: {  	s1 =	sld [smem:$0x3F99];
	s0 =	simm.s32 @p0 $0x1  }
0x13: {  	[smem:$0x3FB4] =	sst s0;
	s0 =	simm.s32 @!p1 $0x0  }
0x14: {  	s2 =	sld [smem:$0x3F98];
	s0 =	simm.s32 @p1 $0x1  }
0x15: {  	[smem:$0x3FB5] =	sst s0;
	s0 =	simm.s32 @!p2 $0x0  }
0x16: {  	s3 =	sld [smem:$0x3FDB];
	s0 =	simm.s32 @p2 $0x1  }
0x17: {  	s4 =	simm.s32 $0x1BF5;
	[smem:$0x3FB7] =	sst s0  }
0x18: {  	s0 =	sld [smem:$0x3F9A];
	_ =	swait.ge [sflag:s4], $0x0  }
0x19: {  	s7 =	sld [smem:$0x3F9B]  }
0x1a: {  	s8 =	sadd.s32 $0xFFFFE003, lr  }
0x1b: {  	s9 =	sadd.s32 $0xFFFFFEF7, lr;
	s5 =	simm.s32 $0xFFFFFFFF;
	p2 =	slt.u32 s8, $0xFFFFF086  }
0x1c: {  	p1 =	slt.u32 s9, $0xF7A;
	s5 =	simm.s32 @!p2 $0x0  }
0x1d: {  	s5 =	simm.s32 @p1 $0x1;
	p0 =	seq.s32 s7, s2  }
0x1e: {  	s7 =	smul.u32 @!p0 $0xF7A, s2;
	p2 =	seq.s32 @!p0 s5, $0x0  }
0x1f: {  	s9 =	smul.u32 $0xF7A, s1;
	s8 =	simm.s32 @!p0 $0x1BF5;
	p2 =	por !p2, p0  }
0x20: {  	[sflag:s8] =	ssyncset.s32 @!p0 $0xFFFFF086;
	s6 =	sadd.s32 @!p0 s3, s7;
	s7 =	simm.s32 @!p0 $0x108  }
0x21: {  	s3 =	sadd.s32 s3, s9;
	s6 =	sadd.s32 @!p0 $0x88, s6;
	s7 =	simm.s32 @p2 $0x1082  }
0x22: {  	[simem:s7], [sflag:s8] =	dma.local @!p0 [hbm:s6], $0xF7A  }
0x23: {  	s9 =	sor.u32 $0xD0000000, s2;
	s6 =	simm.s32 $0x108;
	_ =	swait.ge @!p0 [sflag:s8], $0x0  }
0x24: {  	s3 =	sadd.s32 $0x88, s3;
	s6 =	simm.s32 @!p1 $0x1082;
	[sflag:s4] =	ssyncset.s32 $0xFFFFF086  }
0x25: {  	[simem:s6], [sflag:s4] =	dma.local [hbm:s3], $0xF7A  }
0x26: {  	[smem:$0x3F9B] =	sst s1;
	(tag) =	ssettag s2;
	_ =	strace s9  }
0x27: {  	s1 =	sld [smem:$0x3FAB]  }
0x28: {  	s2 =	sld [smem:$0x3FAC]  }
0x29: {  	s4 =	sld [smem:$0x3FAE]  }
0x2a: {  	p0 =	seq.s32 s5, $0x0;
	s5 =	sld [smem:$0x3FAF]  }
0x2b: {  	s6 =	sld [smem:$0x3FB0]  }
0x2c: {  	s7 =	sld [smem:$0x3FB1]  }
0x2d: {  	s3 =	simm.s32 $0x108;
	s8 =	sld [smem:$0x3FB2]  }
0x2e: {  	s3 =	simm.s32 @!p0 $0x1082;
	s9 =	sld [smem:$0x3FB3]  }
0x2f: {  	lr =	sadd.s32 s0, s3;
	s0 =	sld [smem:$0x3FAA]  }
0x30: {  	s3 =	sld [smem:$0x3FAD]  }
0x31: {  	[smem:$0x3FB6] =	sst s10  }
0x32: {  	s10 =	sld [smem:$0x3FB4];
	_ =	sdelay $0x3  }
0x33: {  	p0 =	seq.s32 s10, $0x1;
	s10 =	sld [smem:$0x3FB6];
	_ =	sdelay $0x3  }
0x34: {  	[smem:$0x3FB6] =	sst s10  }
0x35: {  	s10 =	sld [smem:$0x3FB5];
	_ =	sdelay $0x3  }
0x36: {  	p1 =	seq.s32 s10, $0x1;
	s10 =	sld [smem:$0x3FB6];
	_ =	sdelay $0x3  }
0x37: {  	[smem:$0x3FB6] =	sst s10  }
0x38: {  	s10 =	sld [smem:$0x3FB7]  }
0x39: {  	_ = 	snop;
	(pc) =	sbr.ind lr, $3  }
0x3a: {  	_ = 	snop  }
0x3b: {  	_ = 	snop  }
0x3c: {  	p2 =	seq.s32 s10, $0x1;
	s10 =	sld [smem:$0x3FB6]  }
0x3d: {  	_ =	shalt  }
0x3e: {  	_ =	shalt  }
0x3f: {  	_ =	shalt  }
0x40: {  	_ =	shalt  }
0x41: {  	_ =	shalt  }
0x42: {  	_ =	shalt  }
0x43: {  	_ =	shalt  }
0x44: {  	_ =	shalt  }
0x45: {  	_ =	shalt  }
0x46: {  	_ =	shalt  }
0x47: {  	_ =	shalt  }
0x48: {  	_ =	shalt  }
0x49: {  	_ =	shalt  }
0x4a: {  	_ =	shalt  }
0x4b: {  	_ =	shalt  }
0x4c: {  	_ =	shalt  }
0x4d: {  	_ =	shalt  }
0x4e: {  	_ =	shalt  }
0x4f: {  	_ =	shalt  }
0x50: {  	_ =	shalt  }
0x51: {  	_ =	shalt  }
0x52: {  	_ =	shalt  }
0x53: {  	_ =	shalt  }
0x54: {  	_ =	shalt  }
0x55: {  	_ =	shalt  }
0x56: {  	_ =	shalt  }
0x57: {  	_ =	shalt  }
0x58: {  	_ =	shalt  }
0x59: {  	_ =	shalt  }
0x5a: {  	_ =	shalt  }
0x5b: {  	_ =	shalt  }
0x5c: {  	_ =	shalt  }
0x5d: {  	_ =	shalt  }
0x5e: {  	_ =	shalt  }
0x5f: {  	_ =	shalt  }
0x60: {  	_ =	shalt  }
0x61: {  	_ =	shalt  }
0x62: {  	_ =	shalt  }
0x63: {  	_ =	shalt  }
0x64: {  	_ =	shalt  }
0x65: {  	_ =	shalt  }
0x66: {  	_ =	shalt  }
0x67: {  	_ =	shalt  }
0x68: {  	_ =	shalt  }
0x69: {  	_ =	shalt  }
0x6a: {  	_ =	shalt  }
0x6b: {  	_ =	shalt  }
0x6c: {  	_ =	shalt  }
0x6d: {  	_ =	shalt  }
0x6e: {  	_ =	shalt  }
0x6f: {  	_ =	shalt  }
0x70: {  	_ =	shalt  }
0x71: {  	_ =	shalt  }
0x72: {  	_ =	shalt  }
0x73: {  	_ =	shalt  }
0x74: {  	_ =	shalt  }
0x75: {  	_ =	shalt  }
0x76: {  	_ =	shalt  }
0x77: {  	_ =	shalt  }
0x78: {  	_ =	shalt  }
0x79: {  	_ =	shalt  }
0x7a: {  	_ =	shalt  }
0x7b: {  	_ =	shalt  }
0x7c: {  	_ =	shalt  }
0x7d: {  	_ =	shalt  }
0x7e: {  	_ =	shalt  }
0x7f: {  	_ =	shalt  }
0x80: {  	_ =	shalt  }
0x81: {  	_ =	shalt  }
0x82: {  	_ =	shalt  }
0x83: {  	_ =	shalt  }
0x84: {  	_ =	shalt  }
0x85: {  	_ =	shalt  }
0x86: {  	_ =	shalt  }
0x87: {  	_ =	shalt  }
.Lfunc_end0:
.L_simem_size_0:
called_computation_lowered:
.L_overlay_start_0:
0x88: {  	s0 =	sld [smem:$0x3FD9]  }
0x89: {  	s1 =	sld [smem:$0x3FFE];
	_ =	sdelay $0x3  }
0x8a: {  	s0 =	sadd.s32 s1, s0  }
0x8b: {  	[smem:$0x3FC2] =	sst s0  }
0x8c: {  	_ = 	snop  }
0x8d: {  	s0 =	sld [smem:$0x3FD0];
	(tm) =	ssettm $0x1  }
0x8e: {  	s16 =	sld [smem:$0x3FFB];
	_ =	sdelay $0x3  }
0x8f: {  	_ =	strace s16  }
0x90: {  	s1 =	sld [smem:$0x3FFC];
	_ =	sdelay $0x3  }
0x91: {  	_ =	strace s1  }
0x92: {  	s1 =	sld [smem:$0x3FFD];
	_ =	sdelay $0x3  }
0x93: {  	_ =	strace s1  }
0x94: {  	_ =	strace $0x8FFFFFFF  }
0x95: {  	s17 =	sld [smem:$0x3FDB];
	_ =	sdelay $0x1  }
0x96: {  	s2 =	simm.s32 $_scs_section_size  }
0x97: {  	s3 =	simm.s32 $_size__tile_overlayer_lowered;
	s4 =	simm.s32 $_tile_overlayer_lowered  }
0x98: {  	s20 =	simm.s32 $0x1BFF;
	s19 =	sshll.u32 s4, $0x1;
	s1 =	sadd.s32 s2, s17  }
0x99: {  	s5 =	simm.s32 $0x0;
	s18 =	sshll.u32 s3, $0x1;
	s3 =	sadd.s32 s19, s1  }
0x9a: {  	[timem:s5], [sflag:s20] =	dma.local [hbm:s3], s18  }
0x9b: {  	_ =	swait.ge [sflag:s20], s18  }
0x9c: {  	s2 =	ssub.s32 $0x0, s18;
	[sflag:s20] =	ssyncset.done $0x0  }
0x9d: {  	[sflag:s20] =	ssyncadd.s32 s2;
	_ =	sdelay $0x1  }
0x9e: {  	s21 =	simm.s32 $0x1B8B  }
0x9f: {  	_ =	swait.ge [sflag:s21], $0x1  }
0xa0: {  	[sflag:s21] =	ssyncset.done $0x0  }
0xa1: {  	s23 =	simm.s32 $0x1B8E;
	s22 =	sld [smem:$0x3FFE];
	[sflag:s21] =	ssyncadd.s32 $0xFFFFFFFF  }
0xa2: {  	s24 =	simm.s32 $execute0_lowered;
	[smem:$0x3FD2] =	sst s23  }
0xa3: {  	s3 =	sshll.u32 s24, $0x1;
	_ =	strace $0x80000046;
	[dreg:$0x1] =	wrdreg $0xFFFFFFFF  }
0xa4: {  	s25 =	simm.s32 $_size_execute0_lowered;
	s1 =	sadd.s32 s1, s3;
	[dreg:$0x0] =	wrdreg $0x0  }
0xa5: {  	s3 =	sshll.u32 s25, $0x1;
	[dreg:$0x2] =	wrdreg s1  }
0xa6: {  	[dreg:$0x3] =	wrdreg s3  }
0xa7: {  	[dreg:$0x4] =	wrdreg $0xC0  }
0xa8: {  	_ =	task [dreg:s5], $0x5FFFF  }
0xa9: {  	[dreg:$0x1] =	wrdreg $0xFFFFFFFF  }
0xaa: {  	[dreg:$0x0] =	wrdreg $0x60  }
0xab: {  	[dreg:$0x2] =	wrdreg s22  }
0xac: {  	[dreg:$0x3] =	wrdreg s0  }
0xad: {  	[dreg:$0x4] =	wrdreg $0x119400  }
0xae: {  	[dreg:$0x5] =	wrdreg $0x9  }
0xaf: {  	_ =	task.clear_ibuf [dreg:s5], $0x6FFFF;
	_ =	strace $0x90000046  }
0xb0: {  	s26 =	simm.s32 $0x9;
	_ =	strace $0x80000048  }
0xb1: {  	_ =	swait.ge [sflag:s26], $0x1  }
0xb2: {  	[sflag:s26] =	ssyncadd.s32 $0xFFFFFFFF  }
0xb3: {  	_ =	strace $0x90000048  }
0xb4: {  	_ =	sfence  }
0xb5: {  	s28 =	sld [smem:$0x0];
	_ =	sdelay $0x1  }
0xb6: {  	s29 =	srdreg.scid  }
0xb7: {  	s30 =	sshll.u32 s29, $0xD;
	s31 =	sshrl.u32 s29, $0x2  }
0xb8: {  	s2 =	sand.u32 $0x4000, s30;
	s1 =	sand.u32 $0x1, s29;
	s0 =	sadd.s32 s31, s28  }
0xb9: {  	s1 =	sor.u32 s2, s1;
	s0 =	sshll.u32 s0, $0x11  }
0xba: {  	s0 =	sor.u32 s0, s1  }
0xbb: {  	s0 =	sadd.s32 $0x8F2B, s0  }
0xbc: {  	[sflag:s0] =	ssyncadd.remote.s32 $0x1  }
0xbd: {  	_ =	sfence.sel $0xFFFF  }
0xbe: {  	[dreg:$0x0] =	wrdreg $0xFFFFFFFF;
	(pc) =	sbr.abs _section_cstart, $3  }
0xbf: {  	[dreg:$0x1] =	wrdreg $0xFFFFFFFF  }
0xc0: {  	_ =	task.clear_ibuf [dreg:s5], $0x2FFFF;
	_ =	strace $0x9FFFFFFF  }
0xc1: {  	(tm) =	ssettm $0x7FFFFFFF  }
tec
execute0_lowered:
.L_overlay_start_1:
0x0: {  	(tag) =	ssettag $0x1  }
0x1: {  	s2 =	rddreg [dreg:$0x0]  }
0x2: {  	s3 =	rddreg [dreg:$0x1];
	s0 =	stileid.u32  }
0x3: {  	s4 =	rddreg [dreg:$0x2];
	s5 =	smul.u32 $0x9C4, s0  }
0x4: {  	s1 =	rddreg [dreg:$0x3];
	s6 =	simm.s32 $0x0  }
0x5: {  	[smem:$0x7FF] =	sst s6;
	s7 =	sadd.s32 s5, s2  }
0x6: {  	s30 =	simm.s32 $0x1;
	_ =	strace $0x80000047;
	s7 =	sadd.s32 $0x1400, s7  }
0x7: {  	[tilespmem:s6], [sflag:$0x1] =	stream.linear.gather [hbm4b:s7+s6], $0x4E20, $0x38;
	[tilespmem:$0x16940] =	vst v63  }
0x8: {  	_ =	swait.ge [sflag:s30], $0x4E20  }
0x9: {  	[sflag:s30] =	ssyncset.done $0x0  }
0xa: {  	s31 =	simm.s32 $0x4E20;
	s3 =	sadd.s32 s3, s5;
	[sflag:s30] =	ssyncadd.s32 $0xFFFFB1E0  }
0xb: {  	[tilespmem:s31], [sflag:$0x1] =	stream.linear.gather [hbm4b:s3+s6], $0x4E20, $0x38;
	[tilespmem:$0x16940] =	vst v63  }
0xc: {  	_ =	swait.ge [sflag:s30], $0x4E20  }
0xd: {  	s2 =	sadd.s32 $0xB200, s2;
	[sflag:s30] =	ssyncset.done $0x0  }
0xe: {  	v0 =	vimm.f32 $0.0e+00;
	s5 =	simm.s32 $0x200;
	s3 =	simm.s32 $0x0;
	[sflag:s30] =	ssyncadd.s32 $0xFFFFB1E0  }
.LBB2_1:
0xf: {  	p0 =	sne.s32 s5, $0x13E00;
	[tilespmem:s3+$0x9CB0] =	vst v0  }
0x10: {  	[tilespmem:s3+$0x9C40] =	vst v0  }
0x11: {  	[tilespmem:s3+$0x9C50] =	vst v0  }
.Ltmp0:
0x12: {  	[tilespmem:s3+$0x9C60] =	vst v0;
	(pc) =	sbr.rel @p0 .LBB2_1-.Ltmp0, $4  }
0x13: {  	[tilespmem:s3+$0x9C70] =	vst v0  }
0x14: {  	[tilespmem:s3+$0x9C80] =	vst v0  }
0x15: {  	[tilespmem:s3+$0x9C90] =	vst v0  }
0x16: {  	[tilespmem:s3+$0x9CA0] =	vst v0;
	s3 =	sshra.s32 s5, $0x2;
	s5 =	sadd.s32 $0x200, s5  }
0x17: {  	[tilespmem:s3+$0x9CB0] =	vst v0  }
0x18: {  	[tilespmem:s3+$0x9C40] =	vst v0  }
0x19: {  	[tilespmem:s3+$0x9C50] =	vst v0  }
0x1a: {  	[tilespmem:s3+$0x9C60] =	vst v0  }
0x1b: {  	[tilespmem:s3+$0x9C70] =	vst v0  }
0x1c: {  	[tilespmem:s3+$0x9C80] =	vst v0  }
0x1d: {  	[tilespmem:s3+$0x9C90] =	vst v0  }
0x1e: {  	[tilespmem:s3+$0x9CA0] =	vst v0;
	s3 =	simm.s32 $0x0;
	v0 =	vimm.f32 $1.000000000e+00;
	s5 =	simm.s32 $0x9C40  }
.LBB2_3:
0x1f: {  	s6 =	sshra.s32 s3, $0x2  }
0x20: {  	v1 =	vld [tilespmem:s6+$0x0];
	_ =	sdelay $0x7  }
0x21: {  	[tilespmem:v1+s5+$0x0] =	vst.idx.add.f32.msk $0xffff, v0  }
0x22: {  	v1 =	vld [tilespmem:s6+$0x4E20];
	_ =	sdelay $0x4  }
0x23: {  	v1 =	vadd.s32 $0x2800, v1;
	_ =	sdelay $0x4  }
0x24: {  	[tilespmem:v1+s5+$0x0] =	vst.idx.add.f32.msk $0xffff, v0  }
0x25: {  	v1 =	vld [tilespmem:s6+$0x10];
	_ =	sdelay $0x7  }
0x26: {  	[tilespmem:v1+s5+$0x0] =	vst.idx.add.f32.msk $0xffff, v0  }
0x27: {  	v1 =	vld [tilespmem:s6+$0x4E30];
	_ =	sdelay $0x4  }
0x28: {  	v1 =	vadd.s32 $0x2800, v1;
	_ =	sdelay $0x4  }
0x29: {  	[tilespmem:v1+s5+$0x0] =	vst.idx.add.f32.msk $0xffff, v0  }
0x2a: {  	v1 =	vld [tilespmem:s6+$0x20];
	_ =	sdelay $0x7  }
0x2b: {  	[tilespmem:v1+s5+$0x0] =	vst.idx.add.f32.msk $0xffff, v0  }
0x2c: {  	v1 =	vld [tilespmem:s6+$0x4E40];
	_ =	sdelay $0x4  }
0x2d: {  	v1 =	vadd.s32 $0x2800, v1;
	_ =	sdelay $0x4  }
0x2e: {  	[tilespmem:v1+s5+$0x0] =	vst.idx.add.f32.msk $0xffff, v0  }
0x2f: {  	v1 =	vld [tilespmem:s6+$0x30];
	_ =	sdelay $0x7  }
0x30: {  	[tilespmem:v1+s5+$0x0] =	vst.idx.add.f32.msk $0xffff, v0  }
0x31: {  	v1 =	vld [tilespmem:s6+$0x4E50];
	_ =	sdelay $0x4  }
0x32: {  	v1 =	vadd.s32 $0x2800, v1;
	_ =	sdelay $0x4  }
0x33: {  	[tilespmem:v1+s5+$0x0] =	vst.idx.add.f32.msk $0xffff, v0  }
0x34: {  	v1 =	vld [tilespmem:s6+$0x40];
	_ =	sdelay $0x7  }
0x35: {  	[tilespmem:v1+s5+$0x0] =	vst.idx.add.f32.msk $0xffff, v0  }
0x36: {  	v1 =	vld [tilespmem:s6+$0x4E60];
	_ =	sdelay $0x4  }
0x37: {  	p0 =	sne.s32 s3, $0x13740;
	v1 =	vadd.s32 $0x2800, v1  }
.Ltmp1:
0x38: {  	_ = 	snop;
	(pc) =	sbr.rel @p0 .LBB2_3-.Ltmp1, $2  }
0x39: {  	_ =	sdelay $0x2  }
0x3a: {  	s3 =	sadd.s32 $0x140, s3;
	[tilespmem:v1+s5+$0x0] =	vst.idx.add.f32.msk $0xffff, v0  }
0x3b: {  	s3 =	smul.u32 $0x14000, s0;
	_ =	sdelay $0x1  }
0x3c: {  	s3 =	sshrl.u32 s3, $0x2  }
0x3d: {  	s5 =	simm.s32 $0x9C40;
	s31 =	simm.s32 $0x1;
	s3 =	sadd.s32 s3, s4  }
0x3e: {  	[spmem:s3] =	stream.linear.scatter [tilespmem:s5], [sflag:$0x1], $0x5000, $0x38;
	[tilespmem:$0x16940] =	vst v63  }
0x3f: {  	_ =	swait.ge [sflag:s31], $0x5000  }
0x40: {  	s3 =	smul.u32 $0x280, s0;
	[sflag:s31] =	ssyncset.done $0x0  }
0x41: {  	s7 =	simm.s32 $0x280;
	s8 =	simm.s32 $0x5000;
	[sflag:s31] =	ssyncadd.s32 $0xFFFFB000  }
0x42: {  	s9 =	simm.s32 $0xEC40;
	s6 =	sadd.s32 s3, s4;
	[bflag:$0x0] =	sbarrier.arrive $0xFFFF  }
0x43: {  	[tilespmem:s9], [sflag:$0x1] =	stream.strided.gather [spmem:s6], $0x2800, s8, s7, $0x38;
	[tilespmem:$0x16940] =	vst v63  }
0x44: {  	_ =	swait.ge [sflag:s31], $0x2800  }
0x45: {  	[sflag:s31] =	ssyncset.done $0x0  }
0x46: {  	s8 =	simm.s32 $0x0;
	[sflag:s31] =	ssyncadd.s32 $0xFFFFD800  }
0x47: {  	v0 =	vld [tilespmem:s8+$0xEC40];
	_ =	sdelay $0x1  }
0x48: {  	v1 =	vld [tilespmem:s8+$0xEEC0];
	_ =	sdelay $0x1  }
0x49: {  	v2 =	vld [tilespmem:s8+$0xF140]  }
0x4a: {  	v0 =	vadd.f32 $0.0e+00, v0  }
0x4b: {  	v3 =	vld [tilespmem:s8+$0xF3C0]  }
0x4c: {  	v0 =	vadd.f32 v1, v0  }
0x4d: {  	v1 =	vld [tilespmem:s8+$0xF640]  }
0x4e: {  	v0 =	vadd.f32 v2, v0  }
0x4f: {  	v2 =	vld [tilespmem:s8+$0xF8C0]  }
0x50: {  	v0 =	vadd.f32 v3, v0  }
0x51: {  	v3 =	vld [tilespmem:s8+$0xFB40]  }
0x52: {  	v0 =	vadd.f32 v1, v0  }
0x53: {  	s7 =	simm.s32 $0x10;
	v1 =	vld [tilespmem:s8+$0xFDC0]  }
0x54: {  	v4 =	vld [tilespmem:s7+$0xEC40];
	v0 =	vadd.f32 v2, v0  }
0x55: {  	v2 =	vld [tilespmem:s8+$0x10040]  }
0x56: {  	v5 =	vld [tilespmem:s7+$0xEEC0];
	v0 =	vadd.f32 v3, v0  }
0x57: {  	v3 =	vld [tilespmem:s8+$0x102C0]  }
0x58: {  	v6 =	vld [tilespmem:s7+$0xF140];
	v0 =	vadd.f32 v1, v0  }
0x59: {  	v1 =	vld [tilespmem:s8+$0x10540]  }
0x5a: {  	v7 =	vld [tilespmem:s7+$0xF3C0];
	v4 =	vadd.f32 $0.0e+00, v4;
	v0 =	vadd.f32 v2, v0  }
0x5b: {  	v2 =	vld [tilespmem:s8+$0x107C0]  }
0x5c: {  	v4 =	vadd.f32 v5, v4;
	v5 =	vld [tilespmem:s7+$0xF640];
	v0 =	vadd.f32 v3, v0  }
0x5d: {  	v3 =	vld [tilespmem:s8+$0x10A40]  }
0x5e: {  	v4 =	vadd.f32 v6, v4;
	v6 =	vld [tilespmem:s7+$0xF8C0];
	v0 =	vadd.f32 v1, v0  }
0x5f: {  	v1 =	vld [tilespmem:s8+$0x10CC0]  }
0x60: {  	v4 =	vadd.f32 v7, v4;
	v7 =	vld [tilespmem:s7+$0xFB40];
	v0 =	vadd.f32 v2, v0  }
0x61: {  	v2 =	vld [tilespmem:s8+$0x10F40]  }
0x62: {  	v4 =	vadd.f32 v5, v4;
	v5 =	vld [tilespmem:s7+$0xFDC0];
	v0 =	vadd.f32 v3, v0  }
0x63: {  	v3 =	vld [tilespmem:s8+$0x111C0]  }
0x64: {  	s5 =	simm.s32 $0x20;
	v4 =	vadd.f32 v6, v4;
	v6 =	vld [tilespmem:s7+$0x10040];
	v0 =	vadd.f32 v1, v0  }
0x65: {  	v1 =	vld [tilespmem:s5+$0xEC40]  }
0x66: {  	v4 =	vadd.f32 v7, v4;
	v7 =	vld [tilespmem:s7+$0x102C0];
	v0 =	vadd.f32 v2, v0  }
0x67: {  	v2 =	vld [tilespmem:s5+$0xEEC0]  }
0x68: {  	v4 =	vadd.f32 v5, v4;
	v5 =	vld [tilespmem:s7+$0x10540];
	v0 =	vadd.f32 v3, v0  }
0x69: {  	v3 =	vld [tilespmem:s5+$0xF140]  }
0x6a: {  	v8 =	vld [tilespmem:s5+$0xF3C0];
	v4 =	vadd.f32 v6, v4;
	v1 =	vadd.f32 $0.0e+00, v1;
	v0 =	vmax.f32 v0, $1.000000000e+00  }
0x6b: {  	v6 =	vld [tilespmem:s7+$0x107C0];
	v9 =	vshra.s32 v0, $0x1;
	v10 =	vmul.f32 $5.000000000e-01, v0  }
0x6c: {  	v0 =	vadd.f32 v2, v1;
	v1 =	vadd.f32 v7, v4;
	v2 =	vld [tilespmem:s7+$0x10A40];
	v4 =	vsub.s32 $0x5F3759DF, v9  }
0x6d: {  	v7 =	vld [tilespmem:s5+$0xF640];
	v9 =	vmul.f32 v4, v10  }
0x6e: {  	v0 =	vadd.f32 v3, v0;
	v1 =	vadd.f32 v5, v1;
	v3 =	vld [tilespmem:s7+$0x10CC0]  }
0x6f: {  	v5 =	vld [tilespmem:s5+$0xF8C0];
	v9 =	vmul.f32 v4, v9  }
0x70: {  	v0 =	vadd.f32 v8, v0;
	v1 =	vadd.f32 v6, v1;
	v6 =	vld [tilespmem:s7+$0x10F40]  }
0x71: {  	v8 =	vld [tilespmem:s5+$0xFB40];
	v9 =	vsub.f32 $1.500000000e+00, v9  }
0x72: {  	v0 =	vadd.f32 v7, v0;
	v1 =	vadd.f32 v2, v1;
	v2 =	vld [tilespmem:s7+$0x111C0]  }
0x73: {  	v7 =	vld [tilespmem:s5+$0xFDC0];
	v4 =	vmul.f32 v4, v9  }
0x74: {  	s6 =	simm.s32 $0x30;
	v0 =	vadd.f32 v5, v0;
	v5 =	vld [tilespmem:s5+$0x10040];
	v1 =	vadd.f32 v3, v1  }
0x75: {  	v3 =	vld [tilespmem:s6+$0xEC40];
	v9 =	vmul.f32 v4, v10  }
0x76: {  	v0 =	vadd.f32 v8, v0;
	v8 =	vld [tilespmem:s5+$0x102C0];
	v1 =	vadd.f32 v6, v1  }
0x77: {  	v6 =	vld [tilespmem:s6+$0xEEC0];
	v9 =	vmul.f32 v9, v4  }
0x78: {  	v0 =	vadd.f32 v7, v0;
	v7 =	vld [tilespmem:s5+$0x10540];
	v1 =	vadd.f32 v2, v1  }
0x79: {  	v2 =	vld [tilespmem:s6+$0xF140];
	v9 =	vsub.f32 $1.500000000e+00, v9  }
0x7a: {  	v11 =	vld [tilespmem:s5+$0x107C0];
	v3 =	vadd.f32 $0.0e+00, v3;
	v5 =	vadd.f32 v5, v0;
	v0 =	vmax.f32 v1, $1.000000000e+00  }
0x7b: {  	v1 =	vld [tilespmem:s6+$0xF3C0];
	v12 =	vshra.s32 v0, $0x1;
	v0 =	vmul.f32 $5.000000000e-01, v0;
	v9 =	vmul.f32 v9, v4  }
0x7c: {  	v3 =	vadd.f32 v6, v3;
	v4 =	vadd.f32 v8, v5;
	v5 =	vld [tilespmem:s5+$0x10A40];
	v6 =	vsub.s32 $0x5F3759DF, v12  }
0x7d: {  	v8 =	vld [tilespmem:s6+$0xF640];
	v12 =	vmul.f32 v6, v0;
	v10 =	vmul.f32 v9, v10  }
0x7e: {  	v13 =	vld [tilespmem:s5+$0x10CC0];
	v2 =	vadd.f32 v2, v3;
	v3 =	vadd.f32 v7, v4  }
0x7f: {  	v14 =	vld [tilespmem:s6+$0xF8C0];
	v4 =	vmul.f32 v6, v12;
	v7 =	vmul.f32 v10, v9  }
0x80: {  	v2 =	vadd.f32 v1, v2;
	v1 =	vld [tilespmem:s5+$0x10F40];
	v10 =	vadd.f32 v11, v3  }
0x81: {  	v3 =	vld [tilespmem:s6+$0xFB40];
	v11 =	vsub.f32 $1.500000000e+00, v4;
	v63 =	vsub.f32 $1.500000000e+00, v7  }
0x82: {  	v8 =	vadd.f32 v8, v2;
	v2 =	vld [tilespmem:s5+$0x111C0];
	v10 =	vadd.f32 v5, v10  }
0x83: {  	v4 =	vld [tilespmem:s6+$0xFDC0];
	v7 =	vmul.f32 v6, v11;
	v9 =	vmul.f32 v63, v9  }
0x84: {  	s10 =	simm.s32 $0x140;
	s9 =	simm.s32 $0x40;
	v5 =	vld [tilespmem:s6+$0x10040];
	v8 =	vadd.f32 v14, v8;
	v6 =	vadd.f32 v13, v10  }
.LBB2_5:
0x85: {  	p0 =	sne.s32 s10, $0x9C0;
	v10 =	vld [tilespmem:s9+$0xEC40];
	v11 =	vmul.f32 v7, v0;
	[tilespmem:s8+$0x11440] =	vst v9;
	s8 =	smov.u32 s7;
	s7 =	smov.u32 s5  }
0x86: {  	s5 =	smov.u32 s6;
	v3 =	vadd.f32 v3, v8;
	v8 =	vld [tilespmem:s6+$0x102C0];
	v1 =	vadd.f32 v1, v6;
	s6 =	smov.u32 s9  }
0x87: {  	v6 =	vld [tilespmem:s6+$0xEEC0];
	v9 =	vmul.f32 v11, v7  }
0x88: {  	v3 =	vadd.f32 v4, v3;
	v4 =	vld [tilespmem:s5+$0x10540];
	v1 =	vadd.f32 v2, v1  }
0x89: {  	v2 =	vld [tilespmem:s6+$0xF140];
	v9 =	vsub.f32 $1.500000000e+00, v9  }
0x8a: {  	v10 =	vadd.f32 $0.0e+00, v10;
	v3 =	vadd.f32 v5, v3;
	v5 =	vld [tilespmem:s5+$0x107C0];
	v1 =	vmax.f32 v1, $1.000000000e+00  }
0x8b: {  	v11 =	vld [tilespmem:s6+$0xF3C0];
	v12 =	vshra.s32 v1, $0x1;
	v1 =	vmul.f32 $5.000000000e-01, v1;
	v9 =	vmul.f32 v9, v7  }
0x8c: {  	v6 =	vadd.f32 v6, v10;
	v3 =	vadd.f32 v8, v3;
	v7 =	vld [tilespmem:s5+$0x10A40];
	v8 =	vsub.s32 $0x5F3759DF, v12  }
0x8d: {  	v10 =	vld [tilespmem:s6+$0xF640];
	v12 =	vmul.f32 v8, v1;
	v13 =	vmul.f32 v9, v0;
	v0 =	vmov v1  }
0x8e: {  	v1 =	vadd.f32 v2, v6;
	v2 =	vadd.f32 v4, v3;
	v6 =	vld [tilespmem:s5+$0x10CC0]  }
0x8f: {  	v14 =	vld [tilespmem:s6+$0xF8C0];
	v4 =	vmul.f32 v8, v12;
	v12 =	vmul.f32 v13, v9  }
.Ltmp2:
0x90: {  	v11 =	vadd.f32 v11, v1;
	v2 =	vadd.f32 v5, v2;
	v1 =	vld [tilespmem:s5+$0x10F40];
	(pc) =	sbr.rel @p0 .LBB2_5-.Ltmp2, $4  }
0x91: {  	v3 =	vld [tilespmem:s6+$0xFB40];
	v5 =	vsub.f32 $1.500000000e+00, v4;
	v12 =	vsub.f32 $1.500000000e+00, v12  }
0x92: {  	v10 =	vadd.f32 v10, v11;
	v11 =	vadd.f32 v7, v2;
	v2 =	vld [tilespmem:s5+$0x111C0]  }
0x93: {  	v4 =	vld [tilespmem:s6+$0xFDC0];
	v7 =	vmul.f32 v8, v5;
	v9 =	vmul.f32 v12, v9  }
0x94: {  	s9 =	sshra.s32 s10, $0x2;
	s10 =	sadd.s32 $0x40, s10;
	v8 =	vadd.f32 v14, v10;
	v5 =	vld [tilespmem:s6+$0x10040];
	v6 =	vadd.f32 v6, v11  }
0x95: {  	v10 =	vld [tilespmem:s9+$0xEC40]  }
0x96: {  	v11 =	vmul.f32 v7, v0;
	[tilespmem:s8+$0x11440] =	vst v9  }
0x97: {  	v9 =	vld [tilespmem:s9+$0xEEC0]  }
0x98: {  	v11 =	vmul.f32 v11, v7  }
0x99: {  	v13 =	vld [tilespmem:s9+$0xF140]  }
0x9a: {  	v12 =	vld [tilespmem:s6+$0x102C0];
	v11 =	vsub.f32 $1.500000000e+00, v11;
	v10 =	vadd.f32 $0.0e+00, v10  }
0x9b: {  	v15 =	vld [tilespmem:s9+$0xF3C0]  }
0x9c: {  	v14 =	vld [tilespmem:s6+$0x10540];
	v7 =	vmul.f32 v11, v7;
	v9 =	vadd.f32 v9, v10  }
0x9d: {  	v10 =	vld [tilespmem:s9+$0xF640]  }
0x9e: {  	v16 =	vld [tilespmem:s6+$0x107C0];
	v0 =	vmul.f32 v7, v0;
	v9 =	vadd.f32 v13, v9  }
0x9f: {  	v58 =	vld [tilespmem:s9+$0xF8C0]  }
0xa0: {  	v17 =	vld [tilespmem:s6+$0x10CC0];
	v0 =	vmul.f32 v0, v7;
	v9 =	vadd.f32 v15, v9  }
0xa1: {  	v59 =	vld [tilespmem:s9+$0xFB40]  }
0xa2: {  	v18 =	vld [tilespmem:s6+$0x10F40];
	v0 =	vsub.f32 $1.500000000e+00, v0;
	v9 =	vadd.f32 v10, v9  }
0xa3: {  	v10 =	vld [tilespmem:s9+$0xFDC0]  }
0xa4: {  	v3 =	vadd.f32 v3, v8;
	v8 =	vld [tilespmem:s9+$0x10040];
	v0 =	vmul.f32 v0, v7;
	v7 =	vadd.f32 v58, v9  }
0xa5: {  	v11 =	vld [tilespmem:s6+$0x10A40]  }
0xa6: {  	v3 =	vadd.f32 v4, v3;
	v9 =	vld [tilespmem:s6+$0x111C0];
	[tilespmem:s7+$0x11440] =	vst v0;
	v0 =	vadd.f32 v59, v7  }
0xa7: {  	v4 =	vld [tilespmem:s9+$0x102C0]  }
0xa8: {  	v3 =	vadd.f32 v5, v3;
	v0 =	vadd.f32 v10, v0  }
0xa9: {  	v5 =	vld [tilespmem:s9+$0x10540]  }
0xaa: {  	v3 =	vadd.f32 v12, v3;
	v0 =	vadd.f32 v8, v0  }
0xab: {  	v7 =	vld [tilespmem:s9+$0x107C0]  }
0xac: {  	v3 =	vadd.f32 v14, v3;
	v0 =	vadd.f32 v4, v0  }
0xad: {  	v4 =	vld [tilespmem:s9+$0x10A40]  }
0xae: {  	v3 =	vadd.f32 v16, v3;
	v0 =	vadd.f32 v5, v0  }
0xaf: {  	v5 =	vld [tilespmem:s9+$0x10CC0]  }
0xb0: {  	v3 =	vadd.f32 v11, v3;
	v0 =	vadd.f32 v7, v0  }
0xb1: {  	v1 =	vadd.f32 v1, v6;
	v7 =	vld [tilespmem:s9+$0x10F40]  }
0xb2: {  	v3 =	vadd.f32 v17, v3;
	v0 =	vadd.f32 v4, v0  }
0xb3: {  	v1 =	vadd.f32 v2, v1;
	v4 =	vld [tilespmem:s9+$0x111C0]  }
0xb4: {  	v2 =	vadd.f32 v18, v3;
	v0 =	vadd.f32 v5, v0;
	_ =	sdelay $0x1  }
0xb5: {  	v2 =	vadd.f32 v9, v2;
	v0 =	vadd.f32 v7, v0  }
0xb6: {  	v1 =	vmax.f32 v1, $1.000000000e+00  }
0xb7: {  	v3 =	vshra.s32 v1, $0x1;
	v2 =	vmax.f32 v2, $1.000000000e+00;
	v0 =	vadd.f32 v4, v0  }
0xb8: {  	v1 =	vmul.f32 $5.000000000e-01, v1;
	v3 =	vsub.s32 $0x5F3759DF, v3;
	v5 =	vshra.s32 v2, $0x1  }
0xb9: {  	v2 =	vmul.f32 $5.000000000e-01, v2;
	v5 =	vsub.s32 $0x5F3759DF, v5;
	v0 =	vmax.f32 v0, $1.000000000e+00  }
0xba: {  	v4 =	vmul.f32 v3, v1;
	v6 =	vshra.s32 v0, $0x1;
	v0 =	vmul.f32 $5.000000000e-01, v0  }
0xbb: {  	v7 =	vmul.f32 v5, v2;
	v6 =	vsub.s32 $0x5F3759DF, v6  }
0xbc: {  	v4 =	vmul.f32 v3, v4;
	v8 =	vmul.f32 v6, v0  }
0xbd: {  	v7 =	vmul.f32 v5, v7  }
0xbe: {  	v4 =	vsub.f32 $1.500000000e+00, v4;
	v8 =	vmul.f32 v6, v8  }
0xbf: {  	v7 =	vsub.f32 $1.500000000e+00, v7  }
0xc0: {  	v3 =	vmul.f32 v3, v4;
	v4 =	vsub.f32 $1.500000000e+00, v8  }
0xc1: {  	v5 =	vmul.f32 v5, v7  }
0xc2: {  	v7 =	vmul.f32 v3, v1;
	v4 =	vmul.f32 v6, v4  }
0xc3: {  	v6 =	vmul.f32 v5, v2  }
0xc4: {  	v7 =	vmul.f32 v7, v3;
	v8 =	vmul.f32 v4, v0  }
0xc5: {  	v6 =	vmul.f32 v6, v5  }
0xc6: {  	v7 =	vsub.f32 $1.500000000e+00, v7;
	v8 =	vmul.f32 v8, v4  }
0xc7: {  	v6 =	vsub.f32 $1.500000000e+00, v6  }
0xc8: {  	v3 =	vmul.f32 v7, v3;
	v7 =	vsub.f32 $1.500000000e+00, v8  }
0xc9: {  	v5 =	vmul.f32 v6, v5  }
0xca: {  	v1 =	vmul.f32 v3, v1;
	v4 =	vmul.f32 v7, v4  }
0xcb: {  	v2 =	vmul.f32 v5, v2  }
0xcc: {  	v1 =	vmul.f32 v1, v3;
	v0 =	vmul.f32 v4, v0  }
0xcd: {  	v2 =	vmul.f32 v2, v5  }
0xce: {  	v1 =	vsub.f32 $1.500000000e+00, v1;
	v0 =	vmul.f32 v0, v4  }
0xcf: {  	v2 =	vsub.f32 $1.500000000e+00, v2  }
0xd0: {  	v1 =	vmul.f32 v1, v3;
	v0 =	vsub.f32 $1.500000000e+00, v0  }
0xd1: {  	v2 =	vmul.f32 v2, v5  }
0xd2: {  	[tilespmem:s5+$0x11440] =	vst v1;
	v0 =	vmul.f32 v0, v4  }
0xd3: {  	s28 =	simm.s32 $0x280;
	s29 =	simm.s32 $0x5000;
	s5 =	sadd.s32 $0x2800, s3;
	[tilespmem:s6+$0x11440] =	vst v2  }
0xd4: {  	s30 =	simm.s32 $0xEC40;
	s31 =	simm.s32 $0x1;
	s4 =	sadd.s32 s5, s4;
	[tilespmem:s9+$0x11440] =	vst v0  }
0xd5: {  	[tilespmem:s30], [sflag:$0x1] =	stream.strided.gather [spmem:s4], $0x2800, s29, s28, $0x38;
	[tilespmem:$0x16940] =	vst v63  }
0xd6: {  	_ =	swait.ge [sflag:s31], $0x2800  }
0xd7: {  	[sflag:s31] =	ssyncset.done $0x0  }
0xd8: {  	s8 =	simm.s32 $0x0;
	[sflag:s31] =	ssyncadd.s32 $0xFFFFD800  }
0xd9: {  	v0 =	vld [tilespmem:s8+$0xEC40];
	_ =	sdelay $0x1  }
0xda: {  	v1 =	vld [tilespmem:s8+$0xEEC0];
	_ =	sdelay $0x1  }
0xdb: {  	v2 =	vld [tilespmem:s8+$0xF140]  }
0xdc: {  	v0 =	vadd.f32 $0.0e+00, v0  }
0xdd: {  	v3 =	vld [tilespmem:s8+$0xF3C0]  }
0xde: {  	v0 =	vadd.f32 v1, v0  }
0xdf: {  	v1 =	vld [tilespmem:s8+$0xF640]  }
0xe0: {  	v0 =	vadd.f32 v2, v0  }
0xe1: {  	v2 =	vld [tilespmem:s8+$0xF8C0]  }
0xe2: {  	v0 =	vadd.f32 v3, v0  }
0xe3: {  	v3 =	vld [tilespmem:s8+$0xFB40]  }
0xe4: {  	v0 =	vadd.f32 v1, v0  }
0xe5: {  	s7 =	simm.s32 $0x10;
	v1 =	vld [tilespmem:s8+$0xFDC0]  }
0xe6: {  	v4 =	vld [tilespmem:s7+$0xEC40];
	v0 =	vadd.f32 v2, v0  }
0xe7: {  	v2 =	vld [tilespmem:s8+$0x10040]  }
0xe8: {  	v5 =	vld [tilespmem:s7+$0xEEC0];
	v0 =	vadd.f32 v3, v0  }
0xe9: {  	v3 =	vld [tilespmem:s8+$0x102C0]  }
0xea: {  	v6 =	vld [tilespmem:s7+$0xF140];
	v0 =	vadd.f32 v1, v0  }
0xeb: {  	v1 =	vld [tilespmem:s8+$0x10540]  }
0xec: {  	v7 =	vld [tilespmem:s7+$0xF3C0];
	v4 =	vadd.f32 $0.0e+00, v4;
	v0 =	vadd.f32 v2, v0  }
0xed: {  	v2 =	vld [tilespmem:s8+$0x107C0]  }
0xee: {  	v4 =	vadd.f32 v5, v4;
	v5 =	vld [tilespmem:s7+$0xF640];
	v0 =	vadd.f32 v3, v0  }
0xef: {  	v3 =	vld [tilespmem:s8+$0x10A40]  }
0xf0: {  	v4 =	vadd.f32 v6, v4;
	v6 =	vld [tilespmem:s7+$0xF8C0];
	v0 =	vadd.f32 v1, v0  }
0xf1: {  	v1 =	vld [tilespmem:s8+$0x10CC0]  }
0xf2: {  	v4 =	vadd.f32 v7, v4;
	v7 =	vld [tilespmem:s7+$0xFB40];
	v0 =	vadd.f32 v2, v0  }
0xf3: {  	v2 =	vld [tilespmem:s8+$0x10F40]  }
0xf4: {  	v4 =	vadd.f32 v5, v4;
	v5 =	vld [tilespmem:s7+$0xFDC0];
	v0 =	vadd.f32 v3, v0  }
0xf5: {  	v3 =	vld [tilespmem:s8+$0x111C0]  }
0xf6: {  	s4 =	simm.s32 $0x20;
	v4 =	vadd.f32 v6, v4;
	v6 =	vld [tilespmem:s7+$0x10040];
	v0 =	vadd.f32 v1, v0  }
0xf7: {  	v1 =	vld [tilespmem:s4+$0xEC40]  }
0xf8: {  	v4 =	vadd.f32 v7, v4;
	v7 =	vld [tilespmem:s7+$0x102C0];
	v0 =	vadd.f32 v2, v0  }
0xf9: {  	v2 =	vld [tilespmem:s4+$0xEEC0]  }
0xfa: {  	v4 =	vadd.f32 v5, v4;
	v5 =	vld [tilespmem:s7+$0x10540];
	v0 =	vadd.f32 v3, v0  }
0xfb: {  	v3 =	vld [tilespmem:s4+$0xF140]  }
0xfc: {  	v8 =	vld [tilespmem:s4+$0xF3C0];
	v4 =	vadd.f32 v6, v4;
	v1 =	vadd.f32 $0.0e+00, v1;
	v0 =	vmax.f32 v0, $1.000000000e+00  }
0xfd: {  	v6 =	vld [tilespmem:s7+$0x107C0];
	v9 =	vshra.s32 v0, $0x1;
	v10 =	vmul.f32 $5.000000000e-01, v0  }
0xfe: {  	v0 =	vadd.f32 v2, v1;
	v1 =	vadd.f32 v7, v4;
	v2 =	vld [tilespmem:s7+$0x10A40];
	v4 =	vsub.s32 $0x5F3759DF, v9  }
0xff: {  	v7 =	vld [tilespmem:s4+$0xF640];
	v9 =	vmul.f32 v4, v10  }
0x100: {  	v0 =	vadd.f32 v3, v0;
	v1 =	vadd.f32 v5, v1;
	v3 =	vld [tilespmem:s7+$0x10CC0]  }
0x101: {  	v5 =	vld [tilespmem:s4+$0xF8C0];
	v9 =	vmul.f32 v4, v9  }
0x102: {  	v0 =	vadd.f32 v8, v0;
	v1 =	vadd.f32 v6, v1;
	v6 =	vld [tilespmem:s7+$0x10F40]  }
0x103: {  	v8 =	vld [tilespmem:s4+$0xFB40];
	v9 =	vsub.f32 $1.500000000e+00, v9  }
0x104: {  	v0 =	vadd.f32 v7, v0;
	v1 =	vadd.f32 v2, v1;
	v2 =	vld [tilespmem:s7+$0x111C0]  }
0x105: {  	v7 =	vld [tilespmem:s4+$0xFDC0];
	v4 =	vmul.f32 v4, v9  }
0x106: {  	s6 =	simm.s32 $0x30;
	v0 =	vadd.f32 v5, v0;
	v5 =	vld [tilespmem:s4+$0x10040];
	v1 =	vadd.f32 v3, v1  }
0x107: {  	v3 =	vld [tilespmem:s6+$0xEC40];
	v9 =	vmul.f32 v4, v10  }
0x108: {  	v0 =	vadd.f32 v8, v0;
	v8 =	vld [tilespmem:s4+$0x102C0];
	v1 =	vadd.f32 v6, v1  }
0x109: {  	v6 =	vld [tilespmem:s6+$0xEEC0];
	v9 =	vmul.f32 v9, v4  }
0x10a: {  	v0 =	vadd.f32 v7, v0;
	v7 =	vld [tilespmem:s4+$0x10540];
	v1 =	vadd.f32 v2, v1  }
0x10b: {  	v2 =	vld [tilespmem:s6+$0xF140];
	v9 =	vsub.f32 $1.500000000e+00, v9  }
0x10c: {  	v11 =	vld [tilespmem:s4+$0x107C0];
	v3 =	vadd.f32 $0.0e+00, v3;
	v5 =	vadd.f32 v5, v0;
	v0 =	vmax.f32 v1, $1.000000000e+00  }
0x10d: {  	v1 =	vld [tilespmem:s6+$0xF3C0];
	v60 =	vshra.s32 v0, $0x1;
	v0 =	vmul.f32 $5.000000000e-01, v0;
	v9 =	vmul.f32 v9, v4  }
0x10e: {  	v3 =	vadd.f32 v6, v3;
	v4 =	vadd.f32 v8, v5;
	v5 =	vld [tilespmem:s4+$0x10A40];
	v6 =	vsub.s32 $0x5F3759DF, v60  }
0x10f: {  	v8 =	vld [tilespmem:s6+$0xF640];
	v12 =	vmul.f32 v6, v0;
	v10 =	vmul.f32 v9, v10  }
0x110: {  	v61 =	vld [tilespmem:s4+$0x10CC0];
	v2 =	vadd.f32 v2, v3;
	v3 =	vadd.f32 v7, v4  }
0x111: {  	v62 =	vld [tilespmem:s6+$0xF8C0];
	v4 =	vmul.f32 v6, v12;
	v7 =	vmul.f32 v10, v9  }
0x112: {  	v2 =	vadd.f32 v1, v2;
	v1 =	vld [tilespmem:s4+$0x10F40];
	v10 =	vadd.f32 v11, v3  }
0x113: {  	v3 =	vld [tilespmem:s6+$0xFB40];
	v11 =	vsub.f32 $1.500000000e+00, v4;
	v63 =	vsub.f32 $1.500000000e+00, v7  }
0x114: {  	v8 =	vadd.f32 v8, v2;
	v2 =	vld [tilespmem:s4+$0x111C0];
	v10 =	vadd.f32 v5, v10  }
0x115: {  	v4 =	vld [tilespmem:s6+$0xFDC0];
	v7 =	vmul.f32 v6, v11;
	v9 =	vmul.f32 v63, v9  }
0x116: {  	s10 =	simm.s32 $0x140;
	s9 =	simm.s32 $0x40;
	v5 =	vld [tilespmem:s6+$0x10040];
	v8 =	vadd.f32 v62, v8;
	v6 =	vadd.f32 v61, v10  }
.LBB2_7:
0x117: {  	p0 =	sne.s32 s10, $0x9C0;
	v10 =	vld [tilespmem:s9+$0xEC40];
	v11 =	vmul.f32 v7, v0;
	[tilespmem:s8+$0x116C0] =	vst v9;
	s8 =	smov.u32 s7;
	s7 =	smov.u32 s4  }
0x118: {  	s4 =	smov.u32 s6;
	v3 =	vadd.f32 v3, v8;
	v8 =	vld [tilespmem:s6+$0x102C0];
	v1 =	vadd.f32 v1, v6;
	s6 =	smov.u32 s9  }
0x119: {  	v6 =	vld [tilespmem:s6+$0xEEC0];
	v9 =	vmul.f32 v11, v7  }
0x11a: {  	v3 =	vadd.f32 v4, v3;
	v4 =	vld [tilespmem:s4+$0x10540];
	v1 =	vadd.f32 v2, v1  }
0x11b: {  	v2 =	vld [tilespmem:s6+$0xF140];
	v9 =	vsub.f32 $1.500000000e+00, v9  }
0x11c: {  	v10 =	vadd.f32 $0.0e+00, v10;
	v3 =	vadd.f32 v5, v3;
	v5 =	vld [tilespmem:s4+$0x107C0];
	v1 =	vmax.f32 v1, $1.000000000e+00  }
0x11d: {  	v11 =	vld [tilespmem:s6+$0xF3C0];
	v12 =	vshra.s32 v1, $0x1;
	v1 =	vmul.f32 $5.000000000e-01, v1;
	v9 =	vmul.f32 v9, v7  }
0x11e: {  	v6 =	vadd.f32 v6, v10;
	v3 =	vadd.f32 v8, v3;
	v7 =	vld [tilespmem:s4+$0x10A40];
	v8 =	vsub.s32 $0x5F3759DF, v12  }
0x11f: {  	v10 =	vld [tilespmem:s6+$0xF640];
	v12 =	vmul.f32 v8, v1;
	v13 =	vmul.f32 v9, v0;
	v0 =	vmov v1  }
0x120: {  	v1 =	vadd.f32 v2, v6;
	v2 =	vadd.f32 v4, v3;
	v6 =	vld [tilespmem:s4+$0x10CC0]  }
0x121: {  	v14 =	vld [tilespmem:s6+$0xF8C0];
	v4 =	vmul.f32 v8, v12;
	v12 =	vmul.f32 v13, v9  }
.Ltmp3:
0x122: {  	v11 =	vadd.f32 v11, v1;
	v2 =	vadd.f32 v5, v2;
	v1 =	vld [tilespmem:s4+$0x10F40];
	(pc) =	sbr.rel @p0 .LBB2_7-.Ltmp3, $4  }
0x123: {  	v3 =	vld [tilespmem:s6+$0xFB40];
	v5 =	vsub.f32 $1.500000000e+00, v4;
	v12 =	vsub.f32 $1.500000000e+00, v12  }
0x124: {  	v10 =	vadd.f32 v10, v11;
	v11 =	vadd.f32 v7, v2;
	v2 =	vld [tilespmem:s4+$0x111C0]  }
0x125: {  	v4 =	vld [tilespmem:s6+$0xFDC0];
	v7 =	vmul.f32 v8, v5;
	v9 =	vmul.f32 v12, v9  }
0x126: {  	s9 =	sshra.s32 s10, $0x2;
	s10 =	sadd.s32 $0x40, s10;
	v8 =	vadd.f32 v14, v10;
	v5 =	vld [tilespmem:s6+$0x10040];
	v6 =	vadd.f32 v6, v11  }
0x127: {  	v10 =	vld [tilespmem:s9+$0xEC40]  }
0x128: {  	v11 =	vmul.f32 v7, v0;
	[tilespmem:s8+$0x116C0] =	vst v9  }
0x129: {  	v9 =	vld [tilespmem:s9+$0xEEC0]  }
0x12a: {  	v11 =	vmul.f32 v11, v7  }
0x12b: {  	v13 =	vld [tilespmem:s9+$0xF140]  }
0x12c: {  	v12 =	vld [tilespmem:s6+$0x102C0];
	v11 =	vsub.f32 $1.500000000e+00, v11;
	v10 =	vadd.f32 $0.0e+00, v10  }
0x12d: {  	v15 =	vld [tilespmem:s9+$0xF3C0]  }
0x12e: {  	v14 =	vld [tilespmem:s6+$0x10540];
	v34 =	vmul.f32 v11, v7;
	v9 =	vadd.f32 v9, v10  }
0x12f: {  	v35 =	vld [tilespmem:s9+$0xF640]  }
0x130: {  	v16 =	vld [tilespmem:s6+$0x107C0];
	v37 =	vmul.f32 v34, v0;
	v9 =	vadd.f32 v13, v9  }
0x131: {  	v38 =	vld [tilespmem:s9+$0xF8C0]  }
0x132: {  	v36 =	vld [tilespmem:s6+$0x10A40];
	v0 =	vmul.f32 v37, v34;
	v9 =	vadd.f32 v15, v9  }
0x133: {  	v39 =	vld [tilespmem:s9+$0xFB40]  }
0x134: {  	v17 =	vld [tilespmem:s6+$0x10CC0];
	v0 =	vsub.f32 $1.500000000e+00, v0;
	v9 =	vadd.f32 v35, v9  }
0x135: {  	v40 =	vld [tilespmem:s9+$0xFDC0]  }
0x136: {  	v18 =	vld [tilespmem:s6+$0x10F40];
	v0 =	vmul.f32 v0, v34;
	v41 =	vadd.f32 v38, v9  }
0x137: {  	v3 =	vadd.f32 v3, v8;
	v43 =	vld [tilespmem:s9+$0x10040]  }
0x138: {  	v42 =	vld [tilespmem:s6+$0x111C0];
	[tilespmem:s7+$0x116C0] =	vst v0;
	v44 =	vadd.f32 v39, v41  }
0x139: {  	v3 =	vadd.f32 v4, v3;
	v45 =	vld [tilespmem:s9+$0x102C0]  }
0x13a: {  	v0 =	vadd.f32 v40, v44  }
0x13b: {  	v3 =	vadd.f32 v5, v3;
	v46 =	vld [tilespmem:s9+$0x10540]  }
0x13c: {  	v0 =	vadd.f32 v43, v0  }
0x13d: {  	v3 =	vadd.f32 v12, v3;
	v47 =	vld [tilespmem:s9+$0x107C0]  }
0x13e: {  	v0 =	vadd.f32 v45, v0  }
0x13f: {  	v3 =	vadd.f32 v14, v3;
	v48 =	vld [tilespmem:s9+$0x10A40]  }
0x140: {  	v0 =	vadd.f32 v46, v0  }
0x141: {  	v3 =	vadd.f32 v16, v3;
	v49 =	vld [tilespmem:s9+$0x10CC0]  }
0x142: {  	v0 =	vadd.f32 v47, v0  }
0x143: {  	v3 =	vadd.f32 v36, v3;
	v50 =	vld [tilespmem:s9+$0x10F40]  }
0x144: {  	v1 =	vadd.f32 v1, v6;
	v0 =	vadd.f32 v48, v0  }
0x145: {  	v3 =	vadd.f32 v17, v3;
	v51 =	vld [tilespmem:s9+$0x111C0]  }
0x146: {  	v1 =	vadd.f32 v2, v1;
	v0 =	vadd.f32 v49, v0  }
0x147: {  	v52 =	vadd.f32 v18, v3  }
0x148: {  	v1 =	vmax.f32 v1, $1.000000000e+00;
	v0 =	vadd.f32 v50, v0  }
0x149: {  	v53 =	vshra.s32 v1, $0x1;
	v1 =	vmul.f32 $5.000000000e-01, v1;
	v2 =	vadd.f32 v42, v52  }
0x14a: {  	v3 =	vsub.s32 $0x5F3759DF, v53;
	v0 =	vadd.f32 v51, v0  }
0x14b: {  	v54 =	vmul.f32 v3, v1;
	v2 =	vmax.f32 v2, $1.000000000e+00  }
0x14c: {  	v55 =	vshra.s32 v2, $0x1;
	v2 =	vmul.f32 $5.000000000e-01, v2;
	v0 =	vmax.f32 v0, $1.000000000e+00  }
0x14d: {  	v5 =	vsub.s32 $0x5F3759DF, v55;
	v56 =	vshra.s32 v0, $0x1;
	v0 =	vmul.f32 $5.000000000e-01, v0  }
0x14e: {  	v57 =	vmul.f32 v5, v2;
	v6 =	vsub.s32 $0x5F3759DF, v56  }
0x14f: {  	v4 =	vmul.f32 v3, v54;
	v58 =	vmul.f32 v6, v0  }
0x150: {  	v7 =	vmul.f32 v5, v57  }
0x151: {  	v4 =	vsub.f32 $1.500000000e+00, v4;
	v8 =	vmul.f32 v6, v58  }
0x152: {  	v7 =	vsub.f32 $1.500000000e+00, v7  }
0x153: {  	v3 =	vmul.f32 v3, v4;
	v59 =	vsub.f32 $1.500000000e+00, v8  }
0x154: {  	v5 =	vmul.f32 v5, v7  }
0x155: {  	v60 =	vmul.f32 v3, v1;
	v4 =	vmul.f32 v6, v59  }
0x156: {  	v61 =	vmul.f32 v5, v2  }
0x157: {  	v7 =	vmul.f32 v60, v3;
	v62 =	vmul.f32 v4, v0  }
0x158: {  	v6 =	vmul.f32 v61, v5  }
0x159: {  	v7 =	vsub.f32 $1.500000000e+00, v7;
	v8 =	vmul.f32 v62, v4  }
0x15a: {  	v6 =	vsub.f32 $1.500000000e+00, v6  }
0x15b: {  	v3 =	vmul.f32 v7, v3;
	v63 =	vsub.f32 $1.500000000e+00, v8  }
0x15c: {  	v5 =	vmul.f32 v6, v5  }
0x15d: {  	v1 =	vmul.f32 v3, v1;
	v4 =	vmul.f32 v63, v4  }
0x15e: {  	v2 =	vmul.f32 v5, v2  }
0x15f: {  	v1 =	vmul.f32 v1, v3;
	v0 =	vmul.f32 v4, v0  }
0x160: {  	v2 =	vmul.f32 v2, v5  }
0x161: {  	v1 =	vsub.f32 $1.500000000e+00, v1;
	v0 =	vmul.f32 v0, v4  }
0x162: {  	v2 =	vsub.f32 $1.500000000e+00, v2  }
0x163: {  	v1 =	vmul.f32 v1, v3;
	v0 =	vsub.f32 $1.500000000e+00, v0  }
0x164: {  	v2 =	vmul.f32 v2, v5  }
0x165: {  	[tilespmem:s4+$0x116C0] =	vst v1;
	v0 =	vmul.f32 v0, v4  }
0x166: {  	s3 =	sshrl.u32 s3, $0x3;
	s26 =	simm.s32 $0x0;
	[tilespmem:s6+$0x116C0] =	vst v2  }
0x167: {  	s28 =	simm.s32 $0x11440;
	s29 =	simm.s32 $0x1;
	s3 =	sadd.s32 s2, s3;
	[tilespmem:s9+$0x116C0] =	vst v0  }
0x168: {  	[hbm4b:s3+s26] =	stream.linear.scatter [tilespmem:s28], [sflag:$0x1], $0x280, $0x38;
	[tilespmem:$0x16940] =	vst v63  }
0x169: {  	_ =	swait.ge [sflag:s29], $0x280  }
0x16a: {  	s5 =	sshrl.u32 s5, $0x3;
	[sflag:s29] =	ssyncset.done $0x0  }
0x16b: {  	s31 =	simm.s32 $0x116C0;
	s30 =	sadd.s32 s2, s5;
	[sflag:s29] =	ssyncadd.s32 $0xFFFFFD80  }
0x16c: {  	[hbm4b:s30+s26] =	stream.linear.scatter [tilespmem:s31], [sflag:$0x1], $0x280, $0x38;
	[tilespmem:$0x16940] =	vst v63  }
0x16d: {  	_ =	swait.ge [sflag:s29], $0x280  }
0x16e: {  	[sflag:s29] =	ssyncset.done $0x0  }
0x16f: {  	[sflag:s29] =	ssyncadd.s32 $0xFFFFFD80  }
0x170: {  	_ =	sfence.sel $0x180000  }
0x171: {  	[bflag:$0x0] =	sbarrier.arrive $0xFFFF  }
0x172: {  	p0 =	sne.s32 s0, $0x0;
	_ =	strace $0x90000047  }
0x173: {  	s0 =	sadd.s32 @!p0 $0x100000, s1;
	[bflag:$0x2] =	sbarrier.arrive $0xFFFF  }
0x174: {  	[sflag:s0] =	ssyncadd.tile.s32 @!p0 $0x1;
	_ =	shalt  }
.Lfunc_end2:
_tile_overlayer_lowered:
.L_overlay_start_2:
0x175: {  	(tag) =	ssettag $0x2  }
0x176: {  	s0 =	rddreg [dreg:$0x0];
	s2 =	stileid.u32  }
0x177: {  	s1 =	rddreg [dreg:$0x1];
	p0 =	sne.s32 s2, $0x0  }
0x178: {  	s3 =	rddreg [dreg:$0x2];
	[bflag:$0x3] =	sbarrier.arrive $0xFFFF;
	s2 =	simm.s32 @!p0 $0x1C01  }
0x179: {  	[timem:s3], [sflag:s2] =	dma.local @!p0 [hbm:s0], s1  }
0x17a: {  	s0 =	simm.s32 @!p0 $0x1  }
0x17b: {  	_ =	swait.ge @!p0 [sflag:s0], s1  }
0x17c: {  	s1 =	ssub.s32 @!p0 $0x0, s1;
	[sflag:s0] =	ssyncset.done @!p0 $0x0  }
0x17d: {  	[sflag:s0] =	ssyncadd.s32 @!p0 s1  }
0x17e: {  	[bflag:$0x3] =	sbarrier.arrive $0xFFFF  }
0x17f: {  	_ =	shalt  }

// kernel: kernel.9.cloned.1.call-start
scs
__scs_entry_jumppad:
0x0: {  	(pc) =	sbr.rel $0x88, $3  }
0x1: {  	(tag) =	ssettag $0x0;
	lr =	simm.s32 $0x1  }
0x2: {  	[smem:$0x3F9B] =	sst lr;
	_ =	strace $0xD0000000  }
0x3: {  	_ = 	snop  }
0x4: {  	_ = 	snop  }
0x5: {  	_ = 	snop  }
0x6: {  	_ = 	snop  }
0x7: {  	_ = 	snop  }
__scs_overlays_trampoline_lowered:
0x8: {  	[smem:$0x3FAA] =	sst s0  }
0x9: {  	[smem:$0x3FAB] =	sst s1  }
0xa: {  	[smem:$0x3FAC] =	sst s2  }
0xb: {  	[smem:$0x3FAD] =	sst s3  }
0xc: {  	[smem:$0x3FAE] =	sst s4  }
0xd: {  	[smem:$0x3FAF] =	sst s5  }
0xe: {  	[smem:$0x3FB0] =	sst s6  }
0xf: {  	[smem:$0x3FB1] =	sst s7  }
0x10: {  	[smem:$0x3FB2] =	sst s8  }
0x11: {  	[smem:$0x3FB3] =	sst s9;
	s0 =	simm.s32 @!p0 $0x0  }
0x12: {  	s1 =	sld [smem:$0x3F99];
	s0 =	simm.s32 @p0 $0x1  }
0x13: {  	[smem:$0x3FB4] =	sst s0;
	s0 =	simm.s32 @!p1 $0x0  }
0x14: {  	s2 =	sld [smem:$0x3F98];
	s0 =	simm.s32 @p1 $0x1  }
0x15: {  	[smem:$0x3FB5] =	sst s0;
	s0 =	simm.s32 @!p2 $0x0  }
0x16: {  	s3 =	sld [smem:$0x3FDB];
	s0 =	simm.s32 @p2 $0x1  }
0x17: {  	s4 =	simm.s32 $0x1BF5;
	[smem:$0x3FB7] =	sst s0  }
0x18: {  	s0 =	sld [smem:$0x3F9A];
	_ =	swait.ge [sflag:s4], $0x0  }
0x19: {  	s7 =	sld [smem:$0x3F9B]  }
0x1a: {  	s8 =	sadd.s32 $0xFFFFE003, lr  }
0x1b: {  	s9 =	sadd.s32 $0xFFFFFEF7, lr;
	s5 =	simm.s32 $0xFFFFFFFF;
	p2 =	slt.u32 s8, $0xFFFFF086  }
0x1c: {  	p1 =	slt.u32 s9, $0xF7A;
	s5 =	simm.s32 @!p2 $0x0  }
0x1d: {  	s5 =	simm.s32 @p1 $0x1;
	p0 =	seq.s32 s7, s2  }
0x1e: {  	s7 =	smul.u32 @!p0 $0xF7A, s2;
	p2 =	seq.s32 @!p0 s5, $0x0  }
0x1f: {  	s9 =	smul.u32 $0xF7A, s1;
	s8 =	simm.s32 @!p0 $0x1BF5;
	p2 =	por !p2, p0  }
0x20: {  	[sflag:s8] =	ssyncset.s32 @!p0 $0xFFFFF086;
	s6 =	sadd.s32 @!p0 s3, s7;
	s7 =	simm.s32 @!p0 $0x108  }
0x21: {  	s3 =	sadd.s32 s3, s9;
	s6 =	sadd.s32 @!p0 $0x88, s6;
	s7 =	simm.s32 @p2 $0x1082  }
0x22: {  	[simem:s7], [sflag:s8] =	dma.local @!p0 [hbm:s6], $0xF7A  }
0x23: {  	s9 =	sor.u32 $0xD0000000, s2;
	s6 =	simm.s32 $0x108;
	_ =	swait.ge @!p0 [sflag:s8], $0x0  }
0x24: {  	s3 =	sadd.s32 $0x88, s3;
	s6 =	simm.s32 @!p1 $0x1082;
	[sflag:s4] =	ssyncset.s32 $0xFFFFF086  }
0x25: {  	[simem:s6], [sflag:s4] =	dma.local [hbm:s3], $0xF7A  }
0x26: {  	[smem:$0x3F9B] =	sst s1;
	(tag) =	ssettag s2;
	_ =	strace s9  }
0x27: {  	s1 =	sld [smem:$0x3FAB]  }
0x28: {  	s2 =	sld [smem:$0x3FAC]  }
0x29: {  	s4 =	sld [smem:$0x3FAE]  }
0x2a: {  	p0 =	seq.s32 s5, $0x0;
	s5 =	sld [smem:$0x3FAF]  }
0x2b: {  	s6 =	sld [smem:$0x3FB0]  }
0x2c: {  	s7 =	sld [smem:$0x3FB1]  }
0x2d: {  	s3 =	simm.s32 $0x108;
	s8 =	sld [smem:$0x3FB2]  }
0x2e: {  	s3 =	simm.s32 @!p0 $0x1082;
	s9 =	sld [smem:$0x3FB3]  }
0x2f: {  	lr =	sadd.s32 s0, s3;
	s0 =	sld [smem:$0x3FAA]  }
0x30: {  	s3 =	sld [smem:$0x3FAD]  }
0x31: {  	[smem:$0x3FB6] =	sst s10  }
0x32: {  	s10 =	sld [smem:$0x3FB4];
	_ =	sdelay $0x3  }
0x33: {  	p0 =	seq.s32 s10, $0x1;
	s10 =	sld [smem:$0x3FB6];
	_ =	sdelay $0x3  }
0x34: {  	[smem:$0x3FB6] =	sst s10  }
0x35: {  	s10 =	sld [smem:$0x3FB5];
	_ =	sdelay $0x3  }
0x36: {  	p1 =	seq.s32 s10, $0x1;
	s10 =	sld [smem:$0x3FB6];
	_ =	sdelay $0x3  }
0x37: {  	[smem:$0x3FB6] =	sst s10  }
0x38: {  	s10 =	sld [smem:$0x3FB7]  }
0x39: {  	_ = 	snop;
	(pc) =	sbr.ind lr, $3  }
0x3a: {  	_ = 	snop  }
0x3b: {  	_ = 	snop  }
0x3c: {  	p2 =	seq.s32 s10, $0x1;
	s10 =	sld [smem:$0x3FB6]  }
0x3d: {  	_ =	shalt  }
0x3e: {  	_ =	shalt  }
0x3f: {  	_ =	shalt  }
0x40: {  	_ =	shalt  }
0x41: {  	_ =	shalt  }
0x42: {  	_ =	shalt  }
0x43: {  	_ =	shalt  }
0x44: {  	_ =	shalt  }
0x45: {  	_ =	shalt  }
0x46: {  	_ =	shalt  }
0x47: {  	_ =	shalt  }
0x48: {  	_ =	shalt  }
0x49: {  	_ =	shalt  }
0x4a: {  	_ =	shalt  }
0x4b: {  	_ =	shalt  }
0x4c: {  	_ =	shalt  }
0x4d: {  	_ =	shalt  }
0x4e: {  	_ =	shalt  }
0x4f: {  	_ =	shalt  }
0x50: {  	_ =	shalt  }
0x51: {  	_ =	shalt  }
0x52: {  	_ =	shalt  }
0x53: {  	_ =	shalt  }
0x54: {  	_ =	shalt  }
0x55: {  	_ =	shalt  }
0x56: {  	_ =	shalt  }
0x57: {  	_ =	shalt  }
0x58: {  	_ =	shalt  }
0x59: {  	_ =	shalt  }
0x5a: {  	_ =	shalt  }
0x5b: {  	_ =	shalt  }
0x5c: {  	_ =	shalt  }
0x5d: {  	_ =	shalt  }
0x5e: {  	_ =	shalt  }
0x5f: {  	_ =	shalt  }
0x60: {  	_ =	shalt  }
0x61: {  	_ =	shalt  }
0x62: {  	_ =	shalt  }
0x63: {  	_ =	shalt  }
0x64: {  	_ =	shalt  }
0x65: {  	_ =	shalt  }
0x66: {  	_ =	shalt  }
0x67: {  	_ =	shalt  }
0x68: {  	_ =	shalt  }
0x69: {  	_ =	shalt  }
0x6a: {  	_ =	shalt  }
0x6b: {  	_ =	shalt  }
0x6c: {  	_ =	shalt  }
0x6d: {  	_ =	shalt  }
0x6e: {  	_ =	shalt  }
0x6f: {  	_ =	shalt  }
0x70: {  	_ =	shalt  }
0x71: {  	_ =	shalt  }
0x72: {  	_ =	shalt  }
0x73: {  	_ =	shalt  }
0x74: {  	_ =	shalt  }
0x75: {  	_ =	shalt  }
0x76: {  	_ =	shalt  }
0x77: {  	_ =	shalt  }
0x78: {  	_ =	shalt  }
0x79: {  	_ =	shalt  }
0x7a: {  	_ =	shalt  }
0x7b: {  	_ =	shalt  }
0x7c: {  	_ =	shalt  }
0x7d: {  	_ =	shalt  }
0x7e: {  	_ =	shalt  }
0x7f: {  	_ =	shalt  }
0x80: {  	_ =	shalt  }
0x81: {  	_ =	shalt  }
0x82: {  	_ =	shalt  }
0x83: {  	_ =	shalt  }
0x84: {  	_ =	shalt  }
0x85: {  	_ =	shalt  }
0x86: {  	_ =	shalt  }
0x87: {  	_ =	shalt  }
.Lfunc_end0:
.L_simem_size_0:
called_computation.1_lowered:
.L_overlay_start_0:
0x88: {  	s0 =	sld [smem:$0x3FD9]  }
0x89: {  	s1 =	sld [smem:$0x3FFE];
	_ =	sdelay $0x3  }
0x8a: {  	s0 =	sadd.s32 s1, s0  }
0x8b: {  	[smem:$0x3FC2] =	sst s0  }
0x8c: {  	_ = 	snop  }
0x8d: {  	s0 =	sld [smem:$0x3FD0];
	(tm) =	ssettm $0x1  }
0x8e: {  	s16 =	sld [smem:$0x3FFB];
	_ =	sdelay $0x3  }
0x8f: {  	_ =	strace s16  }
0x90: {  	s1 =	sld [smem:$0x3FFC];
	_ =	sdelay $0x3  }
0x91: {  	_ =	strace s1  }
0x92: {  	s1 =	sld [smem:$0x3FFD];
	_ =	sdelay $0x3  }
0x93: {  	_ =	strace s1  }
0x94: {  	_ =	strace $0x8FFFFFFF  }
0x95: {  	s17 =	sld [smem:$0x3FDB];
	_ =	sdelay $0x1  }
0x96: {  	s2 =	simm.s32 $_scs_section_size  }
0x97: {  	s3 =	simm.s32 $_size__tile_overlayer_lowered;
	s4 =	simm.s32 $_tile_overlayer_lowered  }
0x98: {  	s20 =	simm.s32 $0x1BFF;
	s19 =	sshll.u32 s4, $0x1;
	s1 =	sadd.s32 s2, s17  }
0x99: {  	s5 =	simm.s32 $0x0;
	s18 =	sshll.u32 s3, $0x1;
	s3 =	sadd.s32 s19, s1  }
0x9a: {  	[timem:s5], [sflag:s20] =	dma.local [hbm:s3], s18  }
0x9b: {  	_ =	swait.ge [sflag:s20], s18  }
0x9c: {  	s2 =	ssub.s32 $0x0, s18;
	[sflag:s20] =	ssyncset.done $0x0  }
0x9d: {  	[sflag:s20] =	ssyncadd.s32 s2;
	_ =	sdelay $0x1  }
0x9e: {  	s21 =	simm.s32 $0x1B8B  }
0x9f: {  	_ =	swait.ge [sflag:s21], $0x1  }
0xa0: {  	[sflag:s21] =	ssyncset.done $0x0  }
0xa1: {  	s23 =	simm.s32 $0x1B8E;
	s22 =	sld [smem:$0x3FFE];
	[sflag:s21] =	ssyncadd.s32 $0xFFFFFFFF  }
0xa2: {  	s24 =	simm.s32 $execute0_lowered;
	[smem:$0x3FD2] =	sst s23  }
0xa3: {  	s3 =	sshll.u32 s24, $0x1;
	_ =	strace $0x80000049;
	[dreg:$0x1] =	wrdreg $0xFFFFFFFF  }
0xa4: {  	s25 =	simm.s32 $_size_execute0_lowered;
	s1 =	sadd.s32 s1, s3;
	[dreg:$0x0] =	wrdreg $0x0  }
0xa5: {  	s3 =	sshll.u32 s25, $0x1;
	[dreg:$0x2] =	wrdreg s1  }
0xa6: {  	[dreg:$0x3] =	wrdreg s3  }
0xa7: {  	[dreg:$0x4] =	wrdreg $0xC0  }
0xa8: {  	_ =	task [dreg:s5], $0x5FFFF  }
0xa9: {  	[dreg:$0x1] =	wrdreg $0xFFFFFFFF  }
0xaa: {  	[dreg:$0x0] =	wrdreg $0x60  }
0xab: {  	[dreg:$0x2] =	wrdreg s22  }
0xac: {  	[dreg:$0x3] =	wrdreg s0  }
0xad: {  	[dreg:$0x4] =	wrdreg $0x155400  }
0xae: {  	[dreg:$0x5] =	wrdreg $0x9  }
0xaf: {  	_ =	task.clear_ibuf [dreg:s5], $0x6FFFF;
	_ =	strace $0x90000049  }
0xb0: {  	s26 =	simm.s32 $0x9;
	_ =	strace $0x8000004B  }
0xb1: {  	_ =	swait.ge [sflag:s26], $0x1  }
0xb2: {  	[sflag:s26] =	ssyncadd.s32 $0xFFFFFFFF  }
0xb3: {  	_ =	strace $0x9000004B  }
0xb4: {  	_ =	sfence  }
0xb5: {  	s28 =	sld [smem:$0x0];
	_ =	sdelay $0x1  }
0xb6: {  	s29 =	srdreg.scid  }
0xb7: {  	s30 =	sshll.u32 s29, $0xD;
	s31 =	sshrl.u32 s29, $0x2  }
0xb8: {  	s2 =	sand.u32 $0x4000, s30;
	s1 =	sand.u32 $0x1, s29;
	s0 =	sadd.s32 s31, s28  }
0xb9: {  	s1 =	sor.u32 s2, s1;
	s0 =	sshll.u32 s0, $0x11  }
0xba: {  	s0 =	sor.u32 s0, s1  }
0xbb: {  	s0 =	sadd.s32 $0x8F2B, s0  }
0xbc: {  	[sflag:s0] =	ssyncadd.remote.s32 $0x1  }
0xbd: {  	_ =	sfence.sel $0xFFFF  }
0xbe: {  	[dreg:$0x0] =	wrdreg $0xFFFFFFFF;
	(pc) =	sbr.abs _section_cstart, $3  }
0xbf: {  	[dreg:$0x1] =	wrdreg $0xFFFFFFFF  }
0xc0: {  	_ =	task.clear_ibuf [dreg:s5], $0x2FFFF;
	_ =	strace $0x9FFFFFFF  }
0xc1: {  	(tm) =	ssettm $0x7FFFFFFF  }
tec
execute0_lowered:
.L_overlay_start_1:
0x0: {  	(tag) =	ssettag $0x1  }
0x1: {  	s0 =	rddreg [dreg:$0x0];
	s7 =	stileid.u32  }
0x2: {  	s1 =	rddreg [dreg:$0x1];
	s2 =	smul.u32 $0x9C4, s7  }
0x3: {  	s4 =	rddreg [dreg:$0x2];
	s3 =	simm.s32 $0x0  }
0x4: {  	[smem:$0x7FF] =	sst s3;
	s5 =	sadd.s32 s2, s0  }
0x5: {  	s22 =	simm.s32 $0x15;
	_ =	strace $0x8000004A;
	s5 =	sadd.s32 $0x1400, s5  }
0x6: {  	[tilespmem:s3], [sflag:$0x15] =	stream.linear.gather [hbm4b:s5+s3], $0x4E20, $0x38;
	[tilespmem:$0x1A540] =	vst v63  }
0x7: {  	_ =	swait.ge [sflag:s22], $0x4E20  }
0x8: {  	s23 =	simm.s32 $0x4E20;
	[sflag:s22] =	ssyncset.done $0x0  }
0x9: {  	s6 =	smul.u32 $0x280, s7;
	s1 =	sadd.s32 s1, s2;
	[sflag:s22] =	ssyncadd.s32 $0xFFFFB1E0  }
0xa: {  	[tilespmem:s23], [sflag:$0x15] =	stream.linear.gather [hbm4b:s1+s3], $0x4E20, $0x38;
	[tilespmem:$0x1A540] =	vst v63  }
0xb: {  	s24 =	sshrl.u32 s6, $0x3;
	_ =	swait.ge [sflag:s22], $0x4E20  }
0xc: {  	s1 =	sadd.s32 s24, s0;
	[sflag:s22] =	ssyncset.done $0x0  }
0xd: {  	s26 =	simm.s32 $0x15040;
	s25 =	sadd.s32 $0xB200, s1;
	[sflag:s22] =	ssyncadd.s32 $0xFFFFB1E0  }
0xe: {  	[tilespmem:s26], [sflag:$0x15] =	stream.linear.gather [hbm4b:s25+s3], $0x280, $0x38;
	[tilespmem:$0x1A540] =	vst v63  }
0xf: {  	_ =	swait.ge [sflag:s22], $0x280  }
0x10: {  	s28 =	simm.s32 $0x152C0;
	[sflag:s22] =	ssyncset.done $0x0  }
0x11: {  	s6 =	smul.u32 $0x5000, s7;
	s1 =	sadd.s32 $0xB700, s1;
	[sflag:s22] =	ssyncadd.s32 $0xFFFFFD80  }
0x12: {  	[tilespmem:s28], [sflag:$0x15] =	stream.linear.gather [hbm4b:s1+s3], $0x280, $0x38;
	[tilespmem:$0x1A540] =	vst v63  }
0x13: {  	s8 =	sshrl.u32 s6, $0x3;
	_ =	swait.ge [sflag:s22], $0x280  }
0x14: {  	s29 =	sadd.s32 s8, s0;
	[sflag:s22] =	ssyncset.done $0x0  }
0x15: {  	s30 =	simm.s32 $0x9C40;
	s1 =	sadd.s32 $0xBC00, s29;
	[sflag:s22] =	ssyncadd.s32 $0xFFFFFD80  }
0x16: {  	[tilespmem:s30], [sflag:$0x15] =	stream.linear.gather [hbm4b:s1+s3], $0x5000, $0x38;
	[tilespmem:$0x1A540] =	vst v63  }
0x17: {  	_ =	swait.ge [sflag:s22], $0x5000  }
0x18: {  	[sflag:s22] =	ssyncset.done $0x0  }
0x19: {  	s7 =	simm.s32 $0x9D40;
	[sflag:s22] =	ssyncadd.s32 $0xFFFFB000  }
0x1a: {  	v5 =	vld [tilespmem:s7+$0xFFFFFFA0]  }
0x1b: {  	v3 =	vld [tilespmem:s7+$0xFFFFFFF0]  }
0x1c: {  	v0 =	vld [tilespmem:s7+$0xFFFFFF60]  }
0x1d: {  	v6 =	vld [tilespmem:s7+$0xFFFFFFD0]  }
0x1e: {  	v7 =	vld [tilespmem:s7+$0x80]  }
0x1f: {  	v10 =	vld [tilespmem:s7+$0xFFFFFF10]  }
0x20: {  	v14 =	vld [tilespmem:s7+$0xE0]  }
0x21: {  	v9 =	vld [tilespmem:s7+$0xFFFFFF40]  }
0x22: {  	s31 =	simm.s32 $0x0;
	v1 =	vld [tilespmem:s7+$0xFFFFFF90]  }
0x23: {  	v2 =	vld [tilespmem:s31+$0x15040]  }
0x24: {  	v8 =	vld [tilespmem:s7+$0xFFFFFFC0]  }
0x25: {  	v11 =	vld [tilespmem:s7+$0xFFFFFF00]  }
0x26: {  	v12 =	vld [tilespmem:s7+$0xD0]  }
0x27: {  	v21 =	vld [tilespmem:s7+$0xC0]  }
0x28: {  	v19 =	vld [tilespmem:s7+$0x90];
	v17 =	vbroadcast v2, $0x0;
	v4 =	vbroadcast v2, $0xF  }
0x29: {  	v20 =	vld [tilespmem:s7+$0xFFFFFF50];
	v18 =	vbroadcast v2, $0x2;
	v15 =	vbroadcast v2, $0xE  }
0x2a: {  	s5 =	sadd.s32 $0x15C00, s0;
	s0 =	sadd.s32 $0x1FC00, s0;
	v16 =	vld [tilespmem:s7+$0xB0];
	v13 =	vbroadcast v2, $0xC;
	v23 =	vmul.f32 v17, v11  }
0x2b: {  	s1 =	simm.s32 $0x9D40;
	[dreg:$0x5] =	wrdreg s0;
	s0 =	simm.s32 $0x40;
	v11 =	vbroadcast v2, $0xD;
	v22 =	vmul.f32 v9, v18;
	v9 =	vld [tilespmem:s7+$0x60]  }
.LBB2_1:
0x2c: {  	p0 =	sne.s32 s0, $0x9C0  }
0x2d: {  	[tilespmem:s7+$0xFFFFFF00] =	vst v23;
	v23 =	vld [tilespmem:s7+$0xFFFFFFB0];
	v21 =	vmul.f32 v21, v15;
	v14 =	vmul.f32 v14, v4;
	s1 =	sadd.s32 $0x200, s1;
	s2 =	smov.u32 s0;
	s0 =	sadd.s32 $0x40, s0  }
0x2e: {  	[tilespmem:s7+$0xFFFFFF40] =	vst v22;
	v22 =	vbroadcast v2, $0xA;
	v19 =	vmul.f32 v19, v13;
	v24 =	vld [tilespmem:s7+$0xA0]  }
0x2f: {  	v10 =	vmul.f32 v10, v17;
	v17 =	vmul.f32 v20, v18;
	v18 =	vld [tilespmem:s7+$0x70];
	[tilespmem:s7+$0xE0] =	vst v14  }
0x30: {  	v14 =	vbroadcast v2, $0x5;
	v20 =	vld [tilespmem:s7+$0xFFFFFFE0];
	v16 =	vmul.f32 v16, v11;
	[tilespmem:s7+$0xC0] =	vst v21  }
0x31: {  	v12 =	vmul.f32 v12, v15;
	[tilespmem:s7+$0xFFFFFF10] =	vst v10;
	v10 =	vbroadcast v2, $0x6;
	v21 =	vld [tilespmem:s7+$0x40]  }
0x32: {  	v25 =	vbroadcast v2, $0xB;
	v5 =	vmul.f32 v5, v14;
	v15 =	vld [tilespmem:s7+$0xFFFFFF20];
	[tilespmem:s7+$0x90] =	vst v19  }
0x33: {  	v19 =	vbroadcast v2, $0x9;
	[tilespmem:s7+$0xFFFFFF50] =	vst v17;
	v17 =	vld [tilespmem:s7+$0x20];
	v11 =	vmul.f32 v24, v11  }
0x34: {  	v14 =	vmul.f32 v23, v14;
	v23 =	vld [tilespmem:s7+$0x50];
	v18 =	vmul.f32 v18, v25;
	[tilespmem:s7+$0xD0] =	vst v12  }
0x35: {  	v7 =	vmul.f32 v7, v13;
	v12 =	vbroadcast v2, $0x7;
	v24 =	vld [tilespmem:s7+$0x30];
	[tilespmem:s7+$0xA0] =	vst v11  }
0x36: {  	v8 =	vmul.f32 v8, v10;
	v11 =	vbroadcast v2, $0x3;
	v13 =	vld [tilespmem:s7+$0x0];
	[tilespmem:s7+$0x70] =	vst v18  }
0x37: {  	v9 =	vmul.f32 v9, v25;
	v6 =	vmul.f32 v6, v10;
	v10 =	vld [tilespmem:s7+$0x10];
	[tilespmem:s7+$0x80] =	vst v7  }
0x38: {  	v18 =	vbroadcast v2, $0x8;
	v21 =	vmul.f32 v21, v22;
	v7 =	vld [tilespmem:s7+$0xFFFFFF30];
	[tilespmem:s7+$0xB0] =	vst v16  }
0x39: {  	v16 =	vbroadcast v2, $0x1;
	v25 =	vld [tilespmem:s7+$0xFFFFFF70];
	[tilespmem:s7+$0xFFFFFFD0] =	vst v6;
	v22 =	vmul.f32 v23, v22  }
0x3a: {  	v3 =	vmul.f32 v3, v12;
	v6 =	vmul.f32 v20, v12;
	[tilespmem:s7+$0xFFFFFFC0] =	vst v8;
	v8 =	vld [tilespmem:s7+$0xF0]  }
0x3b: {  	v20 =	vmul.f32 v24, v19;
	v12 =	vld [tilespmem:s7+$0xFFFFFF80];
	[tilespmem:s7+$0xFFFFFFA0] =	vst v5;
	v13 =	vmul.f32 v13, v18  }
0x3c: {  	v5 =	vld [tilespmem:s1+$0xFFFFFFA0];
	[tilespmem:s7+$0xFFFFFFF0] =	vst v3;
	v18 =	vmul.f32 v10, v18;
	v10 =	vmul.f32 v17, v19  }
0x3d: {  	v3 =	vmul.f32 v15, v16;
	v15 =	vmul.f32 v7, v16;
	[tilespmem:s7+$0x60] =	vst v9  }
0x3e: {  	v0 =	vmul.f32 v0, v11;
	v7 =	vmul.f32 v25, v11;
	[tilespmem:s7+$0xFFFFFFB0] =	vst v14  }
0x3f: {  	v2 =	vbroadcast v2, $0x4;
	[tilespmem:s7+$0xFFFFFF20] =	vst v3;
	v3 =	vmul.f32 v8, v4  }
0x40: {  	[tilespmem:s7+$0xFFFFFF60] =	vst v0  }
0x41: {  	v4 =	vmul.f32 v12, v2;
	v0 =	vmul.f32 v1, v2;
	[tilespmem:s7+$0x40] =	vst v21  }
0x42: {  	[tilespmem:s7+$0xFFFFFFE0] =	vst v6  }
0x43: {  	[tilespmem:s7+$0xF0] =	vst v3  }
0x44: {  	[tilespmem:s7+$0xFFFFFF90] =	vst v0  }
0x45: {  	v3 =	vld [tilespmem:s1+$0xFFFFFFF0];
	[tilespmem:s7+$0xFFFFFF70] =	vst v7  }
0x46: {  	v0 =	vld [tilespmem:s1+$0xFFFFFF60];
	[tilespmem:s7+$0x20] =	vst v10  }
0x47: {  	v6 =	vld [tilespmem:s1+$0xFFFFFFD0];
	[tilespmem:s7+$0x30] =	vst v20  }
0x48: {  	v7 =	vld [tilespmem:s1+$0x80];
	[tilespmem:s7+$0xFFFFFF80] =	vst v4  }
0x49: {  	v10 =	vld [tilespmem:s1+$0xFFFFFF10];
	[tilespmem:s7+$0x50] =	vst v22  }
0x4a: {  	v14 =	vld [tilespmem:s1+$0xE0];
	[tilespmem:s7+$0x0] =	vst v13  }
0x4b: {  	v9 =	vld [tilespmem:s1+$0xFFFFFF40];
	[tilespmem:s7+$0xFFFFFF30] =	vst v15  }
0x4c: {  	s2 =	sshra.s32 s2, $0x2;
	v1 =	vld [tilespmem:s1+$0xFFFFFF90];
	[tilespmem:s7+$0x10] =	vst v18;
	s7 =	smov.u32 s1  }
0x4d: {  	v2 =	vld [tilespmem:s2+$0x15040]  }
0x4e: {  	v8 =	vld [tilespmem:s1+$0xFFFFFFC0]  }
0x4f: {  	v11 =	vld [tilespmem:s1+$0xFFFFFF00]  }
0x50: {  	v12 =	vld [tilespmem:s1+$0xD0]  }
.Ltmp0:
0x51: {  	v21 =	vld [tilespmem:s1+$0xC0];
	(pc) =	sbr.rel @p0 .LBB2_1-.Ltmp0, $4  }
0x52: {  	v17 =	vbroadcast v2, $0x0;
	v19 =	vld [tilespmem:s1+$0x90];
	v4 =	vbroadcast v2, $0xF  }
0x53: {  	v18 =	vbroadcast v2, $0x2;
	v15 =	vbroadcast v2, $0xE;
	v20 =	vld [tilespmem:s1+$0xFFFFFF50]  }
0x54: {  	v23 =	vmul.f32 v17, v11;
	v11 =	vbroadcast v2, $0xD;
	v16 =	vld [tilespmem:s1+$0xB0]  }
0x55: {  	v13 =	vbroadcast v2, $0xC;
	v22 =	vmul.f32 v9, v18;
	v9 =	vld [tilespmem:s1+$0x60]  }
0x56: {  	[tilespmem:s7+$0xFFFFFF00] =	vst v23;
	v14 =	vmul.f32 v14, v4  }
0x57: {  	v21 =	vmul.f32 v21, v15;
	[tilespmem:s7+$0xFFFFFF40] =	vst v22  }
0x58: {  	v10 =	vmul.f32 v10, v17;
	[tilespmem:s7+$0xE0] =	vst v14  }
0x59: {  	v37 =	vmul.f32 v12, v15;
	[tilespmem:s7+$0xC0] =	vst v21  }
0x5a: {  	v35 =	vmul.f32 v19, v13;
	[tilespmem:s7+$0xFFFFFF10] =	vst v10  }
0x5b: {  	v43 =	vbroadcast v2, $0x6;
	v7 =	vmul.f32 v7, v13;
	[tilespmem:s7+$0xD0] =	vst v37  }
0x5c: {  	v18 =	vmul.f32 v20, v18;
	[tilespmem:s7+$0x90] =	vst v35  }
0x5d: {  	v47 =	vbroadcast v2, $0x5;
	v6 =	vmul.f32 v6, v43;
	[tilespmem:s7+$0x80] =	vst v7  }
0x5e: {  	v49 =	vbroadcast v2, $0x7;
	v8 =	vmul.f32 v8, v43;
	[tilespmem:s7+$0xFFFFFF50] =	vst v18  }
0x5f: {  	v56 =	vbroadcast v2, $0x3;
	v5 =	vmul.f32 v5, v47;
	[tilespmem:s7+$0xFFFFFFD0] =	vst v6  }
0x60: {  	v33 =	vld [tilespmem:s7+$0xA0];
	v60 =	vbroadcast v2, $0x4;
	v3 =	vmul.f32 v3, v49;
	[tilespmem:s7+$0xFFFFFFC0] =	vst v8  }
0x61: {  	v34 =	vld [tilespmem:s7+$0x70];
	v0 =	vmul.f32 v0, v56;
	[tilespmem:s7+$0xFFFFFFA0] =	vst v5  }
0x62: {  	v36 =	vld [tilespmem:s7+$0xFFFFFFB0];
	v39 =	vbroadcast v2, $0xB;
	v1 =	vmul.f32 v1, v60;
	[tilespmem:s7+$0xFFFFFFF0] =	vst v3  }
0x63: {  	v38 =	vld [tilespmem:s7+$0xFFFFFF20];
	v45 =	vmul.f32 v16, v11;
	[tilespmem:s7+$0xFFFFFF60] =	vst v0  }
0x64: {  	v40 =	vld [tilespmem:s7+$0xFFFFFFE0];
	v9 =	vmul.f32 v9, v39;
	[tilespmem:s7+$0xFFFFFF90] =	vst v1  }
0x65: {  	v57 =	vld [tilespmem:s7+$0xF0];
	v41 =	vmul.f32 v33, v11;
	[tilespmem:s7+$0xB0] =	vst v45  }
0x66: {  	v51 =	vld [tilespmem:s7+$0xFFFFFF70];
	v54 =	vbroadcast v2, $0x1;
	v17 =	vmul.f32 v34, v39;
	[tilespmem:s7+$0x60] =	vst v9  }
0x67: {  	v48 =	vld [tilespmem:s7+$0x30];
	v55 =	vmul.f32 v36, v47;
	[tilespmem:s7+$0xA0] =	vst v41  }
0x68: {  	v52 =	vld [tilespmem:s7+$0xFFFFFF80];
	v12 =	vmul.f32 v38, v54;
	[tilespmem:s7+$0x70] =	vst v17  }
0x69: {  	v42 =	vld [tilespmem:s7+$0x40];
	v7 =	vmul.f32 v40, v49;
	[tilespmem:s7+$0xFFFFFFB0] =	vst v55  }
0x6a: {  	v46 =	vld [tilespmem:s7+$0x20];
	v61 =	vbroadcast v2, $0x9;
	v0 =	vmul.f32 v57, v4;
	[tilespmem:s7+$0xFFFFFF20] =	vst v12  }
0x6b: {  	v50 =	vld [tilespmem:s7+$0x0];
	v62 =	vmul.f32 v51, v56;
	[tilespmem:s7+$0xFFFFFFE0] =	vst v7  }
0x6c: {  	v44 =	vld [tilespmem:s7+$0x50];
	v3 =	vbroadcast v2, $0xA;
	v1 =	vmul.f32 v48, v61;
	[tilespmem:s7+$0xF0] =	vst v0  }
0x6d: {  	v58 =	vld [tilespmem:s7+$0xFFFFFF30];
	v63 =	vmul.f32 v52, v60;
	[tilespmem:s7+$0xFFFFFF70] =	vst v62  }
0x6e: {  	v53 =	vld [tilespmem:s7+$0x10];
	v2 =	vbroadcast v2, $0x8;
	v59 =	vmul.f32 v42, v3;
	[tilespmem:s7+$0x30] =	vst v1  }
0x6f: {  	v0 =	vmul.f32 v46, v61;
	[tilespmem:s7+$0xFFFFFF80] =	vst v63  }
0x70: {  	v1 =	vmul.f32 v50, v2;
	[tilespmem:s7+$0x40] =	vst v59  }
0x71: {  	[tilespmem:s7+$0x20] =	vst v0;
	v0 =	vmul.f32 v44, v3  }
0x72: {  	v3 =	vmul.f32 v58, v54;
	[tilespmem:s7+$0x0] =	vst v1  }
0x73: {  	[tilespmem:s7+$0x50] =	vst v0;
	v0 =	vmul.f32 v53, v2  }
0x74: {  	[dreg:$0x4] =	wrdreg s8;
	s0 =	sadd.s32 s5, s8;
	[tilespmem:s7+$0xFFFFFF30] =	vst v3  }
0x75: {  	s1 =	simm.s32 $0x0;
	s2 =	simm.s32 $0x9C40;
	s31 =	simm.s32 $0x15;
	[tilespmem:s7+$0x10] =	vst v0  }
0x76: {  	[hbm4b:s0+s1] =	stream.linear.scatter [tilespmem:s2], [sflag:$0x15], $0x5000, $0x38;
	[tilespmem:$0x1A540] =	vst v63  }
0x77: {  	_ =	swait.ge [sflag:s31], $0x5000  }
0x78: {  	[sflag:s31] =	ssyncset.done $0x0  }
0x79: {  	v0 =	vimm.f32 $0.0e+00;
	s0 =	simm.s32 $0x80;
	s1 =	simm.s32 $0x0;
	[sflag:s31] =	ssyncadd.s32 $0xFFFFB000  }
.LBB2_3:
0x7a: {  	p0 =	sne.s32 s0, $0x13F80;
	[tilespmem:s1+$0x9C40] =	vst v0;
	s2 =	smov.u32 s0;
	s0 =	sadd.s32 $0x80, s0  }
.Ltmp1:
0x7b: {  	[tilespmem:s1+$0x9C50] =	vst v0;
	(pc) =	sbr.rel @p0 .LBB2_3-.Ltmp1, $2  }
0x7c: {  	_ =	sdelay $0x2  }
0x7d: {  	s1 =	sshra.s32 s2, $0x2  }
0x7e: {  	[tilespmem:s1+$0x9C40] =	vst v0;
	s7 =	sadd.s32 s6, s4  }
0x7f: {  	[tilespmem:s1+$0x9C50] =	vst v0;
	s0 =	simm.s32 $0x9C40;
	s8 =	simm.s32 $0x15;
	[dreg:$0x6] =	wrdreg s7  }
0x80: {  	[spmem:s7] =	stream.linear.scatter [tilespmem:s0], [sflag:$0x15], $0x5000, $0x38;
	[tilespmem:$0x1A540] =	vst v63  }
0x81: {  	_ =	swait.ge [sflag:s8], $0x5000  }
0x82: {  	[sflag:s8] =	ssyncset.done $0x0  }
0x83: {  	s9 =	simm.s32 $0x0;
	[sflag:s8] =	ssyncadd.s32 $0xFFFFB000  }
0x84: {  	s10 =	simm.s32 $0xEC40;
	s7 =	simm.s32 $0x50;
	[bflag:$0x0] =	sbarrier.arrive $0xFFFF  }
0x85: {  	[tilespmem:s10], [sflag:$0x1] =	stream.indirect.gather [hbm4b:s5+s7], $0x20, s9, s7, $0xb8;
	[tilespmem:$0x1A540] =	vst v63  }
0x86: {  	s2 =	simm.s32 $0xF640  }
0x87: {  	[tilespmem:s2], [sflag:$0x2] =	stream.indirect.gather [hbm4b:s5+s7], $0x20, s7, s7, $0xb8;
	[tilespmem:$0x1A540] =	vst v63  }
0x88: {  	s11 =	simm.s32 $0xA0;
	s3 =	simm.s32 $0x10040  }
0x89: {  	[tilespmem:s3], [sflag:$0x3] =	stream.indirect.gather [hbm4b:s5+s7], $0x20, s11, s7, $0xb8;
	[tilespmem:$0x1A540] =	vst v63  }
0x8a: {  	s12 =	simm.s32 $0xF0;
	s13 =	simm.s32 $0x10A40  }
0x8b: {  	[tilespmem:s13], [sflag:$0x4] =	stream.indirect.gather [hbm4b:s5+s7], $0x20, s12, s7, $0xb8;
	[tilespmem:$0x1A540] =	vst v63  }
0x8c: {  	s18 =	simm.s32 $0x140;
	s8 =	simm.s32 $0x11440  }
0x8d: {  	[tilespmem:s8], [sflag:$0x5] =	stream.indirect.gather [hbm4b:s5+s7], $0x20, s18, s7, $0xb8;
	[tilespmem:$0x1A540] =	vst v63  }
0x8e: {  	s19 =	simm.s32 $0x190;
	s9 =	simm.s32 $0x11E40  }
0x8f: {  	[tilespmem:s9], [sflag:$0x6] =	stream.indirect.gather [hbm4b:s5+s7], $0x20, s19, s7, $0xb8;
	[tilespmem:$0x1A540] =	vst v63  }
0x90: {  	s20 =	simm.s32 $0x1E0;
	s14 =	simm.s32 $0x12840  }
0x91: {  	[tilespmem:s14], [sflag:$0x7] =	stream.indirect.gather [hbm4b:s5+s7], $0x20, s20, s7, $0xb8;
	[tilespmem:$0x1A540] =	vst v63  }
0x92: {  	s21 =	simm.s32 $0x230;
	s15 =	simm.s32 $0x13240  }
0x93: {  	[tilespmem:s15], [sflag:$0x8] =	stream.indirect.gather [hbm4b:s5+s7], $0x20, s21, s7, $0xb8;
	[tilespmem:$0x1A540] =	vst v63  }
0x94: {  	s22 =	simm.s32 $0x280;
	s16 =	simm.s32 $0x13C40  }
0x95: {  	[tilespmem:s16], [sflag:$0x9] =	stream.indirect.gather [hbm4b:s5+s7], $0x20, s22, s7, $0xb8;
	[tilespmem:$0x1A540] =	vst v63  }
0x96: {  	s23 =	simm.s32 $0x2D0;
	s17 =	simm.s32 $0x14640;
	s18 =	simm.s32 $0x1  }
0x97: {  	[tilespmem:s17], [sflag:$0xA] =	stream.indirect.gather [hbm4b:s5+s7], $0x20, s23, s7, $0xb8;
	[tilespmem:$0x1A540] =	vst v63  }
0x98: {  	_ =	swait.ge [sflag:s18], $0xA00  }
0x99: {  	[sflag:s18] =	ssyncset.done $0x0  }
0x9a: {  	s24 =	simm.s32 $0x4E20;
	s19 =	simm.s32 $0xB;
	[sflag:s18] =	ssyncadd.s32 $0xFFFFF600  }
0x9b: {  	[spmem:s4] =	stream.indirect.scatter.add.f32 [tilespmem:s10], [sflag:$0xB], $0x20, s24, s7, $0xb8;
	[tilespmem:$0x1A540] =	vst v63  }
0x9c: {  	_ =	swait.ge [sflag:s19], $0xA00  }
0x9d: {  	[sflag:s19] =	ssyncset.done $0x0  }
0x9e: {  	s25 =	simm.s32 $0x320;
	s20 =	simm.s32 $0x2;
	[sflag:s19] =	ssyncadd.s32 $0xFFFFF600  }
0x9f: {  	[tilespmem:s10], [sflag:$0x1] =	stream.indirect.gather [hbm4b:s5+s7], $0x20, s25, s7, $0xb8;
	[tilespmem:$0x1A540] =	vst v63  }
0xa0: {  	_ =	swait.ge [sflag:s20], $0xA00  }
0xa1: {  	[sflag:s20] =	ssyncset.done $0x0  }
0xa2: {  	s26 =	simm.s32 $0x4E70;
	s21 =	simm.s32 $0xC;
	[sflag:s20] =	ssyncadd.s32 $0xFFFFF600  }
0xa3: {  	[spmem:s4] =	stream.indirect.scatter.add.f32 [tilespmem:s2], [sflag:$0xC], $0x20, s26, s7, $0xb8;
	[tilespmem:$0x1A540] =	vst v63  }
0xa4: {  	_ =	swait.ge [sflag:s21], $0xA00  }
0xa5: {  	[sflag:s21] =	ssyncset.done $0x0  }
0xa6: {  	s1 =	simm.s32 $0x370;
	s22 =	simm.s32 $0x3;
	[sflag:s21] =	ssyncadd.s32 $0xFFFFF600  }
0xa7: {  	[tilespmem:s2], [sflag:$0x2] =	stream.indirect.gather [hbm4b:s5+s7], $0x20, s1, s7, $0xb8;
	[tilespmem:$0x1A540] =	vst v63  }
0xa8: {  	_ =	swait.ge [sflag:s22], $0xA00  }
0xa9: {  	[sflag:s22] =	ssyncset.done $0x0  }
0xaa: {  	s23 =	simm.s32 $0xD;
	s2 =	simm.s32 $0x4EC0;
	[sflag:s22] =	ssyncadd.s32 $0xFFFFF600  }
0xab: {  	[spmem:s4] =	stream.indirect.scatter.add.f32 [tilespmem:s3], [sflag:$0xD], $0x20, s2, s7, $0xb8;
	[tilespmem:$0x1A540] =	vst v63  }
0xac: {  	_ =	swait.ge [sflag:s23], $0xA00  }
0xad: {  	[sflag:s23] =	ssyncset.done $0x0  }
0xae: {  	s24 =	simm.s32 $0x4;
	s10 =	simm.s32 $0x3C0;
	[sflag:s23] =	ssyncadd.s32 $0xFFFFF600  }
0xaf: {  	[tilespmem:s3], [sflag:$0x3] =	stream.indirect.gather [hbm4b:s5+s7], $0x20, s10, s7, $0xb8;
	[tilespmem:$0x1A540] =	vst v63  }
0xb0: {  	_ =	swait.ge [sflag:s24], $0xA00  }
0xb1: {  	[sflag:s24] =	ssyncset.done $0x0  }
0xb2: {  	s11 =	simm.s32 $0x4F10;
	s25 =	simm.s32 $0xE;
	[sflag:s24] =	ssyncadd.s32 $0xFFFFF600  }
0xb3: {  	[spmem:s4] =	stream.indirect.scatter.add.f32 [tilespmem:s13], [sflag:$0xE], $0x20, s11, s7, $0xb8;
	[tilespmem:$0x1A540] =	vst v63  }
0xb4: {  	_ =	swait.ge [sflag:s25], $0xA00  }
0xb5: {  	[sflag:s25] =	ssyncset.done $0x0  }
0xb6: {  	s12 =	simm.s32 $0x410;
	s26 =	simm.s32 $0x5;
	[sflag:s25] =	ssyncadd.s32 $0xFFFFF600  }
0xb7: {  	[tilespmem:s13], [sflag:$0x4] =	stream.indirect.gather [hbm4b:s5+s7], $0x20, s12, s7, $0xb8;
	[tilespmem:$0x1A540] =	vst v63  }
0xb8: {  	_ =	swait.ge [sflag:s26], $0xA00  }
0xb9: {  	[sflag:s26] =	ssyncset.done $0x0  }
0xba: {  	s28 =	simm.s32 $0xF;
	s13 =	simm.s32 $0x4F60;
	[sflag:s26] =	ssyncadd.s32 $0xFFFFF600  }
0xbb: {  	[spmem:s4] =	stream.indirect.scatter.add.f32 [tilespmem:s8], [sflag:$0xF], $0x20, s13, s7, $0xb8;
	[tilespmem:$0x1A540] =	vst v63  }
0xbc: {  	_ =	swait.ge [sflag:s28], $0xA00  }
0xbd: {  	[sflag:s28] =	ssyncset.done $0x0  }
0xbe: {  	s29 =	simm.s32 $0x6;
	s1 =	simm.s32 $0x460;
	[sflag:s28] =	ssyncadd.s32 $0xFFFFF600  }
0xbf: {  	[tilespmem:s8], [sflag:$0x5] =	stream.indirect.gather [hbm4b:s5+s7], $0x20, s1, s7, $0xb8;
	[tilespmem:$0x1A540] =	vst v63  }
0xc0: {  	_ =	swait.ge [sflag:s29], $0xA00  }
0xc1: {  	[sflag:s29] =	ssyncset.done $0x0  }
0xc2: {  	s30 =	simm.s32 $0x10;
	s2 =	simm.s32 $0x4FB0;
	[sflag:s29] =	ssyncadd.s32 $0xFFFFF600  }
0xc3: {  	[spmem:s4] =	stream.indirect.scatter.add.f32 [tilespmem:s9], [sflag:$0x10], $0x20, s2, s7, $0xb8;
	[tilespmem:$0x1A540] =	vst v63  }
0xc4: {  	_ =	swait.ge [sflag:s30], $0xA00  }
0xc5: {  	[sflag:s30] =	ssyncset.done $0x0  }
0xc6: {  	s31 =	simm.s32 $0x7;
	s3 =	simm.s32 $0x4B0;
	[sflag:s30] =	ssyncadd.s32 $0xFFFFF600  }
0xc7: {  	[tilespmem:s9], [sflag:$0x6] =	stream.indirect.gather [hbm4b:s5+s7], $0x20, s3, s7, $0xb8;
	[tilespmem:$0x1A540] =	vst v63  }
0xc8: {  	_ =	swait.ge [sflag:s31], $0xA00  }
0xc9: {  	[sflag:s31] =	ssyncset.done $0x0  }
0xca: {  	s6 =	simm.s32 $0x5000;
	s1 =	simm.s32 $0x11;
	[sflag:s31] =	ssyncadd.s32 $0xFFFFF600  }
0xcb: {  	[spmem:s4] =	stream.indirect.scatter.add.f32 [tilespmem:s14], [sflag:$0x11], $0x20, s6, s7, $0xb8;
	[tilespmem:$0x1A540] =	vst v63  }
0xcc: {  	_ =	swait.ge [sflag:s1], $0xA00  }
0xcd: {  	[sflag:s1] =	ssyncset.done $0x0  }
0xce: {  	s8 =	simm.s32 $0x500;
	s3 =	simm.s32 $0x8;
	[sflag:s1] =	ssyncadd.s32 $0xFFFFF600  }
0xcf: {  	[tilespmem:s14], [sflag:$0x7] =	stream.indirect.gather [hbm4b:s5+s7], $0x20, s8, s7, $0xb8;
	[tilespmem:$0x1A540] =	vst v63  }
0xd0: {  	_ =	swait.ge [sflag:s3], $0xA00  }
0xd1: {  	[sflag:s3] =	ssyncset.done $0x0  }
0xd2: {  	s0 =	simm.s32 $0x12;
	s9 =	simm.s32 $0x5050;
	[sflag:s3] =	ssyncadd.s32 $0xFFFFF600  }
0xd3: {  	[spmem:s4] =	stream.indirect.scatter.add.f32 [tilespmem:s15], [sflag:$0x12], $0x20, s9, s7, $0xb8;
	[tilespmem:$0x1A540] =	vst v63  }
0xd4: {  	_ =	swait.ge [sflag:s0], $0xA00  }
0xd5: {  	[sflag:s0] =	ssyncset.done $0x0  }
0xd6: {  	s10 =	simm.s32 $0x550;
	s2 =	simm.s32 $0x9;
	[sflag:s0] =	ssyncadd.s32 $0xFFFFF600  }
0xd7: {  	[tilespmem:s15], [sflag:$0x8] =	stream.indirect.gather [hbm4b:s5+s7], $0x20, s10, s7, $0xb8;
	[tilespmem:$0x1A540] =	vst v63  }
0xd8: {  	_ =	swait.ge [sflag:s2], $0xA00  }
0xd9: {  	[sflag:s2] =	ssyncset.done $0x0  }
0xda: {  	s11 =	simm.s32 $0x50A0;
	s6 =	simm.s32 $0x13;
	[sflag:s2] =	ssyncadd.s32 $0xFFFFF600  }
0xdb: {  	[spmem:s4] =	stream.indirect.scatter.add.f32 [tilespmem:s16], [sflag:$0x13], $0x20, s11, s7, $0xb8;
	[tilespmem:$0x1A540] =	vst v63  }
0xdc: {  	_ =	swait.ge [sflag:s6], $0xA00  }
0xdd: {  	[sflag:s6] =	ssyncset.done $0x0  }
0xde: {  	s12 =	simm.s32 $0x5A0;
	s8 =	simm.s32 $0xA;
	[sflag:s6] =	ssyncadd.s32 $0xFFFFF600  }
0xdf: {  	[tilespmem:s16], [sflag:$0x9] =	stream.indirect.gather [hbm4b:s5+s7], $0x20, s12, s7, $0xb8;
	[tilespmem:$0x1A540] =	vst v63  }
0xe0: {  	_ =	swait.ge [sflag:s8], $0xA00  }
0xe1: {  	[sflag:s8] =	ssyncset.done $0x0  }
0xe2: {  	s13 =	simm.s32 $0x50F0;
	s9 =	simm.s32 $0x14;
	[sflag:s8] =	ssyncadd.s32 $0xFFFFF600  }
0xe3: {  	[spmem:s4] =	stream.indirect.scatter.add.f32 [tilespmem:s17], [sflag:$0x14], $0x20, s13, s7, $0xb8;
	[tilespmem:$0x1A540] =	vst v63  }
0xe4: {  	_ =	swait.ge [sflag:s9], $0xA00  }
0xe5: {  	[sflag:s9] =	ssyncset.done $0x0  }
0xe6: {  	s10 =	simm.s32 $0xC80;
	s11 =	simm.s32 $0x5F0;
	[sflag:s9] =	ssyncadd.s32 $0xFFFFF600  }
.LBB2_5:
0xe7: {  	[tilespmem:s17], [sflag:$0xA] =	stream.indirect.gather [hbm4b:s5+s7], $0x20, s11, s7, $0xb8;
	[tilespmem:$0x1A540] =	vst v63  }
0xe8: {  	s11 =	smov.u32 s10  }
0xe9: {  	p0 =	sne.s32 s10, $0x11F80;
	s10 =	sadd.s32 $0xC80, s10;
	_ =	swait.ge [sflag:s18], $0xA00  }
0xea: {  	s11 =	sshra.s32 s11, $0x2;
	[sflag:s18] =	ssyncset.done $0x0  }
0xeb: {  	s13 =	simm.s32 $0xEC40;
	s12 =	sadd.s32 $0x4E20, s11;
	[sflag:s18] =	ssyncadd.s32 $0xFFFFF600  }
0xec: {  	[spmem:s4] =	stream.indirect.scatter.add.f32 [tilespmem:s13], [sflag:$0xB], $0x20, s12, s7, $0xb8;
	[tilespmem:$0x1A540] =	vst v63  }
0xed: {  	_ =	swait.ge [sflag:s19], $0xA00  }
0xee: {  	[sflag:s19] =	ssyncset.done $0x0  }
0xef: {  	s12 =	sadd.s32 $0x320, s11;
	[sflag:s19] =	ssyncadd.s32 $0xFFFFF600  }
0xf0: {  	[tilespmem:s13], [sflag:$0x1] =	stream.indirect.gather [hbm4b:s5+s7], $0x20, s12, s7, $0xb8;
	[tilespmem:$0x1A540] =	vst v63  }
0xf1: {  	_ =	swait.ge [sflag:s20], $0xA00  }
0xf2: {  	[sflag:s20] =	ssyncset.done $0x0  }
0xf3: {  	s12 =	sadd.s32 $0x4E70, s11;
	s13 =	simm.s32 $0xF640;
	[sflag:s20] =	ssyncadd.s32 $0xFFFFF600  }
0xf4: {  	[spmem:s4] =	stream.indirect.scatter.add.f32 [tilespmem:s13], [sflag:$0xC], $0x20, s12, s7, $0xb8;
	[tilespmem:$0x1A540] =	vst v63  }
0xf5: {  	_ =	swait.ge [sflag:s21], $0xA00  }
0xf6: {  	[sflag:s21] =	ssyncset.done $0x0  }
0xf7: {  	s12 =	sadd.s32 $0x370, s11;
	[sflag:s21] =	ssyncadd.s32 $0xFFFFF600  }
0xf8: {  	[tilespmem:s13], [sflag:$0x2] =	stream.indirect.gather [hbm4b:s5+s7], $0x20, s12, s7, $0xb8;
	[tilespmem:$0x1A540] =	vst v63  }
0xf9: {  	_ =	swait.ge [sflag:s22], $0xA00  }
0xfa: {  	[sflag:s22] =	ssyncset.done $0x0  }
0xfb: {  	s12 =	sadd.s32 $0x4EC0, s11;
	s13 =	simm.s32 $0x10040;
	[sflag:s22] =	ssyncadd.s32 $0xFFFFF600  }
0xfc: {  	[spmem:s4] =	stream.indirect.scatter.add.f32 [tilespmem:s13], [sflag:$0xD], $0x20, s12, s7, $0xb8;
	[tilespmem:$0x1A540] =	vst v63  }
0xfd: {  	_ =	swait.ge [sflag:s23], $0xA00  }
0xfe: {  	[sflag:s23] =	ssyncset.done $0x0  }
0xff: {  	s12 =	sadd.s32 $0x3C0, s11;
	[sflag:s23] =	ssyncadd.s32 $0xFFFFF600  }
0x100: {  	[tilespmem:s13], [sflag:$0x3] =	stream.indirect.gather [hbm4b:s5+s7], $0x20, s12, s7, $0xb8;
	[tilespmem:$0x1A540] =	vst v63  }
0x101: {  	_ =	swait.ge [sflag:s24], $0xA00  }
0x102: {  	[sflag:s24] =	ssyncset.done $0x0  }
0x103: {  	s12 =	sadd.s32 $0x4F10, s11;
	s13 =	simm.s32 $0x10A40;
	[sflag:s24] =	ssyncadd.s32 $0xFFFFF600  }
0x104: {  	[spmem:s4] =	stream.indirect.scatter.add.f32 [tilespmem:s13], [sflag:$0xE], $0x20, s12, s7, $0xb8;
	[tilespmem:$0x1A540] =	vst v63  }
0x105: {  	_ =	swait.ge [sflag:s25], $0xA00  }
0x106: {  	[sflag:s25] =	ssyncset.done $0x0  }
0x107: {  	s12 =	sadd.s32 $0x410, s11;
	[sflag:s25] =	ssyncadd.s32 $0xFFFFF600  }
0x108: {  	[tilespmem:s13], [sflag:$0x4] =	stream.indirect.gather [hbm4b:s5+s7], $0x20, s12, s7, $0xb8;
	[tilespmem:$0x1A540] =	vst v63  }
0x109: {  	_ =	swait.ge [sflag:s26], $0xA00  }
0x10a: {  	[sflag:s26] =	ssyncset.done $0x0  }
0x10b: {  	s12 =	sadd.s32 $0x4F60, s11;
	s13 =	simm.s32 $0x11440;
	[sflag:s26] =	ssyncadd.s32 $0xFFFFF600  }
0x10c: {  	[spmem:s4] =	stream.indirect.scatter.add.f32 [tilespmem:s13], [sflag:$0xF], $0x20, s12, s7, $0xb8;
	[tilespmem:$0x1A540] =	vst v63  }
0x10d: {  	_ =	swait.ge [sflag:s28], $0xA00  }
0x10e: {  	[sflag:s28] =	ssyncset.done $0x0  }
0x10f: {  	s12 =	sadd.s32 $0x460, s11;
	[sflag:s28] =	ssyncadd.s32 $0xFFFFF600  }
0x110: {  	[tilespmem:s13], [sflag:$0x5] =	stream.indirect.gather [hbm4b:s5+s7], $0x20, s12, s7, $0xb8;
	[tilespmem:$0x1A540] =	vst v63  }
0x111: {  	_ =	swait.ge [sflag:s29], $0xA00  }
0x112: {  	[sflag:s29] =	ssyncset.done $0x0  }
0x113: {  	s12 =	sadd.s32 $0x4FB0, s11;
	s13 =	simm.s32 $0x11E40;
	[sflag:s29] =	ssyncadd.s32 $0xFFFFF600  }
0x114: {  	[spmem:s4] =	stream.indirect.scatter.add.f32 [tilespmem:s13], [sflag:$0x10], $0x20, s12, s7, $0xb8;
	[tilespmem:$0x1A540] =	vst v63  }
0x115: {  	_ =	swait.ge [sflag:s30], $0xA00  }
0x116: {  	[sflag:s30] =	ssyncset.done $0x0  }
0x117: {  	s12 =	sadd.s32 $0x4B0, s11;
	[sflag:s30] =	ssyncadd.s32 $0xFFFFF600  }
0x118: {  	[tilespmem:s13], [sflag:$0x6] =	stream.indirect.gather [hbm4b:s5+s7], $0x20, s12, s7, $0xb8;
	[tilespmem:$0x1A540] =	vst v63  }
0x119: {  	_ =	swait.ge [sflag:s31], $0xA00  }
0x11a: {  	[sflag:s31] =	ssyncset.done $0x0  }
0x11b: {  	s12 =	sadd.s32 $0x5000, s11;
	[sflag:s31] =	ssyncadd.s32 $0xFFFFF600  }
0x11c: {  	[spmem:s4] =	stream.indirect.scatter.add.f32 [tilespmem:s14], [sflag:$0x11], $0x20, s12, s7, $0xb8;
	[tilespmem:$0x1A540] =	vst v63  }
0x11d: {  	_ =	swait.ge [sflag:s1], $0xA00  }
0x11e: {  	[sflag:s1] =	ssyncset.done $0x0  }
0x11f: {  	s12 =	sadd.s32 $0x500, s11;
	[sflag:s1] =	ssyncadd.s32 $0xFFFFF600  }
0x120: {  	[tilespmem:s14], [sflag:$0x7] =	stream.indirect.gather [hbm4b:s5+s7], $0x20, s12, s7, $0xb8;
	[tilespmem:$0x1A540] =	vst v63  }
0x121: {  	_ =	swait.ge [sflag:s3], $0xA00  }
0x122: {  	[sflag:s3] =	ssyncset.done $0x0  }
0x123: {  	s12 =	sadd.s32 $0x5050, s11;
	[sflag:s3] =	ssyncadd.s32 $0xFFFFF600  }
0x124: {  	[spmem:s4] =	stream.indirect.scatter.add.f32 [tilespmem:s15], [sflag:$0x12], $0x20, s12, s7, $0xb8;
	[tilespmem:$0x1A540] =	vst v63  }
0x125: {  	_ =	swait.ge [sflag:s0], $0xA00  }
0x126: {  	[sflag:s0] =	ssyncset.done $0x0  }
0x127: {  	s12 =	sadd.s32 $0x550, s11;
	[sflag:s0] =	ssyncadd.s32 $0xFFFFF600  }
0x128: {  	[tilespmem:s15], [sflag:$0x8] =	stream.indirect.gather [hbm4b:s5+s7], $0x20, s12, s7, $0xb8;
	[tilespmem:$0x1A540] =	vst v63  }
0x129: {  	_ =	swait.ge [sflag:s2], $0xA00  }
0x12a: {  	[sflag:s2] =	ssyncset.done $0x0  }
0x12b: {  	s12 =	sadd.s32 $0x50A0, s11;
	[sflag:s2] =	ssyncadd.s32 $0xFFFFF600  }
0x12c: {  	[spmem:s4] =	stream.indirect.scatter.add.f32 [tilespmem:s16], [sflag:$0x13], $0x20, s12, s7, $0xb8;
	[tilespmem:$0x1A540] =	vst v63  }
0x12d: {  	_ =	swait.ge [sflag:s6], $0xA00  }
0x12e: {  	[sflag:s6] =	ssyncset.done $0x0  }
0x12f: {  	s12 =	sadd.s32 $0x5A0, s11;
	[sflag:s6] =	ssyncadd.s32 $0xFFFFF600  }
0x130: {  	[tilespmem:s16], [sflag:$0x9] =	stream.indirect.gather [hbm4b:s5+s7], $0x20, s12, s7, $0xb8;
	[tilespmem:$0x1A540] =	vst v63  }
0x131: {  	_ =	swait.ge [sflag:s8], $0xA00  }
0x132: {  	[sflag:s8] =	ssyncset.done $0x0  }
.Ltmp2:
0x133: {  	s12 =	sadd.s32 $0x50F0, s11;
	[sflag:s8] =	ssyncadd.s32 $0xFFFFF600;
	(pc) =	sbr.rel @p0 .LBB2_5-.Ltmp2, $4  }
0x134: {  	[spmem:s4] =	stream.indirect.scatter.add.f32 [tilespmem:s17], [sflag:$0x14], $0x20, s12, s7, $0xb8;
	[tilespmem:$0x1A540] =	vst v63  }
0x135: {  	_ =	swait.ge [sflag:s9], $0xA00  }
0x136: {  	[sflag:s9] =	ssyncset.done $0x0  }
0x137: {  	s11 =	sadd.s32 $0x5F0, s11;
	[sflag:s9] =	ssyncadd.s32 $0xFFFFF600  }
0x138: {  	[tilespmem:s17], [sflag:$0xA] =	stream.indirect.gather [hbm4b:s5+s7], $0x20, s11, s7, $0xb8;
	[tilespmem:$0x1A540] =	vst v63  }
0x139: {  	s0 =	simm.s32 $0x1  }
0x13a: {  	_ =	swait.ge [sflag:s0], $0xA00  }
0x13b: {  	s1 =	simm.s32 $0x9920;
	s2 =	simm.s32 $0xEC40;
	[sflag:s0] =	ssyncset.done $0x0  }
0x13c: {  	s18 =	simm.s32 $0xB;
	[sflag:s0] =	ssyncadd.s32 $0xFFFFF600;
	s0 =	simm.s32 $0x50  }
0x13d: {  	[spmem:s4] =	stream.indirect.scatter.add.f32 [tilespmem:s2], [sflag:$0xB], $0x20, s1, s0, $0xb8;
	[tilespmem:$0x1A540] =	vst v63  }
0x13e: {  	_ =	swait.ge [sflag:s18], $0xA00  }
0x13f: {  	[sflag:s18] =	ssyncset.done $0x0  }
0x140: {  	s19 =	simm.s32 $0x2;
	[sflag:s18] =	ssyncadd.s32 $0xFFFFF600  }
0x141: {  	_ =	swait.ge [sflag:s19], $0xA00  }
0x142: {  	s20 =	simm.s32 $0x9970;
	[sflag:s19] =	ssyncset.done $0x0  }
0x143: {  	s21 =	simm.s32 $0xF640;
	s22 =	simm.s32 $0xC;
	[sflag:s19] =	ssyncadd.s32 $0xFFFFF600  }
0x144: {  	[spmem:s4] =	stream.indirect.scatter.add.f32 [tilespmem:s21], [sflag:$0xC], $0x20, s20, s0, $0xb8;
	[tilespmem:$0x1A540] =	vst v63  }
0x145: {  	_ =	swait.ge [sflag:s22], $0xA00  }
0x146: {  	[sflag:s22] =	ssyncset.done $0x0  }
0x147: {  	s23 =	simm.s32 $0x3;
	[sflag:s22] =	ssyncadd.s32 $0xFFFFF600  }
0x148: {  	_ =	swait.ge [sflag:s23], $0xA00  }
0x149: {  	s24 =	simm.s32 $0x99C0;
	[sflag:s23] =	ssyncset.done $0x0  }
0x14a: {  	s25 =	simm.s32 $0x10040;
	s26 =	simm.s32 $0xD;
	[sflag:s23] =	ssyncadd.s32 $0xFFFFF600  }
0x14b: {  	[spmem:s4] =	stream.indirect.scatter.add.f32 [tilespmem:s25], [sflag:$0xD], $0x20, s24, s0, $0xb8;
	[tilespmem:$0x1A540] =	vst v63  }
0x14c: {  	_ =	swait.ge [sflag:s26], $0xA00  }
0x14d: {  	[sflag:s26] =	ssyncset.done $0x0  }
0x14e: {  	s28 =	simm.s32 $0x4;
	[sflag:s26] =	ssyncadd.s32 $0xFFFFF600  }
0x14f: {  	_ =	swait.ge [sflag:s28], $0xA00  }
0x150: {  	s29 =	simm.s32 $0x9A10;
	[sflag:s28] =	ssyncset.done $0x0  }
0x151: {  	s30 =	simm.s32 $0x10A40;
	s31 =	simm.s32 $0xE;
	[sflag:s28] =	ssyncadd.s32 $0xFFFFF600  }
0x152: {  	[spmem:s4] =	stream.indirect.scatter.add.f32 [tilespmem:s30], [sflag:$0xE], $0x20, s29, s0, $0xb8;
	[tilespmem:$0x1A540] =	vst v63  }
0x153: {  	_ =	swait.ge [sflag:s31], $0xA00  }
0x154: {  	[sflag:s31] =	ssyncset.done $0x0  }
0x155: {  	s2 =	simm.s32 $0x5;
	[sflag:s31] =	ssyncadd.s32 $0xFFFFF600  }
0x156: {  	_ =	swait.ge [sflag:s2], $0xA00  }
0x157: {  	s3 =	simm.s32 $0x9A60;
	[sflag:s2] =	ssyncset.done $0x0  }
0x158: {  	s5 =	simm.s32 $0x11440;
	s6 =	simm.s32 $0xF;
	[sflag:s2] =	ssyncadd.s32 $0xFFFFF600  }
0x159: {  	[spmem:s4] =	stream.indirect.scatter.add.f32 [tilespmem:s5], [sflag:$0xF], $0x20, s3, s0, $0xb8;
	[tilespmem:$0x1A540] =	vst v63  }
0x15a: {  	_ =	swait.ge [sflag:s6], $0xA00  }
0x15b: {  	[sflag:s6] =	ssyncset.done $0x0  }
0x15c: {  	s7 =	simm.s32 $0x6;
	[sflag:s6] =	ssyncadd.s32 $0xFFFFF600  }
0x15d: {  	_ =	swait.ge [sflag:s7], $0xA00  }
0x15e: {  	s8 =	simm.s32 $0x9AB0;
	[sflag:s7] =	ssyncset.done $0x0  }
0x15f: {  	s9 =	simm.s32 $0x11E40;
	s10 =	simm.s32 $0x10;
	[sflag:s7] =	ssyncadd.s32 $0xFFFFF600  }
0x160: {  	[spmem:s4] =	stream.indirect.scatter.add.f32 [tilespmem:s9], [sflag:$0x10], $0x20, s8, s0, $0xb8;
	[tilespmem:$0x1A540] =	vst v63  }
0x161: {  	_ =	swait.ge [sflag:s10], $0xA00  }
0x162: {  	[sflag:s10] =	ssyncset.done $0x0  }
0x163: {  	s11 =	simm.s32 $0x7;
	[sflag:s10] =	ssyncadd.s32 $0xFFFFF600  }
0x164: {  	_ =	swait.ge [sflag:s11], $0xA00  }
0x165: {  	s12 =	simm.s32 $0x9B00;
	[sflag:s11] =	ssyncset.done $0x0  }
0x166: {  	s13 =	simm.s32 $0x12840;
	s14 =	simm.s32 $0x11;
	[sflag:s11] =	ssyncadd.s32 $0xFFFFF600  }
0x167: {  	[spmem:s4] =	stream.indirect.scatter.add.f32 [tilespmem:s13], [sflag:$0x11], $0x20, s12, s0, $0xb8;
	[tilespmem:$0x1A540] =	vst v63  }
0x168: {  	_ =	swait.ge [sflag:s14], $0xA00  }
0x169: {  	[sflag:s14] =	ssyncset.done $0x0  }
0x16a: {  	s15 =	simm.s32 $0x8;
	[sflag:s14] =	ssyncadd.s32 $0xFFFFF600  }
0x16b: {  	_ =	swait.ge [sflag:s15], $0xA00  }
0x16c: {  	s16 =	simm.s32 $0x9B50;
	[sflag:s15] =	ssyncset.done $0x0  }
0x16d: {  	s17 =	simm.s32 $0x13240;
	s18 =	simm.s32 $0x12;
	[sflag:s15] =	ssyncadd.s32 $0xFFFFF600  }
0x16e: {  	[spmem:s4] =	stream.indirect.scatter.add.f32 [tilespmem:s17], [sflag:$0x12], $0x20, s16, s0, $0xb8;
	[tilespmem:$0x1A540] =	vst v63  }
0x16f: {  	_ =	swait.ge [sflag:s18], $0xA00  }
0x170: {  	[sflag:s18] =	ssyncset.done $0x0  }
0x171: {  	s19 =	simm.s32 $0x9;
	[sflag:s18] =	ssyncadd.s32 $0xFFFFF600  }
0x172: {  	_ =	swait.ge [sflag:s19], $0xA00  }
0x173: {  	s20 =	simm.s32 $0x9BA0;
	[sflag:s19] =	ssyncset.done $0x0  }
0x174: {  	s21 =	simm.s32 $0x13C40;
	s22 =	simm.s32 $0x13;
	[sflag:s19] =	ssyncadd.s32 $0xFFFFF600  }
0x175: {  	[spmem:s4] =	stream.indirect.scatter.add.f32 [tilespmem:s21], [sflag:$0x13], $0x20, s20, s0, $0xb8;
	[tilespmem:$0x1A540] =	vst v63  }
0x176: {  	_ =	swait.ge [sflag:s22], $0xA00  }
0x177: {  	[sflag:s22] =	ssyncset.done $0x0  }
0x178: {  	s23 =	simm.s32 $0xA;
	[sflag:s22] =	ssyncadd.s32 $0xFFFFF600  }
0x179: {  	_ =	swait.ge [sflag:s23], $0xA00  }
0x17a: {  	s24 =	simm.s32 $0x9BF0;
	[sflag:s23] =	ssyncset.done $0x0  }
0x17b: {  	s25 =	simm.s32 $0x14640;
	s26 =	simm.s32 $0x14;
	[sflag:s23] =	ssyncadd.s32 $0xFFFFF600  }
0x17c: {  	[spmem:s4] =	stream.indirect.scatter.add.f32 [tilespmem:s25], [sflag:$0x14], $0x20, s24, s0, $0xb8;
	[tilespmem:$0x1A540] =	vst v63  }
0x17d: {  	_ =	swait.ge [sflag:s26], $0xA00  }
0x17e: {  	[sflag:s26] =	ssyncset.done $0x0  }
0x17f: {  	[sflag:s26] =	ssyncadd.s32 $0xFFFFF600  }
0x180: {  	[bflag:$0x0] =	sbarrier.arrive $0xFFFF  }
0x181: {  	s28 =	simm.s32 $0x9C40;
	s30 =	simm.s32 $0x15;
	s29 =	rddreg [dreg:$0x6]  }
0x182: {  	[tilespmem:s28], [sflag:$0x15] =	stream.linear.gather [spmem:s29], $0x5000, $0x38;
	[tilespmem:$0x1A540] =	vst v63  }
0x183: {  	_ =	swait.ge [sflag:s30], $0x5000  }
0x184: {  	[sflag:s30] =	ssyncset.done $0x0  }
0x185: {  	s4 =	simm.s32 $0x9D40;
	[sflag:s30] =	ssyncadd.s32 $0xFFFFB000  }
0x186: {  	v5 =	vld [tilespmem:s4+$0xFFFFFFA0]  }
0x187: {  	v3 =	vld [tilespmem:s4+$0xFFFFFFF0]  }
0x188: {  	v0 =	vld [tilespmem:s4+$0xFFFFFF60]  }
0x189: {  	v6 =	vld [tilespmem:s4+$0xFFFFFFD0]  }
0x18a: {  	v7 =	vld [tilespmem:s4+$0x80]  }
0x18b: {  	v10 =	vld [tilespmem:s4+$0xFFFFFF10]  }
0x18c: {  	v14 =	vld [tilespmem:s4+$0xE0]  }
0x18d: {  	v9 =	vld [tilespmem:s4+$0xFFFFFF40]  }
0x18e: {  	s31 =	simm.s32 $0x0;
	v1 =	vld [tilespmem:s4+$0xFFFFFF90]  }
0x18f: {  	v2 =	vld [tilespmem:s31+$0x152C0]  }
0x190: {  	v8 =	vld [tilespmem:s4+$0xFFFFFFC0]  }
0x191: {  	v11 =	vld [tilespmem:s4+$0xFFFFFF00]  }
0x192: {  	v12 =	vld [tilespmem:s4+$0xD0]  }
0x193: {  	v21 =	vld [tilespmem:s4+$0xC0]  }
0x194: {  	v19 =	vld [tilespmem:s4+$0x90];
	v17 =	vbroadcast v2, $0x0;
	v4 =	vbroadcast v2, $0xF  }
0x195: {  	v20 =	vld [tilespmem:s4+$0xFFFFFF50];
	v18 =	vbroadcast v2, $0x2;
	v16 =	vbroadcast v2, $0xE  }
0x196: {  	v15 =	vld [tilespmem:s4+$0xB0];
	v13 =	vbroadcast v2, $0xC;
	v23 =	vmul.f32 v17, v11  }
0x197: {  	s1 =	simm.s32 $0x9D40;
	s0 =	simm.s32 $0x40;
	v11 =	vbroadcast v2, $0xD;
	v22 =	vmul.f32 v9, v18;
	v9 =	vld [tilespmem:s4+$0x60]  }
.LBB2_7:
0x198: {  	p0 =	sne.s32 s0, $0x9C0  }
0x199: {  	[tilespmem:s4+$0xFFFFFF00] =	vst v23;
	v23 =	vld [tilespmem:s4+$0xFFFFFFB0];
	v21 =	vmul.f32 v21, v16;
	v14 =	vmul.f32 v14, v4;
	s1 =	sadd.s32 $0x200, s1;
	s2 =	smov.u32 s0;
	s0 =	sadd.s32 $0x40, s0  }
0x19a: {  	[tilespmem:s4+$0xFFFFFF40] =	vst v22;
	v22 =	vbroadcast v2, $0xA;
	v19 =	vmul.f32 v19, v13;
	v24 =	vld [tilespmem:s4+$0xA0]  }
0x19b: {  	v10 =	vmul.f32 v10, v17;
	v17 =	vmul.f32 v20, v18;
	v18 =	vld [tilespmem:s4+$0x70];
	[tilespmem:s4+$0xE0] =	vst v14  }
0x19c: {  	v14 =	vbroadcast v2, $0x5;
	v20 =	vld [tilespmem:s4+$0xFFFFFFE0];
	v15 =	vmul.f32 v15, v11;
	[tilespmem:s4+$0xC0] =	vst v21  }
0x19d: {  	v12 =	vmul.f32 v12, v16;
	[tilespmem:s4+$0xFFFFFF10] =	vst v10;
	v10 =	vbroadcast v2, $0x6;
	v21 =	vld [tilespmem:s4+$0x40]  }
0x19e: {  	v25 =	vbroadcast v2, $0xB;
	v5 =	vmul.f32 v5, v14;
	v16 =	vld [tilespmem:s4+$0xFFFFFF20];
	[tilespmem:s4+$0x90] =	vst v19  }
0x19f: {  	v19 =	vbroadcast v2, $0x9;
	[tilespmem:s4+$0xFFFFFF50] =	vst v17;
	v17 =	vld [tilespmem:s4+$0x20];
	v11 =	vmul.f32 v24, v11  }
0x1a0: {  	v14 =	vmul.f32 v23, v14;
	v23 =	vld [tilespmem:s4+$0x50];
	v18 =	vmul.f32 v18, v25;
	[tilespmem:s4+$0xD0] =	vst v12  }
0x1a1: {  	v7 =	vmul.f32 v7, v13;
	v12 =	vbroadcast v2, $0x7;
	v24 =	vld [tilespmem:s4+$0x30];
	[tilespmem:s4+$0xA0] =	vst v11  }
0x1a2: {  	v8 =	vmul.f32 v8, v10;
	v11 =	vbroadcast v2, $0x3;
	v13 =	vld [tilespmem:s4+$0x0];
	[tilespmem:s4+$0x70] =	vst v18  }
0x1a3: {  	v9 =	vmul.f32 v9, v25;
	v6 =	vmul.f32 v6, v10;
	v10 =	vld [tilespmem:s4+$0x10];
	[tilespmem:s4+$0x80] =	vst v7  }
0x1a4: {  	v18 =	vbroadcast v2, $0x8;
	v21 =	vmul.f32 v21, v22;
	v7 =	vld [tilespmem:s4+$0xFFFFFF30];
	[tilespmem:s4+$0xB0] =	vst v15  }
0x1a5: {  	v15 =	vbroadcast v2, $0x1;
	v25 =	vld [tilespmem:s4+$0xFFFFFF70];
	[tilespmem:s4+$0xFFFFFFD0] =	vst v6;
	v22 =	vmul.f32 v23, v22  }
0x1a6: {  	v3 =	vmul.f32 v3, v12;
	v6 =	vmul.f32 v20, v12;
	[tilespmem:s4+$0xFFFFFFC0] =	vst v8;
	v8 =	vld [tilespmem:s4+$0xF0]  }
0x1a7: {  	v20 =	vmul.f32 v24, v19;
	v12 =	vld [tilespmem:s4+$0xFFFFFF80];
	[tilespmem:s4+$0xFFFFFFA0] =	vst v5;
	v13 =	vmul.f32 v13, v18  }
0x1a8: {  	v5 =	vld [tilespmem:s1+$0xFFFFFFA0];
	[tilespmem:s4+$0xFFFFFFF0] =	vst v3;
	v18 =	vmul.f32 v10, v18;
	v10 =	vmul.f32 v17, v19  }
0x1a9: {  	v3 =	vmul.f32 v16, v15;
	v15 =	vmul.f32 v7, v15;
	[tilespmem:s4+$0x60] =	vst v9  }
0x1aa: {  	v0 =	vmul.f32 v0, v11;
	v7 =	vmul.f32 v25, v11;
	[tilespmem:s4+$0xFFFFFFB0] =	vst v14  }
0x1ab: {  	v2 =	vbroadcast v2, $0x4;
	[tilespmem:s4+$0xFFFFFF20] =	vst v3;
	v3 =	vmul.f32 v8, v4  }
0x1ac: {  	[tilespmem:s4+$0xFFFFFF60] =	vst v0  }
0x1ad: {  	v4 =	vmul.f32 v12, v2;
	v0 =	vmul.f32 v1, v2;
	[tilespmem:s4+$0x40] =	vst v21  }
0x1ae: {  	[tilespmem:s4+$0xFFFFFFE0] =	vst v6  }
0x1af: {  	[tilespmem:s4+$0xF0] =	vst v3  }
0x1b0: {  	[tilespmem:s4+$0xFFFFFF90] =	vst v0  }
0x1b1: {  	v3 =	vld [tilespmem:s1+$0xFFFFFFF0];
	[tilespmem:s4+$0xFFFFFF70] =	vst v7  }
0x1b2: {  	v0 =	vld [tilespmem:s1+$0xFFFFFF60];
	[tilespmem:s4+$0x20] =	vst v10  }
0x1b3: {  	v6 =	vld [tilespmem:s1+$0xFFFFFFD0];
	[tilespmem:s4+$0x30] =	vst v20  }
0x1b4: {  	v7 =	vld [tilespmem:s1+$0x80];
	[tilespmem:s4+$0xFFFFFF80] =	vst v4  }
0x1b5: {  	v10 =	vld [tilespmem:s1+$0xFFFFFF10];
	[tilespmem:s4+$0x50] =	vst v22  }
0x1b6: {  	v14 =	vld [tilespmem:s1+$0xE0];
	[tilespmem:s4+$0x0] =	vst v13  }
0x1b7: {  	v9 =	vld [tilespmem:s1+$0xFFFFFF40];
	[tilespmem:s4+$0xFFFFFF30] =	vst v15  }
0x1b8: {  	s2 =	sshra.s32 s2, $0x2;
	v1 =	vld [tilespmem:s1+$0xFFFFFF90];
	[tilespmem:s4+$0x10] =	vst v18;
	s4 =	smov.u32 s1  }
0x1b9: {  	v2 =	vld [tilespmem:s2+$0x152C0]  }
0x1ba: {  	v8 =	vld [tilespmem:s1+$0xFFFFFFC0]  }
0x1bb: {  	v11 =	vld [tilespmem:s1+$0xFFFFFF00]  }
0x1bc: {  	v12 =	vld [tilespmem:s1+$0xD0]  }
.Ltmp3:
0x1bd: {  	v21 =	vld [tilespmem:s1+$0xC0];
	(pc) =	sbr.rel @p0 .LBB2_7-.Ltmp3, $4  }
0x1be: {  	v17 =	vbroadcast v2, $0x0;
	v19 =	vld [tilespmem:s1+$0x90];
	v4 =	vbroadcast v2, $0xF  }
0x1bf: {  	v18 =	vbroadcast v2, $0x2;
	v16 =	vbroadcast v2, $0xE;
	v20 =	vld [tilespmem:s1+$0xFFFFFF50]  }
0x1c0: {  	v23 =	vmul.f32 v17, v11;
	v11 =	vbroadcast v2, $0xD;
	v15 =	vld [tilespmem:s1+$0xB0]  }
0x1c1: {  	v13 =	vbroadcast v2, $0xC;
	v22 =	vmul.f32 v9, v18;
	v9 =	vld [tilespmem:s1+$0x60]  }
0x1c2: {  	[tilespmem:s4+$0xFFFFFF00] =	vst v23;
	v14 =	vmul.f32 v14, v4  }
0x1c3: {  	v21 =	vmul.f32 v21, v16;
	[tilespmem:s4+$0xFFFFFF40] =	vst v22  }
0x1c4: {  	v10 =	vmul.f32 v10, v17;
	[tilespmem:s4+$0xE0] =	vst v14  }
0x1c5: {  	v28 =	vmul.f32 v12, v16;
	[tilespmem:s4+$0xC0] =	vst v21  }
0x1c6: {  	v26 =	vmul.f32 v19, v13;
	[tilespmem:s4+$0xFFFFFF10] =	vst v10  }
0x1c7: {  	v34 =	vbroadcast v2, $0x6;
	v7 =	vmul.f32 v7, v13;
	[tilespmem:s4+$0xD0] =	vst v28  }
0x1c8: {  	v18 =	vmul.f32 v20, v18;
	[tilespmem:s4+$0x90] =	vst v26  }
0x1c9: {  	v38 =	vbroadcast v2, $0x5;
	v6 =	vmul.f32 v6, v34;
	[tilespmem:s4+$0x80] =	vst v7  }
0x1ca: {  	v40 =	vbroadcast v2, $0x7;
	v8 =	vmul.f32 v8, v34;
	[tilespmem:s4+$0xFFFFFF50] =	vst v18  }
0x1cb: {  	v47 =	vbroadcast v2, $0x3;
	v5 =	vmul.f32 v5, v38;
	[tilespmem:s4+$0xFFFFFFD0] =	vst v6  }
0x1cc: {  	v24 =	vld [tilespmem:s4+$0xA0];
	v52 =	vbroadcast v2, $0x4;
	v3 =	vmul.f32 v3, v40;
	[tilespmem:s4+$0xFFFFFFC0] =	vst v8  }
0x1cd: {  	v25 =	vld [tilespmem:s4+$0x70];
	v0 =	vmul.f32 v0, v47;
	[tilespmem:s4+$0xFFFFFFA0] =	vst v5  }
0x1ce: {  	v27 =	vld [tilespmem:s4+$0xFFFFFFB0];
	v30 =	vbroadcast v2, $0xB;
	v1 =	vmul.f32 v1, v52;
	[tilespmem:s4+$0xFFFFFFF0] =	vst v3  }
0x1cf: {  	v29 =	vld [tilespmem:s4+$0xFFFFFF20];
	v36 =	vmul.f32 v15, v11;
	[tilespmem:s4+$0xFFFFFF60] =	vst v0  }
0x1d0: {  	v33 =	vld [tilespmem:s4+$0x40];
	v9 =	vmul.f32 v9, v30;
	[tilespmem:s4+$0xFFFFFF90] =	vst v1  }
0x1d1: {  	v31 =	vld [tilespmem:s4+$0xFFFFFFE0];
	v32 =	vmul.f32 v24, v11;
	[tilespmem:s4+$0xB0] =	vst v36  }
0x1d2: {  	v45 =	vbroadcast v2, $0x1;
	v48 =	vld [tilespmem:s4+$0xF0];
	v17 =	vmul.f32 v25, v30;
	[tilespmem:s4+$0x60] =	vst v9  }
0x1d3: {  	v42 =	vld [tilespmem:s4+$0xFFFFFF70];
	v49 =	vbroadcast v2, $0xA;
	v46 =	vmul.f32 v27, v38;
	[tilespmem:s4+$0xA0] =	vst v32  }
0x1d4: {  	v37 =	vld [tilespmem:s4+$0x20];
	v12 =	vmul.f32 v29, v45;
	[tilespmem:s4+$0x70] =	vst v17  }
0x1d5: {  	v39 =	vld [tilespmem:s4+$0x30];
	v51 =	vmul.f32 v33, v49;
	[tilespmem:s4+$0xFFFFFFB0] =	vst v46  }
0x1d6: {  	v43 =	vld [tilespmem:s4+$0xFFFFFF80];
	v7 =	vmul.f32 v31, v40;
	[tilespmem:s4+$0xFFFFFF20] =	vst v12  }
0x1d7: {  	v35 =	vld [tilespmem:s4+$0x50];
	v54 =	vbroadcast v2, $0x9;
	v53 =	vmul.f32 v48, v4;
	[tilespmem:s4+$0x40] =	vst v51  }
0x1d8: {  	v41 =	vld [tilespmem:s4+$0x0];
	v55 =	vmul.f32 v42, v47;
	[tilespmem:s4+$0xFFFFFFE0] =	vst v7  }
0x1d9: {  	v50 =	vld [tilespmem:s4+$0xFFFFFF30];
	v56 =	vmul.f32 v37, v54;
	[tilespmem:s4+$0xF0] =	vst v53  }
0x1da: {  	v44 =	vld [tilespmem:s4+$0x10];
	v57 =	vmul.f32 v39, v54;
	[tilespmem:s4+$0xFFFFFF70] =	vst v55  }
0x1db: {  	v58 =	vbroadcast v2, $0x8;
	v59 =	vmul.f32 v43, v52;
	[tilespmem:s4+$0x20] =	vst v56  }
0x1dc: {  	v60 =	vmul.f32 v35, v49;
	[tilespmem:s4+$0x30] =	vst v57  }
0x1dd: {  	v61 =	vmul.f32 v41, v58;
	[tilespmem:s4+$0xFFFFFF80] =	vst v59  }
0x1de: {  	v62 =	vmul.f32 v50, v45;
	[tilespmem:s4+$0x50] =	vst v60  }
0x1df: {  	s0 =	rddreg [dreg:$0x4];
	v63 =	vmul.f32 v44, v58;
	[tilespmem:s4+$0x0] =	vst v61  }
0x1e0: {  	s1 =	rddreg [dreg:$0x5];
	s29 =	simm.s32 $0x0;
	[tilespmem:s4+$0xFFFFFF30] =	vst v62  }
0x1e1: {  	s2 =	simm.s32 $0x9C40;
	s30 =	simm.s32 $0x15;
	s0 =	sadd.s32 s1, s0;
	[tilespmem:s4+$0x10] =	vst v63  }
0x1e2: {  	[hbm4b:s0+s29] =	stream.linear.scatter [tilespmem:s2], [sflag:$0x15], $0x5000, $0x38;
	[tilespmem:$0x1A540] =	vst v63  }
0x1e3: {  	_ =	swait.ge [sflag:s30], $0x5000  }
0x1e4: {  	[sflag:s30] =	ssyncset.done $0x0  }
0x1e5: {  	[sflag:s30] =	ssyncadd.s32 $0xFFFFB000  }
0x1e6: {  	_ =	sfence.sel $0x180000  }
0x1e7: {  	[bflag:$0x0] =	sbarrier.arrive $0xFFFF  }
0x1e8: {  	_ =	strace $0x9000004A  }
0x1e9: {  	s31 =	stileid.u32;
	[bflag:$0x2] =	sbarrier.arrive $0xFFFF  }
0x1ea: {  	p0 =	sne.s32 s31, $0x0;
	s0 =	rddreg [dreg:$0x3]  }
0x1eb: {  	s0 =	sadd.s32 @!p0 $0x100000, s0  }
0x1ec: {  	[sflag:s0] =	ssyncadd.tile.s32 @!p0 $0x1;
	_ =	shalt  }
.Lfunc_end2:
_tile_overlayer_lowered:
.L_overlay_start_2:
0x1ed: {  	(tag) =	ssettag $0x2  }
0x1ee: {  	s0 =	rddreg [dreg:$0x0];
	s2 =	stileid.u32  }
0x1ef: {  	s1 =	rddreg [dreg:$0x1];
	p0 =	sne.s32 s2, $0x0  }
0x1f0: {  	s3 =	rddreg [dreg:$0x2];
	[bflag:$0x3] =	sbarrier.arrive $0xFFFF;
	s2 =	simm.s32 @!p0 $0x1C15  }
0x1f1: {  	[timem:s3], [sflag:s2] =	dma.local @!p0 [hbm:s0], s1  }
0x1f2: {  	s0 =	simm.s32 @!p0 $0x15  }
0x1f3: {  	_ =	swait.ge @!p0 [sflag:s0], s1  }
0x1f4: {  	s1 =	ssub.s32 @!p0 $0x0, s1;
	[sflag:s0] =	ssyncset.done @!p0 $0x0  }
0x1f5: {  	[sflag:s0] =	ssyncadd.s32 @!p0 s1  }
0x1f6: {  	[bflag:$0x3] =	sbarrier.arrive $0xFFFF  }
0x1f7: {  	_ =	shalt  }

</sc_bundles>
